<compile_context>
chip_gen: v7x
topology: tpu7x:2x2x1
jax: 0.10.2.dev20260603
libtpu: 0.0.44.dev20260713+nightly
codegen_flags: <defaults>
</compile_context>

<pallas_src>
import functools

import jax
import jax.numpy as jnp
from jax import lax
from jax.experimental import pallas as pl
from jax.experimental.pallas import tpu as pltpu
from jax.experimental.pallas import tpu_sc as plsc

NC = 2
NS = 16
NW = NC * NS
LANE = 128


def _sc_mesh():
    return plsc.VectorSubcoreMesh(core_axis_name="c", subcore_axis_name="s")


def _make_sc_degree(n_pad, groups):
    rpt = n_pad // NS

    @functools.partial(
        pl.kernel,
        out_type=jax.ShapeDtypeStruct((NC, n_pad), jnp.float32),
        mesh=_sc_mesh(),
        scratch_types=[
            pltpu.VMEM((groups, LANE), jnp.int32),
            pltpu.VMEM((LANE,), jnp.float32),
            pltpu.VMEM((LANE,), jnp.float32),
            pltpu.VMEM_SHARED((n_pad,), jnp.float32),
        ],
    )
    def deg_kernel(col_hbm, ones_hbm, zero_hbm, out_hbm,
                   cidx, ones_v, zbuf, acc):
        cid = lax.axis_index("c")
        sid = lax.axis_index("s")
        w = cid * NS + sid
        base = sid * rpt
        pltpu.sync_copy(ones_hbm, ones_v)
        pltpu.sync_copy(zero_hbm, zbuf)
        off = 0
        while off < rpt:
            sz = min(LANE, rpt - off)
            pltpu.sync_copy(zbuf.at[pl.ds(0, sz)], acc.at[pl.ds(base + off, sz)])
            off += sz
        plsc.subcore_barrier()
        pltpu.sync_copy(col_hbm.at[w], cidx)

        def body(g, carry):
            pltpu.sync_copy(ones_v, acc.at[cidx.at[g]], add=True)
            return carry

        lax.fori_loop(0, groups, body, 0)
        plsc.subcore_barrier()
        off = 0
        while off < rpt:
            sz = min(LANE, rpt - off)
            pltpu.sync_copy(acc.at[pl.ds(base + off, sz)],
                            out_hbm.at[cid, pl.ds(base + off, sz)])
            off += sz

    return deg_kernel


def _make_sc_scatter(n_pad, groups, dout):
    rpt = n_pad // NS

    @functools.partial(
        pl.kernel,
        out_type=jax.ShapeDtypeStruct((NC, n_pad, 128), jnp.float32),
        mesh=_sc_mesh(),
        scratch_types=[
            pltpu.VMEM((groups, LANE), jnp.int32),
            pltpu.VMEM((groups, LANE), jnp.int32),
            [pltpu.VMEM((LANE, dout), jnp.float32)] * 4,
            pltpu.VMEM((LANE, dout), jnp.float32),
            pltpu.VMEM_SHARED((n_pad, dout), jnp.float32),
            [pltpu.SemaphoreType.DMA] * 4,
            [pltpu.SemaphoreType.DMA] * 4,
            pltpu.SemaphoreType.DMA,
        ],
        compiler_params=pltpu.CompilerParams(use_tc_tiling_on_sc=False),
    )
    def scatter_kernel(g_hbm, row_hbm, col_hbm, zero_hbm, out_hbm,
                       ridx, cidx, bufs, zbuf, acc, gsem, ssem, psem):
        cid = lax.axis_index("c")
        sid = lax.axis_index("s")
        w = cid * NS + sid
        base = sid * rpt
        pltpu.async_copy(row_hbm.at[w], ridx, psem)
        pltpu.async_copy(col_hbm.at[w], cidx, psem)
        pltpu.sync_copy(zero_hbm, zbuf)
        off = 0
        while off < rpt:
            sz = min(LANE, rpt - off)
            pltpu.sync_copy(zbuf.at[pl.ds(0, sz)], acc.at[pl.ds(base + off, sz)])
            off += sz
        pltpu.make_async_copy(row_hbm.at[w], ridx, psem).wait()
        pltpu.make_async_copy(col_hbm.at[w], cidx, psem).wait()
        plsc.subcore_barrier()

        assert groups % 4 == 0
        quads = groups // 4
        for j in range(4):
            pltpu.async_copy(g_hbm.at[ridx.at[j]], bufs[j], gsem[j])

        def body(i, carry):
            g0 = 4 * i
            for j in range(4):
                pltpu.make_async_copy(g_hbm.at[ridx.at[g0 + j]], bufs[j],
                                      gsem[j]).wait()
                pltpu.async_copy(bufs[j], acc.at[cidx.at[g0 + j]], ssem[j],
                                 add=True)
            for j in range(4):
                pltpu.make_async_copy(bufs[j], acc.at[cidx.at[g0 + j]],
                                      ssem[j]).wait()
                pltpu.async_copy(g_hbm.at[ridx.at[g0 + 4 + j]], bufs[j],
                                 gsem[j])
            return carry

        lax.fori_loop(0, quads - 1, body, 0)
        g0 = groups - 4
        for j in range(4):
            pltpu.make_async_copy(g_hbm.at[ridx.at[g0 + j]], bufs[j],
                                  gsem[j]).wait()
            pltpu.async_copy(bufs[j], acc.at[cidx.at[g0 + j]], ssem[j],
                             add=True)
        for j in range(4):
            pltpu.make_async_copy(bufs[j], acc.at[cidx.at[g0 + j]],
                                  ssem[j]).wait()
        plsc.subcore_barrier()
        off = 0
        while off < rpt:
            sz = min(LANE, rpt - off)
            pltpu.sync_copy(acc.at[pl.ds(base + off, sz)],
                            out_hbm.at[cid, pl.ds(base + off, sz), pl.ds(0, dout)])
            off += sz

    return scatter_kernel



def _tc_layer1_body(x_ref, w_ref, deg_ref, g_ref, dinv_ref):
    deg = 1.0 + deg_ref[0] + deg_ref[1]
    dinv = lax.rsqrt(deg)
    dinv_ref[...] = dinv
    h = jnp.dot(x_ref[...], w_ref[...], preferred_element_type=jnp.float32)
    g_ref[...] = dinv * h


def _tc_mid_body(p_ref, g_ref, dinv_ref, b_ref, gw_ref, gb_ref, ga_ref,
                 w_ref, out_ref):
    n, dout = g_ref.shape
    dinv = dinv_ref[...]
    s = p_ref[0, :n, :dout] + p_ref[1, :n, :dout] + g_ref[...]
    y = jnp.maximum(dinv * s + b_ref[...], 0.0)
    a = ga_ref[...]
    m = jnp.mean(y, axis=0, keepdims=True)
    o = y - a * m
    var = jnp.mean(o * o, axis=0, keepdims=True)
    xg = gw_ref[...] * o / jnp.sqrt(var + 1e-5) + gb_ref[...]
    h = jnp.dot(xg, w_ref[...], preferred_element_type=jnp.float32)
    out_ref[...] = dinv * h


def _tc_head_body(p_ref, g_ref, dinv_ref, b_ref, gw_ref, gb_ref, ga_ref,
                  batch_ref, wl1_ref, bl1_ref, bn1w_ref, bn1b_ref,
                  wl2_ref, bl2_ref, bn2w_ref, bn2b_ref, wl3_ref, bl3_ref,
                  h_ref, sig_ref, *, num_graphs):
    n = g_ref.shape[0]
    dout = g_ref.shape[1]
    s = p_ref[0, :n, :dout] + p_ref[1, :n, :dout] + g_ref[...]
    y = jnp.maximum(dinv_ref[...] * s + b_ref[...], 0.0)
    a = ga_ref[...]
    m = jnp.mean(y, axis=0, keepdims=True)
    o = y - a * m
    var = jnp.mean(o * o, axis=0, keepdims=True)
    x3 = gw_ref[...] * o / jnp.sqrt(var + 1e-5) + gb_ref[...]

    n = x3.shape[0]
    gid = lax.broadcasted_iota(jnp.int32, (num_graphs, n), 0)
    oh = (gid == batch_ref[...]).astype(jnp.float32)
    ssum = jnp.dot(oh, x3, preferred_element_type=jnp.float32)
    cnt = jnp.sum(oh, axis=1, keepdims=True)
    xs = ssum / jnp.maximum(cnt, 1.0)

    h1 = jnp.dot(xs, wl1_ref[...], preferred_element_type=jnp.float32) + bl1_ref[...]
    m1 = jnp.mean(h1, axis=0, keepdims=True)
    v1 = jnp.mean((h1 - m1) ** 2, axis=0, keepdims=True)
    h1 = bn1w_ref[...] * (h1 - m1) / jnp.sqrt(v1 + 1e-5) + bn1b_ref[...]

    h2 = jnp.dot(h1, wl2_ref[...], preferred_element_type=jnp.float32) + bl2_ref[...]
    m2 = jnp.mean(h2, axis=0, keepdims=True)
    v2 = jnp.mean((h2 - m2) ** 2, axis=0, keepdims=True)
    h2 = bn2w_ref[...] * (h2 - m2) / jnp.sqrt(v2 + 1e-5) + bn2b_ref[...]

    h = jnp.dot(h2, wl3_ref[...], preferred_element_type=jnp.float32) + bl3_ref[...]
    h_ref[...] = h
    sig_ref[...] = jax.nn.sigmoid(h)


def _row(v):
    return v.reshape(1, -1)


def kernel(x_s, x_t, params, edge_index_s, edge_index_t, xs_batch, xt_batch):
    p = params
    n, d_in = x_s.shape
    e = edge_index_s.shape[1]
    num_graphs = 64

    assert e % NW == 0
    ept = e // NW
    groups = ((-(-ept // LANE)) + 3) // 4 * 4
    pad = groups * LANE - ept
    n_pad = ((n + NS * LANE - 1) // (NS * LANE)) * (NS * LANE)
    assert n_pad - n >= 1

    row = edge_index_s[0].astype(jnp.int32).reshape(NW, ept)
    col = edge_index_s[1].astype(jnp.int32).reshape(NW, ept)
    pr = jnp.broadcast_to((jnp.arange(pad, dtype=jnp.int32) * 89) % n, (NW, pad))
    pc = jnp.broadcast_to(n + jnp.arange(pad, dtype=jnp.int32) % (n_pad - n),
                          (NW, pad))
    rowp = jnp.concatenate([row, pr], axis=1).reshape(NW, groups, LANE)
    colp = jnp.concatenate([col, pc], axis=1).reshape(NW, groups, LANE)

    deg2 = _make_sc_degree(n_pad, groups)(
        colp, jnp.ones((LANE,), jnp.float32), jnp.zeros((LANE,), jnp.float32))
    deg2 = deg2[:, :n].reshape(NC, n, 1)

    dims = [d_in, d_in // 2, d_in // 4, d_in // 8]

    g1, dinv = pl.pallas_call(
        _tc_layer1_body,
        out_shape=(jax.ShapeDtypeStruct((n, dims[1]), jnp.float32),
                   jax.ShapeDtypeStruct((n, 1), jnp.float32)),
    )(x_s, p['Ws1'], deg2)

    def sc_pass(g, dout):
        z = jnp.zeros((LANE, dout), jnp.float32)
        return _make_sc_scatter(n_pad, groups, dout)(g, rowp, colp, z)

    def tc_mid(part, g, b, gw, gb, ga, w_next, dnext):
        return pl.pallas_call(
            _tc_mid_body,
            out_shape=jax.ShapeDtypeStruct((n, dnext), jnp.float32),
        )(part, g, dinv, _row(b), _row(gw), _row(gb), _row(ga), w_next)

    p1 = sc_pass(g1, dims[1])
    g2 = tc_mid(p1, g1, p['bs1'], p['gn1_w'], p['gn1_b'], p['gn1_a'],
                p['Ws2'], dims[2])
    p2 = sc_pass(g2, dims[2])
    g3 = tc_mid(p2, g2, p['bs2'], p['gn2_w'], p['gn2_b'], p['gn2_a'],
                p['Ws3'], dims[3])
    p3 = sc_pass(g3, dims[3])

    out_dim = p['Wl3'].shape[1]
    h, sig = pl.pallas_call(
        functools.partial(_tc_head_body, num_graphs=num_graphs),
        out_shape=(jax.ShapeDtypeStruct((num_graphs, out_dim), jnp.float32),
                   jax.ShapeDtypeStruct((num_graphs, out_dim), jnp.float32)),
    )(p3, g3, dinv, _row(p['bs3']), _row(p['gn3_w']), _row(p['gn3_b']),
      _row(p['gn3_a']), _row(xs_batch.astype(jnp.int32)),
      p['Wl1'], _row(p['bl1']), _row(p['bn1_w']), _row(p['bn1_b']),
      p['Wl2'], _row(p['bl2']), _row(p['bn2_w']), _row(p['bn2_b']),
      p['Wl3'], _row(p['bl3']))
    return (h, sig)

# --- scband reference (transcript-rebuilt; emitter-appended) ---
"""Pipeline reference for scband-gcnmodel-46961172415112 (READ-ONLY COPY).

The authoritative reference and input builder live on the scoring server;
editing this copy changes nothing except your own understanding.
"""

import jax, jax.numpy as jnp
import numpy as np

N = 10000
E = 320000
D = 128
G = 64

def _glorot(k, shape):
    s = (2.0 / (shape[0] + shape[1])) ** 0.5
    return jax.random.normal(k, shape, dtype=jnp.float32) * s

def setup_inputs(seed: int = 0):
    key = jax.random.key(seed)
    ks = jax.random.split(key, 48)
    x_s = jax.random.normal(ks[0], (N, D), dtype=jnp.float32)
    x_t = jax.random.normal(ks[1], (N, D), dtype=jnp.float32)
    edge_index_s = jax.random.randint(ks[2], (2, E), 0, N)
    edge_index_t = jax.random.randint(ks[3], (2, E), 0, N)
    xs_batch = jnp.sort(jax.random.randint(ks[4], (N,), 0, G))
    xt_batch = jnp.sort(jax.random.randint(ks[5], (N,), 0, G))
    dims = [D, D // 2, D // 4, D // 8]
    p = {}
    i = 6
    for br in ('s', 't'):
        for l in range(3):
            p['W' + br + str(l + 1)] = _glorot(ks[i], (dims[l], dims[l + 1])); i += 1
            p['b' + br + str(l + 1)] = jnp.zeros((dims[l + 1],), jnp.float32)
    for j, d in enumerate([64, 32, 16, 64, 32, 16]):
        p['gn%d_w' % (j + 1)] = jnp.ones((d,), jnp.float32)
        p['gn%d_b' % (j + 1)] = jnp.zeros((d,), jnp.float32)
        p['gn%d_a' % (j + 1)] = jnp.ones((d,), jnp.float32)
    p['Wl1'] = _glorot(ks[i], (16, 329)); i += 1
    p['bl1'] = jnp.zeros((329,), jnp.float32)
    p['Wl2'] = _glorot(ks[i], (329, 658)); i += 1
    p['bl2'] = jnp.zeros((658,), jnp.float32)
    p['Wl3'] = _glorot(ks[i], (658, 1317)); i += 1
    p['bl3'] = jnp.zeros((1317,), jnp.float32)
    p['bn1_w'] = jnp.ones((329,), jnp.float32); p['bn1_b'] = jnp.zeros((329,), jnp.float32)
    p['bn2_w'] = jnp.ones((658,), jnp.float32); p['bn2_b'] = jnp.zeros((658,), jnp.float32)
    return {'x_s': x_s, 'x_t': x_t, 'params': p, 'edge_index_s': edge_index_s, 'edge_index_t': edge_index_t, 'xs_batch': xs_batch, 'xt_batch': xt_batch}

def gcn_conv(x, ei, W, b):
    # GCNConv: add self-loops, symmetric normalization, gather-matmul-scatter_add
    n = x.shape[0]
    loop = jnp.arange(n, dtype=ei.dtype)
    row = jnp.concatenate([ei[0], loop])
    col = jnp.concatenate([ei[1], loop])
    deg = jnp.zeros((n,), jnp.float32).at[col].add(1.0)
    dinv = jax.lax.rsqrt(deg)
    norm = dinv[row] * dinv[col]
    h = x @ W
    out = jnp.zeros((n, W.shape[1]), jnp.float32).at[col].add(norm[:, None] * h[row])
    return out + b

def graph_norm(x, w, b, a, eps=1e-5):
    # PyG GraphNorm with batch=None (single graph): x - a*mean, scaled by std
    mean = jnp.mean(x, axis=0)
    out = x - a * mean
    var = jnp.mean(out * out, axis=0)
    return w * out / jnp.sqrt(var + eps) + b

def global_mean_pool(x, batch, num_graphs):
    s = jax.ops.segment_sum(x, batch, num_segments=num_graphs)
    cnt = jax.ops.segment_sum(jnp.ones((x.shape[0],), jnp.float32), batch, num_segments=num_graphs)
    return s / jnp.maximum(cnt, 1.0)[:, None]

def batch_norm(x, w, b, eps=1e-5):
    m = jnp.mean(x, axis=0)
    v = jnp.mean((x - m) ** 2, axis=0)
    return w * (x - m) / jnp.sqrt(v + eps) + b

def _forward(x_s, x_t, p, ei_s, ei_t, xs_batch, xt_batch):
    x1 = graph_norm(jax.nn.relu(gcn_conv(x_s, ei_s, p['Ws1'], p['bs1'])), p['gn1_w'], p['gn1_b'], p['gn1_a'])
    x2 = graph_norm(jax.nn.relu(gcn_conv(x1, ei_s, p['Ws2'], p['bs2'])), p['gn2_w'], p['gn2_b'], p['gn2_a'])
    x3 = graph_norm(jax.nn.relu(gcn_conv(x2, ei_s, p['Ws3'], p['bs3'])), p['gn3_w'], p['gn3_b'], p['gn3_a'])
    xs = global_mean_pool(x3, xs_batch, G)
    x4 = graph_norm(jax.nn.relu(gcn_conv(x_t, ei_t, p['Wt1'], p['bt1'])), p['gn4_w'], p['gn4_b'], p['gn4_a'])
    x5 = graph_norm(jax.nn.relu(gcn_conv(x4, ei_t, p['Wt2'], p['bt2'])), p['gn5_w'], p['gn5_b'], p['gn5_a'])
    x6 = graph_norm(gcn_conv(x5, ei_t, p['Wt3'], p['bt3']), p['gn6_w'], p['gn6_b'], p['gn6_a'])  # relu6 is defined but never applied in the original
    xt_pool = global_mean_pool(x6, xt_batch, G)
    _dead = xs + xt_pool  # torch.add result is immediately overwritten in the original forward (bug kept faithful)
    h = xs @ p['Wl1'] + p['bl1']
    h = batch_norm(h, p['bn1_w'], p['bn1_b'])
    h = h @ p['Wl2'] + p['bl2']
    h = batch_norm(h, p['bn2_w'], p['bn2_b'])
    h = h @ p['Wl3'] + p['bl3']
    return (h, jax.nn.sigmoid(h))

def reference(x_s, x_t, params, edge_index_s, edge_index_t, xs_batch, xt_batch):
    return _forward(x_s, x_t, params, edge_index_s, edge_index_t, xs_batch, xt_batch)

if __name__ == "__main__":
    import jax
    _d = setup_inputs()
    print(jax.jit(kernel)(*tuple(_d.values())))

</pallas_src>

<mosaic_0001>
#map = affine_map<(d0, d1) -> (0, 0)>
#map1 = affine_map<(d0, d1) -> (0, 0, 0)>
module attributes {stable_mosaic.version = 14 : i64} {
  func.func @scatter_kernel(%arg0: i32, %arg1: i32, %arg2: memref<10000x16xf32, #tpu.memory_space<hbm>>, %arg3: memref<32x80x128xi32, #tpu.memory_space<hbm>>, %arg4: memref<32x80x128xi32, #tpu.memory_space<hbm>>, %arg5: memref<128x16xf32, #tpu.memory_space<hbm>>, %arg6: memref<2x10240x128xf32, #tpu.memory_space<hbm>>, %arg7: memref<80x128xi32, #tpu.memory_space<vmem>>, %arg8: memref<80x128xi32, #tpu.memory_space<vmem>>, %arg9: memref<128x16xf32, #tpu.memory_space<vmem>>, %arg10: memref<128x16xf32, #tpu.memory_space<vmem>>, %arg11: memref<128x16xf32, #tpu.memory_space<vmem>>, %arg12: memref<128x16xf32, #tpu.memory_space<vmem>>, %arg13: memref<128x16xf32, #tpu.memory_space<vmem>>, %arg14: memref<10240x16xf32, #tpu.memory_space<vmem_shared>>, %arg15: memref<!tpu.dma_semaphore, #tpu.memory_space<semaphore_mem>>, %arg16: memref<!tpu.dma_semaphore, #tpu.memory_space<semaphore_mem>>, %arg17: memref<!tpu.dma_semaphore, #tpu.memory_space<semaphore_mem>>, %arg18: memref<!tpu.dma_semaphore, #tpu.memory_space<semaphore_mem>>, %arg19: memref<!tpu.dma_semaphore, #tpu.memory_space<semaphore_mem>>, %arg20: memref<!tpu.dma_semaphore, #tpu.memory_space<semaphore_mem>>, %arg21: memref<!tpu.dma_semaphore, #tpu.memory_space<semaphore_mem>>, %arg22: memref<!tpu.dma_semaphore, #tpu.memory_space<semaphore_mem>>, %arg23: memref<!tpu.dma_semaphore, #tpu.memory_space<semaphore_mem>>) attributes {dimension_semantics = [#tpu.dimension_semantics<core_parallel>, #tpu.dimension_semantics<subcore_parallel>], iteration_bounds = array<i64: 2, 16>, scalar_prefetch = 0 : i64, scratch_operands = 17 : i64, tpu.core_type = #tpu.core_type<sc_vector_subcore>, window_params = [{transform_indices = #map}, {transform_indices = #map1}, {transform_indices = #map1}, {transform_indices = #map}, {transform_indices = #map1}]} {
    %mul3A = arith.constant 16 : i32
    %mul3A_0 = arith.muli %arg0, %mul3A : i32
    %add3A = arith.addi %mul3A_0, %arg1 : i32
    %mul3A_1 = arith.constant 640 : i32
    %mul3A_2 = arith.muli %arg1, %mul3A_1 : i32
    %dma_start3A = arith.constant 0 : i32
    %dma_start3A_3 = arith.constant 0 : i32
    %dma_start3A_4 = tpu.memref_slice %arg3[%add3A, %dma_start3A, %dma_start3A_3] : memref<32x80x128xi32, #tpu.memory_space<hbm>> -> memref<1x80x128xi32, #tpu.memory_space<hbm>>
    %dma_start3A_5 = tpu.memref_squeeze %dma_start3A_4 : memref<1x80x128xi32, #tpu.memory_space<hbm>> -> memref<80x128xi32, #tpu.memory_space<hbm>>
    %dma_start3A_6 = arith.constant 0 : i32
    %dma_start3A_7 = arith.constant 0 : i32
    %dma_start3A_8 = tpu.memref_slice %arg3[%add3A, %dma_start3A_6, %dma_start3A_7] : memref<32x80x128xi32, #tpu.memory_space<hbm>> -> memref<1x80x128xi32, #tpu.memory_space<hbm>>
    %dma_start3A_9 = tpu.memref_squeeze %dma_start3A_8 : memref<1x80x128xi32, #tpu.memory_space<hbm>> -> memref<80x128xi32, #tpu.memory_space<hbm>>
    tpu.enqueue_dma source(%dma_start3A_9 : memref<80x128xi32, #tpu.memory_space<hbm>>) target(%arg7 : memref<80x128xi32, #tpu.memory_space<vmem>>) target_semaphore(%arg23 : memref<!tpu.dma_semaphore, #tpu.memory_space<semaphore_mem>>)
    %dma_start3A_10 = arith.constant 0 : i32
    %dma_start3A_11 = arith.constant 0 : i32
    %dma_start3A_12 = tpu.memref_slice %arg4[%add3A, %dma_start3A_10, %dma_start3A_11] : memref<32x80x128xi32, #tpu.memory_space<hbm>> -> memref<1x80x128xi32, #tpu.memory_space<hbm>>
    %dma_start3A_13 = tpu.memref_squeeze %dma_start3A_12 : memref<1x80x128xi32, #tpu.memory_space<hbm>> -> memref<80x128xi32, #tpu.memory_space<hbm>>
    %dma_start3A_14 = arith.constant 0 : i32
    %dma_start3A_15 = arith.constant 0 : i32
    %dma_start3A_16 = tpu.memref_slice %arg4[%add3A, %dma_start3A_14, %dma_start3A_15] : memref<32x80x128xi32, #tpu.memory_space<hbm>> -> memref<1x80x128xi32, #tpu.memory_space<hbm>>
    %dma_start3A_17 = tpu.memref_squeeze %dma_start3A_16 : memref<1x80x128xi32, #tpu.memory_space<hbm>> -> memref<80x128xi32, #tpu.memory_space<hbm>>
    tpu.enqueue_dma source(%dma_start3A_17 : memref<80x128xi32, #tpu.memory_space<hbm>>) target(%arg8 : memref<80x128xi32, #tpu.memory_space<vmem>>) target_semaphore(%arg23 : memref<!tpu.dma_semaphore, #tpu.memory_space<semaphore_mem>>)
    "tpu.region"() ({
      %run_scoped3A = tpu.sem_alloc : memref<!tpu.dma_semaphore, #tpu.memory_space<semaphore_mem>>
      tpu.enqueue_dma source(%arg5 : memref<128x16xf32, #tpu.memory_space<hbm>>) target(%arg13 : memref<128x16xf32, #tpu.memory_space<vmem>>) target_semaphore(%run_scoped3A : memref<!tpu.dma_semaphore, #tpu.memory_space<semaphore_mem>>)
      tpu.wait_dma2 semaphore(%run_scoped3A : memref<!tpu.dma_semaphore, #tpu.memory_space<semaphore_mem>>) src(%arg5 : memref<128x16xf32, #tpu.memory_space<hbm>>) dst(%arg13 : memref<128x16xf32, #tpu.memory_space<vmem>>)
      tpu.yield
    }) : () -> ()
    %add3A_18 = arith.constant 0 : i32
    %add3A_19 = arith.addi %mul3A_2, %add3A_18 : i32
    "tpu.region"() ({
      %run_scoped3A = tpu.sem_alloc : memref<!tpu.dma_semaphore, #tpu.memory_space<semaphore_mem>>
      %dma_start3A_181 = arith.constant 0 : i32
      %dma_start3A_182 = arith.constant 0 : i32
      %dma_start3A_183 = tpu.memref_slice %arg13[%dma_start3A_181, %dma_start3A_182] : memref<128x16xf32, #tpu.memory_space<vmem>> -> memref<128x16xf32, #tpu.memory_space<vmem>>
      %dma_start3A_184 = arith.constant 0 : i32
      %dma_start3A_185 = tpu.memref_slice %arg14[%add3A_19, %dma_start3A_184] : memref<10240x16xf32, #tpu.memory_space<vmem_shared>> -> memref<128x16xf32, #tpu.memory_space<vmem_shared>>
      %dma_start3A_186 = arith.constant 0 : i32
      %dma_start3A_187 = tpu.memref_slice %arg14[%add3A_19, %dma_start3A_186] : memref<10240x16xf32, #tpu.memory_space<vmem_shared>> -> memref<128x16xf32, #tpu.memory_space<vmem_shared>>
      %dma_start3A_188 = arith.constant 0 : i32
      %dma_start3A_189 = arith.constant 0 : i32
      %dma_start3A_190 = tpu.memref_slice %arg13[%dma_start3A_188, %dma_start3A_189] : memref<128x16xf32, #tpu.memory_space<vmem>> -> memref<128x16xf32, #tpu.memory_space<vmem>>
      tpu.enqueue_dma source(%dma_start3A_190 : memref<128x16xf32, #tpu.memory_space<vmem>>) target(%dma_start3A_187 : memref<128x16xf32, #tpu.memory_space<vmem_shared>>) target_semaphore(%run_scoped3A : memref<!tpu.dma_semaphore, #tpu.memory_space<semaphore_mem>>)
      %dma_wait3A_191 = arith.constant 0 : i32
      %dma_wait3A_192 = arith.constant 0 : i32
      %dma_wait3A_193 = tpu.memref_slice %arg13[%dma_wait3A_191, %dma_wait3A_192] : memref<128x16xf32, #tpu.memory_space<vmem>> -> memref<128x16xf32, #tpu.memory_space<vmem>>
      %dma_wait3A_194 = arith.constant 0 : i32
      %dma_wait3A_195 = tpu.memref_slice %arg14[%add3A_19, %dma_wait3A_194] : memref<10240x16xf32, #tpu.memory_space<vmem_shared>> -> memref<128x16xf32, #tpu.memory_space<vmem_shared>>
      %dma_wait3A_196 = arith.constant 0 : i32
      %dma_wait3A_197 = tpu.memref_slice %arg14[%add3A_19, %dma_wait3A_196] : memref<10240x16xf32, #tpu.memory_space<vmem_shared>> -> memref<128x16xf32, #tpu.memory_space<vmem_shared>>
      %dma_wait3A_198 = arith.constant 0 : i32
      %dma_wait3A_199 = arith.constant 0 : i32
      %dma_wait3A_200 = tpu.memref_slice %arg13[%dma_wait3A_198, %dma_wait3A_199] : memref<128x16xf32, #tpu.memory_space<vmem>> -> memref<128x16xf32, #tpu.memory_space<vmem>>
      tpu.wait_dma2 semaphore(%run_scoped3A : memref<!tpu.dma_semaphore, #tpu.memory_space<semaphore_mem>>) src(%dma_wait3A_200 : memref<128x16xf32, #tpu.memory_space<vmem>>) dst(%dma_wait3A_197 : memref<128x16xf32, #tpu.memory_space<vmem_shared>>)
      tpu.yield
    }) : () -> ()
    %add3A_20 = arith.constant 128 : i32
    %add3A_21 = arith.addi %mul3A_2, %add3A_20 : i32
    "tpu.region"() ({
      %run_scoped3A = tpu.sem_alloc : memref<!tpu.dma_semaphore, #tpu.memory_space<semaphore_mem>>
      %dma_start3A_181 = arith.constant 0 : i32
      %dma_start3A_182 = arith.constant 0 : i32
      %dma_start3A_183 = tpu.memref_slice %arg13[%dma_start3A_181, %dma_start3A_182] : memref<128x16xf32, #tpu.memory_space<vmem>> -> memref<128x16xf32, #tpu.memory_space<vmem>>
      %dma_start3A_184 = arith.constant 0 : i32
      %dma_start3A_185 = tpu.memref_slice %arg14[%add3A_21, %dma_start3A_184] : memref<10240x16xf32, #tpu.memory_space<vmem_shared>> -> memref<128x16xf32, #tpu.memory_space<vmem_shared>>
      %dma_start3A_186 = arith.constant 0 : i32
      %dma_start3A_187 = tpu.memref_slice %arg14[%add3A_21, %dma_start3A_186] : memref<10240x16xf32, #tpu.memory_space<vmem_shared>> -> memref<128x16xf32, #tpu.memory_space<vmem_shared>>
      %dma_start3A_188 = arith.constant 0 : i32
      %dma_start3A_189 = arith.constant 0 : i32
      %dma_start3A_190 = tpu.memref_slice %arg13[%dma_start3A_188, %dma_start3A_189] : memref<128x16xf32, #tpu.memory_space<vmem>> -> memref<128x16xf32, #tpu.memory_space<vmem>>
      tpu.enqueue_dma source(%dma_start3A_190 : memref<128x16xf32, #tpu.memory_space<vmem>>) target(%dma_start3A_187 : memref<128x16xf32, #tpu.memory_space<vmem_shared>>) target_semaphore(%run_scoped3A : memref<!tpu.dma_semaphore, #tpu.memory_space<semaphore_mem>>)
      %dma_wait3A_191 = arith.constant 0 : i32
      %dma_wait3A_192 = arith.constant 0 : i32
      %dma_wait3A_193 = tpu.memref_slice %arg13[%dma_wait3A_191, %dma_wait3A_192] : memref<128x16xf32, #tpu.memory_space<vmem>> -> memref<128x16xf32, #tpu.memory_space<vmem>>
      %dma_wait3A_194 = arith.constant 0 : i32
      %dma_wait3A_195 = tpu.memref_slice %arg14[%add3A_21, %dma_wait3A_194] : memref<10240x16xf32, #tpu.memory_space<vmem_shared>> -> memref<128x16xf32, #tpu.memory_space<vmem_shared>>
      %dma_wait3A_196 = arith.constant 0 : i32
      %dma_wait3A_197 = tpu.memref_slice %arg14[%add3A_21, %dma_wait3A_196] : memref<10240x16xf32, #tpu.memory_space<vmem_shared>> -> memref<128x16xf32, #tpu.memory_space<vmem_shared>>
      %dma_wait3A_198 = arith.constant 0 : i32
      %dma_wait3A_199 = arith.constant 0 : i32
      %dma_wait3A_200 = tpu.memref_slice %arg13[%dma_wait3A_198, %dma_wait3A_199] : memref<128x16xf32, #tpu.memory_space<vmem>> -> memref<128x16xf32, #tpu.memory_space<vmem>>
      tpu.wait_dma2 semaphore(%run_scoped3A : memref<!tpu.dma_semaphore, #tpu.memory_space<semaphore_mem>>) src(%dma_wait3A_200 : memref<128x16xf32, #tpu.memory_space<vmem>>) dst(%dma_wait3A_197 : memref<128x16xf32, #tpu.memory_space<vmem_shared>>)
      tpu.yield
    }) : () -> ()
    %add3A_22 = arith.constant 256 : i32
    %add3A_23 = arith.addi %mul3A_2, %add3A_22 : i32
    "tpu.region"() ({
      %run_scoped3A = tpu.sem_alloc : memref<!tpu.dma_semaphore, #tpu.memory_space<semaphore_mem>>
      %dma_start3A_181 = arith.constant 0 : i32
      %dma_start3A_182 = arith.constant 0 : i32
      %dma_start3A_183 = tpu.memref_slice %arg13[%dma_start3A_181, %dma_start3A_182] : memref<128x16xf32, #tpu.memory_space<vmem>> -> memref<128x16xf32, #tpu.memory_space<vmem>>
      %dma_start3A_184 = arith.constant 0 : i32
      %dma_start3A_185 = tpu.memref_slice %arg14[%add3A_23, %dma_start3A_184] : memref<10240x16xf32, #tpu.memory_space<vmem_shared>> -> memref<128x16xf32, #tpu.memory_space<vmem_shared>>
      %dma_start3A_186 = arith.constant 0 : i32
      %dma_start3A_187 = tpu.memref_slice %arg14[%add3A_23, %dma_start3A_186] : memref<10240x16xf32, #tpu.memory_space<vmem_shared>> -> memref<128x16xf32, #tpu.memory_space<vmem_shared>>
      %dma_start3A_188 = arith.constant 0 : i32
      %dma_start3A_189 = arith.constant 0 : i32
      %dma_start3A_190 = tpu.memref_slice %arg13[%dma_start3A_188, %dma_start3A_189] : memref<128x16xf32, #tpu.memory_space<vmem>> -> memref<128x16xf32, #tpu.memory_space<vmem>>
      tpu.enqueue_dma source(%dma_start3A_190 : memref<128x16xf32, #tpu.memory_space<vmem>>) target(%dma_start3A_187 : memref<128x16xf32, #tpu.memory_space<vmem_shared>>) target_semaphore(%run_scoped3A : memref<!tpu.dma_semaphore, #tpu.memory_space<semaphore_mem>>)
      %dma_wait3A_191 = arith.constant 0 : i32
      %dma_wait3A_192 = arith.constant 0 : i32
      %dma_wait3A_193 = tpu.memref_slice %arg13[%dma_wait3A_191, %dma_wait3A_192] : memref<128x16xf32, #tpu.memory_space<vmem>> -> memref<128x16xf32, #tpu.memory_space<vmem>>
      %dma_wait3A_194 = arith.constant 0 : i32
      %dma_wait3A_195 = tpu.memref_slice %arg14[%add3A_23, %dma_wait3A_194] : memref<10240x16xf32, #tpu.memory_space<vmem_shared>> -> memref<128x16xf32, #tpu.memory_space<vmem_shared>>
      %dma_wait3A_196 = arith.constant 0 : i32
      %dma_wait3A_197 = tpu.memref_slice %arg14[%add3A_23, %dma_wait3A_196] : memref<10240x16xf32, #tpu.memory_space<vmem_shared>> -> memref<128x16xf32, #tpu.memory_space<vmem_shared>>
      %dma_wait3A_198 = arith.constant 0 : i32
      %dma_wait3A_199 = arith.constant 0 : i32
      %dma_wait3A_200 = tpu.memref_slice %arg13[%dma_wait3A_198, %dma_wait3A_199] : memref<128x16xf32, #tpu.memory_space<vmem>> -> memref<128x16xf32, #tpu.memory_space<vmem>>
      tpu.wait_dma2 semaphore(%run_scoped3A : memref<!tpu.dma_semaphore, #tpu.memory_space<semaphore_mem>>) src(%dma_wait3A_200 : memref<128x16xf32, #tpu.memory_space<vmem>>) dst(%dma_wait3A_197 : memref<128x16xf32, #tpu.memory_space<vmem_shared>>)
      tpu.yield
    }) : () -> ()
    %add3A_24 = arith.constant 384 : i32
    %add3A_25 = arith.addi %mul3A_2, %add3A_24 : i32
    "tpu.region"() ({
      %run_scoped3A = tpu.sem_alloc : memref<!tpu.dma_semaphore, #tpu.memory_space<semaphore_mem>>
      %dma_start3A_181 = arith.constant 0 : i32
      %dma_start3A_182 = arith.constant 0 : i32
      %dma_start3A_183 = tpu.memref_slice %arg13[%dma_start3A_181, %dma_start3A_182] : memref<128x16xf32, #tpu.memory_space<vmem>> -> memref<128x16xf32, #tpu.memory_space<vmem>>
      %dma_start3A_184 = arith.constant 0 : i32
      %dma_start3A_185 = tpu.memref_slice %arg14[%add3A_25, %dma_start3A_184] : memref<10240x16xf32, #tpu.memory_space<vmem_shared>> -> memref<128x16xf32, #tpu.memory_space<vmem_shared>>
      %dma_start3A_186 = arith.constant 0 : i32
      %dma_start3A_187 = tpu.memref_slice %arg14[%add3A_25, %dma_start3A_186] : memref<10240x16xf32, #tpu.memory_space<vmem_shared>> -> memref<128x16xf32, #tpu.memory_space<vmem_shared>>
      %dma_start3A_188 = arith.constant 0 : i32
      %dma_start3A_189 = arith.constant 0 : i32
      %dma_start3A_190 = tpu.memref_slice %arg13[%dma_start3A_188, %dma_start3A_189] : memref<128x16xf32, #tpu.memory_space<vmem>> -> memref<128x16xf32, #tpu.memory_space<vmem>>
      tpu.enqueue_dma source(%dma_start3A_190 : memref<128x16xf32, #tpu.memory_space<vmem>>) target(%dma_start3A_187 : memref<128x16xf32, #tpu.memory_space<vmem_shared>>) target_semaphore(%run_scoped3A : memref<!tpu.dma_semaphore, #tpu.memory_space<semaphore_mem>>)
      %dma_wait3A_191 = arith.constant 0 : i32
      %dma_wait3A_192 = arith.constant 0 : i32
      %dma_wait3A_193 = tpu.memref_slice %arg13[%dma_wait3A_191, %dma_wait3A_192] : memref<128x16xf32, #tpu.memory_space<vmem>> -> memref<128x16xf32, #tpu.memory_space<vmem>>
      %dma_wait3A_194 = arith.constant 0 : i32
      %dma_wait3A_195 = tpu.memref_slice %arg14[%add3A_25, %dma_wait3A_194] : memref<10240x16xf32, #tpu.memory_space<vmem_shared>> -> memref<128x16xf32, #tpu.memory_space<vmem_shared>>
      %dma_wait3A_196 = arith.constant 0 : i32
      %dma_wait3A_197 = tpu.memref_slice %arg14[%add3A_25, %dma_wait3A_196] : memref<10240x16xf32, #tpu.memory_space<vmem_shared>> -> memref<128x16xf32, #tpu.memory_space<vmem_shared>>
      %dma_wait3A_198 = arith.constant 0 : i32
      %dma_wait3A_199 = arith.constant 0 : i32
      %dma_wait3A_200 = tpu.memref_slice %arg13[%dma_wait3A_198, %dma_wait3A_199] : memref<128x16xf32, #tpu.memory_space<vmem>> -> memref<128x16xf32, #tpu.memory_space<vmem>>
      tpu.wait_dma2 semaphore(%run_scoped3A : memref<!tpu.dma_semaphore, #tpu.memory_space<semaphore_mem>>) src(%dma_wait3A_200 : memref<128x16xf32, #tpu.memory_space<vmem>>) dst(%dma_wait3A_197 : memref<128x16xf32, #tpu.memory_space<vmem_shared>>)
      tpu.yield
    }) : () -> ()
    %add3A_26 = arith.constant 512 : i32
    %add3A_27 = arith.addi %mul3A_2, %add3A_26 : i32
    "tpu.region"() ({
      %run_scoped3A = tpu.sem_alloc : memref<!tpu.dma_semaphore, #tpu.memory_space<semaphore_mem>>
      %dma_start3A_181 = arith.constant 0 : i32
      %dma_start3A_182 = arith.constant 0 : i32
      %dma_start3A_183 = tpu.memref_slice %arg13[%dma_start3A_181, %dma_start3A_182] : memref<128x16xf32, #tpu.memory_space<vmem>> -> memref<128x16xf32, #tpu.memory_space<vmem>>
      %dma_start3A_184 = arith.constant 0 : i32
      %dma_start3A_185 = tpu.memref_slice %arg14[%add3A_27, %dma_start3A_184] : memref<10240x16xf32, #tpu.memory_space<vmem_shared>> -> memref<128x16xf32, #tpu.memory_space<vmem_shared>>
      %dma_start3A_186 = arith.constant 0 : i32
      %dma_start3A_187 = tpu.memref_slice %arg14[%add3A_27, %dma_start3A_186] : memref<10240x16xf32, #tpu.memory_space<vmem_shared>> -> memref<128x16xf32, #tpu.memory_space<vmem_shared>>
      %dma_start3A_188 = arith.constant 0 : i32
      %dma_start3A_189 = arith.constant 0 : i32
      %dma_start3A_190 = tpu.memref_slice %arg13[%dma_start3A_188, %dma_start3A_189] : memref<128x16xf32, #tpu.memory_space<vmem>> -> memref<128x16xf32, #tpu.memory_space<vmem>>
      tpu.enqueue_dma source(%dma_start3A_190 : memref<128x16xf32, #tpu.memory_space<vmem>>) target(%dma_start3A_187 : memref<128x16xf32, #tpu.memory_space<vmem_shared>>) target_semaphore(%run_scoped3A : memref<!tpu.dma_semaphore, #tpu.memory_space<semaphore_mem>>)
      %dma_wait3A_191 = arith.constant 0 : i32
      %dma_wait3A_192 = arith.constant 0 : i32
      %dma_wait3A_193 = tpu.memref_slice %arg13[%dma_wait3A_191, %dma_wait3A_192] : memref<128x16xf32, #tpu.memory_space<vmem>> -> memref<128x16xf32, #tpu.memory_space<vmem>>
      %dma_wait3A_194 = arith.constant 0 : i32
      %dma_wait3A_195 = tpu.memref_slice %arg14[%add3A_27, %dma_wait3A_194] : memref<10240x16xf32, #tpu.memory_space<vmem_shared>> -> memref<128x16xf32, #tpu.memory_space<vmem_shared>>
      %dma_wait3A_196 = arith.constant 0 : i32
      %dma_wait3A_197 = tpu.memref_slice %arg14[%add3A_27, %dma_wait3A_196] : memref<10240x16xf32, #tpu.memory_space<vmem_shared>> -> memref<128x16xf32, #tpu.memory_space<vmem_shared>>
      %dma_wait3A_198 = arith.constant 0 : i32
      %dma_wait3A_199 = arith.constant 0 : i32
      %dma_wait3A_200 = tpu.memref_slice %arg13[%dma_wait3A_198, %dma_wait3A_199] : memref<128x16xf32, #tpu.memory_space<vmem>> -> memref<128x16xf32, #tpu.memory_space<vmem>>
      tpu.wait_dma2 semaphore(%run_scoped3A : memref<!tpu.dma_semaphore, #tpu.memory_space<semaphore_mem>>) src(%dma_wait3A_200 : memref<128x16xf32, #tpu.memory_space<vmem>>) dst(%dma_wait3A_197 : memref<128x16xf32, #tpu.memory_space<vmem_shared>>)
      tpu.yield
    }) : () -> ()
    %dma_wait3A = arith.constant 0 : i32
    %dma_wait3A_28 = arith.constant 0 : i32
    %dma_wait3A_29 = tpu.memref_slice %arg3[%add3A, %dma_wait3A, %dma_wait3A_28] : memref<32x80x128xi32, #tpu.memory_space<hbm>> -> memref<1x80x128xi32, #tpu.memory_space<hbm>>
    %dma_wait3A_30 = tpu.memref_squeeze %dma_wait3A_29 : memref<1x80x128xi32, #tpu.memory_space<hbm>> -> memref<80x128xi32, #tpu.memory_space<hbm>>
    %dma_wait3A_31 = arith.constant 0 : i32
    %dma_wait3A_32 = arith.constant 0 : i32
    %dma_wait3A_33 = tpu.memref_slice %arg3[%add3A, %dma_wait3A_31, %dma_wait3A_32] : memref<32x80x128xi32, #tpu.memory_space<hbm>> -> memref<1x80x128xi32, #tpu.memory_space<hbm>>
    %dma_wait3A_34 = tpu.memref_squeeze %dma_wait3A_33 : memref<1x80x128xi32, #tpu.memory_space<hbm>> -> memref<80x128xi32, #tpu.memory_space<hbm>>
    tpu.wait_dma2 semaphore(%arg23 : memref<!tpu.dma_semaphore, #tpu.memory_space<semaphore_mem>>) src(%dma_wait3A_34 : memref<80x128xi32, #tpu.memory_space<hbm>>) dst(%arg7 : memref<80x128xi32, #tpu.memory_space<vmem>>)
    %dma_wait3A_35 = arith.constant 0 : i32
    %dma_wait3A_36 = arith.constant 0 : i32
    %dma_wait3A_37 = tpu.memref_slice %arg4[%add3A, %dma_wait3A_35, %dma_wait3A_36] : memref<32x80x128xi32, #tpu.memory_space<hbm>> -> memref<1x80x128xi32, #tpu.memory_space<hbm>>
    %dma_wait3A_38 = tpu.memref_squeeze %dma_wait3A_37 : memref<1x80x128xi32, #tpu.memory_space<hbm>> -> memref<80x128xi32, #tpu.memory_space<hbm>>
    %dma_wait3A_39 = arith.constant 0 : i32
    %dma_wait3A_40 = arith.constant 0 : i32
    %dma_wait3A_41 = tpu.memref_slice %arg4[%add3A, %dma_wait3A_39, %dma_wait3A_40] : memref<32x80x128xi32, #tpu.memory_space<hbm>> -> memref<1x80x128xi32, #tpu.memory_space<hbm>>
    %dma_wait3A_42 = tpu.memref_squeeze %dma_wait3A_41 : memref<1x80x128xi32, #tpu.memory_space<hbm>> -> memref<80x128xi32, #tpu.memory_space<hbm>>
    tpu.wait_dma2 semaphore(%arg23 : memref<!tpu.dma_semaphore, #tpu.memory_space<semaphore_mem>>) src(%dma_wait3A_42 : memref<80x128xi32, #tpu.memory_space<hbm>>) dst(%arg8 : memref<80x128xi32, #tpu.memory_space<vmem>>)
    %barrier3A = arith.constant 0 : index
    tpu.barrier barrier_id(%barrier3A)
    %dma_start3A_43 = arith.constant 0 : i32
    %dma_start3A_44 = arith.constant 0 : i32
    %dma_start3A_45 = tpu.memref_slice %arg7[%dma_start3A_43, %dma_start3A_44] : memref<80x128xi32, #tpu.memory_space<vmem>> -> memref<1x128xi32, #tpu.memory_space<vmem>>
    %dma_start3A_46 = tpu.memref_squeeze %dma_start3A_45 : memref<1x128xi32, #tpu.memory_space<vmem>> -> memref<128xi32, #tpu.memory_space<vmem>>
    %dma_start3A_47 = arith.constant 0 : i32
    %dma_start3A_48 = arith.constant 0 : i32
    %dma_start3A_49 = tpu.memref_slice %arg2[%dma_start3A_47, %dma_start3A_48] : memref<10000x16xf32, #tpu.memory_space<hbm>> -> memref<10000x16xf32, #tpu.memory_space<hbm>>
    tpu.enqueue_indirect_dma source(%dma_start3A_49 : memref<10000x16xf32, #tpu.memory_space<hbm>>) target(%arg9 : memref<128x16xf32, #tpu.memory_space<vmem>>) offsets(%dma_start3A_46 : memref<128xi32, #tpu.memory_space<vmem>>) semaphore(%arg15 : memref<!tpu.dma_semaphore, #tpu.memory_space<semaphore_mem>>)
    %dma_start3A_50 = arith.constant 1 : i32
    %dma_start3A_51 = arith.constant 0 : i32
    %dma_start3A_52 = tpu.memref_slice %arg7[%dma_start3A_50, %dma_start3A_51] : memref<80x128xi32, #tpu.memory_space<vmem>> -> memref<1x128xi32, #tpu.memory_space<vmem>>
    %dma_start3A_53 = tpu.memref_squeeze %dma_start3A_52 : memref<1x128xi32, #tpu.memory_space<vmem>> -> memref<128xi32, #tpu.memory_space<vmem>>
    %dma_start3A_54 = arith.constant 0 : i32
    %dma_start3A_55 = arith.constant 0 : i32
    %dma_start3A_56 = tpu.memref_slice %arg2[%dma_start3A_54, %dma_start3A_55] : memref<10000x16xf32, #tpu.memory_space<hbm>> -> memref<10000x16xf32, #tpu.memory_space<hbm>>
    tpu.enqueue_indirect_dma source(%dma_start3A_56 : memref<10000x16xf32, #tpu.memory_space<hbm>>) target(%arg10 : memref<128x16xf32, #tpu.memory_space<vmem>>) offsets(%dma_start3A_53 : memref<128xi32, #tpu.memory_space<vmem>>) semaphore(%arg16 : memref<!tpu.dma_semaphore, #tpu.memory_space<semaphore_mem>>)
    %dma_start3A_57 = arith.constant 2 : i32
    %dma_start3A_58 = arith.constant 0 : i32
    %dma_start3A_59 = tpu.memref_slice %arg7[%dma_start3A_57, %dma_start3A_58] : memref<80x128xi32, #tpu.memory_space<vmem>> -> memref<1x128xi32, #tpu.memory_space<vmem>>
    %dma_start3A_60 = tpu.memref_squeeze %dma_start3A_59 : memref<1x128xi32, #tpu.memory_space<vmem>> -> memref<128xi32, #tpu.memory_space<vmem>>
    %dma_start3A_61 = arith.constant 0 : i32
    %dma_start3A_62 = arith.constant 0 : i32
    %dma_start3A_63 = tpu.memref_slice %arg2[%dma_start3A_61, %dma_start3A_62] : memref<10000x16xf32, #tpu.memory_space<hbm>> -> memref<10000x16xf32, #tpu.memory_space<hbm>>
    tpu.enqueue_indirect_dma source(%dma_start3A_63 : memref<10000x16xf32, #tpu.memory_space<hbm>>) target(%arg11 : memref<128x16xf32, #tpu.memory_space<vmem>>) offsets(%dma_start3A_60 : memref<128xi32, #tpu.memory_space<vmem>>) semaphore(%arg17 : memref<!tpu.dma_semaphore, #tpu.memory_space<semaphore_mem>>)
    %dma_start3A_64 = arith.constant 3 : i32
    %dma_start3A_65 = arith.constant 0 : i32
    %dma_start3A_66 = tpu.memref_slice %arg7[%dma_start3A_64, %dma_start3A_65] : memref<80x128xi32, #tpu.memory_space<vmem>> -> memref<1x128xi32, #tpu.memory_space<vmem>>
    %dma_start3A_67 = tpu.memref_squeeze %dma_start3A_66 : memref<1x128xi32, #tpu.memory_space<vmem>> -> memref<128xi32, #tpu.memory_space<vmem>>
    %dma_start3A_68 = arith.constant 0 : i32
    %dma_start3A_69 = arith.constant 0 : i32
    %dma_start3A_70 = tpu.memref_slice %arg2[%dma_start3A_68, %dma_start3A_69] : memref<10000x16xf32, #tpu.memory_space<hbm>> -> memref<10000x16xf32, #tpu.memory_space<hbm>>
    tpu.enqueue_indirect_dma source(%dma_start3A_70 : memref<10000x16xf32, #tpu.memory_space<hbm>>) target(%arg12 : memref<128x16xf32, #tpu.memory_space<vmem>>) offsets(%dma_start3A_67 : memref<128xi32, #tpu.memory_space<vmem>>) semaphore(%arg18 : memref<!tpu.dma_semaphore, #tpu.memory_space<semaphore_mem>>)
    %scan3A = arith.constant 0 : i32
    %scan3A_71 = arith.constant 0 : i32
    %scan3A_72 = arith.constant 19 : i32
    %scan3A_73 = arith.addi %scan3A_71, %scan3A_72 : i32
    %scan3A_74 = arith.constant 1 : i32
    scf.for %scan3A_181 = %scan3A_71 to %scan3A_73 step %scan3A_74  : i32 {
      %mul3A_182 = arith.constant 4 : i32
      %mul3A_183 = arith.muli %mul3A_182, %scan3A_181 : i32
      %add3A_184 = arith.constant 0 : i32
      %add3A_185 = arith.addi %mul3A_183, %add3A_184 : i32
      %dma_wait3A_186 = arith.constant 0 : i32
      %dma_wait3A_187 = tpu.memref_slice %arg7[%add3A_185, %dma_wait3A_186] : memref<80x128xi32, #tpu.memory_space<vmem>> -> memref<1x128xi32, #tpu.memory_space<vmem>>
      %dma_wait3A_188 = tpu.memref_squeeze %dma_wait3A_187 : memref<1x128xi32, #tpu.memory_space<vmem>> -> memref<128xi32, #tpu.memory_space<vmem>>
      %dma_wait3A_189 = arith.constant 0 : i32
      %dma_wait3A_190 = arith.constant 0 : i32
      %dma_wait3A_191 = tpu.memref_slice %arg2[%dma_wait3A_189, %dma_wait3A_190] : memref<10000x16xf32, #tpu.memory_space<hbm>> -> memref<10000x16xf32, #tpu.memory_space<hbm>>
      tpu.wait_indirect_dma semaphore(%arg15 : memref<!tpu.dma_semaphore, #tpu.memory_space<semaphore_mem>>) src(%dma_wait3A_191 : memref<10000x16xf32, #tpu.memory_space<hbm>>) dst(%arg9 : memref<128x16xf32, #tpu.memory_space<vmem>>)
      %add3A_192 = arith.constant 0 : i32
      %add3A_193 = arith.addi %mul3A_183, %add3A_192 : i32
      %dma_start3A_194 = arith.constant 0 : i32
      %dma_start3A_195 = tpu.memref_slice %arg8[%add3A_193, %dma_start3A_194] : memref<80x128xi32, #tpu.memory_space<vmem>> -> memref<1x128xi32, #tpu.memory_space<vmem>>
      %dma_start3A_196 = tpu.memref_squeeze %dma_start3A_195 : memref<1x128xi32, #tpu.memory_space<vmem>> -> memref<128xi32, #tpu.memory_space<vmem>>
      %dma_start3A_197 = arith.constant 0 : i32
      %dma_start3A_198 = arith.constant 0 : i32
      %dma_start3A_199 = tpu.memref_slice %arg14[%dma_start3A_197, %dma_start3A_198] : memref<10240x16xf32, #tpu.memory_space<vmem_shared>> -> memref<10240x16xf32, #tpu.memory_space<vmem_shared>>
      tpu.enqueue_indirect_dma source(%arg9 : memref<128x16xf32, #tpu.memory_space<vmem>>) target(%dma_start3A_199 : memref<10240x16xf32, #tpu.memory_space<vmem_shared>>) offsets(%dma_start3A_196 : memref<128xi32, #tpu.memory_space<vmem>>) semaphore(%arg19 : memref<!tpu.dma_semaphore, #tpu.memory_space<semaphore_mem>>) {add = true}
      %add3A_200 = arith.constant 1 : i32
      %add3A_201 = arith.addi %mul3A_183, %add3A_200 : i32
      %dma_wait3A_202 = arith.constant 0 : i32
      %dma_wait3A_203 = tpu.memref_slice %arg7[%add3A_201, %dma_wait3A_202] : memref<80x128xi32, #tpu.memory_space<vmem>> -> memref<1x128xi32, #tpu.memory_space<vmem>>
      %dma_wait3A_204 = tpu.memref_squeeze %dma_wait3A_203 : memref<1x128xi32, #tpu.memory_space<vmem>> -> memref<128xi32, #tpu.memory_space<vmem>>
      %dma_wait3A_205 = arith.constant 0 : i32
      %dma_wait3A_206 = arith.constant 0 : i32
      %dma_wait3A_207 = tpu.memref_slice %arg2[%dma_wait3A_205, %dma_wait3A_206] : memref<10000x16xf32, #tpu.memory_space<hbm>> -> memref<10000x16xf32, #tpu.memory_space<hbm>>
      tpu.wait_indirect_dma semaphore(%arg16 : memref<!tpu.dma_semaphore, #tpu.memory_space<semaphore_mem>>) src(%dma_wait3A_207 : memref<10000x16xf32, #tpu.memory_space<hbm>>) dst(%arg10 : memref<128x16xf32, #tpu.memory_space<vmem>>)
      %add3A_208 = arith.constant 1 : i32
      %add3A_209 = arith.addi %mul3A_183, %add3A_208 : i32
      %dma_start3A_210 = arith.constant 0 : i32
      %dma_start3A_211 = tpu.memref_slice %arg8[%add3A_209, %dma_start3A_210] : memref<80x128xi32, #tpu.memory_space<vmem>> -> memref<1x128xi32, #tpu.memory_space<vmem>>
      %dma_start3A_212 = tpu.memref_squeeze %dma_start3A_211 : memref<1x128xi32, #tpu.memory_space<vmem>> -> memref<128xi32, #tpu.memory_space<vmem>>
      %dma_start3A_213 = arith.constant 0 : i32
      %dma_start3A_214 = arith.constant 0 : i32
      %dma_start3A_215 = tpu.memref_slice %arg14[%dma_start3A_213, %dma_start3A_214] : memref<10240x16xf32, #tpu.memory_space<vmem_shared>> -> memref<10240x16xf32, #tpu.memory_space<vmem_shared>>
      tpu.enqueue_indirect_dma source(%arg10 : memref<128x16xf32, #tpu.memory_space<vmem>>) target(%dma_start3A_215 : memref<10240x16xf32, #tpu.memory_space<vmem_shared>>) offsets(%dma_start3A_212 : memref<128xi32, #tpu.memory_space<vmem>>) semaphore(%arg20 : memref<!tpu.dma_semaphore, #tpu.memory_space<semaphore_mem>>) {add = true}
      %add3A_216 = arith.constant 2 : i32
      %add3A_217 = arith.addi %mul3A_183, %add3A_216 : i32
      %dma_wait3A_218 = arith.constant 0 : i32
      %dma_wait3A_219 = tpu.memref_slice %arg7[%add3A_217, %dma_wait3A_218] : memref<80x128xi32, #tpu.memory_space<vmem>> -> memref<1x128xi32, #tpu.memory_space<vmem>>
      %dma_wait3A_220 = tpu.memref_squeeze %dma_wait3A_219 : memref<1x128xi32, #tpu.memory_space<vmem>> -> memref<128xi32, #tpu.memory_space<vmem>>
      %dma_wait3A_221 = arith.constant 0 : i32
      %dma_wait3A_222 = arith.constant 0 : i32
      %dma_wait3A_223 = tpu.memref_slice %arg2[%dma_wait3A_221, %dma_wait3A_222] : memref<10000x16xf32, #tpu.memory_space<hbm>> -> memref<10000x16xf32, #tpu.memory_space<hbm>>
      tpu.wait_indirect_dma semaphore(%arg17 : memref<!tpu.dma_semaphore, #tpu.memory_space<semaphore_mem>>) src(%dma_wait3A_223 : memref<10000x16xf32, #tpu.memory_space<hbm>>) dst(%arg11 : memref<128x16xf32, #tpu.memory_space<vmem>>)
      %add3A_224 = arith.constant 2 : i32
      %add3A_225 = arith.addi %mul3A_183, %add3A_224 : i32
      %dma_start3A_226 = arith.constant 0 : i32
      %dma_start3A_227 = tpu.memref_slice %arg8[%add3A_225, %dma_start3A_226] : memref<80x128xi32, #tpu.memory_space<vmem>> -> memref<1x128xi32, #tpu.memory_space<vmem>>
      %dma_start3A_228 = tpu.memref_squeeze %dma_start3A_227 : memref<1x128xi32, #tpu.memory_space<vmem>> -> memref<128xi32, #tpu.memory_space<vmem>>
      %dma_start3A_229 = arith.constant 0 : i32
      %dma_start3A_230 = arith.constant 0 : i32
      %dma_start3A_231 = tpu.memref_slice %arg14[%dma_start3A_229, %dma_start3A_230] : memref<10240x16xf32, #tpu.memory_space<vmem_shared>> -> memref<10240x16xf32, #tpu.memory_space<vmem_shared>>
      tpu.enqueue_indirect_dma source(%arg11 : memref<128x16xf32, #tpu.memory_space<vmem>>) target(%dma_start3A_231 : memref<10240x16xf32, #tpu.memory_space<vmem_shared>>) offsets(%dma_start3A_228 : memref<128xi32, #tpu.memory_space<vmem>>) semaphore(%arg21 : memref<!tpu.dma_semaphore, #tpu.memory_space<semaphore_mem>>) {add = true}
      %add3A_232 = arith.constant 3 : i32
      %add3A_233 = arith.addi %mul3A_183, %add3A_232 : i32
      %dma_wait3A_234 = arith.constant 0 : i32
      %dma_wait3A_235 = tpu.memref_slice %arg7[%add3A_233, %dma_wait3A_234] : memref<80x128xi32, #tpu.memory_space<vmem>> -> memref<1x128xi32, #tpu.memory_space<vmem>>
      %dma_wait3A_236 = tpu.memref_squeeze %dma_wait3A_235 : memref<1x128xi32, #tpu.memory_space<vmem>> -> memref<128xi32, #tpu.memory_space<vmem>>
      %dma_wait3A_237 = arith.constant 0 : i32
      %dma_wait3A_238 = arith.constant 0 : i32
      %dma_wait3A_239 = tpu.memref_slice %arg2[%dma_wait3A_237, %dma_wait3A_238] : memref<10000x16xf32, #tpu.memory_space<hbm>> -> memref<10000x16xf32, #tpu.memory_space<hbm>>
      tpu.wait_indirect_dma semaphore(%arg18 : memref<!tpu.dma_semaphore, #tpu.memory_space<semaphore_mem>>) src(%dma_wait3A_239 : memref<10000x16xf32, #tpu.memory_space<hbm>>) dst(%arg12 : memref<128x16xf32, #tpu.memory_space<vmem>>)
      %add3A_240 = arith.constant 3 : i32
      %add3A_241 = arith.addi %mul3A_183, %add3A_240 : i32
      %dma_start3A_242 = arith.constant 0 : i32
      %dma_start3A_243 = tpu.memref_slice %arg8[%add3A_241, %dma_start3A_242] : memref<80x128xi32, #tpu.memory_space<vmem>> -> memref<1x128xi32, #tpu.memory_space<vmem>>
      %dma_start3A_244 = tpu.memref_squeeze %dma_start3A_243 : memref<1x128xi32, #tpu.memory_space<vmem>> -> memref<128xi32, #tpu.memory_space<vmem>>
      %dma_start3A_245 = arith.constant 0 : i32
      %dma_start3A_246 = arith.constant 0 : i32
      %dma_start3A_247 = tpu.memref_slice %arg14[%dma_start3A_245, %dma_start3A_246] : memref<10240x16xf32, #tpu.memory_space<vmem_shared>> -> memref<10240x16xf32, #tpu.memory_space<vmem_shared>>
      tpu.enqueue_indirect_dma source(%arg12 : memref<128x16xf32, #tpu.memory_space<vmem>>) target(%dma_start3A_247 : memref<10240x16xf32, #tpu.memory_space<vmem_shared>>) offsets(%dma_start3A_244 : memref<128xi32, #tpu.memory_space<vmem>>) semaphore(%arg22 : memref<!tpu.dma_semaphore, #tpu.memory_space<semaphore_mem>>) {add = true}
      %add3A_248 = arith.constant 0 : i32
      %add3A_249 = arith.addi %mul3A_183, %add3A_248 : i32
      %dma_wait3A_250 = arith.constant 0 : i32
      %dma_wait3A_251 = tpu.memref_slice %arg8[%add3A_249, %dma_wait3A_250] : memref<80x128xi32, #tpu.memory_space<vmem>> -> memref<1x128xi32, #tpu.memory_space<vmem>>
      %dma_wait3A_252 = tpu.memref_squeeze %dma_wait3A_251 : memref<1x128xi32, #tpu.memory_space<vmem>> -> memref<128xi32, #tpu.memory_space<vmem>>
      %dma_wait3A_253 = arith.constant 0 : i32
      %dma_wait3A_254 = arith.constant 0 : i32
      %dma_wait3A_255 = tpu.memref_slice %arg14[%dma_wait3A_253, %dma_wait3A_254] : memref<10240x16xf32, #tpu.memory_space<vmem_shared>> -> memref<10240x16xf32, #tpu.memory_space<vmem_shared>>
      tpu.wait_indirect_dma semaphore(%arg19 : memref<!tpu.dma_semaphore, #tpu.memory_space<semaphore_mem>>) src(%arg9 : memref<128x16xf32, #tpu.memory_space<vmem>>) dst(%dma_wait3A_255 : memref<10240x16xf32, #tpu.memory_space<vmem_shared>>)
      %add3A_256 = arith.constant 4 : i32
      %add3A_257 = arith.addi %mul3A_183, %add3A_256 : i32
      %add3A_258 = arith.constant 0 : i32
      %add3A_259 = arith.addi %add3A_257, %add3A_258 : i32
      %dma_start3A_260 = arith.constant 0 : i32
      %dma_start3A_261 = tpu.memref_slice %arg7[%add3A_259, %dma_start3A_260] : memref<80x128xi32, #tpu.memory_space<vmem>> -> memref<1x128xi32, #tpu.memory_space<vmem>>
      %dma_start3A_262 = tpu.memref_squeeze %dma_start3A_261 : memref<1x128xi32, #tpu.memory_space<vmem>> -> memref<128xi32, #tpu.memory_space<vmem>>
      %dma_start3A_263 = arith.constant 0 : i32
      %dma_start3A_264 = arith.constant 0 : i32
      %dma_start3A_265 = tpu.memref_slice %arg2[%dma_start3A_263, %dma_start3A_264] : memref<10000x16xf32, #tpu.memory_space<hbm>> -> memref<10000x16xf32, #tpu.memory_space<hbm>>
      tpu.enqueue_indirect_dma source(%dma_start3A_265 : memref<10000x16xf32, #tpu.memory_space<hbm>>) target(%arg9 : memref<128x16xf32, #tpu.memory_space<vmem>>) offsets(%dma_start3A_262 : memref<128xi32, #tpu.memory_space<vmem>>) semaphore(%arg15 : memref<!tpu.dma_semaphore, #tpu.memory_space<semaphore_mem>>)
      %add3A_266 = arith.constant 1 : i32
      %add3A_267 = arith.addi %mul3A_183, %add3A_266 : i32
      %dma_wait3A_268 = arith.constant 0 : i32
      %dma_wait3A_269 = tpu.memref_slice %arg8[%add3A_267, %dma_wait3A_268] : memref<80x128xi32, #tpu.memory_space<vmem>> -> memref<1x128xi32, #tpu.memory_space<vmem>>
      %dma_wait3A_270 = tpu.memref_squeeze %dma_wait3A_269 : memref<1x128xi32, #tpu.memory_space<vmem>> -> memref<128xi32, #tpu.memory_space<vmem>>
      %dma_wait3A_271 = arith.constant 0 : i32
      %dma_wait3A_272 = arith.constant 0 : i32
      %dma_wait3A_273 = tpu.memref_slice %arg14[%dma_wait3A_271, %dma_wait3A_272] : memref<10240x16xf32, #tpu.memory_space<vmem_shared>> -> memref<10240x16xf32, #tpu.memory_space<vmem_shared>>
      tpu.wait_indirect_dma semaphore(%arg20 : memref<!tpu.dma_semaphore, #tpu.memory_space<semaphore_mem>>) src(%arg10 : memref<128x16xf32, #tpu.memory_space<vmem>>) dst(%dma_wait3A_273 : memref<10240x16xf32, #tpu.memory_space<vmem_shared>>)
      %add3A_274 = arith.constant 4 : i32
      %add3A_275 = arith.addi %mul3A_183, %add3A_274 : i32
      %add3A_276 = arith.constant 1 : i32
      %add3A_277 = arith.addi %add3A_275, %add3A_276 : i32
      %dma_start3A_278 = arith.constant 0 : i32
      %dma_start3A_279 = tpu.memref_slice %arg7[%add3A_277, %dma_start3A_278] : memref<80x128xi32, #tpu.memory_space<vmem>> -> memref<1x128xi32, #tpu.memory_space<vmem>>
      %dma_start3A_280 = tpu.memref_squeeze %dma_start3A_279 : memref<1x128xi32, #tpu.memory_space<vmem>> -> memref<128xi32, #tpu.memory_space<vmem>>
      %dma_start3A_281 = arith.constant 0 : i32
      %dma_start3A_282 = arith.constant 0 : i32
      %dma_start3A_283 = tpu.memref_slice %arg2[%dma_start3A_281, %dma_start3A_282] : memref<10000x16xf32, #tpu.memory_space<hbm>> -> memref<10000x16xf32, #tpu.memory_space<hbm>>
      tpu.enqueue_indirect_dma source(%dma_start3A_283 : memref<10000x16xf32, #tpu.memory_space<hbm>>) target(%arg10 : memref<128x16xf32, #tpu.memory_space<vmem>>) offsets(%dma_start3A_280 : memref<128xi32, #tpu.memory_space<vmem>>) semaphore(%arg16 : memref<!tpu.dma_semaphore, #tpu.memory_space<semaphore_mem>>)
      %add3A_284 = arith.constant 2 : i32
      %add3A_285 = arith.addi %mul3A_183, %add3A_284 : i32
      %dma_wait3A_286 = arith.constant 0 : i32
      %dma_wait3A_287 = tpu.memref_slice %arg8[%add3A_285, %dma_wait3A_286] : memref<80x128xi32, #tpu.memory_space<vmem>> -> memref<1x128xi32, #tpu.memory_space<vmem>>
      %dma_wait3A_288 = tpu.memref_squeeze %dma_wait3A_287 : memref<1x128xi32, #tpu.memory_space<vmem>> -> memref<128xi32, #tpu.memory_space<vmem>>
      %dma_wait3A_289 = arith.constant 0 : i32
      %dma_wait3A_290 = arith.constant 0 : i32
      %dma_wait3A_291 = tpu.memref_slice %arg14[%dma_wait3A_289, %dma_wait3A_290] : memref<10240x16xf32, #tpu.memory_space<vmem_shared>> -> memref<10240x16xf32, #tpu.memory_space<vmem_shared>>
      tpu.wait_indirect_dma semaphore(%arg21 : memref<!tpu.dma_semaphore, #tpu.memory_space<semaphore_mem>>) src(%arg11 : memref<128x16xf32, #tpu.memory_space<vmem>>) dst(%dma_wait3A_291 : memref<10240x16xf32, #tpu.memory_space<vmem_shared>>)
      %add3A_292 = arith.constant 4 : i32
      %add3A_293 = arith.addi %mul3A_183, %add3A_292 : i32
      %add3A_294 = arith.constant 2 : i32
      %add3A_295 = arith.addi %add3A_293, %add3A_294 : i32
      %dma_start3A_296 = arith.constant 0 : i32
      %dma_start3A_297 = tpu.memref_slice %arg7[%add3A_295, %dma_start3A_296] : memref<80x128xi32, #tpu.memory_space<vmem>> -> memref<1x128xi32, #tpu.memory_space<vmem>>
      %dma_start3A_298 = tpu.memref_squeeze %dma_start3A_297 : memref<1x128xi32, #tpu.memory_space<vmem>> -> memref<128xi32, #tpu.memory_space<vmem>>
      %dma_start3A_299 = arith.constant 0 : i32
      %dma_start3A_300 = arith.constant 0 : i32
      %dma_start3A_301 = tpu.memref_slice %arg2[%dma_start3A_299, %dma_start3A_300] : memref<10000x16xf32, #tpu.memory_space<hbm>> -> memref<10000x16xf32, #tpu.memory_space<hbm>>
      tpu.enqueue_indirect_dma source(%dma_start3A_301 : memref<10000x16xf32, #tpu.memory_space<hbm>>) target(%arg11 : memref<128x16xf32, #tpu.memory_space<vmem>>) offsets(%dma_start3A_298 : memref<128xi32, #tpu.memory_space<vmem>>) semaphore(%arg17 : memref<!tpu.dma_semaphore, #tpu.memory_space<semaphore_mem>>)
      %add3A_302 = arith.constant 3 : i32
      %add3A_303 = arith.addi %mul3A_183, %add3A_302 : i32
      %dma_wait3A_304 = arith.constant 0 : i32
      %dma_wait3A_305 = tpu.memref_slice %arg8[%add3A_303, %dma_wait3A_304] : memref<80x128xi32, #tpu.memory_space<vmem>> -> memref<1x128xi32, #tpu.memory_space<vmem>>
      %dma_wait3A_306 = tpu.memref_squeeze %dma_wait3A_305 : memref<1x128xi32, #tpu.memory_space<vmem>> -> memref<128xi32, #tpu.memory_space<vmem>>
      %dma_wait3A_307 = arith.constant 0 : i32
      %dma_wait3A_308 = arith.constant 0 : i32
      %dma_wait3A_309 = tpu.memref_slice %arg14[%dma_wait3A_307, %dma_wait3A_308] : memref<10240x16xf32, #tpu.memory_space<vmem_shared>> -> memref<10240x16xf32, #tpu.memory_space<vmem_shared>>
      tpu.wait_indirect_dma semaphore(%arg22 : memref<!tpu.dma_semaphore, #tpu.memory_space<semaphore_mem>>) src(%arg12 : memref<128x16xf32, #tpu.memory_space<vmem>>) dst(%dma_wait3A_309 : memref<10240x16xf32, #tpu.memory_space<vmem_shared>>)
      %add3A_310 = arith.constant 4 : i32
      %add3A_311 = arith.addi %mul3A_183, %add3A_310 : i32
      %add3A_312 = arith.constant 3 : i32
      %add3A_313 = arith.addi %add3A_311, %add3A_312 : i32
      %dma_start3A_314 = arith.constant 0 : i32
      %dma_start3A_315 = tpu.memref_slice %arg7[%add3A_313, %dma_start3A_314] : memref<80x128xi32, #tpu.memory_space<vmem>> -> memref<1x128xi32, #tpu.memory_space<vmem>>
      %dma_start3A_316 = tpu.memref_squeeze %dma_start3A_315 : memref<1x128xi32, #tpu.memory_space<vmem>> -> memref<128xi32, #tpu.memory_space<vmem>>
      %dma_start3A_317 = arith.constant 0 : i32
      %dma_start3A_318 = arith.constant 0 : i32
      %dma_start3A_319 = tpu.memref_slice %arg2[%dma_start3A_317, %dma_start3A_318] : memref<10000x16xf32, #tpu.memory_space<hbm>> -> memref<10000x16xf32, #tpu.memory_space<hbm>>
      tpu.enqueue_indirect_dma source(%dma_start3A_319 : memref<10000x16xf32, #tpu.memory_space<hbm>>) target(%arg12 : memref<128x16xf32, #tpu.memory_space<vmem>>) offsets(%dma_start3A_316 : memref<128xi32, #tpu.memory_space<vmem>>) semaphore(%arg18 : memref<!tpu.dma_semaphore, #tpu.memory_space<semaphore_mem>>)
    }
    %scan3A_75 = arith.constant 19 : i32
    %dma_wait3A_76 = arith.constant 76 : i32
    %dma_wait3A_77 = arith.constant 0 : i32
    %dma_wait3A_78 = tpu.memref_slice %arg7[%dma_wait3A_76, %dma_wait3A_77] : memref<80x128xi32, #tpu.memory_space<vmem>> -> memref<1x128xi32, #tpu.memory_space<vmem>>
    %dma_wait3A_79 = tpu.memref_squeeze %dma_wait3A_78 : memref<1x128xi32, #tpu.memory_space<vmem>> -> memref<128xi32, #tpu.memory_space<vmem>>
    %dma_wait3A_80 = arith.constant 0 : i32
    %dma_wait3A_81 = arith.constant 0 : i32
    %dma_wait3A_82 = tpu.memref_slice %arg2[%dma_wait3A_80, %dma_wait3A_81] : memref<10000x16xf32, #tpu.memory_space<hbm>> -> memref<10000x16xf32, #tpu.memory_space<hbm>>
    tpu.wait_indirect_dma semaphore(%arg15 : memref<!tpu.dma_semaphore, #tpu.memory_space<semaphore_mem>>) src(%dma_wait3A_82 : memref<10000x16xf32, #tpu.memory_space<hbm>>) dst(%arg9 : memref<128x16xf32, #tpu.memory_space<vmem>>)
    %dma_start3A_83 = arith.constant 76 : i32
    %dma_start3A_84 = arith.constant 0 : i32
    %dma_start3A_85 = tpu.memref_slice %arg8[%dma_start3A_83, %dma_start3A_84] : memref<80x128xi32, #tpu.memory_space<vmem>> -> memref<1x128xi32, #tpu.memory_space<vmem>>
    %dma_start3A_86 = tpu.memref_squeeze %dma_start3A_85 : memref<1x128xi32, #tpu.memory_space<vmem>> -> memref<128xi32, #tpu.memory_space<vmem>>
    %dma_start3A_87 = arith.constant 0 : i32
    %dma_start3A_88 = arith.constant 0 : i32
    %dma_start3A_89 = tpu.memref_slice %arg14[%dma_start3A_87, %dma_start3A_88] : memref<10240x16xf32, #tpu.memory_space<vmem_shared>> -> memref<10240x16xf32, #tpu.memory_space<vmem_shared>>
    tpu.enqueue_indirect_dma source(%arg9 : memref<128x16xf32, #tpu.memory_space<vmem>>) target(%dma_start3A_89 : memref<10240x16xf32, #tpu.memory_space<vmem_shared>>) offsets(%dma_start3A_86 : memref<128xi32, #tpu.memory_space<vmem>>) semaphore(%arg19 : memref<!tpu.dma_semaphore, #tpu.memory_space<semaphore_mem>>) {add = true}
    %dma_wait3A_90 = arith.constant 77 : i32
    %dma_wait3A_91 = arith.constant 0 : i32
    %dma_wait3A_92 = tpu.memref_slice %arg7[%dma_wait3A_90, %dma_wait3A_91] : memref<80x128xi32, #tpu.memory_space<vmem>> -> memref<1x128xi32, #tpu.memory_space<vmem>>
    %dma_wait3A_93 = tpu.memref_squeeze %dma_wait3A_92 : memref<1x128xi32, #tpu.memory_space<vmem>> -> memref<128xi32, #tpu.memory_space<vmem>>
    %dma_wait3A_94 = arith.constant 0 : i32
    %dma_wait3A_95 = arith.constant 0 : i32
    %dma_wait3A_96 = tpu.memref_slice %arg2[%dma_wait3A_94, %dma_wait3A_95] : memref<10000x16xf32, #tpu.memory_space<hbm>> -> memref<10000x16xf32, #tpu.memory_space<hbm>>
    tpu.wait_indirect_dma semaphore(%arg16 : memref<!tpu.dma_semaphore, #tpu.memory_space<semaphore_mem>>) src(%dma_wait3A_96 : memref<10000x16xf32, #tpu.memory_space<hbm>>) dst(%arg10 : memref<128x16xf32, #tpu.memory_space<vmem>>)
    %dma_start3A_97 = arith.constant 77 : i32
    %dma_start3A_98 = arith.constant 0 : i32
    %dma_start3A_99 = tpu.memref_slice %arg8[%dma_start3A_97, %dma_start3A_98] : memref<80x128xi32, #tpu.memory_space<vmem>> -> memref<1x128xi32, #tpu.memory_space<vmem>>
    %dma_start3A_100 = tpu.memref_squeeze %dma_start3A_99 : memref<1x128xi32, #tpu.memory_space<vmem>> -> memref<128xi32, #tpu.memory_space<vmem>>
    %dma_start3A_101 = arith.constant 0 : i32
    %dma_start3A_102 = arith.constant 0 : i32
    %dma_start3A_103 = tpu.memref_slice %arg14[%dma_start3A_101, %dma_start3A_102] : memref<10240x16xf32, #tpu.memory_space<vmem_shared>> -> memref<10240x16xf32, #tpu.memory_space<vmem_shared>>
    tpu.enqueue_indirect_dma source(%arg10 : memref<128x16xf32, #tpu.memory_space<vmem>>) target(%dma_start3A_103 : memref<10240x16xf32, #tpu.memory_space<vmem_shared>>) offsets(%dma_start3A_100 : memref<128xi32, #tpu.memory_space<vmem>>) semaphore(%arg20 : memref<!tpu.dma_semaphore, #tpu.memory_space<semaphore_mem>>) {add = true}
    %dma_wait3A_104 = arith.constant 78 : i32
    %dma_wait3A_105 = arith.constant 0 : i32
    %dma_wait3A_106 = tpu.memref_slice %arg7[%dma_wait3A_104, %dma_wait3A_105] : memref<80x128xi32, #tpu.memory_space<vmem>> -> memref<1x128xi32, #tpu.memory_space<vmem>>
    %dma_wait3A_107 = tpu.memref_squeeze %dma_wait3A_106 : memref<1x128xi32, #tpu.memory_space<vmem>> -> memref<128xi32, #tpu.memory_space<vmem>>
    %dma_wait3A_108 = arith.constant 0 : i32
    %dma_wait3A_109 = arith.constant 0 : i32
    %dma_wait3A_110 = tpu.memref_slice %arg2[%dma_wait3A_108, %dma_wait3A_109] : memref<10000x16xf32, #tpu.memory_space<hbm>> -> memref<10000x16xf32, #tpu.memory_space<hbm>>
    tpu.wait_indirect_dma semaphore(%arg17 : memref<!tpu.dma_semaphore, #tpu.memory_space<semaphore_mem>>) src(%dma_wait3A_110 : memref<10000x16xf32, #tpu.memory_space<hbm>>) dst(%arg11 : memref<128x16xf32, #tpu.memory_space<vmem>>)
    %dma_start3A_111 = arith.constant 78 : i32
    %dma_start3A_112 = arith.constant 0 : i32
    %dma_start3A_113 = tpu.memref_slice %arg8[%dma_start3A_111, %dma_start3A_112] : memref<80x128xi32, #tpu.memory_space<vmem>> -> memref<1x128xi32, #tpu.memory_space<vmem>>
    %dma_start3A_114 = tpu.memref_squeeze %dma_start3A_113 : memref<1x128xi32, #tpu.memory_space<vmem>> -> memref<128xi32, #tpu.memory_space<vmem>>
    %dma_start3A_115 = arith.constant 0 : i32
    %dma_start3A_116 = arith.constant 0 : i32
    %dma_start3A_117 = tpu.memref_slice %arg14[%dma_start3A_115, %dma_start3A_116] : memref<10240x16xf32, #tpu.memory_space<vmem_shared>> -> memref<10240x16xf32, #tpu.memory_space<vmem_shared>>
    tpu.enqueue_indirect_dma source(%arg11 : memref<128x16xf32, #tpu.memory_space<vmem>>) target(%dma_start3A_117 : memref<10240x16xf32, #tpu.memory_space<vmem_shared>>) offsets(%dma_start3A_114 : memref<128xi32, #tpu.memory_space<vmem>>) semaphore(%arg21 : memref<!tpu.dma_semaphore, #tpu.memory_space<semaphore_mem>>) {add = true}
    %dma_wait3A_118 = arith.constant 79 : i32
    %dma_wait3A_119 = arith.constant 0 : i32
    %dma_wait3A_120 = tpu.memref_slice %arg7[%dma_wait3A_118, %dma_wait3A_119] : memref<80x128xi32, #tpu.memory_space<vmem>> -> memref<1x128xi32, #tpu.memory_space<vmem>>
    %dma_wait3A_121 = tpu.memref_squeeze %dma_wait3A_120 : memref<1x128xi32, #tpu.memory_space<vmem>> -> memref<128xi32, #tpu.memory_space<vmem>>
    %dma_wait3A_122 = arith.constant 0 : i32
    %dma_wait3A_123 = arith.constant 0 : i32
    %dma_wait3A_124 = tpu.memref_slice %arg2[%dma_wait3A_122, %dma_wait3A_123] : memref<10000x16xf32, #tpu.memory_space<hbm>> -> memref<10000x16xf32, #tpu.memory_space<hbm>>
    tpu.wait_indirect_dma semaphore(%arg18 : memref<!tpu.dma_semaphore, #tpu.memory_space<semaphore_mem>>) src(%dma_wait3A_124 : memref<10000x16xf32, #tpu.memory_space<hbm>>) dst(%arg12 : memref<128x16xf32, #tpu.memory_space<vmem>>)
    %dma_start3A_125 = arith.constant 79 : i32
    %dma_start3A_126 = arith.constant 0 : i32
    %dma_start3A_127 = tpu.memref_slice %arg8[%dma_start3A_125, %dma_start3A_126] : memref<80x128xi32, #tpu.memory_space<vmem>> -> memref<1x128xi32, #tpu.memory_space<vmem>>
    %dma_start3A_128 = tpu.memref_squeeze %dma_start3A_127 : memref<1x128xi32, #tpu.memory_space<vmem>> -> memref<128xi32, #tpu.memory_space<vmem>>
    %dma_start3A_129 = arith.constant 0 : i32
    %dma_start3A_130 = arith.constant 0 : i32
    %dma_start3A_131 = tpu.memref_slice %arg14[%dma_start3A_129, %dma_start3A_130] : memref<10240x16xf32, #tpu.memory_space<vmem_shared>> -> memref<10240x16xf32, #tpu.memory_space<vmem_shared>>
    tpu.enqueue_indirect_dma source(%arg12 : memref<128x16xf32, #tpu.memory_space<vmem>>) target(%dma_start3A_131 : memref<10240x16xf32, #tpu.memory_space<vmem_shared>>) offsets(%dma_start3A_128 : memref<128xi32, #tpu.memory_space<vmem>>) semaphore(%arg22 : memref<!tpu.dma_semaphore, #tpu.memory_space<semaphore_mem>>) {add = true}
    %dma_wait3A_132 = arith.constant 76 : i32
    %dma_wait3A_133 = arith.constant 0 : i32
    %dma_wait3A_134 = tpu.memref_slice %arg8[%dma_wait3A_132, %dma_wait3A_133] : memref<80x128xi32, #tpu.memory_space<vmem>> -> memref<1x128xi32, #tpu.memory_space<vmem>>
    %dma_wait3A_135 = tpu.memref_squeeze %dma_wait3A_134 : memref<1x128xi32, #tpu.memory_space<vmem>> -> memref<128xi32, #tpu.memory_space<vmem>>
    %dma_wait3A_136 = arith.constant 0 : i32
    %dma_wait3A_137 = arith.constant 0 : i32
    %dma_wait3A_138 = tpu.memref_slice %arg14[%dma_wait3A_136, %dma_wait3A_137] : memref<10240x16xf32, #tpu.memory_space<vmem_shared>> -> memref<10240x16xf32, #tpu.memory_space<vmem_shared>>
    tpu.wait_indirect_dma semaphore(%arg19 : memref<!tpu.dma_semaphore, #tpu.memory_space<semaphore_mem>>) src(%arg9 : memref<128x16xf32, #tpu.memory_space<vmem>>) dst(%dma_wait3A_138 : memref<10240x16xf32, #tpu.memory_space<vmem_shared>>)
    %dma_wait3A_139 = arith.constant 77 : i32
    %dma_wait3A_140 = arith.constant 0 : i32
    %dma_wait3A_141 = tpu.memref_slice %arg8[%dma_wait3A_139, %dma_wait3A_140] : memref<80x128xi32, #tpu.memory_space<vmem>> -> memref<1x128xi32, #tpu.memory_space<vmem>>
    %dma_wait3A_142 = tpu.memref_squeeze %dma_wait3A_141 : memref<1x128xi32, #tpu.memory_space<vmem>> -> memref<128xi32, #tpu.memory_space<vmem>>
    %dma_wait3A_143 = arith.constant 0 : i32
    %dma_wait3A_144 = arith.constant 0 : i32
    %dma_wait3A_145 = tpu.memref_slice %arg14[%dma_wait3A_143, %dma_wait3A_144] : memref<10240x16xf32, #tpu.memory_space<vmem_shared>> -> memref<10240x16xf32, #tpu.memory_space<vmem_shared>>
    tpu.wait_indirect_dma semaphore(%arg20 : memref<!tpu.dma_semaphore, #tpu.memory_space<semaphore_mem>>) src(%arg10 : memref<128x16xf32, #tpu.memory_space<vmem>>) dst(%dma_wait3A_145 : memref<10240x16xf32, #tpu.memory_space<vmem_shared>>)
    %dma_wait3A_146 = arith.constant 78 : i32
    %dma_wait3A_147 = arith.constant 0 : i32
    %dma_wait3A_148 = tpu.memref_slice %arg8[%dma_wait3A_146, %dma_wait3A_147] : memref<80x128xi32, #tpu.memory_space<vmem>> -> memref<1x128xi32, #tpu.memory_space<vmem>>
    %dma_wait3A_149 = tpu.memref_squeeze %dma_wait3A_148 : memref<1x128xi32, #tpu.memory_space<vmem>> -> memref<128xi32, #tpu.memory_space<vmem>>
    %dma_wait3A_150 = arith.constant 0 : i32
    %dma_wait3A_151 = arith.constant 0 : i32
    %dma_wait3A_152 = tpu.memref_slice %arg14[%dma_wait3A_150, %dma_wait3A_151] : memref<10240x16xf32, #tpu.memory_space<vmem_shared>> -> memref<10240x16xf32, #tpu.memory_space<vmem_shared>>
    tpu.wait_indirect_dma semaphore(%arg21 : memref<!tpu.dma_semaphore, #tpu.memory_space<semaphore_mem>>) src(%arg11 : memref<128x16xf32, #tpu.memory_space<vmem>>) dst(%dma_wait3A_152 : memref<10240x16xf32, #tpu.memory_space<vmem_shared>>)
    %dma_wait3A_153 = arith.constant 79 : i32
    %dma_wait3A_154 = arith.constant 0 : i32
    %dma_wait3A_155 = tpu.memref_slice %arg8[%dma_wait3A_153, %dma_wait3A_154] : memref<80x128xi32, #tpu.memory_space<vmem>> -> memref<1x128xi32, #tpu.memory_space<vmem>>
    %dma_wait3A_156 = tpu.memref_squeeze %dma_wait3A_155 : memref<1x128xi32, #tpu.memory_space<vmem>> -> memref<128xi32, #tpu.memory_space<vmem>>
    %dma_wait3A_157 = arith.constant 0 : i32
    %dma_wait3A_158 = arith.constant 0 : i32
    %dma_wait3A_159 = tpu.memref_slice %arg14[%dma_wait3A_157, %dma_wait3A_158] : memref<10240x16xf32, #tpu.memory_space<vmem_shared>> -> memref<10240x16xf32, #tpu.memory_space<vmem_shared>>
    tpu.wait_indirect_dma semaphore(%arg22 : memref<!tpu.dma_semaphore, #tpu.memory_space<semaphore_mem>>) src(%arg12 : memref<128x16xf32, #tpu.memory_space<vmem>>) dst(%dma_wait3A_159 : memref<10240x16xf32, #tpu.memory_space<vmem_shared>>)
    %barrier3A_160 = arith.constant 0 : index
    tpu.barrier barrier_id(%barrier3A_160)
    %add3A_161 = arith.constant 0 : i32
    %add3A_162 = arith.addi %mul3A_2, %add3A_161 : i32
    %add3A_163 = arith.constant 0 : i32
    %add3A_164 = arith.addi %mul3A_2, %add3A_163 : i32
    "tpu.region"() ({
      %run_scoped3A = tpu.sem_alloc : memref<!tpu.dma_semaphore, #tpu.memory_space<semaphore_mem>>
      %dma_start3A_181 = arith.constant 0 : i32
      %dma_start3A_182 = tpu.memref_slice %arg6[%arg0, %add3A_164, %dma_start3A_181] : memref<2x10240x128xf32, #tpu.memory_space<hbm>> -> memref<1x128x16xf32, #tpu.memory_space<hbm>>
      %dma_start3A_183 = tpu.memref_squeeze %dma_start3A_182 : memref<1x128x16xf32, #tpu.memory_space<hbm>> -> memref<128x16xf32, #tpu.memory_space<hbm>>
      %dma_start3A_184 = arith.constant 0 : i32
      %dma_start3A_185 = tpu.memref_slice %arg14[%add3A_162, %dma_start3A_184] : memref<10240x16xf32, #tpu.memory_space<vmem_shared>> -> memref<128x16xf32, #tpu.memory_space<vmem_shared>>
      tpu.enqueue_dma source(%dma_start3A_185 : memref<128x16xf32, #tpu.memory_space<vmem_shared>>) target(%dma_start3A_183 : memref<128x16xf32, #tpu.memory_space<hbm>>) target_semaphore(%run_scoped3A : memref<!tpu.dma_semaphore, #tpu.memory_space<semaphore_mem>>)
      %dma_wait3A_186 = arith.constant 0 : i32
      %dma_wait3A_187 = tpu.memref_slice %arg6[%arg0, %add3A_164, %dma_wait3A_186] : memref<2x10240x128xf32, #tpu.memory_space<hbm>> -> memref<1x128x16xf32, #tpu.memory_space<hbm>>
      %dma_wait3A_188 = tpu.memref_squeeze %dma_wait3A_187 : memref<1x128x16xf32, #tpu.memory_space<hbm>> -> memref<128x16xf32, #tpu.memory_space<hbm>>
      %dma_wait3A_189 = arith.constant 0 : i32
      %dma_wait3A_190 = tpu.memref_slice %arg14[%add3A_162, %dma_wait3A_189] : memref<10240x16xf32, #tpu.memory_space<vmem_shared>> -> memref<128x16xf32, #tpu.memory_space<vmem_shared>>
      tpu.wait_dma2 semaphore(%run_scoped3A : memref<!tpu.dma_semaphore, #tpu.memory_space<semaphore_mem>>) src(%dma_wait3A_190 : memref<128x16xf32, #tpu.memory_space<vmem_shared>>) dst(%dma_wait3A_188 : memref<128x16xf32, #tpu.memory_space<hbm>>)
      tpu.yield
    }) : () -> ()
    %add3A_165 = arith.constant 128 : i32
    %add3A_166 = arith.addi %mul3A_2, %add3A_165 : i32
    %add3A_167 = arith.constant 128 : i32
    %add3A_168 = arith.addi %mul3A_2, %add3A_167 : i32
    "tpu.region"() ({
      %run_scoped3A = tpu.sem_alloc : memref<!tpu.dma_semaphore, #tpu.memory_space<semaphore_mem>>
      %dma_start3A_181 = arith.constant 0 : i32
      %dma_start3A_182 = tpu.memref_slice %arg6[%arg0, %add3A_168, %dma_start3A_181] : memref<2x10240x128xf32, #tpu.memory_space<hbm>> -> memref<1x128x16xf32, #tpu.memory_space<hbm>>
      %dma_start3A_183 = tpu.memref_squeeze %dma_start3A_182 : memref<1x128x16xf32, #tpu.memory_space<hbm>> -> memref<128x16xf32, #tpu.memory_space<hbm>>
      %dma_start3A_184 = arith.constant 0 : i32
      %dma_start3A_185 = tpu.memref_slice %arg14[%add3A_166, %dma_start3A_184] : memref<10240x16xf32, #tpu.memory_space<vmem_shared>> -> memref<128x16xf32, #tpu.memory_space<vmem_shared>>
      tpu.enqueue_dma source(%dma_start3A_185 : memref<128x16xf32, #tpu.memory_space<vmem_shared>>) target(%dma_start3A_183 : memref<128x16xf32, #tpu.memory_space<hbm>>) target_semaphore(%run_scoped3A : memref<!tpu.dma_semaphore, #tpu.memory_space<semaphore_mem>>)
      %dma_wait3A_186 = arith.constant 0 : i32
      %dma_wait3A_187 = tpu.memref_slice %arg6[%arg0, %add3A_168, %dma_wait3A_186] : memref<2x10240x128xf32, #tpu.memory_space<hbm>> -> memref<1x128x16xf32, #tpu.memory_space<hbm>>
      %dma_wait3A_188 = tpu.memref_squeeze %dma_wait3A_187 : memref<1x128x16xf32, #tpu.memory_space<hbm>> -> memref<128x16xf32, #tpu.memory_space<hbm>>
      %dma_wait3A_189 = arith.constant 0 : i32
      %dma_wait3A_190 = tpu.memref_slice %arg14[%add3A_166, %dma_wait3A_189] : memref<10240x16xf32, #tpu.memory_space<vmem_shared>> -> memref<128x16xf32, #tpu.memory_space<vmem_shared>>
      tpu.wait_dma2 semaphore(%run_scoped3A : memref<!tpu.dma_semaphore, #tpu.memory_space<semaphore_mem>>) src(%dma_wait3A_190 : memref<128x16xf32, #tpu.memory_space<vmem_shared>>) dst(%dma_wait3A_188 : memref<128x16xf32, #tpu.memory_space<hbm>>)
      tpu.yield
    }) : () -> ()
    %add3A_169 = arith.constant 256 : i32
    %add3A_170 = arith.addi %mul3A_2, %add3A_169 : i32
    %add3A_171 = arith.constant 256 : i32
    %add3A_172 = arith.addi %mul3A_2, %add3A_171 : i32
    "tpu.region"() ({
      %run_scoped3A = tpu.sem_alloc : memref<!tpu.dma_semaphore, #tpu.memory_space<semaphore_mem>>
      %dma_start3A_181 = arith.constant 0 : i32
      %dma_start3A_182 = tpu.memref_slice %arg6[%arg0, %add3A_172, %dma_start3A_181] : memref<2x10240x128xf32, #tpu.memory_space<hbm>> -> memref<1x128x16xf32, #tpu.memory_space<hbm>>
      %dma_start3A_183 = tpu.memref_squeeze %dma_start3A_182 : memref<1x128x16xf32, #tpu.memory_space<hbm>> -> memref<128x16xf32, #tpu.memory_space<hbm>>
      %dma_start3A_184 = arith.constant 0 : i32
      %dma_start3A_185 = tpu.memref_slice %arg14[%add3A_170, %dma_start3A_184] : memref<10240x16xf32, #tpu.memory_space<vmem_shared>> -> memref<128x16xf32, #tpu.memory_space<vmem_shared>>
      tpu.enqueue_dma source(%dma_start3A_185 : memref<128x16xf32, #tpu.memory_space<vmem_shared>>) target(%dma_start3A_183 : memref<128x16xf32, #tpu.memory_space<hbm>>) target_semaphore(%run_scoped3A : memref<!tpu.dma_semaphore, #tpu.memory_space<semaphore_mem>>)
      %dma_wait3A_186 = arith.constant 0 : i32
      %dma_wait3A_187 = tpu.memref_slice %arg6[%arg0, %add3A_172, %dma_wait3A_186] : memref<2x10240x128xf32, #tpu.memory_space<hbm>> -> memref<1x128x16xf32, #tpu.memory_space<hbm>>
      %dma_wait3A_188 = tpu.memref_squeeze %dma_wait3A_187 : memref<1x128x16xf32, #tpu.memory_space<hbm>> -> memref<128x16xf32, #tpu.memory_space<hbm>>
      %dma_wait3A_189 = arith.constant 0 : i32
      %dma_wait3A_190 = tpu.memref_slice %arg14[%add3A_170, %dma_wait3A_189] : memref<10240x16xf32, #tpu.memory_space<vmem_shared>> -> memref<128x16xf32, #tpu.memory_space<vmem_shared>>
      tpu.wait_dma2 semaphore(%run_scoped3A : memref<!tpu.dma_semaphore, #tpu.memory_space<semaphore_mem>>) src(%dma_wait3A_190 : memref<128x16xf32, #tpu.memory_space<vmem_shared>>) dst(%dma_wait3A_188 : memref<128x16xf32, #tpu.memory_space<hbm>>)
      tpu.yield
    }) : () -> ()
    %add3A_173 = arith.constant 384 : i32
    %add3A_174 = arith.addi %mul3A_2, %add3A_173 : i32
    %add3A_175 = arith.constant 384 : i32
    %add3A_176 = arith.addi %mul3A_2, %add3A_175 : i32
    "tpu.region"() ({
      %run_scoped3A = tpu.sem_alloc : memref<!tpu.dma_semaphore, #tpu.memory_space<semaphore_mem>>
      %dma_start3A_181 = arith.constant 0 : i32
      %dma_start3A_182 = tpu.memref_slice %arg6[%arg0, %add3A_176, %dma_start3A_181] : memref<2x10240x128xf32, #tpu.memory_space<hbm>> -> memref<1x128x16xf32, #tpu.memory_space<hbm>>
      %dma_start3A_183 = tpu.memref_squeeze %dma_start3A_182 : memref<1x128x16xf32, #tpu.memory_space<hbm>> -> memref<128x16xf32, #tpu.memory_space<hbm>>
      %dma_start3A_184 = arith.constant 0 : i32
      %dma_start3A_185 = tpu.memref_slice %arg14[%add3A_174, %dma_start3A_184] : memref<10240x16xf32, #tpu.memory_space<vmem_shared>> -> memref<128x16xf32, #tpu.memory_space<vmem_shared>>
      tpu.enqueue_dma source(%dma_start3A_185 : memref<128x16xf32, #tpu.memory_space<vmem_shared>>) target(%dma_start3A_183 : memref<128x16xf32, #tpu.memory_space<hbm>>) target_semaphore(%run_scoped3A : memref<!tpu.dma_semaphore, #tpu.memory_space<semaphore_mem>>)
      %dma_wait3A_186 = arith.constant 0 : i32
      %dma_wait3A_187 = tpu.memref_slice %arg6[%arg0, %add3A_176, %dma_wait3A_186] : memref<2x10240x128xf32, #tpu.memory_space<hbm>> -> memref<1x128x16xf32, #tpu.memory_space<hbm>>
      %dma_wait3A_188 = tpu.memref_squeeze %dma_wait3A_187 : memref<1x128x16xf32, #tpu.memory_space<hbm>> -> memref<128x16xf32, #tpu.memory_space<hbm>>
      %dma_wait3A_189 = arith.constant 0 : i32
      %dma_wait3A_190 = tpu.memref_slice %arg14[%add3A_174, %dma_wait3A_189] : memref<10240x16xf32, #tpu.memory_space<vmem_shared>> -> memref<128x16xf32, #tpu.memory_space<vmem_shared>>
      tpu.wait_dma2 semaphore(%run_scoped3A : memref<!tpu.dma_semaphore, #tpu.memory_space<semaphore_mem>>) src(%dma_wait3A_190 : memref<128x16xf32, #tpu.memory_space<vmem_shared>>) dst(%dma_wait3A_188 : memref<128x16xf32, #tpu.memory_space<hbm>>)
      tpu.yield
    }) : () -> ()
    %add3A_177 = arith.constant 512 : i32
    %add3A_178 = arith.addi %mul3A_2, %add3A_177 : i32
    %add3A_179 = arith.constant 512 : i32
    %add3A_180 = arith.addi %mul3A_2, %add3A_179 : i32
    "tpu.region"() ({
      %run_scoped3A = tpu.sem_alloc : memref<!tpu.dma_semaphore, #tpu.memory_space<semaphore_mem>>
      %dma_start3A_181 = arith.constant 0 : i32
      %dma_start3A_182 = tpu.memref_slice %arg6[%arg0, %add3A_180, %dma_start3A_181] : memref<2x10240x128xf32, #tpu.memory_space<hbm>> -> memref<1x128x16xf32, #tpu.memory_space<hbm>>
      %dma_start3A_183 = tpu.memref_squeeze %dma_start3A_182 : memref<1x128x16xf32, #tpu.memory_space<hbm>> -> memref<128x16xf32, #tpu.memory_space<hbm>>
      %dma_start3A_184 = arith.constant 0 : i32
      %dma_start3A_185 = tpu.memref_slice %arg14[%add3A_178, %dma_start3A_184] : memref<10240x16xf32, #tpu.memory_space<vmem_shared>> -> memref<128x16xf32, #tpu.memory_space<vmem_shared>>
      tpu.enqueue_dma source(%dma_start3A_185 : memref<128x16xf32, #tpu.memory_space<vmem_shared>>) target(%dma_start3A_183 : memref<128x16xf32, #tpu.memory_space<hbm>>) target_semaphore(%run_scoped3A : memref<!tpu.dma_semaphore, #tpu.memory_space<semaphore_mem>>)
      %dma_wait3A_186 = arith.constant 0 : i32
      %dma_wait3A_187 = tpu.memref_slice %arg6[%arg0, %add3A_180, %dma_wait3A_186] : memref<2x10240x128xf32, #tpu.memory_space<hbm>> -> memref<1x128x16xf32, #tpu.memory_space<hbm>>
      %dma_wait3A_188 = tpu.memref_squeeze %dma_wait3A_187 : memref<1x128x16xf32, #tpu.memory_space<hbm>> -> memref<128x16xf32, #tpu.memory_space<hbm>>
      %dma_wait3A_189 = arith.constant 0 : i32
      %dma_wait3A_190 = tpu.memref_slice %arg14[%add3A_178, %dma_wait3A_189] : memref<10240x16xf32, #tpu.memory_space<vmem_shared>> -> memref<128x16xf32, #tpu.memory_space<vmem_shared>>
      tpu.wait_dma2 semaphore(%run_scoped3A : memref<!tpu.dma_semaphore, #tpu.memory_space<semaphore_mem>>) src(%dma_wait3A_190 : memref<128x16xf32, #tpu.memory_space<vmem_shared>>) dst(%dma_wait3A_188 : memref<128x16xf32, #tpu.memory_space<hbm>>)
      tpu.yield
    }) : () -> ()
    return
  }
}

#map = affine_map<(d0, d1) -> (0, 0, 0)>
#map1 = affine_map<(d0, d1) -> (0)>
#map2 = affine_map<(d0, d1) -> (0, 0)>
module attributes {stable_mosaic.version = 14 : i64} {
  func.func @deg_kernel(%arg0: i32, %arg1: i32, %arg2: memref<32x80x128xi32, #tpu.memory_space<hbm>>, %arg3: memref<128xf32, #tpu.memory_space<hbm>>, %arg4: memref<128xf32, #tpu.memory_space<hbm>>, %arg5: memref<2x10240xf32, #tpu.memory_space<hbm>>, %arg6: memref<80x128xi32, #tpu.memory_space<vmem>>, %arg7: memref<128xf32, #tpu.memory_space<vmem>>, %arg8: memref<128xf32, #tpu.memory_space<vmem>>, %arg9: memref<10240xf32, #tpu.memory_space<vmem_shared>>) attributes {dimension_semantics = [#tpu.dimension_semantics<core_parallel>, #tpu.dimension_semantics<subcore_parallel>], iteration_bounds = array<i64: 2, 16>, scalar_prefetch = 0 : i64, scratch_operands = 4 : i64, tpu.core_type = #tpu.core_type<sc_vector_subcore>, window_params = [{transform_indices = #map}, {transform_indices = #map1}, {transform_indices = #map1}, {transform_indices = #map2}]} {
    %mul3A = arith.constant 16 : i32
    %mul3A_0 = arith.muli %arg0, %mul3A : i32
    %add3A = arith.addi %mul3A_0, %arg1 : i32
    %mul3A_1 = arith.constant 640 : i32
    %mul3A_2 = arith.muli %arg1, %mul3A_1 : i32
    "tpu.region"() ({
      %run_scoped3A = tpu.sem_alloc : memref<!tpu.dma_semaphore, #tpu.memory_space<semaphore_mem>>
      tpu.enqueue_dma source(%arg3 : memref<128xf32, #tpu.memory_space<hbm>>) target(%arg7 : memref<128xf32, #tpu.memory_space<vmem>>) target_semaphore(%run_scoped3A : memref<!tpu.dma_semaphore, #tpu.memory_space<semaphore_mem>>)
      tpu.wait_dma2 semaphore(%run_scoped3A : memref<!tpu.dma_semaphore, #tpu.memory_space<semaphore_mem>>) src(%arg3 : memref<128xf32, #tpu.memory_space<hbm>>) dst(%arg7 : memref<128xf32, #tpu.memory_space<vmem>>)
      tpu.yield
    }) : () -> ()
    "tpu.region"() ({
      %run_scoped3A = tpu.sem_alloc : memref<!tpu.dma_semaphore, #tpu.memory_space<semaphore_mem>>
      tpu.enqueue_dma source(%arg4 : memref<128xf32, #tpu.memory_space<hbm>>) target(%arg8 : memref<128xf32, #tpu.memory_space<vmem>>) target_semaphore(%run_scoped3A : memref<!tpu.dma_semaphore, #tpu.memory_space<semaphore_mem>>)
      tpu.wait_dma2 semaphore(%run_scoped3A : memref<!tpu.dma_semaphore, #tpu.memory_space<semaphore_mem>>) src(%arg4 : memref<128xf32, #tpu.memory_space<hbm>>) dst(%arg8 : memref<128xf32, #tpu.memory_space<vmem>>)
      tpu.yield
    }) : () -> ()
    %add3A_3 = arith.constant 0 : i32
    %add3A_4 = arith.addi %mul3A_2, %add3A_3 : i32
    "tpu.region"() ({
      %run_scoped3A = tpu.sem_alloc : memref<!tpu.dma_semaphore, #tpu.memory_space<semaphore_mem>>
      %dma_start3A = arith.constant 0 : i32
      %dma_start3A_39 = tpu.memref_slice %arg8[%dma_start3A] : memref<128xf32, #tpu.memory_space<vmem>> -> memref<128xf32, #tpu.memory_space<vmem>>
      %dma_start3A_40 = tpu.memref_slice %arg9[%add3A_4] : memref<10240xf32, #tpu.memory_space<vmem_shared>> -> memref<128xf32, #tpu.memory_space<vmem_shared>>
      %dma_start3A_41 = tpu.memref_slice %arg9[%add3A_4] : memref<10240xf32, #tpu.memory_space<vmem_shared>> -> memref<128xf32, #tpu.memory_space<vmem_shared>>
      %dma_start3A_42 = arith.constant 0 : i32
      %dma_start3A_43 = tpu.memref_slice %arg8[%dma_start3A_42] : memref<128xf32, #tpu.memory_space<vmem>> -> memref<128xf32, #tpu.memory_space<vmem>>
      tpu.enqueue_dma source(%dma_start3A_43 : memref<128xf32, #tpu.memory_space<vmem>>) target(%dma_start3A_41 : memref<128xf32, #tpu.memory_space<vmem_shared>>) target_semaphore(%run_scoped3A : memref<!tpu.dma_semaphore, #tpu.memory_space<semaphore_mem>>)
      %dma_wait3A = arith.constant 0 : i32
      %dma_wait3A_44 = tpu.memref_slice %arg8[%dma_wait3A] : memref<128xf32, #tpu.memory_space<vmem>> -> memref<128xf32, #tpu.memory_space<vmem>>
      %dma_wait3A_45 = tpu.memref_slice %arg9[%add3A_4] : memref<10240xf32, #tpu.memory_space<vmem_shared>> -> memref<128xf32, #tpu.memory_space<vmem_shared>>
      %dma_wait3A_46 = tpu.memref_slice %arg9[%add3A_4] : memref<10240xf32, #tpu.memory_space<vmem_shared>> -> memref<128xf32, #tpu.memory_space<vmem_shared>>
      %dma_wait3A_47 = arith.constant 0 : i32
      %dma_wait3A_48 = tpu.memref_slice %arg8[%dma_wait3A_47] : memref<128xf32, #tpu.memory_space<vmem>> -> memref<128xf32, #tpu.memory_space<vmem>>
      tpu.wait_dma2 semaphore(%run_scoped3A : memref<!tpu.dma_semaphore, #tpu.memory_space<semaphore_mem>>) src(%dma_wait3A_48 : memref<128xf32, #tpu.memory_space<vmem>>) dst(%dma_wait3A_46 : memref<128xf32, #tpu.memory_space<vmem_shared>>)
      tpu.yield
    }) : () -> ()
    %add3A_5 = arith.constant 128 : i32
    %add3A_6 = arith.addi %mul3A_2, %add3A_5 : i32
    "tpu.region"() ({
      %run_scoped3A = tpu.sem_alloc : memref<!tpu.dma_semaphore, #tpu.memory_space<semaphore_mem>>
      %dma_start3A = arith.constant 0 : i32
      %dma_start3A_39 = tpu.memref_slice %arg8[%dma_start3A] : memref<128xf32, #tpu.memory_space<vmem>> -> memref<128xf32, #tpu.memory_space<vmem>>
      %dma_start3A_40 = tpu.memref_slice %arg9[%add3A_6] : memref<10240xf32, #tpu.memory_space<vmem_shared>> -> memref<128xf32, #tpu.memory_space<vmem_shared>>
      %dma_start3A_41 = tpu.memref_slice %arg9[%add3A_6] : memref<10240xf32, #tpu.memory_space<vmem_shared>> -> memref<128xf32, #tpu.memory_space<vmem_shared>>
      %dma_start3A_42 = arith.constant 0 : i32
      %dma_start3A_43 = tpu.memref_slice %arg8[%dma_start3A_42] : memref<128xf32, #tpu.memory_space<vmem>> -> memref<128xf32, #tpu.memory_space<vmem>>
      tpu.enqueue_dma source(%dma_start3A_43 : memref<128xf32, #tpu.memory_space<vmem>>) target(%dma_start3A_41 : memref<128xf32, #tpu.memory_space<vmem_shared>>) target_semaphore(%run_scoped3A : memref<!tpu.dma_semaphore, #tpu.memory_space<semaphore_mem>>)
      %dma_wait3A = arith.constant 0 : i32
      %dma_wait3A_44 = tpu.memref_slice %arg8[%dma_wait3A] : memref<128xf32, #tpu.memory_space<vmem>> -> memref<128xf32, #tpu.memory_space<vmem>>
      %dma_wait3A_45 = tpu.memref_slice %arg9[%add3A_6] : memref<10240xf32, #tpu.memory_space<vmem_shared>> -> memref<128xf32, #tpu.memory_space<vmem_shared>>
      %dma_wait3A_46 = tpu.memref_slice %arg9[%add3A_6] : memref<10240xf32, #tpu.memory_space<vmem_shared>> -> memref<128xf32, #tpu.memory_space<vmem_shared>>
      %dma_wait3A_47 = arith.constant 0 : i32
      %dma_wait3A_48 = tpu.memref_slice %arg8[%dma_wait3A_47] : memref<128xf32, #tpu.memory_space<vmem>> -> memref<128xf32, #tpu.memory_space<vmem>>
      tpu.wait_dma2 semaphore(%run_scoped3A : memref<!tpu.dma_semaphore, #tpu.memory_space<semaphore_mem>>) src(%dma_wait3A_48 : memref<128xf32, #tpu.memory_space<vmem>>) dst(%dma_wait3A_46 : memref<128xf32, #tpu.memory_space<vmem_shared>>)
      tpu.yield
    }) : () -> ()
    %add3A_7 = arith.constant 256 : i32
    %add3A_8 = arith.addi %mul3A_2, %add3A_7 : i32
    "tpu.region"() ({
      %run_scoped3A = tpu.sem_alloc : memref<!tpu.dma_semaphore, #tpu.memory_space<semaphore_mem>>
      %dma_start3A = arith.constant 0 : i32
      %dma_start3A_39 = tpu.memref_slice %arg8[%dma_start3A] : memref<128xf32, #tpu.memory_space<vmem>> -> memref<128xf32, #tpu.memory_space<vmem>>
      %dma_start3A_40 = tpu.memref_slice %arg9[%add3A_8] : memref<10240xf32, #tpu.memory_space<vmem_shared>> -> memref<128xf32, #tpu.memory_space<vmem_shared>>
      %dma_start3A_41 = tpu.memref_slice %arg9[%add3A_8] : memref<10240xf32, #tpu.memory_space<vmem_shared>> -> memref<128xf32, #tpu.memory_space<vmem_shared>>
      %dma_start3A_42 = arith.constant 0 : i32
      %dma_start3A_43 = tpu.memref_slice %arg8[%dma_start3A_42] : memref<128xf32, #tpu.memory_space<vmem>> -> memref<128xf32, #tpu.memory_space<vmem>>
      tpu.enqueue_dma source(%dma_start3A_43 : memref<128xf32, #tpu.memory_space<vmem>>) target(%dma_start3A_41 : memref<128xf32, #tpu.memory_space<vmem_shared>>) target_semaphore(%run_scoped3A : memref<!tpu.dma_semaphore, #tpu.memory_space<semaphore_mem>>)
      %dma_wait3A = arith.constant 0 : i32
      %dma_wait3A_44 = tpu.memref_slice %arg8[%dma_wait3A] : memref<128xf32, #tpu.memory_space<vmem>> -> memref<128xf32, #tpu.memory_space<vmem>>
      %dma_wait3A_45 = tpu.memref_slice %arg9[%add3A_8] : memref<10240xf32, #tpu.memory_space<vmem_shared>> -> memref<128xf32, #tpu.memory_space<vmem_shared>>
      %dma_wait3A_46 = tpu.memref_slice %arg9[%add3A_8] : memref<10240xf32, #tpu.memory_space<vmem_shared>> -> memref<128xf32, #tpu.memory_space<vmem_shared>>
      %dma_wait3A_47 = arith.constant 0 : i32
      %dma_wait3A_48 = tpu.memref_slice %arg8[%dma_wait3A_47] : memref<128xf32, #tpu.memory_space<vmem>> -> memref<128xf32, #tpu.memory_space<vmem>>
      tpu.wait_dma2 semaphore(%run_scoped3A : memref<!tpu.dma_semaphore, #tpu.memory_space<semaphore_mem>>) src(%dma_wait3A_48 : memref<128xf32, #tpu.memory_space<vmem>>) dst(%dma_wait3A_46 : memref<128xf32, #tpu.memory_space<vmem_shared>>)
      tpu.yield
    }) : () -> ()
    %add3A_9 = arith.constant 384 : i32
    %add3A_10 = arith.addi %mul3A_2, %add3A_9 : i32
    "tpu.region"() ({
      %run_scoped3A = tpu.sem_alloc : memref<!tpu.dma_semaphore, #tpu.memory_space<semaphore_mem>>
      %dma_start3A = arith.constant 0 : i32
      %dma_start3A_39 = tpu.memref_slice %arg8[%dma_start3A] : memref<128xf32, #tpu.memory_space<vmem>> -> memref<128xf32, #tpu.memory_space<vmem>>
      %dma_start3A_40 = tpu.memref_slice %arg9[%add3A_10] : memref<10240xf32, #tpu.memory_space<vmem_shared>> -> memref<128xf32, #tpu.memory_space<vmem_shared>>
      %dma_start3A_41 = tpu.memref_slice %arg9[%add3A_10] : memref<10240xf32, #tpu.memory_space<vmem_shared>> -> memref<128xf32, #tpu.memory_space<vmem_shared>>
      %dma_start3A_42 = arith.constant 0 : i32
      %dma_start3A_43 = tpu.memref_slice %arg8[%dma_start3A_42] : memref<128xf32, #tpu.memory_space<vmem>> -> memref<128xf32, #tpu.memory_space<vmem>>
      tpu.enqueue_dma source(%dma_start3A_43 : memref<128xf32, #tpu.memory_space<vmem>>) target(%dma_start3A_41 : memref<128xf32, #tpu.memory_space<vmem_shared>>) target_semaphore(%run_scoped3A : memref<!tpu.dma_semaphore, #tpu.memory_space<semaphore_mem>>)
      %dma_wait3A = arith.constant 0 : i32
      %dma_wait3A_44 = tpu.memref_slice %arg8[%dma_wait3A] : memref<128xf32, #tpu.memory_space<vmem>> -> memref<128xf32, #tpu.memory_space<vmem>>
      %dma_wait3A_45 = tpu.memref_slice %arg9[%add3A_10] : memref<10240xf32, #tpu.memory_space<vmem_shared>> -> memref<128xf32, #tpu.memory_space<vmem_shared>>
      %dma_wait3A_46 = tpu.memref_slice %arg9[%add3A_10] : memref<10240xf32, #tpu.memory_space<vmem_shared>> -> memref<128xf32, #tpu.memory_space<vmem_shared>>
      %dma_wait3A_47 = arith.constant 0 : i32
      %dma_wait3A_48 = tpu.memref_slice %arg8[%dma_wait3A_47] : memref<128xf32, #tpu.memory_space<vmem>> -> memref<128xf32, #tpu.memory_space<vmem>>
      tpu.wait_dma2 semaphore(%run_scoped3A : memref<!tpu.dma_semaphore, #tpu.memory_space<semaphore_mem>>) src(%dma_wait3A_48 : memref<128xf32, #tpu.memory_space<vmem>>) dst(%dma_wait3A_46 : memref<128xf32, #tpu.memory_space<vmem_shared>>)
      tpu.yield
    }) : () -> ()
    %add3A_11 = arith.constant 512 : i32
    %add3A_12 = arith.addi %mul3A_2, %add3A_11 : i32
    "tpu.region"() ({
      %run_scoped3A = tpu.sem_alloc : memref<!tpu.dma_semaphore, #tpu.memory_space<semaphore_mem>>
      %dma_start3A = arith.constant 0 : i32
      %dma_start3A_39 = tpu.memref_slice %arg8[%dma_start3A] : memref<128xf32, #tpu.memory_space<vmem>> -> memref<128xf32, #tpu.memory_space<vmem>>
      %dma_start3A_40 = tpu.memref_slice %arg9[%add3A_12] : memref<10240xf32, #tpu.memory_space<vmem_shared>> -> memref<128xf32, #tpu.memory_space<vmem_shared>>
      %dma_start3A_41 = tpu.memref_slice %arg9[%add3A_12] : memref<10240xf32, #tpu.memory_space<vmem_shared>> -> memref<128xf32, #tpu.memory_space<vmem_shared>>
      %dma_start3A_42 = arith.constant 0 : i32
      %dma_start3A_43 = tpu.memref_slice %arg8[%dma_start3A_42] : memref<128xf32, #tpu.memory_space<vmem>> -> memref<128xf32, #tpu.memory_space<vmem>>
      tpu.enqueue_dma source(%dma_start3A_43 : memref<128xf32, #tpu.memory_space<vmem>>) target(%dma_start3A_41 : memref<128xf32, #tpu.memory_space<vmem_shared>>) target_semaphore(%run_scoped3A : memref<!tpu.dma_semaphore, #tpu.memory_space<semaphore_mem>>)
      %dma_wait3A = arith.constant 0 : i32
      %dma_wait3A_44 = tpu.memref_slice %arg8[%dma_wait3A] : memref<128xf32, #tpu.memory_space<vmem>> -> memref<128xf32, #tpu.memory_space<vmem>>
      %dma_wait3A_45 = tpu.memref_slice %arg9[%add3A_12] : memref<10240xf32, #tpu.memory_space<vmem_shared>> -> memref<128xf32, #tpu.memory_space<vmem_shared>>
      %dma_wait3A_46 = tpu.memref_slice %arg9[%add3A_12] : memref<10240xf32, #tpu.memory_space<vmem_shared>> -> memref<128xf32, #tpu.memory_space<vmem_shared>>
      %dma_wait3A_47 = arith.constant 0 : i32
      %dma_wait3A_48 = tpu.memref_slice %arg8[%dma_wait3A_47] : memref<128xf32, #tpu.memory_space<vmem>> -> memref<128xf32, #tpu.memory_space<vmem>>
      tpu.wait_dma2 semaphore(%run_scoped3A : memref<!tpu.dma_semaphore, #tpu.memory_space<semaphore_mem>>) src(%dma_wait3A_48 : memref<128xf32, #tpu.memory_space<vmem>>) dst(%dma_wait3A_46 : memref<128xf32, #tpu.memory_space<vmem_shared>>)
      tpu.yield
    }) : () -> ()
    %barrier3A = arith.constant 0 : index
    tpu.barrier barrier_id(%barrier3A)
    "tpu.region"() ({
      %run_scoped3A = tpu.sem_alloc : memref<!tpu.dma_semaphore, #tpu.memory_space<semaphore_mem>>
      %dma_start3A = arith.constant 0 : i32
      %dma_start3A_39 = arith.constant 0 : i32
      %dma_start3A_40 = tpu.memref_slice %arg2[%add3A, %dma_start3A, %dma_start3A_39] : memref<32x80x128xi32, #tpu.memory_space<hbm>> -> memref<1x80x128xi32, #tpu.memory_space<hbm>>
      %dma_start3A_41 = tpu.memref_squeeze %dma_start3A_40 : memref<1x80x128xi32, #tpu.memory_space<hbm>> -> memref<80x128xi32, #tpu.memory_space<hbm>>
      %dma_start3A_42 = arith.constant 0 : i32
      %dma_start3A_43 = arith.constant 0 : i32
      %dma_start3A_44 = tpu.memref_slice %arg2[%add3A, %dma_start3A_42, %dma_start3A_43] : memref<32x80x128xi32, #tpu.memory_space<hbm>> -> memref<1x80x128xi32, #tpu.memory_space<hbm>>
      %dma_start3A_45 = tpu.memref_squeeze %dma_start3A_44 : memref<1x80x128xi32, #tpu.memory_space<hbm>> -> memref<80x128xi32, #tpu.memory_space<hbm>>
      tpu.enqueue_dma source(%dma_start3A_45 : memref<80x128xi32, #tpu.memory_space<hbm>>) target(%arg6 : memref<80x128xi32, #tpu.memory_space<vmem>>) target_semaphore(%run_scoped3A : memref<!tpu.dma_semaphore, #tpu.memory_space<semaphore_mem>>)
      %dma_wait3A = arith.constant 0 : i32
      %dma_wait3A_46 = arith.constant 0 : i32
      %dma_wait3A_47 = tpu.memref_slice %arg2[%add3A, %dma_wait3A, %dma_wait3A_46] : memref<32x80x128xi32, #tpu.memory_space<hbm>> -> memref<1x80x128xi32, #tpu.memory_space<hbm>>
      %dma_wait3A_48 = tpu.memref_squeeze %dma_wait3A_47 : memref<1x80x128xi32, #tpu.memory_space<hbm>> -> memref<80x128xi32, #tpu.memory_space<hbm>>
      %dma_wait3A_49 = arith.constant 0 : i32
      %dma_wait3A_50 = arith.constant 0 : i32
      %dma_wait3A_51 = tpu.memref_slice %arg2[%add3A, %dma_wait3A_49, %dma_wait3A_50] : memref<32x80x128xi32, #tpu.memory_space<hbm>> -> memref<1x80x128xi32, #tpu.memory_space<hbm>>
      %dma_wait3A_52 = tpu.memref_squeeze %dma_wait3A_51 : memref<1x80x128xi32, #tpu.memory_space<hbm>> -> memref<80x128xi32, #tpu.memory_space<hbm>>
      tpu.wait_dma2 semaphore(%run_scoped3A : memref<!tpu.dma_semaphore, #tpu.memory_space<semaphore_mem>>) src(%dma_wait3A_52 : memref<80x128xi32, #tpu.memory_space<hbm>>) dst(%arg6 : memref<80x128xi32, #tpu.memory_space<vmem>>)
      tpu.yield
    }) : () -> ()
    %scan3A = arith.constant 0 : i32
    %scan3A_13 = arith.constant 0 : i32
    %scan3A_14 = arith.constant 80 : i32
    %scan3A_15 = arith.addi %scan3A_13, %scan3A_14 : i32
    %scan3A_16 = arith.constant 1 : i32
    scf.for %scan3A_39 = %scan3A_13 to %scan3A_15 step %scan3A_16  : i32 {
      "tpu.region"() ({
        %run_scoped3A = tpu.sem_alloc : memref<!tpu.dma_semaphore, #tpu.memory_space<semaphore_mem>>
        %dma_start3A = arith.constant 0 : i32
        %dma_start3A_40 = tpu.memref_slice %arg6[%scan3A_39, %dma_start3A] : memref<80x128xi32, #tpu.memory_space<vmem>> -> memref<1x128xi32, #tpu.memory_space<vmem>>
        %dma_start3A_41 = tpu.memref_squeeze %dma_start3A_40 : memref<1x128xi32, #tpu.memory_space<vmem>> -> memref<128xi32, #tpu.memory_space<vmem>>
        %dma_start3A_42 = arith.constant 0 : i32
        %dma_start3A_43 = tpu.memref_slice %arg9[%dma_start3A_42] : memref<10240xf32, #tpu.memory_space<vmem_shared>> -> memref<10240xf32, #tpu.memory_space<vmem_shared>>
        tpu.enqueue_indirect_dma source(%arg7 : memref<128xf32, #tpu.memory_space<vmem>>) target(%dma_start3A_43 : memref<10240xf32, #tpu.memory_space<vmem_shared>>) offsets(%dma_start3A_41 : memref<128xi32, #tpu.memory_space<vmem>>) semaphore(%run_scoped3A : memref<!tpu.dma_semaphore, #tpu.memory_space<semaphore_mem>>) {add = true}
        %dma_wait3A = arith.constant 0 : i32
        %dma_wait3A_44 = tpu.memref_slice %arg6[%scan3A_39, %dma_wait3A] : memref<80x128xi32, #tpu.memory_space<vmem>> -> memref<1x128xi32, #tpu.memory_space<vmem>>
        %dma_wait3A_45 = tpu.memref_squeeze %dma_wait3A_44 : memref<1x128xi32, #tpu.memory_space<vmem>> -> memref<128xi32, #tpu.memory_space<vmem>>
        %dma_wait3A_46 = arith.constant 0 : i32
        %dma_wait3A_47 = tpu.memref_slice %arg9[%dma_wait3A_46] : memref<10240xf32, #tpu.memory_space<vmem_shared>> -> memref<10240xf32, #tpu.memory_space<vmem_shared>>
        tpu.wait_indirect_dma semaphore(%run_scoped3A : memref<!tpu.dma_semaphore, #tpu.memory_space<semaphore_mem>>) src(%arg7 : memref<128xf32, #tpu.memory_space<vmem>>) dst(%dma_wait3A_47 : memref<10240xf32, #tpu.memory_space<vmem_shared>>)
        tpu.yield
      }) : () -> ()
    }
    %scan3A_17 = arith.constant 80 : i32
    %barrier3A_18 = arith.constant 0 : index
    tpu.barrier barrier_id(%barrier3A_18)
    %add3A_19 = arith.constant 0 : i32
    %add3A_20 = arith.addi %mul3A_2, %add3A_19 : i32
    %add3A_21 = arith.constant 0 : i32
    %add3A_22 = arith.addi %mul3A_2, %add3A_21 : i32
    "tpu.region"() ({
      %run_scoped3A = tpu.sem_alloc : memref<!tpu.dma_semaphore, #tpu.memory_space<semaphore_mem>>
      %dma_start3A = tpu.memref_slice %arg5[%arg0, %add3A_22] : memref<2x10240xf32, #tpu.memory_space<hbm>> -> memref<1x128xf32, #tpu.memory_space<hbm>>
      %dma_start3A_39 = tpu.memref_squeeze %dma_start3A : memref<1x128xf32, #tpu.memory_space<hbm>> -> memref<128xf32, #tpu.memory_space<hbm>>
      %dma_start3A_40 = tpu.memref_slice %arg9[%add3A_20] : memref<10240xf32, #tpu.memory_space<vmem_shared>> -> memref<128xf32, #tpu.memory_space<vmem_shared>>
      tpu.enqueue_dma source(%dma_start3A_40 : memref<128xf32, #tpu.memory_space<vmem_shared>>) target(%dma_start3A_39 : memref<128xf32, #tpu.memory_space<hbm>>) target_semaphore(%run_scoped3A : memref<!tpu.dma_semaphore, #tpu.memory_space<semaphore_mem>>)
      %dma_wait3A = tpu.memref_slice %arg5[%arg0, %add3A_22] : memref<2x10240xf32, #tpu.memory_space<hbm>> -> memref<1x128xf32, #tpu.memory_space<hbm>>
      %dma_wait3A_41 = tpu.memref_squeeze %dma_wait3A : memref<1x128xf32, #tpu.memory_space<hbm>> -> memref<128xf32, #tpu.memory_space<hbm>>
      %dma_wait3A_42 = tpu.memref_slice %arg9[%add3A_20] : memref<10240xf32, #tpu.memory_space<vmem_shared>> -> memref<128xf32, #tpu.memory_space<vmem_shared>>
      tpu.wait_dma2 semaphore(%run_scoped3A : memref<!tpu.dma_semaphore, #tpu.memory_space<semaphore_mem>>) src(%dma_wait3A_42 : memref<128xf32, #tpu.memory_space<vmem_shared>>) dst(%dma_wait3A_41 : memref<128xf32, #tpu.memory_space<hbm>>)
      tpu.yield
    }) : () -> ()
    %add3A_23 = arith.constant 128 : i32
    %add3A_24 = arith.addi %mul3A_2, %add3A_23 : i32
    %add3A_25 = arith.constant 128 : i32
    %add3A_26 = arith.addi %mul3A_2, %add3A_25 : i32
    "tpu.region"() ({
      %run_scoped3A = tpu.sem_alloc : memref<!tpu.dma_semaphore, #tpu.memory_space<semaphore_mem>>
      %dma_start3A = tpu.memref_slice %arg5[%arg0, %add3A_26] : memref<2x10240xf32, #tpu.memory_space<hbm>> -> memref<1x128xf32, #tpu.memory_space<hbm>>
      %dma_start3A_39 = tpu.memref_squeeze %dma_start3A : memref<1x128xf32, #tpu.memory_space<hbm>> -> memref<128xf32, #tpu.memory_space<hbm>>
      %dma_start3A_40 = tpu.memref_slice %arg9[%add3A_24] : memref<10240xf32, #tpu.memory_space<vmem_shared>> -> memref<128xf32, #tpu.memory_space<vmem_shared>>
      tpu.enqueue_dma source(%dma_start3A_40 : memref<128xf32, #tpu.memory_space<vmem_shared>>) target(%dma_start3A_39 : memref<128xf32, #tpu.memory_space<hbm>>) target_semaphore(%run_scoped3A : memref<!tpu.dma_semaphore, #tpu.memory_space<semaphore_mem>>)
      %dma_wait3A = tpu.memref_slice %arg5[%arg0, %add3A_26] : memref<2x10240xf32, #tpu.memory_space<hbm>> -> memref<1x128xf32, #tpu.memory_space<hbm>>
      %dma_wait3A_41 = tpu.memref_squeeze %dma_wait3A : memref<1x128xf32, #tpu.memory_space<hbm>> -> memref<128xf32, #tpu.memory_space<hbm>>
      %dma_wait3A_42 = tpu.memref_slice %arg9[%add3A_24] : memref<10240xf32, #tpu.memory_space<vmem_shared>> -> memref<128xf32, #tpu.memory_space<vmem_shared>>
      tpu.wait_dma2 semaphore(%run_scoped3A : memref<!tpu.dma_semaphore, #tpu.memory_space<semaphore_mem>>) src(%dma_wait3A_42 : memref<128xf32, #tpu.memory_space<vmem_shared>>) dst(%dma_wait3A_41 : memref<128xf32, #tpu.memory_space<hbm>>)
      tpu.yield
    }) : () -> ()
    %add3A_27 = arith.constant 256 : i32
    %add3A_28 = arith.addi %mul3A_2, %add3A_27 : i32
    %add3A_29 = arith.constant 256 : i32
    %add3A_30 = arith.addi %mul3A_2, %add3A_29 : i32
    "tpu.region"() ({
      %run_scoped3A = tpu.sem_alloc : memref<!tpu.dma_semaphore, #tpu.memory_space<semaphore_mem>>
      %dma_start3A = tpu.memref_slice %arg5[%arg0, %add3A_30] : memref<2x10240xf32, #tpu.memory_space<hbm>> -> memref<1x128xf32, #tpu.memory_space<hbm>>
      %dma_start3A_39 = tpu.memref_squeeze %dma_start3A : memref<1x128xf32, #tpu.memory_space<hbm>> -> memref<128xf32, #tpu.memory_space<hbm>>
      %dma_start3A_40 = tpu.memref_slice %arg9[%add3A_28] : memref<10240xf32, #tpu.memory_space<vmem_shared>> -> memref<128xf32, #tpu.memory_space<vmem_shared>>
      tpu.enqueue_dma source(%dma_start3A_40 : memref<128xf32, #tpu.memory_space<vmem_shared>>) target(%dma_start3A_39 : memref<128xf32, #tpu.memory_space<hbm>>) target_semaphore(%run_scoped3A : memref<!tpu.dma_semaphore, #tpu.memory_space<semaphore_mem>>)
      %dma_wait3A = tpu.memref_slice %arg5[%arg0, %add3A_30] : memref<2x10240xf32, #tpu.memory_space<hbm>> -> memref<1x128xf32, #tpu.memory_space<hbm>>
      %dma_wait3A_41 = tpu.memref_squeeze %dma_wait3A : memref<1x128xf32, #tpu.memory_space<hbm>> -> memref<128xf32, #tpu.memory_space<hbm>>
      %dma_wait3A_42 = tpu.memref_slice %arg9[%add3A_28] : memref<10240xf32, #tpu.memory_space<vmem_shared>> -> memref<128xf32, #tpu.memory_space<vmem_shared>>
      tpu.wait_dma2 semaphore(%run_scoped3A : memref<!tpu.dma_semaphore, #tpu.memory_space<semaphore_mem>>) src(%dma_wait3A_42 : memref<128xf32, #tpu.memory_space<vmem_shared>>) dst(%dma_wait3A_41 : memref<128xf32, #tpu.memory_space<hbm>>)
      tpu.yield
    }) : () -> ()
    %add3A_31 = arith.constant 384 : i32
    %add3A_32 = arith.addi %mul3A_2, %add3A_31 : i32
    %add3A_33 = arith.constant 384 : i32
    %add3A_34 = arith.addi %mul3A_2, %add3A_33 : i32
    "tpu.region"() ({
      %run_scoped3A = tpu.sem_alloc : memref<!tpu.dma_semaphore, #tpu.memory_space<semaphore_mem>>
      %dma_start3A = tpu.memref_slice %arg5[%arg0, %add3A_34] : memref<2x10240xf32, #tpu.memory_space<hbm>> -> memref<1x128xf32, #tpu.memory_space<hbm>>
      %dma_start3A_39 = tpu.memref_squeeze %dma_start3A : memref<1x128xf32, #tpu.memory_space<hbm>> -> memref<128xf32, #tpu.memory_space<hbm>>
      %dma_start3A_40 = tpu.memref_slice %arg9[%add3A_32] : memref<10240xf32, #tpu.memory_space<vmem_shared>> -> memref<128xf32, #tpu.memory_space<vmem_shared>>
      tpu.enqueue_dma source(%dma_start3A_40 : memref<128xf32, #tpu.memory_space<vmem_shared>>) target(%dma_start3A_39 : memref<128xf32, #tpu.memory_space<hbm>>) target_semaphore(%run_scoped3A : memref<!tpu.dma_semaphore, #tpu.memory_space<semaphore_mem>>)
      %dma_wait3A = tpu.memref_slice %arg5[%arg0, %add3A_34] : memref<2x10240xf32, #tpu.memory_space<hbm>> -> memref<1x128xf32, #tpu.memory_space<hbm>>
      %dma_wait3A_41 = tpu.memref_squeeze %dma_wait3A : memref<1x128xf32, #tpu.memory_space<hbm>> -> memref<128xf32, #tpu.memory_space<hbm>>
      %dma_wait3A_42 = tpu.memref_slice %arg9[%add3A_32] : memref<10240xf32, #tpu.memory_space<vmem_shared>> -> memref<128xf32, #tpu.memory_space<vmem_shared>>
      tpu.wait_dma2 semaphore(%run_scoped3A : memref<!tpu.dma_semaphore, #tpu.memory_space<semaphore_mem>>) src(%dma_wait3A_42 : memref<128xf32, #tpu.memory_space<vmem_shared>>) dst(%dma_wait3A_41 : memref<128xf32, #tpu.memory_space<hbm>>)
      tpu.yield
    }) : () -> ()
    %add3A_35 = arith.constant 512 : i32
    %add3A_36 = arith.addi %mul3A_2, %add3A_35 : i32
    %add3A_37 = arith.constant 512 : i32
    %add3A_38 = arith.addi %mul3A_2, %add3A_37 : i32
    "tpu.region"() ({
      %run_scoped3A = tpu.sem_alloc : memref<!tpu.dma_semaphore, #tpu.memory_space<semaphore_mem>>
      %dma_start3A = tpu.memref_slice %arg5[%arg0, %add3A_38] : memref<2x10240xf32, #tpu.memory_space<hbm>> -> memref<1x128xf32, #tpu.memory_space<hbm>>
      %dma_start3A_39 = tpu.memref_squeeze %dma_start3A : memref<1x128xf32, #tpu.memory_space<hbm>> -> memref<128xf32, #tpu.memory_space<hbm>>
      %dma_start3A_40 = tpu.memref_slice %arg9[%add3A_36] : memref<10240xf32, #tpu.memory_space<vmem_shared>> -> memref<128xf32, #tpu.memory_space<vmem_shared>>
      tpu.enqueue_dma source(%dma_start3A_40 : memref<128xf32, #tpu.memory_space<vmem_shared>>) target(%dma_start3A_39 : memref<128xf32, #tpu.memory_space<hbm>>) target_semaphore(%run_scoped3A : memref<!tpu.dma_semaphore, #tpu.memory_space<semaphore_mem>>)
      %dma_wait3A = tpu.memref_slice %arg5[%arg0, %add3A_38] : memref<2x10240xf32, #tpu.memory_space<hbm>> -> memref<1x128xf32, #tpu.memory_space<hbm>>
      %dma_wait3A_41 = tpu.memref_squeeze %dma_wait3A : memref<1x128xf32, #tpu.memory_space<hbm>> -> memref<128xf32, #tpu.memory_space<hbm>>
      %dma_wait3A_42 = tpu.memref_slice %arg9[%add3A_36] : memref<10240xf32, #tpu.memory_space<vmem_shared>> -> memref<128xf32, #tpu.memory_space<vmem_shared>>
      tpu.wait_dma2 semaphore(%run_scoped3A : memref<!tpu.dma_semaphore, #tpu.memory_space<semaphore_mem>>) src(%dma_wait3A_42 : memref<128xf32, #tpu.memory_space<vmem_shared>>) dst(%dma_wait3A_41 : memref<128xf32, #tpu.memory_space<hbm>>)
      tpu.yield
    }) : () -> ()
    return
  }
}

#map = affine_map<(d0, d1) -> (0, 0)>
#map1 = affine_map<(d0, d1) -> (0, 0, 0)>
module attributes {stable_mosaic.version = 14 : i64} {
  func.func @scatter_kernel(%arg0: i32, %arg1: i32, %arg2: memref<10000x32xf32, #tpu.memory_space<hbm>>, %arg3: memref<32x80x128xi32, #tpu.memory_space<hbm>>, %arg4: memref<32x80x128xi32, #tpu.memory_space<hbm>>, %arg5: memref<128x32xf32, #tpu.memory_space<hbm>>, %arg6: memref<2x10240x128xf32, #tpu.memory_space<hbm>>, %arg7: memref<80x128xi32, #tpu.memory_space<vmem>>, %arg8: memref<80x128xi32, #tpu.memory_space<vmem>>, %arg9: memref<128x32xf32, #tpu.memory_space<vmem>>, %arg10: memref<128x32xf32, #tpu.memory_space<vmem>>, %arg11: memref<128x32xf32, #tpu.memory_space<vmem>>, %arg12: memref<128x32xf32, #tpu.memory_space<vmem>>, %arg13: memref<128x32xf32, #tpu.memory_space<vmem>>, %arg14: memref<10240x32xf32, #tpu.memory_space<vmem_shared>>, %arg15: memref<!tpu.dma_semaphore, #tpu.memory_space<semaphore_mem>>, %arg16: memref<!tpu.dma_semaphore, #tpu.memory_space<semaphore_mem>>, %arg17: memref<!tpu.dma_semaphore, #tpu.memory_space<semaphore_mem>>, %arg18: memref<!tpu.dma_semaphore, #tpu.memory_space<semaphore_mem>>, %arg19: memref<!tpu.dma_semaphore, #tpu.memory_space<semaphore_mem>>, %arg20: memref<!tpu.dma_semaphore, #tpu.memory_space<semaphore_mem>>, %arg21: memref<!tpu.dma_semaphore, #tpu.memory_space<semaphore_mem>>, %arg22: memref<!tpu.dma_semaphore, #tpu.memory_space<semaphore_mem>>, %arg23: memref<!tpu.dma_semaphore, #tpu.memory_space<semaphore_mem>>) attributes {dimension_semantics = [#tpu.dimension_semantics<core_parallel>, #tpu.dimension_semantics<subcore_parallel>], iteration_bounds = array<i64: 2, 16>, scalar_prefetch = 0 : i64, scratch_operands = 17 : i64, tpu.core_type = #tpu.core_type<sc_vector_subcore>, window_params = [{transform_indices = #map}, {transform_indices = #map1}, {transform_indices = #map1}, {transform_indices = #map}, {transform_indices = #map1}]} {
    %mul3A = arith.constant 16 : i32
    %mul3A_0 = arith.muli %arg0, %mul3A : i32
    %add3A = arith.addi %mul3A_0, %arg1 : i32
    %mul3A_1 = arith.constant 640 : i32
    %mul3A_2 = arith.muli %arg1, %mul3A_1 : i32
    %dma_start3A = arith.constant 0 : i32
    %dma_start3A_3 = arith.constant 0 : i32
    %dma_start3A_4 = tpu.memref_slice %arg3[%add3A, %dma_start3A, %dma_start3A_3] : memref<32x80x128xi32, #tpu.memory_space<hbm>> -> memref<1x80x128xi32, #tpu.memory_space<hbm>>
    %dma_start3A_5 = tpu.memref_squeeze %dma_start3A_4 : memref<1x80x128xi32, #tpu.memory_space<hbm>> -> memref<80x128xi32, #tpu.memory_space<hbm>>
    %dma_start3A_6 = arith.constant 0 : i32
    %dma_start3A_7 = arith.constant 0 : i32
    %dma_start3A_8 = tpu.memref_slice %arg3[%add3A, %dma_start3A_6, %dma_start3A_7] : memref<32x80x128xi32, #tpu.memory_space<hbm>> -> memref<1x80x128xi32, #tpu.memory_space<hbm>>
    %dma_start3A_9 = tpu.memref_squeeze %dma_start3A_8 : memref<1x80x128xi32, #tpu.memory_space<hbm>> -> memref<80x128xi32, #tpu.memory_space<hbm>>
    tpu.enqueue_dma source(%dma_start3A_9 : memref<80x128xi32, #tpu.memory_space<hbm>>) target(%arg7 : memref<80x128xi32, #tpu.memory_space<vmem>>) target_semaphore(%arg23 : memref<!tpu.dma_semaphore, #tpu.memory_space<semaphore_mem>>)
    %dma_start3A_10 = arith.constant 0 : i32
    %dma_start3A_11 = arith.constant 0 : i32
    %dma_start3A_12 = tpu.memref_slice %arg4[%add3A, %dma_start3A_10, %dma_start3A_11] : memref<32x80x128xi32, #tpu.memory_space<hbm>> -> memref<1x80x128xi32, #tpu.memory_space<hbm>>
    %dma_start3A_13 = tpu.memref_squeeze %dma_start3A_12 : memref<1x80x128xi32, #tpu.memory_space<hbm>> -> memref<80x128xi32, #tpu.memory_space<hbm>>
    %dma_start3A_14 = arith.constant 0 : i32
    %dma_start3A_15 = arith.constant 0 : i32
    %dma_start3A_16 = tpu.memref_slice %arg4[%add3A, %dma_start3A_14, %dma_start3A_15] : memref<32x80x128xi32, #tpu.memory_space<hbm>> -> memref<1x80x128xi32, #tpu.memory_space<hbm>>
    %dma_start3A_17 = tpu.memref_squeeze %dma_start3A_16 : memref<1x80x128xi32, #tpu.memory_space<hbm>> -> memref<80x128xi32, #tpu.memory_space<hbm>>
    tpu.enqueue_dma source(%dma_start3A_17 : memref<80x128xi32, #tpu.memory_space<hbm>>) target(%arg8 : memref<80x128xi32, #tpu.memory_space<vmem>>) target_semaphore(%arg23 : memref<!tpu.dma_semaphore, #tpu.memory_space<semaphore_mem>>)
    "tpu.region"() ({
      %run_scoped3A = tpu.sem_alloc : memref<!tpu.dma_semaphore, #tpu.memory_space<semaphore_mem>>
      tpu.enqueue_dma source(%arg5 : memref<128x32xf32, #tpu.memory_space<hbm>>) target(%arg13 : memref<128x32xf32, #tpu.memory_space<vmem>>) target_semaphore(%run_scoped3A : memref<!tpu.dma_semaphore, #tpu.memory_space<semaphore_mem>>)
      tpu.wait_dma2 semaphore(%run_scoped3A : memref<!tpu.dma_semaphore, #tpu.memory_space<semaphore_mem>>) src(%arg5 : memref<128x32xf32, #tpu.memory_space<hbm>>) dst(%arg13 : memref<128x32xf32, #tpu.memory_space<vmem>>)
      tpu.yield
    }) : () -> ()
    %add3A_18 = arith.constant 0 : i32
    %add3A_19 = arith.addi %mul3A_2, %add3A_18 : i32
    "tpu.region"() ({
      %run_scoped3A = tpu.sem_alloc : memref<!tpu.dma_semaphore, #tpu.memory_space<semaphore_mem>>
      %dma_start3A_181 = arith.constant 0 : i32
      %dma_start3A_182 = arith.constant 0 : i32
      %dma_start3A_183 = tpu.memref_slice %arg13[%dma_start3A_181, %dma_start3A_182] : memref<128x32xf32, #tpu.memory_space<vmem>> -> memref<128x32xf32, #tpu.memory_space<vmem>>
      %dma_start3A_184 = arith.constant 0 : i32
      %dma_start3A_185 = tpu.memref_slice %arg14[%add3A_19, %dma_start3A_184] : memref<10240x32xf32, #tpu.memory_space<vmem_shared>> -> memref<128x32xf32, #tpu.memory_space<vmem_shared>>
      %dma_start3A_186 = arith.constant 0 : i32
      %dma_start3A_187 = tpu.memref_slice %arg14[%add3A_19, %dma_start3A_186] : memref<10240x32xf32, #tpu.memory_space<vmem_shared>> -> memref<128x32xf32, #tpu.memory_space<vmem_shared>>
      %dma_start3A_188 = arith.constant 0 : i32
      %dma_start3A_189 = arith.constant 0 : i32
      %dma_start3A_190 = tpu.memref_slice %arg13[%dma_start3A_188, %dma_start3A_189] : memref<128x32xf32, #tpu.memory_space<vmem>> -> memref<128x32xf32, #tpu.memory_space<vmem>>
      tpu.enqueue_dma source(%dma_start3A_190 : memref<128x32xf32, #tpu.memory_space<vmem>>) target(%dma_start3A_187 : memref<128x32xf32, #tpu.memory_space<vmem_shared>>) target_semaphore(%run_scoped3A : memref<!tpu.dma_semaphore, #tpu.memory_space<semaphore_mem>>)
      %dma_wait3A_191 = arith.constant 0 : i32
      %dma_wait3A_192 = arith.constant 0 : i32
      %dma_wait3A_193 = tpu.memref_slice %arg13[%dma_wait3A_191, %dma_wait3A_192] : memref<128x32xf32, #tpu.memory_space<vmem>> -> memref<128x32xf32, #tpu.memory_space<vmem>>
      %dma_wait3A_194 = arith.constant 0 : i32
      %dma_wait3A_195 = tpu.memref_slice %arg14[%add3A_19, %dma_wait3A_194] : memref<10240x32xf32, #tpu.memory_space<vmem_shared>> -> memref<128x32xf32, #tpu.memory_space<vmem_shared>>
      %dma_wait3A_196 = arith.constant 0 : i32
      %dma_wait3A_197 = tpu.memref_slice %arg14[%add3A_19, %dma_wait3A_196] : memref<10240x32xf32, #tpu.memory_space<vmem_shared>> -> memref<128x32xf32, #tpu.memory_space<vmem_shared>>
      %dma_wait3A_198 = arith.constant 0 : i32
      %dma_wait3A_199 = arith.constant 0 : i32
      %dma_wait3A_200 = tpu.memref_slice %arg13[%dma_wait3A_198, %dma_wait3A_199] : memref<128x32xf32, #tpu.memory_space<vmem>> -> memref<128x32xf32, #tpu.memory_space<vmem>>
      tpu.wait_dma2 semaphore(%run_scoped3A : memref<!tpu.dma_semaphore, #tpu.memory_space<semaphore_mem>>) src(%dma_wait3A_200 : memref<128x32xf32, #tpu.memory_space<vmem>>) dst(%dma_wait3A_197 : memref<128x32xf32, #tpu.memory_space<vmem_shared>>)
      tpu.yield
    }) : () -> ()
    %add3A_20 = arith.constant 128 : i32
    %add3A_21 = arith.addi %mul3A_2, %add3A_20 : i32
    "tpu.region"() ({
      %run_scoped3A = tpu.sem_alloc : memref<!tpu.dma_semaphore, #tpu.memory_space<semaphore_mem>>
      %dma_start3A_181 = arith.constant 0 : i32
      %dma_start3A_182 = arith.constant 0 : i32
      %dma_start3A_183 = tpu.memref_slice %arg13[%dma_start3A_181, %dma_start3A_182] : memref<128x32xf32, #tpu.memory_space<vmem>> -> memref<128x32xf32, #tpu.memory_space<vmem>>
      %dma_start3A_184 = arith.constant 0 : i32
      %dma_start3A_185 = tpu.memref_slice %arg14[%add3A_21, %dma_start3A_184] : memref<10240x32xf32, #tpu.memory_space<vmem_shared>> -> memref<128x32xf32, #tpu.memory_space<vmem_shared>>
      %dma_start3A_186 = arith.constant 0 : i32
      %dma_start3A_187 = tpu.memref_slice %arg14[%add3A_21, %dma_start3A_186] : memref<10240x32xf32, #tpu.memory_space<vmem_shared>> -> memref<128x32xf32, #tpu.memory_space<vmem_shared>>
      %dma_start3A_188 = arith.constant 0 : i32
      %dma_start3A_189 = arith.constant 0 : i32
      %dma_start3A_190 = tpu.memref_slice %arg13[%dma_start3A_188, %dma_start3A_189] : memref<128x32xf32, #tpu.memory_space<vmem>> -> memref<128x32xf32, #tpu.memory_space<vmem>>
      tpu.enqueue_dma source(%dma_start3A_190 : memref<128x32xf32, #tpu.memory_space<vmem>>) target(%dma_start3A_187 : memref<128x32xf32, #tpu.memory_space<vmem_shared>>) target_semaphore(%run_scoped3A : memref<!tpu.dma_semaphore, #tpu.memory_space<semaphore_mem>>)
      %dma_wait3A_191 = arith.constant 0 : i32
      %dma_wait3A_192 = arith.constant 0 : i32
      %dma_wait3A_193 = tpu.memref_slice %arg13[%dma_wait3A_191, %dma_wait3A_192] : memref<128x32xf32, #tpu.memory_space<vmem>> -> memref<128x32xf32, #tpu.memory_space<vmem>>
      %dma_wait3A_194 = arith.constant 0 : i32
      %dma_wait3A_195 = tpu.memref_slice %arg14[%add3A_21, %dma_wait3A_194] : memref<10240x32xf32, #tpu.memory_space<vmem_shared>> -> memref<128x32xf32, #tpu.memory_space<vmem_shared>>
      %dma_wait3A_196 = arith.constant 0 : i32
      %dma_wait3A_197 = tpu.memref_slice %arg14[%add3A_21, %dma_wait3A_196] : memref<10240x32xf32, #tpu.memory_space<vmem_shared>> -> memref<128x32xf32, #tpu.memory_space<vmem_shared>>
      %dma_wait3A_198 = arith.constant 0 : i32
      %dma_wait3A_199 = arith.constant 0 : i32
      %dma_wait3A_200 = tpu.memref_slice %arg13[%dma_wait3A_198, %dma_wait3A_199] : memref<128x32xf32, #tpu.memory_space<vmem>> -> memref<128x32xf32, #tpu.memory_space<vmem>>
      tpu.wait_dma2 semaphore(%run_scoped3A : memref<!tpu.dma_semaphore, #tpu.memory_space<semaphore_mem>>) src(%dma_wait3A_200 : memref<128x32xf32, #tpu.memory_space<vmem>>) dst(%dma_wait3A_197 : memref<128x32xf32, #tpu.memory_space<vmem_shared>>)
      tpu.yield
    }) : () -> ()
    %add3A_22 = arith.constant 256 : i32
    %add3A_23 = arith.addi %mul3A_2, %add3A_22 : i32
    "tpu.region"() ({
      %run_scoped3A = tpu.sem_alloc : memref<!tpu.dma_semaphore, #tpu.memory_space<semaphore_mem>>
      %dma_start3A_181 = arith.constant 0 : i32
      %dma_start3A_182 = arith.constant 0 : i32
      %dma_start3A_183 = tpu.memref_slice %arg13[%dma_start3A_181, %dma_start3A_182] : memref<128x32xf32, #tpu.memory_space<vmem>> -> memref<128x32xf32, #tpu.memory_space<vmem>>
      %dma_start3A_184 = arith.constant 0 : i32
      %dma_start3A_185 = tpu.memref_slice %arg14[%add3A_23, %dma_start3A_184] : memref<10240x32xf32, #tpu.memory_space<vmem_shared>> -> memref<128x32xf32, #tpu.memory_space<vmem_shared>>
      %dma_start3A_186 = arith.constant 0 : i32
      %dma_start3A_187 = tpu.memref_slice %arg14[%add3A_23, %dma_start3A_186] : memref<10240x32xf32, #tpu.memory_space<vmem_shared>> -> memref<128x32xf32, #tpu.memory_space<vmem_shared>>
      %dma_start3A_188 = arith.constant 0 : i32
      %dma_start3A_189 = arith.constant 0 : i32
      %dma_start3A_190 = tpu.memref_slice %arg13[%dma_start3A_188, %dma_start3A_189] : memref<128x32xf32, #tpu.memory_space<vmem>> -> memref<128x32xf32, #tpu.memory_space<vmem>>
      tpu.enqueue_dma source(%dma_start3A_190 : memref<128x32xf32, #tpu.memory_space<vmem>>) target(%dma_start3A_187 : memref<128x32xf32, #tpu.memory_space<vmem_shared>>) target_semaphore(%run_scoped3A : memref<!tpu.dma_semaphore, #tpu.memory_space<semaphore_mem>>)
      %dma_wait3A_191 = arith.constant 0 : i32
      %dma_wait3A_192 = arith.constant 0 : i32
      %dma_wait3A_193 = tpu.memref_slice %arg13[%dma_wait3A_191, %dma_wait3A_192] : memref<128x32xf32, #tpu.memory_space<vmem>> -> memref<128x32xf32, #tpu.memory_space<vmem>>
      %dma_wait3A_194 = arith.constant 0 : i32
      %dma_wait3A_195 = tpu.memref_slice %arg14[%add3A_23, %dma_wait3A_194] : memref<10240x32xf32, #tpu.memory_space<vmem_shared>> -> memref<128x32xf32, #tpu.memory_space<vmem_shared>>
      %dma_wait3A_196 = arith.constant 0 : i32
      %dma_wait3A_197 = tpu.memref_slice %arg14[%add3A_23, %dma_wait3A_196] : memref<10240x32xf32, #tpu.memory_space<vmem_shared>> -> memref<128x32xf32, #tpu.memory_space<vmem_shared>>
      %dma_wait3A_198 = arith.constant 0 : i32
      %dma_wait3A_199 = arith.constant 0 : i32
      %dma_wait3A_200 = tpu.memref_slice %arg13[%dma_wait3A_198, %dma_wait3A_199] : memref<128x32xf32, #tpu.memory_space<vmem>> -> memref<128x32xf32, #tpu.memory_space<vmem>>
      tpu.wait_dma2 semaphore(%run_scoped3A : memref<!tpu.dma_semaphore, #tpu.memory_space<semaphore_mem>>) src(%dma_wait3A_200 : memref<128x32xf32, #tpu.memory_space<vmem>>) dst(%dma_wait3A_197 : memref<128x32xf32, #tpu.memory_space<vmem_shared>>)
      tpu.yield
    }) : () -> ()
    %add3A_24 = arith.constant 384 : i32
    %add3A_25 = arith.addi %mul3A_2, %add3A_24 : i32
    "tpu.region"() ({
      %run_scoped3A = tpu.sem_alloc : memref<!tpu.dma_semaphore, #tpu.memory_space<semaphore_mem>>
      %dma_start3A_181 = arith.constant 0 : i32
      %dma_start3A_182 = arith.constant 0 : i32
      %dma_start3A_183 = tpu.memref_slice %arg13[%dma_start3A_181, %dma_start3A_182] : memref<128x32xf32, #tpu.memory_space<vmem>> -> memref<128x32xf32, #tpu.memory_space<vmem>>
      %dma_start3A_184 = arith.constant 0 : i32
      %dma_start3A_185 = tpu.memref_slice %arg14[%add3A_25, %dma_start3A_184] : memref<10240x32xf32, #tpu.memory_space<vmem_shared>> -> memref<128x32xf32, #tpu.memory_space<vmem_shared>>
      %dma_start3A_186 = arith.constant 0 : i32
      %dma_start3A_187 = tpu.memref_slice %arg14[%add3A_25, %dma_start3A_186] : memref<10240x32xf32, #tpu.memory_space<vmem_shared>> -> memref<128x32xf32, #tpu.memory_space<vmem_shared>>
      %dma_start3A_188 = arith.constant 0 : i32
      %dma_start3A_189 = arith.constant 0 : i32
      %dma_start3A_190 = tpu.memref_slice %arg13[%dma_start3A_188, %dma_start3A_189] : memref<128x32xf32, #tpu.memory_space<vmem>> -> memref<128x32xf32, #tpu.memory_space<vmem>>
      tpu.enqueue_dma source(%dma_start3A_190 : memref<128x32xf32, #tpu.memory_space<vmem>>) target(%dma_start3A_187 : memref<128x32xf32, #tpu.memory_space<vmem_shared>>) target_semaphore(%run_scoped3A : memref<!tpu.dma_semaphore, #tpu.memory_space<semaphore_mem>>)
      %dma_wait3A_191 = arith.constant 0 : i32
      %dma_wait3A_192 = arith.constant 0 : i32
      %dma_wait3A_193 = tpu.memref_slice %arg13[%dma_wait3A_191, %dma_wait3A_192] : memref<128x32xf32, #tpu.memory_space<vmem>> -> memref<128x32xf32, #tpu.memory_space<vmem>>
      %dma_wait3A_194 = arith.constant 0 : i32
      %dma_wait3A_195 = tpu.memref_slice %arg14[%add3A_25, %dma_wait3A_194] : memref<10240x32xf32, #tpu.memory_space<vmem_shared>> -> memref<128x32xf32, #tpu.memory_space<vmem_shared>>
      %dma_wait3A_196 = arith.constant 0 : i32
      %dma_wait3A_197 = tpu.memref_slice %arg14[%add3A_25, %dma_wait3A_196] : memref<10240x32xf32, #tpu.memory_space<vmem_shared>> -> memref<128x32xf32, #tpu.memory_space<vmem_shared>>
      %dma_wait3A_198 = arith.constant 0 : i32
      %dma_wait3A_199 = arith.constant 0 : i32
      %dma_wait3A_200 = tpu.memref_slice %arg13[%dma_wait3A_198, %dma_wait3A_199] : memref<128x32xf32, #tpu.memory_space<vmem>> -> memref<128x32xf32, #tpu.memory_space<vmem>>
      tpu.wait_dma2 semaphore(%run_scoped3A : memref<!tpu.dma_semaphore, #tpu.memory_space<semaphore_mem>>) src(%dma_wait3A_200 : memref<128x32xf32, #tpu.memory_space<vmem>>) dst(%dma_wait3A_197 : memref<128x32xf32, #tpu.memory_space<vmem_shared>>)
      tpu.yield
    }) : () -> ()
    %add3A_26 = arith.constant 512 : i32
    %add3A_27 = arith.addi %mul3A_2, %add3A_26 : i32
    "tpu.region"() ({
      %run_scoped3A = tpu.sem_alloc : memref<!tpu.dma_semaphore, #tpu.memory_space<semaphore_mem>>
      %dma_start3A_181 = arith.constant 0 : i32
      %dma_start3A_182 = arith.constant 0 : i32
      %dma_start3A_183 = tpu.memref_slice %arg13[%dma_start3A_181, %dma_start3A_182] : memref<128x32xf32, #tpu.memory_space<vmem>> -> memref<128x32xf32, #tpu.memory_space<vmem>>
      %dma_start3A_184 = arith.constant 0 : i32
      %dma_start3A_185 = tpu.memref_slice %arg14[%add3A_27, %dma_start3A_184] : memref<10240x32xf32, #tpu.memory_space<vmem_shared>> -> memref<128x32xf32, #tpu.memory_space<vmem_shared>>
      %dma_start3A_186 = arith.constant 0 : i32
      %dma_start3A_187 = tpu.memref_slice %arg14[%add3A_27, %dma_start3A_186] : memref<10240x32xf32, #tpu.memory_space<vmem_shared>> -> memref<128x32xf32, #tpu.memory_space<vmem_shared>>
      %dma_start3A_188 = arith.constant 0 : i32
      %dma_start3A_189 = arith.constant 0 : i32
      %dma_start3A_190 = tpu.memref_slice %arg13[%dma_start3A_188, %dma_start3A_189] : memref<128x32xf32, #tpu.memory_space<vmem>> -> memref<128x32xf32, #tpu.memory_space<vmem>>
      tpu.enqueue_dma source(%dma_start3A_190 : memref<128x32xf32, #tpu.memory_space<vmem>>) target(%dma_start3A_187 : memref<128x32xf32, #tpu.memory_space<vmem_shared>>) target_semaphore(%run_scoped3A : memref<!tpu.dma_semaphore, #tpu.memory_space<semaphore_mem>>)
      %dma_wait3A_191 = arith.constant 0 : i32
      %dma_wait3A_192 = arith.constant 0 : i32
      %dma_wait3A_193 = tpu.memref_slice %arg13[%dma_wait3A_191, %dma_wait3A_192] : memref<128x32xf32, #tpu.memory_space<vmem>> -> memref<128x32xf32, #tpu.memory_space<vmem>>
      %dma_wait3A_194 = arith.constant 0 : i32
      %dma_wait3A_195 = tpu.memref_slice %arg14[%add3A_27, %dma_wait3A_194] : memref<10240x32xf32, #tpu.memory_space<vmem_shared>> -> memref<128x32xf32, #tpu.memory_space<vmem_shared>>
      %dma_wait3A_196 = arith.constant 0 : i32
      %dma_wait3A_197 = tpu.memref_slice %arg14[%add3A_27, %dma_wait3A_196] : memref<10240x32xf32, #tpu.memory_space<vmem_shared>> -> memref<128x32xf32, #tpu.memory_space<vmem_shared>>
      %dma_wait3A_198 = arith.constant 0 : i32
      %dma_wait3A_199 = arith.constant 0 : i32
      %dma_wait3A_200 = tpu.memref_slice %arg13[%dma_wait3A_198, %dma_wait3A_199] : memref<128x32xf32, #tpu.memory_space<vmem>> -> memref<128x32xf32, #tpu.memory_space<vmem>>
      tpu.wait_dma2 semaphore(%run_scoped3A : memref<!tpu.dma_semaphore, #tpu.memory_space<semaphore_mem>>) src(%dma_wait3A_200 : memref<128x32xf32, #tpu.memory_space<vmem>>) dst(%dma_wait3A_197 : memref<128x32xf32, #tpu.memory_space<vmem_shared>>)
      tpu.yield
    }) : () -> ()
    %dma_wait3A = arith.constant 0 : i32
    %dma_wait3A_28 = arith.constant 0 : i32
    %dma_wait3A_29 = tpu.memref_slice %arg3[%add3A, %dma_wait3A, %dma_wait3A_28] : memref<32x80x128xi32, #tpu.memory_space<hbm>> -> memref<1x80x128xi32, #tpu.memory_space<hbm>>
    %dma_wait3A_30 = tpu.memref_squeeze %dma_wait3A_29 : memref<1x80x128xi32, #tpu.memory_space<hbm>> -> memref<80x128xi32, #tpu.memory_space<hbm>>
    %dma_wait3A_31 = arith.constant 0 : i32
    %dma_wait3A_32 = arith.constant 0 : i32
    %dma_wait3A_33 = tpu.memref_slice %arg3[%add3A, %dma_wait3A_31, %dma_wait3A_32] : memref<32x80x128xi32, #tpu.memory_space<hbm>> -> memref<1x80x128xi32, #tpu.memory_space<hbm>>
    %dma_wait3A_34 = tpu.memref_squeeze %dma_wait3A_33 : memref<1x80x128xi32, #tpu.memory_space<hbm>> -> memref<80x128xi32, #tpu.memory_space<hbm>>
    tpu.wait_dma2 semaphore(%arg23 : memref<!tpu.dma_semaphore, #tpu.memory_space<semaphore_mem>>) src(%dma_wait3A_34 : memref<80x128xi32, #tpu.memory_space<hbm>>) dst(%arg7 : memref<80x128xi32, #tpu.memory_space<vmem>>)
    %dma_wait3A_35 = arith.constant 0 : i32
    %dma_wait3A_36 = arith.constant 0 : i32
    %dma_wait3A_37 = tpu.memref_slice %arg4[%add3A, %dma_wait3A_35, %dma_wait3A_36] : memref<32x80x128xi32, #tpu.memory_space<hbm>> -> memref<1x80x128xi32, #tpu.memory_space<hbm>>
    %dma_wait3A_38 = tpu.memref_squeeze %dma_wait3A_37 : memref<1x80x128xi32, #tpu.memory_space<hbm>> -> memref<80x128xi32, #tpu.memory_space<hbm>>
    %dma_wait3A_39 = arith.constant 0 : i32
    %dma_wait3A_40 = arith.constant 0 : i32
    %dma_wait3A_41 = tpu.memref_slice %arg4[%add3A, %dma_wait3A_39, %dma_wait3A_40] : memref<32x80x128xi32, #tpu.memory_space<hbm>> -> memref<1x80x128xi32, #tpu.memory_space<hbm>>
    %dma_wait3A_42 = tpu.memref_squeeze %dma_wait3A_41 : memref<1x80x128xi32, #tpu.memory_space<hbm>> -> memref<80x128xi32, #tpu.memory_space<hbm>>
    tpu.wait_dma2 semaphore(%arg23 : memref<!tpu.dma_semaphore, #tpu.memory_space<semaphore_mem>>) src(%dma_wait3A_42 : memref<80x128xi32, #tpu.memory_space<hbm>>) dst(%arg8 : memref<80x128xi32, #tpu.memory_space<vmem>>)
    %barrier3A = arith.constant 0 : index
    tpu.barrier barrier_id(%barrier3A)
    %dma_start3A_43 = arith.constant 0 : i32
    %dma_start3A_44 = arith.constant 0 : i32
    %dma_start3A_45 = tpu.memref_slice %arg7[%dma_start3A_43, %dma_start3A_44] : memref<80x128xi32, #tpu.memory_space<vmem>> -> memref<1x128xi32, #tpu.memory_space<vmem>>
    %dma_start3A_46 = tpu.memref_squeeze %dma_start3A_45 : memref<1x128xi32, #tpu.memory_space<vmem>> -> memref<128xi32, #tpu.memory_space<vmem>>
    %dma_start3A_47 = arith.constant 0 : i32
    %dma_start3A_48 = arith.constant 0 : i32
    %dma_start3A_49 = tpu.memref_slice %arg2[%dma_start3A_47, %dma_start3A_48] : memref<10000x32xf32, #tpu.memory_space<hbm>> -> memref<10000x32xf32, #tpu.memory_space<hbm>>
    tpu.enqueue_indirect_dma source(%dma_start3A_49 : memref<10000x32xf32, #tpu.memory_space<hbm>>) target(%arg9 : memref<128x32xf32, #tpu.memory_space<vmem>>) offsets(%dma_start3A_46 : memref<128xi32, #tpu.memory_space<vmem>>) semaphore(%arg15 : memref<!tpu.dma_semaphore, #tpu.memory_space<semaphore_mem>>)
    %dma_start3A_50 = arith.constant 1 : i32
    %dma_start3A_51 = arith.constant 0 : i32
    %dma_start3A_52 = tpu.memref_slice %arg7[%dma_start3A_50, %dma_start3A_51] : memref<80x128xi32, #tpu.memory_space<vmem>> -> memref<1x128xi32, #tpu.memory_space<vmem>>
    %dma_start3A_53 = tpu.memref_squeeze %dma_start3A_52 : memref<1x128xi32, #tpu.memory_space<vmem>> -> memref<128xi32, #tpu.memory_space<vmem>>
    %dma_start3A_54 = arith.constant 0 : i32
    %dma_start3A_55 = arith.constant 0 : i32
    %dma_start3A_56 = tpu.memref_slice %arg2[%dma_start3A_54, %dma_start3A_55] : memref<10000x32xf32, #tpu.memory_space<hbm>> -> memref<10000x32xf32, #tpu.memory_space<hbm>>
    tpu.enqueue_indirect_dma source(%dma_start3A_56 : memref<10000x32xf32, #tpu.memory_space<hbm>>) target(%arg10 : memref<128x32xf32, #tpu.memory_space<vmem>>) offsets(%dma_start3A_53 : memref<128xi32, #tpu.memory_space<vmem>>) semaphore(%arg16 : memref<!tpu.dma_semaphore, #tpu.memory_space<semaphore_mem>>)
    %dma_start3A_57 = arith.constant 2 : i32
    %dma_start3A_58 = arith.constant 0 : i32
    %dma_start3A_59 = tpu.memref_slice %arg7[%dma_start3A_57, %dma_start3A_58] : memref<80x128xi32, #tpu.memory_space<vmem>> -> memref<1x128xi32, #tpu.memory_space<vmem>>
    %dma_start3A_60 = tpu.memref_squeeze %dma_start3A_59 : memref<1x128xi32, #tpu.memory_space<vmem>> -> memref<128xi32, #tpu.memory_space<vmem>>
    %dma_start3A_61 = arith.constant 0 : i32
    %dma_start3A_62 = arith.constant 0 : i32
    %dma_start3A_63 = tpu.memref_slice %arg2[%dma_start3A_61, %dma_start3A_62] : memref<10000x32xf32, #tpu.memory_space<hbm>> -> memref<10000x32xf32, #tpu.memory_space<hbm>>
    tpu.enqueue_indirect_dma source(%dma_start3A_63 : memref<10000x32xf32, #tpu.memory_space<hbm>>) target(%arg11 : memref<128x32xf32, #tpu.memory_space<vmem>>) offsets(%dma_start3A_60 : memref<128xi32, #tpu.memory_space<vmem>>) semaphore(%arg17 : memref<!tpu.dma_semaphore, #tpu.memory_space<semaphore_mem>>)
    %dma_start3A_64 = arith.constant 3 : i32
    %dma_start3A_65 = arith.constant 0 : i32
    %dma_start3A_66 = tpu.memref_slice %arg7[%dma_start3A_64, %dma_start3A_65] : memref<80x128xi32, #tpu.memory_space<vmem>> -> memref<1x128xi32, #tpu.memory_space<vmem>>
    %dma_start3A_67 = tpu.memref_squeeze %dma_start3A_66 : memref<1x128xi32, #tpu.memory_space<vmem>> -> memref<128xi32, #tpu.memory_space<vmem>>
    %dma_start3A_68 = arith.constant 0 : i32
    %dma_start3A_69 = arith.constant 0 : i32
    %dma_start3A_70 = tpu.memref_slice %arg2[%dma_start3A_68, %dma_start3A_69] : memref<10000x32xf32, #tpu.memory_space<hbm>> -> memref<10000x32xf32, #tpu.memory_space<hbm>>
    tpu.enqueue_indirect_dma source(%dma_start3A_70 : memref<10000x32xf32, #tpu.memory_space<hbm>>) target(%arg12 : memref<128x32xf32, #tpu.memory_space<vmem>>) offsets(%dma_start3A_67 : memref<128xi32, #tpu.memory_space<vmem>>) semaphore(%arg18 : memref<!tpu.dma_semaphore, #tpu.memory_space<semaphore_mem>>)
    %scan3A = arith.constant 0 : i32
    %scan3A_71 = arith.constant 0 : i32
    %scan3A_72 = arith.constant 19 : i32
    %scan3A_73 = arith.addi %scan3A_71, %scan3A_72 : i32
    %scan3A_74 = arith.constant 1 : i32
    scf.for %scan3A_181 = %scan3A_71 to %scan3A_73 step %scan3A_74  : i32 {
      %mul3A_182 = arith.constant 4 : i32
      %mul3A_183 = arith.muli %mul3A_182, %scan3A_181 : i32
      %add3A_184 = arith.constant 0 : i32
      %add3A_185 = arith.addi %mul3A_183, %add3A_184 : i32
      %dma_wait3A_186 = arith.constant 0 : i32
      %dma_wait3A_187 = tpu.memref_slice %arg7[%add3A_185, %dma_wait3A_186] : memref<80x128xi32, #tpu.memory_space<vmem>> -> memref<1x128xi32, #tpu.memory_space<vmem>>
      %dma_wait3A_188 = tpu.memref_squeeze %dma_wait3A_187 : memref<1x128xi32, #tpu.memory_space<vmem>> -> memref<128xi32, #tpu.memory_space<vmem>>
      %dma_wait3A_189 = arith.constant 0 : i32
      %dma_wait3A_190 = arith.constant 0 : i32
      %dma_wait3A_191 = tpu.memref_slice %arg2[%dma_wait3A_189, %dma_wait3A_190] : memref<10000x32xf32, #tpu.memory_space<hbm>> -> memref<10000x32xf32, #tpu.memory_space<hbm>>
      tpu.wait_indirect_dma semaphore(%arg15 : memref<!tpu.dma_semaphore, #tpu.memory_space<semaphore_mem>>) src(%dma_wait3A_191 : memref<10000x32xf32, #tpu.memory_space<hbm>>) dst(%arg9 : memref<128x32xf32, #tpu.memory_space<vmem>>)
      %add3A_192 = arith.constant 0 : i32
      %add3A_193 = arith.addi %mul3A_183, %add3A_192 : i32
      %dma_start3A_194 = arith.constant 0 : i32
      %dma_start3A_195 = tpu.memref_slice %arg8[%add3A_193, %dma_start3A_194] : memref<80x128xi32, #tpu.memory_space<vmem>> -> memref<1x128xi32, #tpu.memory_space<vmem>>
      %dma_start3A_196 = tpu.memref_squeeze %dma_start3A_195 : memref<1x128xi32, #tpu.memory_space<vmem>> -> memref<128xi32, #tpu.memory_space<vmem>>
      %dma_start3A_197 = arith.constant 0 : i32
      %dma_start3A_198 = arith.constant 0 : i32
      %dma_start3A_199 = tpu.memref_slice %arg14[%dma_start3A_197, %dma_start3A_198] : memref<10240x32xf32, #tpu.memory_space<vmem_shared>> -> memref<10240x32xf32, #tpu.memory_space<vmem_shared>>
      tpu.enqueue_indirect_dma source(%arg9 : memref<128x32xf32, #tpu.memory_space<vmem>>) target(%dma_start3A_199 : memref<10240x32xf32, #tpu.memory_space<vmem_shared>>) offsets(%dma_start3A_196 : memref<128xi32, #tpu.memory_space<vmem>>) semaphore(%arg19 : memref<!tpu.dma_semaphore, #tpu.memory_space<semaphore_mem>>) {add = true}
      %add3A_200 = arith.constant 1 : i32
      %add3A_201 = arith.addi %mul3A_183, %add3A_200 : i32
      %dma_wait3A_202 = arith.constant 0 : i32
      %dma_wait3A_203 = tpu.memref_slice %arg7[%add3A_201, %dma_wait3A_202] : memref<80x128xi32, #tpu.memory_space<vmem>> -> memref<1x128xi32, #tpu.memory_space<vmem>>
      %dma_wait3A_204 = tpu.memref_squeeze %dma_wait3A_203 : memref<1x128xi32, #tpu.memory_space<vmem>> -> memref<128xi32, #tpu.memory_space<vmem>>
      %dma_wait3A_205 = arith.constant 0 : i32
      %dma_wait3A_206 = arith.constant 0 : i32
      %dma_wait3A_207 = tpu.memref_slice %arg2[%dma_wait3A_205, %dma_wait3A_206] : memref<10000x32xf32, #tpu.memory_space<hbm>> -> memref<10000x32xf32, #tpu.memory_space<hbm>>
      tpu.wait_indirect_dma semaphore(%arg16 : memref<!tpu.dma_semaphore, #tpu.memory_space<semaphore_mem>>) src(%dma_wait3A_207 : memref<10000x32xf32, #tpu.memory_space<hbm>>) dst(%arg10 : memref<128x32xf32, #tpu.memory_space<vmem>>)
      %add3A_208 = arith.constant 1 : i32
      %add3A_209 = arith.addi %mul3A_183, %add3A_208 : i32
      %dma_start3A_210 = arith.constant 0 : i32
      %dma_start3A_211 = tpu.memref_slice %arg8[%add3A_209, %dma_start3A_210] : memref<80x128xi32, #tpu.memory_space<vmem>> -> memref<1x128xi32, #tpu.memory_space<vmem>>
      %dma_start3A_212 = tpu.memref_squeeze %dma_start3A_211 : memref<1x128xi32, #tpu.memory_space<vmem>> -> memref<128xi32, #tpu.memory_space<vmem>>
      %dma_start3A_213 = arith.constant 0 : i32
      %dma_start3A_214 = arith.constant 0 : i32
      %dma_start3A_215 = tpu.memref_slice %arg14[%dma_start3A_213, %dma_start3A_214] : memref<10240x32xf32, #tpu.memory_space<vmem_shared>> -> memref<10240x32xf32, #tpu.memory_space<vmem_shared>>
      tpu.enqueue_indirect_dma source(%arg10 : memref<128x32xf32, #tpu.memory_space<vmem>>) target(%dma_start3A_215 : memref<10240x32xf32, #tpu.memory_space<vmem_shared>>) offsets(%dma_start3A_212 : memref<128xi32, #tpu.memory_space<vmem>>) semaphore(%arg20 : memref<!tpu.dma_semaphore, #tpu.memory_space<semaphore_mem>>) {add = true}
      %add3A_216 = arith.constant 2 : i32
      %add3A_217 = arith.addi %mul3A_183, %add3A_216 : i32
      %dma_wait3A_218 = arith.constant 0 : i32
      %dma_wait3A_219 = tpu.memref_slice %arg7[%add3A_217, %dma_wait3A_218] : memref<80x128xi32, #tpu.memory_space<vmem>> -> memref<1x128xi32, #tpu.memory_space<vmem>>
      %dma_wait3A_220 = tpu.memref_squeeze %dma_wait3A_219 : memref<1x128xi32, #tpu.memory_space<vmem>> -> memref<128xi32, #tpu.memory_space<vmem>>
      %dma_wait3A_221 = arith.constant 0 : i32
      %dma_wait3A_222 = arith.constant 0 : i32
      %dma_wait3A_223 = tpu.memref_slice %arg2[%dma_wait3A_221, %dma_wait3A_222] : memref<10000x32xf32, #tpu.memory_space<hbm>> -> memref<10000x32xf32, #tpu.memory_space<hbm>>
      tpu.wait_indirect_dma semaphore(%arg17 : memref<!tpu.dma_semaphore, #tpu.memory_space<semaphore_mem>>) src(%dma_wait3A_223 : memref<10000x32xf32, #tpu.memory_space<hbm>>) dst(%arg11 : memref<128x32xf32, #tpu.memory_space<vmem>>)
      %add3A_224 = arith.constant 2 : i32
      %add3A_225 = arith.addi %mul3A_183, %add3A_224 : i32
      %dma_start3A_226 = arith.constant 0 : i32
      %dma_start3A_227 = tpu.memref_slice %arg8[%add3A_225, %dma_start3A_226] : memref<80x128xi32, #tpu.memory_space<vmem>> -> memref<1x128xi32, #tpu.memory_space<vmem>>
      %dma_start3A_228 = tpu.memref_squeeze %dma_start3A_227 : memref<1x128xi32, #tpu.memory_space<vmem>> -> memref<128xi32, #tpu.memory_space<vmem>>
      %dma_start3A_229 = arith.constant 0 : i32
      %dma_start3A_230 = arith.constant 0 : i32
      %dma_start3A_231 = tpu.memref_slice %arg14[%dma_start3A_229, %dma_start3A_230] : memref<10240x32xf32, #tpu.memory_space<vmem_shared>> -> memref<10240x32xf32, #tpu.memory_space<vmem_shared>>
      tpu.enqueue_indirect_dma source(%arg11 : memref<128x32xf32, #tpu.memory_space<vmem>>) target(%dma_start3A_231 : memref<10240x32xf32, #tpu.memory_space<vmem_shared>>) offsets(%dma_start3A_228 : memref<128xi32, #tpu.memory_space<vmem>>) semaphore(%arg21 : memref<!tpu.dma_semaphore, #tpu.memory_space<semaphore_mem>>) {add = true}
      %add3A_232 = arith.constant 3 : i32
      %add3A_233 = arith.addi %mul3A_183, %add3A_232 : i32
      %dma_wait3A_234 = arith.constant 0 : i32
      %dma_wait3A_235 = tpu.memref_slice %arg7[%add3A_233, %dma_wait3A_234] : memref<80x128xi32, #tpu.memory_space<vmem>> -> memref<1x128xi32, #tpu.memory_space<vmem>>
      %dma_wait3A_236 = tpu.memref_squeeze %dma_wait3A_235 : memref<1x128xi32, #tpu.memory_space<vmem>> -> memref<128xi32, #tpu.memory_space<vmem>>
      %dma_wait3A_237 = arith.constant 0 : i32
      %dma_wait3A_238 = arith.constant 0 : i32
      %dma_wait3A_239 = tpu.memref_slice %arg2[%dma_wait3A_237, %dma_wait3A_238] : memref<10000x32xf32, #tpu.memory_space<hbm>> -> memref<10000x32xf32, #tpu.memory_space<hbm>>
      tpu.wait_indirect_dma semaphore(%arg18 : memref<!tpu.dma_semaphore, #tpu.memory_space<semaphore_mem>>) src(%dma_wait3A_239 : memref<10000x32xf32, #tpu.memory_space<hbm>>) dst(%arg12 : memref<128x32xf32, #tpu.memory_space<vmem>>)
      %add3A_240 = arith.constant 3 : i32
      %add3A_241 = arith.addi %mul3A_183, %add3A_240 : i32
      %dma_start3A_242 = arith.constant 0 : i32
      %dma_start3A_243 = tpu.memref_slice %arg8[%add3A_241, %dma_start3A_242] : memref<80x128xi32, #tpu.memory_space<vmem>> -> memref<1x128xi32, #tpu.memory_space<vmem>>
      %dma_start3A_244 = tpu.memref_squeeze %dma_start3A_243 : memref<1x128xi32, #tpu.memory_space<vmem>> -> memref<128xi32, #tpu.memory_space<vmem>>
      %dma_start3A_245 = arith.constant 0 : i32
      %dma_start3A_246 = arith.constant 0 : i32
      %dma_start3A_247 = tpu.memref_slice %arg14[%dma_start3A_245, %dma_start3A_246] : memref<10240x32xf32, #tpu.memory_space<vmem_shared>> -> memref<10240x32xf32, #tpu.memory_space<vmem_shared>>
      tpu.enqueue_indirect_dma source(%arg12 : memref<128x32xf32, #tpu.memory_space<vmem>>) target(%dma_start3A_247 : memref<10240x32xf32, #tpu.memory_space<vmem_shared>>) offsets(%dma_start3A_244 : memref<128xi32, #tpu.memory_space<vmem>>) semaphore(%arg22 : memref<!tpu.dma_semaphore, #tpu.memory_space<semaphore_mem>>) {add = true}
      %add3A_248 = arith.constant 0 : i32
      %add3A_249 = arith.addi %mul3A_183, %add3A_248 : i32
      %dma_wait3A_250 = arith.constant 0 : i32
      %dma_wait3A_251 = tpu.memref_slice %arg8[%add3A_249, %dma_wait3A_250] : memref<80x128xi32, #tpu.memory_space<vmem>> -> memref<1x128xi32, #tpu.memory_space<vmem>>
      %dma_wait3A_252 = tpu.memref_squeeze %dma_wait3A_251 : memref<1x128xi32, #tpu.memory_space<vmem>> -> memref<128xi32, #tpu.memory_space<vmem>>
      %dma_wait3A_253 = arith.constant 0 : i32
      %dma_wait3A_254 = arith.constant 0 : i32
      %dma_wait3A_255 = tpu.memref_slice %arg14[%dma_wait3A_253, %dma_wait3A_254] : memref<10240x32xf32, #tpu.memory_space<vmem_shared>> -> memref<10240x32xf32, #tpu.memory_space<vmem_shared>>
      tpu.wait_indirect_dma semaphore(%arg19 : memref<!tpu.dma_semaphore, #tpu.memory_space<semaphore_mem>>) src(%arg9 : memref<128x32xf32, #tpu.memory_space<vmem>>) dst(%dma_wait3A_255 : memref<10240x32xf32, #tpu.memory_space<vmem_shared>>)
      %add3A_256 = arith.constant 4 : i32
      %add3A_257 = arith.addi %mul3A_183, %add3A_256 : i32
      %add3A_258 = arith.constant 0 : i32
      %add3A_259 = arith.addi %add3A_257, %add3A_258 : i32
      %dma_start3A_260 = arith.constant 0 : i32
      %dma_start3A_261 = tpu.memref_slice %arg7[%add3A_259, %dma_start3A_260] : memref<80x128xi32, #tpu.memory_space<vmem>> -> memref<1x128xi32, #tpu.memory_space<vmem>>
      %dma_start3A_262 = tpu.memref_squeeze %dma_start3A_261 : memref<1x128xi32, #tpu.memory_space<vmem>> -> memref<128xi32, #tpu.memory_space<vmem>>
      %dma_start3A_263 = arith.constant 0 : i32
      %dma_start3A_264 = arith.constant 0 : i32
      %dma_start3A_265 = tpu.memref_slice %arg2[%dma_start3A_263, %dma_start3A_264] : memref<10000x32xf32, #tpu.memory_space<hbm>> -> memref<10000x32xf32, #tpu.memory_space<hbm>>
      tpu.enqueue_indirect_dma source(%dma_start3A_265 : memref<10000x32xf32, #tpu.memory_space<hbm>>) target(%arg9 : memref<128x32xf32, #tpu.memory_space<vmem>>) offsets(%dma_start3A_262 : memref<128xi32, #tpu.memory_space<vmem>>) semaphore(%arg15 : memref<!tpu.dma_semaphore, #tpu.memory_space<semaphore_mem>>)
      %add3A_266 = arith.constant 1 : i32
      %add3A_267 = arith.addi %mul3A_183, %add3A_266 : i32
      %dma_wait3A_268 = arith.constant 0 : i32
      %dma_wait3A_269 = tpu.memref_slice %arg8[%add3A_267, %dma_wait3A_268] : memref<80x128xi32, #tpu.memory_space<vmem>> -> memref<1x128xi32, #tpu.memory_space<vmem>>
      %dma_wait3A_270 = tpu.memref_squeeze %dma_wait3A_269 : memref<1x128xi32, #tpu.memory_space<vmem>> -> memref<128xi32, #tpu.memory_space<vmem>>
      %dma_wait3A_271 = arith.constant 0 : i32
      %dma_wait3A_272 = arith.constant 0 : i32
      %dma_wait3A_273 = tpu.memref_slice %arg14[%dma_wait3A_271, %dma_wait3A_272] : memref<10240x32xf32, #tpu.memory_space<vmem_shared>> -> memref<10240x32xf32, #tpu.memory_space<vmem_shared>>
      tpu.wait_indirect_dma semaphore(%arg20 : memref<!tpu.dma_semaphore, #tpu.memory_space<semaphore_mem>>) src(%arg10 : memref<128x32xf32, #tpu.memory_space<vmem>>) dst(%dma_wait3A_273 : memref<10240x32xf32, #tpu.memory_space<vmem_shared>>)
      %add3A_274 = arith.constant 4 : i32
      %add3A_275 = arith.addi %mul3A_183, %add3A_274 : i32
      %add3A_276 = arith.constant 1 : i32
      %add3A_277 = arith.addi %add3A_275, %add3A_276 : i32
      %dma_start3A_278 = arith.constant 0 : i32
      %dma_start3A_279 = tpu.memref_slice %arg7[%add3A_277, %dma_start3A_278] : memref<80x128xi32, #tpu.memory_space<vmem>> -> memref<1x128xi32, #tpu.memory_space<vmem>>
      %dma_start3A_280 = tpu.memref_squeeze %dma_start3A_279 : memref<1x128xi32, #tpu.memory_space<vmem>> -> memref<128xi32, #tpu.memory_space<vmem>>
      %dma_start3A_281 = arith.constant 0 : i32
      %dma_start3A_282 = arith.constant 0 : i32
      %dma_start3A_283 = tpu.memref_slice %arg2[%dma_start3A_281, %dma_start3A_282] : memref<10000x32xf32, #tpu.memory_space<hbm>> -> memref<10000x32xf32, #tpu.memory_space<hbm>>
      tpu.enqueue_indirect_dma source(%dma_start3A_283 : memref<10000x32xf32, #tpu.memory_space<hbm>>) target(%arg10 : memref<128x32xf32, #tpu.memory_space<vmem>>) offsets(%dma_start3A_280 : memref<128xi32, #tpu.memory_space<vmem>>) semaphore(%arg16 : memref<!tpu.dma_semaphore, #tpu.memory_space<semaphore_mem>>)
      %add3A_284 = arith.constant 2 : i32
      %add3A_285 = arith.addi %mul3A_183, %add3A_284 : i32
      %dma_wait3A_286 = arith.constant 0 : i32
      %dma_wait3A_287 = tpu.memref_slice %arg8[%add3A_285, %dma_wait3A_286] : memref<80x128xi32, #tpu.memory_space<vmem>> -> memref<1x128xi32, #tpu.memory_space<vmem>>
      %dma_wait3A_288 = tpu.memref_squeeze %dma_wait3A_287 : memref<1x128xi32, #tpu.memory_space<vmem>> -> memref<128xi32, #tpu.memory_space<vmem>>
      %dma_wait3A_289 = arith.constant 0 : i32
      %dma_wait3A_290 = arith.constant 0 : i32
      %dma_wait3A_291 = tpu.memref_slice %arg14[%dma_wait3A_289, %dma_wait3A_290] : memref<10240x32xf32, #tpu.memory_space<vmem_shared>> -> memref<10240x32xf32, #tpu.memory_space<vmem_shared>>
      tpu.wait_indirect_dma semaphore(%arg21 : memref<!tpu.dma_semaphore, #tpu.memory_space<semaphore_mem>>) src(%arg11 : memref<128x32xf32, #tpu.memory_space<vmem>>) dst(%dma_wait3A_291 : memref<10240x32xf32, #tpu.memory_space<vmem_shared>>)
      %add3A_292 = arith.constant 4 : i32
      %add3A_293 = arith.addi %mul3A_183, %add3A_292 : i32
      %add3A_294 = arith.constant 2 : i32
      %add3A_295 = arith.addi %add3A_293, %add3A_294 : i32
      %dma_start3A_296 = arith.constant 0 : i32
      %dma_start3A_297 = tpu.memref_slice %arg7[%add3A_295, %dma_start3A_296] : memref<80x128xi32, #tpu.memory_space<vmem>> -> memref<1x128xi32, #tpu.memory_space<vmem>>
      %dma_start3A_298 = tpu.memref_squeeze %dma_start3A_297 : memref<1x128xi32, #tpu.memory_space<vmem>> -> memref<128xi32, #tpu.memory_space<vmem>>
      %dma_start3A_299 = arith.constant 0 : i32
      %dma_start3A_300 = arith.constant 0 : i32
      %dma_start3A_301 = tpu.memref_slice %arg2[%dma_start3A_299, %dma_start3A_300] : memref<10000x32xf32, #tpu.memory_space<hbm>> -> memref<10000x32xf32, #tpu.memory_space<hbm>>
      tpu.enqueue_indirect_dma source(%dma_start3A_301 : memref<10000x32xf32, #tpu.memory_space<hbm>>) target(%arg11 : memref<128x32xf32, #tpu.memory_space<vmem>>) offsets(%dma_start3A_298 : memref<128xi32, #tpu.memory_space<vmem>>) semaphore(%arg17 : memref<!tpu.dma_semaphore, #tpu.memory_space<semaphore_mem>>)
      %add3A_302 = arith.constant 3 : i32
      %add3A_303 = arith.addi %mul3A_183, %add3A_302 : i32
      %dma_wait3A_304 = arith.constant 0 : i32
      %dma_wait3A_305 = tpu.memref_slice %arg8[%add3A_303, %dma_wait3A_304] : memref<80x128xi32, #tpu.memory_space<vmem>> -> memref<1x128xi32, #tpu.memory_space<vmem>>
      %dma_wait3A_306 = tpu.memref_squeeze %dma_wait3A_305 : memref<1x128xi32, #tpu.memory_space<vmem>> -> memref<128xi32, #tpu.memory_space<vmem>>
      %dma_wait3A_307 = arith.constant 0 : i32
      %dma_wait3A_308 = arith.constant 0 : i32
      %dma_wait3A_309 = tpu.memref_slice %arg14[%dma_wait3A_307, %dma_wait3A_308] : memref<10240x32xf32, #tpu.memory_space<vmem_shared>> -> memref<10240x32xf32, #tpu.memory_space<vmem_shared>>
      tpu.wait_indirect_dma semaphore(%arg22 : memref<!tpu.dma_semaphore, #tpu.memory_space<semaphore_mem>>) src(%arg12 : memref<128x32xf32, #tpu.memory_space<vmem>>) dst(%dma_wait3A_309 : memref<10240x32xf32, #tpu.memory_space<vmem_shared>>)
      %add3A_310 = arith.constant 4 : i32
      %add3A_311 = arith.addi %mul3A_183, %add3A_310 : i32
      %add3A_312 = arith.constant 3 : i32
      %add3A_313 = arith.addi %add3A_311, %add3A_312 : i32
      %dma_start3A_314 = arith.constant 0 : i32
      %dma_start3A_315 = tpu.memref_slice %arg7[%add3A_313, %dma_start3A_314] : memref<80x128xi32, #tpu.memory_space<vmem>> -> memref<1x128xi32, #tpu.memory_space<vmem>>
      %dma_start3A_316 = tpu.memref_squeeze %dma_start3A_315 : memref<1x128xi32, #tpu.memory_space<vmem>> -> memref<128xi32, #tpu.memory_space<vmem>>
      %dma_start3A_317 = arith.constant 0 : i32
      %dma_start3A_318 = arith.constant 0 : i32
      %dma_start3A_319 = tpu.memref_slice %arg2[%dma_start3A_317, %dma_start3A_318] : memref<10000x32xf32, #tpu.memory_space<hbm>> -> memref<10000x32xf32, #tpu.memory_space<hbm>>
      tpu.enqueue_indirect_dma source(%dma_start3A_319 : memref<10000x32xf32, #tpu.memory_space<hbm>>) target(%arg12 : memref<128x32xf32, #tpu.memory_space<vmem>>) offsets(%dma_start3A_316 : memref<128xi32, #tpu.memory_space<vmem>>) semaphore(%arg18 : memref<!tpu.dma_semaphore, #tpu.memory_space<semaphore_mem>>)
    }
    %scan3A_75 = arith.constant 19 : i32
    %dma_wait3A_76 = arith.constant 76 : i32
    %dma_wait3A_77 = arith.constant 0 : i32
    %dma_wait3A_78 = tpu.memref_slice %arg7[%dma_wait3A_76, %dma_wait3A_77] : memref<80x128xi32, #tpu.memory_space<vmem>> -> memref<1x128xi32, #tpu.memory_space<vmem>>
    %dma_wait3A_79 = tpu.memref_squeeze %dma_wait3A_78 : memref<1x128xi32, #tpu.memory_space<vmem>> -> memref<128xi32, #tpu.memory_space<vmem>>
    %dma_wait3A_80 = arith.constant 0 : i32
    %dma_wait3A_81 = arith.constant 0 : i32
    %dma_wait3A_82 = tpu.memref_slice %arg2[%dma_wait3A_80, %dma_wait3A_81] : memref<10000x32xf32, #tpu.memory_space<hbm>> -> memref<10000x32xf32, #tpu.memory_space<hbm>>
    tpu.wait_indirect_dma semaphore(%arg15 : memref<!tpu.dma_semaphore, #tpu.memory_space<semaphore_mem>>) src(%dma_wait3A_82 : memref<10000x32xf32, #tpu.memory_space<hbm>>) dst(%arg9 : memref<128x32xf32, #tpu.memory_space<vmem>>)
    %dma_start3A_83 = arith.constant 76 : i32
    %dma_start3A_84 = arith.constant 0 : i32
    %dma_start3A_85 = tpu.memref_slice %arg8[%dma_start3A_83, %dma_start3A_84] : memref<80x128xi32, #tpu.memory_space<vmem>> -> memref<1x128xi32, #tpu.memory_space<vmem>>
    %dma_start3A_86 = tpu.memref_squeeze %dma_start3A_85 : memref<1x128xi32, #tpu.memory_space<vmem>> -> memref<128xi32, #tpu.memory_space<vmem>>
    %dma_start3A_87 = arith.constant 0 : i32
    %dma_start3A_88 = arith.constant 0 : i32
    %dma_start3A_89 = tpu.memref_slice %arg14[%dma_start3A_87, %dma_start3A_88] : memref<10240x32xf32, #tpu.memory_space<vmem_shared>> -> memref<10240x32xf32, #tpu.memory_space<vmem_shared>>
    tpu.enqueue_indirect_dma source(%arg9 : memref<128x32xf32, #tpu.memory_space<vmem>>) target(%dma_start3A_89 : memref<10240x32xf32, #tpu.memory_space<vmem_shared>>) offsets(%dma_start3A_86 : memref<128xi32, #tpu.memory_space<vmem>>) semaphore(%arg19 : memref<!tpu.dma_semaphore, #tpu.memory_space<semaphore_mem>>) {add = true}
    %dma_wait3A_90 = arith.constant 77 : i32
    %dma_wait3A_91 = arith.constant 0 : i32
    %dma_wait3A_92 = tpu.memref_slice %arg7[%dma_wait3A_90, %dma_wait3A_91] : memref<80x128xi32, #tpu.memory_space<vmem>> -> memref<1x128xi32, #tpu.memory_space<vmem>>
    %dma_wait3A_93 = tpu.memref_squeeze %dma_wait3A_92 : memref<1x128xi32, #tpu.memory_space<vmem>> -> memref<128xi32, #tpu.memory_space<vmem>>
    %dma_wait3A_94 = arith.constant 0 : i32
    %dma_wait3A_95 = arith.constant 0 : i32
    %dma_wait3A_96 = tpu.memref_slice %arg2[%dma_wait3A_94, %dma_wait3A_95] : memref<10000x32xf32, #tpu.memory_space<hbm>> -> memref<10000x32xf32, #tpu.memory_space<hbm>>
    tpu.wait_indirect_dma semaphore(%arg16 : memref<!tpu.dma_semaphore, #tpu.memory_space<semaphore_mem>>) src(%dma_wait3A_96 : memref<10000x32xf32, #tpu.memory_space<hbm>>) dst(%arg10 : memref<128x32xf32, #tpu.memory_space<vmem>>)
    %dma_start3A_97 = arith.constant 77 : i32
    %dma_start3A_98 = arith.constant 0 : i32
    %dma_start3A_99 = tpu.memref_slice %arg8[%dma_start3A_97, %dma_start3A_98] : memref<80x128xi32, #tpu.memory_space<vmem>> -> memref<1x128xi32, #tpu.memory_space<vmem>>
    %dma_start3A_100 = tpu.memref_squeeze %dma_start3A_99 : memref<1x128xi32, #tpu.memory_space<vmem>> -> memref<128xi32, #tpu.memory_space<vmem>>
    %dma_start3A_101 = arith.constant 0 : i32
    %dma_start3A_102 = arith.constant 0 : i32
    %dma_start3A_103 = tpu.memref_slice %arg14[%dma_start3A_101, %dma_start3A_102] : memref<10240x32xf32, #tpu.memory_space<vmem_shared>> -> memref<10240x32xf32, #tpu.memory_space<vmem_shared>>
    tpu.enqueue_indirect_dma source(%arg10 : memref<128x32xf32, #tpu.memory_space<vmem>>) target(%dma_start3A_103 : memref<10240x32xf32, #tpu.memory_space<vmem_shared>>) offsets(%dma_start3A_100 : memref<128xi32, #tpu.memory_space<vmem>>) semaphore(%arg20 : memref<!tpu.dma_semaphore, #tpu.memory_space<semaphore_mem>>) {add = true}
    %dma_wait3A_104 = arith.constant 78 : i32
    %dma_wait3A_105 = arith.constant 0 : i32
    %dma_wait3A_106 = tpu.memref_slice %arg7[%dma_wait3A_104, %dma_wait3A_105] : memref<80x128xi32, #tpu.memory_space<vmem>> -> memref<1x128xi32, #tpu.memory_space<vmem>>
    %dma_wait3A_107 = tpu.memref_squeeze %dma_wait3A_106 : memref<1x128xi32, #tpu.memory_space<vmem>> -> memref<128xi32, #tpu.memory_space<vmem>>
    %dma_wait3A_108 = arith.constant 0 : i32
    %dma_wait3A_109 = arith.constant 0 : i32
    %dma_wait3A_110 = tpu.memref_slice %arg2[%dma_wait3A_108, %dma_wait3A_109] : memref<10000x32xf32, #tpu.memory_space<hbm>> -> memref<10000x32xf32, #tpu.memory_space<hbm>>
    tpu.wait_indirect_dma semaphore(%arg17 : memref<!tpu.dma_semaphore, #tpu.memory_space<semaphore_mem>>) src(%dma_wait3A_110 : memref<10000x32xf32, #tpu.memory_space<hbm>>) dst(%arg11 : memref<128x32xf32, #tpu.memory_space<vmem>>)
    %dma_start3A_111 = arith.constant 78 : i32
    %dma_start3A_112 = arith.constant 0 : i32
    %dma_start3A_113 = tpu.memref_slice %arg8[%dma_start3A_111, %dma_start3A_112] : memref<80x128xi32, #tpu.memory_space<vmem>> -> memref<1x128xi32, #tpu.memory_space<vmem>>
    %dma_start3A_114 = tpu.memref_squeeze %dma_start3A_113 : memref<1x128xi32, #tpu.memory_space<vmem>> -> memref<128xi32, #tpu.memory_space<vmem>>
    %dma_start3A_115 = arith.constant 0 : i32
    %dma_start3A_116 = arith.constant 0 : i32
    %dma_start3A_117 = tpu.memref_slice %arg14[%dma_start3A_115, %dma_start3A_116] : memref<10240x32xf32, #tpu.memory_space<vmem_shared>> -> memref<10240x32xf32, #tpu.memory_space<vmem_shared>>
    tpu.enqueue_indirect_dma source(%arg11 : memref<128x32xf32, #tpu.memory_space<vmem>>) target(%dma_start3A_117 : memref<10240x32xf32, #tpu.memory_space<vmem_shared>>) offsets(%dma_start3A_114 : memref<128xi32, #tpu.memory_space<vmem>>) semaphore(%arg21 : memref<!tpu.dma_semaphore, #tpu.memory_space<semaphore_mem>>) {add = true}
    %dma_wait3A_118 = arith.constant 79 : i32
    %dma_wait3A_119 = arith.constant 0 : i32
    %dma_wait3A_120 = tpu.memref_slice %arg7[%dma_wait3A_118, %dma_wait3A_119] : memref<80x128xi32, #tpu.memory_space<vmem>> -> memref<1x128xi32, #tpu.memory_space<vmem>>
    %dma_wait3A_121 = tpu.memref_squeeze %dma_wait3A_120 : memref<1x128xi32, #tpu.memory_space<vmem>> -> memref<128xi32, #tpu.memory_space<vmem>>
    %dma_wait3A_122 = arith.constant 0 : i32
    %dma_wait3A_123 = arith.constant 0 : i32
    %dma_wait3A_124 = tpu.memref_slice %arg2[%dma_wait3A_122, %dma_wait3A_123] : memref<10000x32xf32, #tpu.memory_space<hbm>> -> memref<10000x32xf32, #tpu.memory_space<hbm>>
    tpu.wait_indirect_dma semaphore(%arg18 : memref<!tpu.dma_semaphore, #tpu.memory_space<semaphore_mem>>) src(%dma_wait3A_124 : memref<10000x32xf32, #tpu.memory_space<hbm>>) dst(%arg12 : memref<128x32xf32, #tpu.memory_space<vmem>>)
    %dma_start3A_125 = arith.constant 79 : i32
    %dma_start3A_126 = arith.constant 0 : i32
    %dma_start3A_127 = tpu.memref_slice %arg8[%dma_start3A_125, %dma_start3A_126] : memref<80x128xi32, #tpu.memory_space<vmem>> -> memref<1x128xi32, #tpu.memory_space<vmem>>
    %dma_start3A_128 = tpu.memref_squeeze %dma_start3A_127 : memref<1x128xi32, #tpu.memory_space<vmem>> -> memref<128xi32, #tpu.memory_space<vmem>>
    %dma_start3A_129 = arith.constant 0 : i32
    %dma_start3A_130 = arith.constant 0 : i32
    %dma_start3A_131 = tpu.memref_slice %arg14[%dma_start3A_129, %dma_start3A_130] : memref<10240x32xf32, #tpu.memory_space<vmem_shared>> -> memref<10240x32xf32, #tpu.memory_space<vmem_shared>>
    tpu.enqueue_indirect_dma source(%arg12 : memref<128x32xf32, #tpu.memory_space<vmem>>) target(%dma_start3A_131 : memref<10240x32xf32, #tpu.memory_space<vmem_shared>>) offsets(%dma_start3A_128 : memref<128xi32, #tpu.memory_space<vmem>>) semaphore(%arg22 : memref<!tpu.dma_semaphore, #tpu.memory_space<semaphore_mem>>) {add = true}
    %dma_wait3A_132 = arith.constant 76 : i32
    %dma_wait3A_133 = arith.constant 0 : i32
    %dma_wait3A_134 = tpu.memref_slice %arg8[%dma_wait3A_132, %dma_wait3A_133] : memref<80x128xi32, #tpu.memory_space<vmem>> -> memref<1x128xi32, #tpu.memory_space<vmem>>
    %dma_wait3A_135 = tpu.memref_squeeze %dma_wait3A_134 : memref<1x128xi32, #tpu.memory_space<vmem>> -> memref<128xi32, #tpu.memory_space<vmem>>
    %dma_wait3A_136 = arith.constant 0 : i32
    %dma_wait3A_137 = arith.constant 0 : i32
    %dma_wait3A_138 = tpu.memref_slice %arg14[%dma_wait3A_136, %dma_wait3A_137] : memref<10240x32xf32, #tpu.memory_space<vmem_shared>> -> memref<10240x32xf32, #tpu.memory_space<vmem_shared>>
    tpu.wait_indirect_dma semaphore(%arg19 : memref<!tpu.dma_semaphore, #tpu.memory_space<semaphore_mem>>) src(%arg9 : memref<128x32xf32, #tpu.memory_space<vmem>>) dst(%dma_wait3A_138 : memref<10240x32xf32, #tpu.memory_space<vmem_shared>>)
    %dma_wait3A_139 = arith.constant 77 : i32
    %dma_wait3A_140 = arith.constant 0 : i32
    %dma_wait3A_141 = tpu.memref_slice %arg8[%dma_wait3A_139, %dma_wait3A_140] : memref<80x128xi32, #tpu.memory_space<vmem>> -> memref<1x128xi32, #tpu.memory_space<vmem>>
    %dma_wait3A_142 = tpu.memref_squeeze %dma_wait3A_141 : memref<1x128xi32, #tpu.memory_space<vmem>> -> memref<128xi32, #tpu.memory_space<vmem>>
    %dma_wait3A_143 = arith.constant 0 : i32
    %dma_wait3A_144 = arith.constant 0 : i32
    %dma_wait3A_145 = tpu.memref_slice %arg14[%dma_wait3A_143, %dma_wait3A_144] : memref<10240x32xf32, #tpu.memory_space<vmem_shared>> -> memref<10240x32xf32, #tpu.memory_space<vmem_shared>>
    tpu.wait_indirect_dma semaphore(%arg20 : memref<!tpu.dma_semaphore, #tpu.memory_space<semaphore_mem>>) src(%arg10 : memref<128x32xf32, #tpu.memory_space<vmem>>) dst(%dma_wait3A_145 : memref<10240x32xf32, #tpu.memory_space<vmem_shared>>)
    %dma_wait3A_146 = arith.constant 78 : i32
    %dma_wait3A_147 = arith.constant 0 : i32
    %dma_wait3A_148 = tpu.memref_slice %arg8[%dma_wait3A_146, %dma_wait3A_147] : memref<80x128xi32, #tpu.memory_space<vmem>> -> memref<1x128xi32, #tpu.memory_space<vmem>>
    %dma_wait3A_149 = tpu.memref_squeeze %dma_wait3A_148 : memref<1x128xi32, #tpu.memory_space<vmem>> -> memref<128xi32, #tpu.memory_space<vmem>>
    %dma_wait3A_150 = arith.constant 0 : i32
    %dma_wait3A_151 = arith.constant 0 : i32
    %dma_wait3A_152 = tpu.memref_slice %arg14[%dma_wait3A_150, %dma_wait3A_151] : memref<10240x32xf32, #tpu.memory_space<vmem_shared>> -> memref<10240x32xf32, #tpu.memory_space<vmem_shared>>
    tpu.wait_indirect_dma semaphore(%arg21 : memref<!tpu.dma_semaphore, #tpu.memory_space<semaphore_mem>>) src(%arg11 : memref<128x32xf32, #tpu.memory_space<vmem>>) dst(%dma_wait3A_152 : memref<10240x32xf32, #tpu.memory_space<vmem_shared>>)
    %dma_wait3A_153 = arith.constant 79 : i32
    %dma_wait3A_154 = arith.constant 0 : i32
    %dma_wait3A_155 = tpu.memref_slice %arg8[%dma_wait3A_153, %dma_wait3A_154] : memref<80x128xi32, #tpu.memory_space<vmem>> -> memref<1x128xi32, #tpu.memory_space<vmem>>
    %dma_wait3A_156 = tpu.memref_squeeze %dma_wait3A_155 : memref<1x128xi32, #tpu.memory_space<vmem>> -> memref<128xi32, #tpu.memory_space<vmem>>
    %dma_wait3A_157 = arith.constant 0 : i32
    %dma_wait3A_158 = arith.constant 0 : i32
    %dma_wait3A_159 = tpu.memref_slice %arg14[%dma_wait3A_157, %dma_wait3A_158] : memref<10240x32xf32, #tpu.memory_space<vmem_shared>> -> memref<10240x32xf32, #tpu.memory_space<vmem_shared>>
    tpu.wait_indirect_dma semaphore(%arg22 : memref<!tpu.dma_semaphore, #tpu.memory_space<semaphore_mem>>) src(%arg12 : memref<128x32xf32, #tpu.memory_space<vmem>>) dst(%dma_wait3A_159 : memref<10240x32xf32, #tpu.memory_space<vmem_shared>>)
    %barrier3A_160 = arith.constant 0 : index
    tpu.barrier barrier_id(%barrier3A_160)
    %add3A_161 = arith.constant 0 : i32
    %add3A_162 = arith.addi %mul3A_2, %add3A_161 : i32
    %add3A_163 = arith.constant 0 : i32
    %add3A_164 = arith.addi %mul3A_2, %add3A_163 : i32
    "tpu.region"() ({
      %run_scoped3A = tpu.sem_alloc : memref<!tpu.dma_semaphore, #tpu.memory_space<semaphore_mem>>
      %dma_start3A_181 = arith.constant 0 : i32
      %dma_start3A_182 = tpu.memref_slice %arg6[%arg0, %add3A_164, %dma_start3A_181] : memref<2x10240x128xf32, #tpu.memory_space<hbm>> -> memref<1x128x32xf32, #tpu.memory_space<hbm>>
      %dma_start3A_183 = tpu.memref_squeeze %dma_start3A_182 : memref<1x128x32xf32, #tpu.memory_space<hbm>> -> memref<128x32xf32, #tpu.memory_space<hbm>>
      %dma_start3A_184 = arith.constant 0 : i32
      %dma_start3A_185 = tpu.memref_slice %arg14[%add3A_162, %dma_start3A_184] : memref<10240x32xf32, #tpu.memory_space<vmem_shared>> -> memref<128x32xf32, #tpu.memory_space<vmem_shared>>
      tpu.enqueue_dma source(%dma_start3A_185 : memref<128x32xf32, #tpu.memory_space<vmem_shared>>) target(%dma_start3A_183 : memref<128x32xf32, #tpu.memory_space<hbm>>) target_semaphore(%run_scoped3A : memref<!tpu.dma_semaphore, #tpu.memory_space<semaphore_mem>>)
      %dma_wait3A_186 = arith.constant 0 : i32
      %dma_wait3A_187 = tpu.memref_slice %arg6[%arg0, %add3A_164, %dma_wait3A_186] : memref<2x10240x128xf32, #tpu.memory_space<hbm>> -> memref<1x128x32xf32, #tpu.memory_space<hbm>>
      %dma_wait3A_188 = tpu.memref_squeeze %dma_wait3A_187 : memref<1x128x32xf32, #tpu.memory_space<hbm>> -> memref<128x32xf32, #tpu.memory_space<hbm>>
      %dma_wait3A_189 = arith.constant 0 : i32
      %dma_wait3A_190 = tpu.memref_slice %arg14[%add3A_162, %dma_wait3A_189] : memref<10240x32xf32, #tpu.memory_space<vmem_shared>> -> memref<128x32xf32, #tpu.memory_space<vmem_shared>>
      tpu.wait_dma2 semaphore(%run_scoped3A : memref<!tpu.dma_semaphore, #tpu.memory_space<semaphore_mem>>) src(%dma_wait3A_190 : memref<128x32xf32, #tpu.memory_space<vmem_shared>>) dst(%dma_wait3A_188 : memref<128x32xf32, #tpu.memory_space<hbm>>)
      tpu.yield
    }) : () -> ()
    %add3A_165 = arith.constant 128 : i32
    %add3A_166 = arith.addi %mul3A_2, %add3A_165 : i32
    %add3A_167 = arith.constant 128 : i32
    %add3A_168 = arith.addi %mul3A_2, %add3A_167 : i32
    "tpu.region"() ({
      %run_scoped3A = tpu.sem_alloc : memref<!tpu.dma_semaphore, #tpu.memory_space<semaphore_mem>>
      %dma_start3A_181 = arith.constant 0 : i32
      %dma_start3A_182 = tpu.memref_slice %arg6[%arg0, %add3A_168, %dma_start3A_181] : memref<2x10240x128xf32, #tpu.memory_space<hbm>> -> memref<1x128x32xf32, #tpu.memory_space<hbm>>
      %dma_start3A_183 = tpu.memref_squeeze %dma_start3A_182 : memref<1x128x32xf32, #tpu.memory_space<hbm>> -> memref<128x32xf32, #tpu.memory_space<hbm>>
      %dma_start3A_184 = arith.constant 0 : i32
      %dma_start3A_185 = tpu.memref_slice %arg14[%add3A_166, %dma_start3A_184] : memref<10240x32xf32, #tpu.memory_space<vmem_shared>> -> memref<128x32xf32, #tpu.memory_space<vmem_shared>>
      tpu.enqueue_dma source(%dma_start3A_185 : memref<128x32xf32, #tpu.memory_space<vmem_shared>>) target(%dma_start3A_183 : memref<128x32xf32, #tpu.memory_space<hbm>>) target_semaphore(%run_scoped3A : memref<!tpu.dma_semaphore, #tpu.memory_space<semaphore_mem>>)
      %dma_wait3A_186 = arith.constant 0 : i32
      %dma_wait3A_187 = tpu.memref_slice %arg6[%arg0, %add3A_168, %dma_wait3A_186] : memref<2x10240x128xf32, #tpu.memory_space<hbm>> -> memref<1x128x32xf32, #tpu.memory_space<hbm>>
      %dma_wait3A_188 = tpu.memref_squeeze %dma_wait3A_187 : memref<1x128x32xf32, #tpu.memory_space<hbm>> -> memref<128x32xf32, #tpu.memory_space<hbm>>
      %dma_wait3A_189 = arith.constant 0 : i32
      %dma_wait3A_190 = tpu.memref_slice %arg14[%add3A_166, %dma_wait3A_189] : memref<10240x32xf32, #tpu.memory_space<vmem_shared>> -> memref<128x32xf32, #tpu.memory_space<vmem_shared>>
      tpu.wait_dma2 semaphore(%run_scoped3A : memref<!tpu.dma_semaphore, #tpu.memory_space<semaphore_mem>>) src(%dma_wait3A_190 : memref<128x32xf32, #tpu.memory_space<vmem_shared>>) dst(%dma_wait3A_188 : memref<128x32xf32, #tpu.memory_space<hbm>>)
      tpu.yield
    }) : () -> ()
    %add3A_169 = arith.constant 256 : i32
    %add3A_170 = arith.addi %mul3A_2, %add3A_169 : i32
    %add3A_171 = arith.constant 256 : i32
    %add3A_172 = arith.addi %mul3A_2, %add3A_171 : i32
    "tpu.region"() ({
      %run_scoped3A = tpu.sem_alloc : memref<!tpu.dma_semaphore, #tpu.memory_space<semaphore_mem>>
      %dma_start3A_181 = arith.constant 0 : i32
      %dma_start3A_182 = tpu.memref_slice %arg6[%arg0, %add3A_172, %dma_start3A_181] : memref<2x10240x128xf32, #tpu.memory_space<hbm>> -> memref<1x128x32xf32, #tpu.memory_space<hbm>>
      %dma_start3A_183 = tpu.memref_squeeze %dma_start3A_182 : memref<1x128x32xf32, #tpu.memory_space<hbm>> -> memref<128x32xf32, #tpu.memory_space<hbm>>
      %dma_start3A_184 = arith.constant 0 : i32
      %dma_start3A_185 = tpu.memref_slice %arg14[%add3A_170, %dma_start3A_184] : memref<10240x32xf32, #tpu.memory_space<vmem_shared>> -> memref<128x32xf32, #tpu.memory_space<vmem_shared>>
      tpu.enqueue_dma source(%dma_start3A_185 : memref<128x32xf32, #tpu.memory_space<vmem_shared>>) target(%dma_start3A_183 : memref<128x32xf32, #tpu.memory_space<hbm>>) target_semaphore(%run_scoped3A : memref<!tpu.dma_semaphore, #tpu.memory_space<semaphore_mem>>)
      %dma_wait3A_186 = arith.constant 0 : i32
      %dma_wait3A_187 = tpu.memref_slice %arg6[%arg0, %add3A_172, %dma_wait3A_186] : memref<2x10240x128xf32, #tpu.memory_space<hbm>> -> memref<1x128x32xf32, #tpu.memory_space<hbm>>
      %dma_wait3A_188 = tpu.memref_squeeze %dma_wait3A_187 : memref<1x128x32xf32, #tpu.memory_space<hbm>> -> memref<128x32xf32, #tpu.memory_space<hbm>>
      %dma_wait3A_189 = arith.constant 0 : i32
      %dma_wait3A_190 = tpu.memref_slice %arg14[%add3A_170, %dma_wait3A_189] : memref<10240x32xf32, #tpu.memory_space<vmem_shared>> -> memref<128x32xf32, #tpu.memory_space<vmem_shared>>
      tpu.wait_dma2 semaphore(%run_scoped3A : memref<!tpu.dma_semaphore, #tpu.memory_space<semaphore_mem>>) src(%dma_wait3A_190 : memref<128x32xf32, #tpu.memory_space<vmem_shared>>) dst(%dma_wait3A_188 : memref<128x32xf32, #tpu.memory_space<hbm>>)
      tpu.yield
    }) : () -> ()
    %add3A_173 = arith.constant 384 : i32
    %add3A_174 = arith.addi %mul3A_2, %add3A_173 : i32
    %add3A_175 = arith.constant 384 : i32
    %add3A_176 = arith.addi %mul3A_2, %add3A_175 : i32
    "tpu.region"() ({
      %run_scoped3A = tpu.sem_alloc : memref<!tpu.dma_semaphore, #tpu.memory_space<semaphore_mem>>
      %dma_start3A_181 = arith.constant 0 : i32
      %dma_start3A_182 = tpu.memref_slice %arg6[%arg0, %add3A_176, %dma_start3A_181] : memref<2x10240x128xf32, #tpu.memory_space<hbm>> -> memref<1x128x32xf32, #tpu.memory_space<hbm>>
      %dma_start3A_183 = tpu.memref_squeeze %dma_start3A_182 : memref<1x128x32xf32, #tpu.memory_space<hbm>> -> memref<128x32xf32, #tpu.memory_space<hbm>>
      %dma_start3A_184 = arith.constant 0 : i32
      %dma_start3A_185 = tpu.memref_slice %arg14[%add3A_174, %dma_start3A_184] : memref<10240x32xf32, #tpu.memory_space<vmem_shared>> -> memref<128x32xf32, #tpu.memory_space<vmem_shared>>
      tpu.enqueue_dma source(%dma_start3A_185 : memref<128x32xf32, #tpu.memory_space<vmem_shared>>) target(%dma_start3A_183 : memref<128x32xf32, #tpu.memory_space<hbm>>) target_semaphore(%run_scoped3A : memref<!tpu.dma_semaphore, #tpu.memory_space<semaphore_mem>>)
      %dma_wait3A_186 = arith.constant 0 : i32
      %dma_wait3A_187 = tpu.memref_slice %arg6[%arg0, %add3A_176, %dma_wait3A_186] : memref<2x10240x128xf32, #tpu.memory_space<hbm>> -> memref<1x128x32xf32, #tpu.memory_space<hbm>>
      %dma_wait3A_188 = tpu.memref_squeeze %dma_wait3A_187 : memref<1x128x32xf32, #tpu.memory_space<hbm>> -> memref<128x32xf32, #tpu.memory_space<hbm>>
      %dma_wait3A_189 = arith.constant 0 : i32
      %dma_wait3A_190 = tpu.memref_slice %arg14[%add3A_174, %dma_wait3A_189] : memref<10240x32xf32, #tpu.memory_space<vmem_shared>> -> memref<128x32xf32, #tpu.memory_space<vmem_shared>>
      tpu.wait_dma2 semaphore(%run_scoped3A : memref<!tpu.dma_semaphore, #tpu.memory_space<semaphore_mem>>) src(%dma_wait3A_190 : memref<128x32xf32, #tpu.memory_space<vmem_shared>>) dst(%dma_wait3A_188 : memref<128x32xf32, #tpu.memory_space<hbm>>)
      tpu.yield
    }) : () -> ()
    %add3A_177 = arith.constant 512 : i32
    %add3A_178 = arith.addi %mul3A_2, %add3A_177 : i32
    %add3A_179 = arith.constant 512 : i32
    %add3A_180 = arith.addi %mul3A_2, %add3A_179 : i32
    "tpu.region"() ({
      %run_scoped3A = tpu.sem_alloc : memref<!tpu.dma_semaphore, #tpu.memory_space<semaphore_mem>>
      %dma_start3A_181 = arith.constant 0 : i32
      %dma_start3A_182 = tpu.memref_slice %arg6[%arg0, %add3A_180, %dma_start3A_181] : memref<2x10240x128xf32, #tpu.memory_space<hbm>> -> memref<1x128x32xf32, #tpu.memory_space<hbm>>
      %dma_start3A_183 = tpu.memref_squeeze %dma_start3A_182 : memref<1x128x32xf32, #tpu.memory_space<hbm>> -> memref<128x32xf32, #tpu.memory_space<hbm>>
      %dma_start3A_184 = arith.constant 0 : i32
      %dma_start3A_185 = tpu.memref_slice %arg14[%add3A_178, %dma_start3A_184] : memref<10240x32xf32, #tpu.memory_space<vmem_shared>> -> memref<128x32xf32, #tpu.memory_space<vmem_shared>>
      tpu.enqueue_dma source(%dma_start3A_185 : memref<128x32xf32, #tpu.memory_space<vmem_shared>>) target(%dma_start3A_183 : memref<128x32xf32, #tpu.memory_space<hbm>>) target_semaphore(%run_scoped3A : memref<!tpu.dma_semaphore, #tpu.memory_space<semaphore_mem>>)
      %dma_wait3A_186 = arith.constant 0 : i32
      %dma_wait3A_187 = tpu.memref_slice %arg6[%arg0, %add3A_180, %dma_wait3A_186] : memref<2x10240x128xf32, #tpu.memory_space<hbm>> -> memref<1x128x32xf32, #tpu.memory_space<hbm>>
      %dma_wait3A_188 = tpu.memref_squeeze %dma_wait3A_187 : memref<1x128x32xf32, #tpu.memory_space<hbm>> -> memref<128x32xf32, #tpu.memory_space<hbm>>
      %dma_wait3A_189 = arith.constant 0 : i32
      %dma_wait3A_190 = tpu.memref_slice %arg14[%add3A_178, %dma_wait3A_189] : memref<10240x32xf32, #tpu.memory_space<vmem_shared>> -> memref<128x32xf32, #tpu.memory_space<vmem_shared>>
      tpu.wait_dma2 semaphore(%run_scoped3A : memref<!tpu.dma_semaphore, #tpu.memory_space<semaphore_mem>>) src(%dma_wait3A_190 : memref<128x32xf32, #tpu.memory_space<vmem_shared>>) dst(%dma_wait3A_188 : memref<128x32xf32, #tpu.memory_space<hbm>>)
      tpu.yield
    }) : () -> ()
    return
  }
}

#map = affine_map<(d0, d1) -> (0, 0)>
#map1 = affine_map<(d0, d1) -> (0, 0, 0)>
module attributes {stable_mosaic.version = 14 : i64} {
  func.func @scatter_kernel(%arg0: i32, %arg1: i32, %arg2: memref<10000x64xf32, #tpu.memory_space<hbm>>, %arg3: memref<32x80x128xi32, #tpu.memory_space<hbm>>, %arg4: memref<32x80x128xi32, #tpu.memory_space<hbm>>, %arg5: memref<128x64xf32, #tpu.memory_space<hbm>>, %arg6: memref<2x10240x128xf32, #tpu.memory_space<hbm>>, %arg7: memref<80x128xi32, #tpu.memory_space<vmem>>, %arg8: memref<80x128xi32, #tpu.memory_space<vmem>>, %arg9: memref<128x64xf32, #tpu.memory_space<vmem>>, %arg10: memref<128x64xf32, #tpu.memory_space<vmem>>, %arg11: memref<128x64xf32, #tpu.memory_space<vmem>>, %arg12: memref<128x64xf32, #tpu.memory_space<vmem>>, %arg13: memref<128x64xf32, #tpu.memory_space<vmem>>, %arg14: memref<10240x64xf32, #tpu.memory_space<vmem_shared>>, %arg15: memref<!tpu.dma_semaphore, #tpu.memory_space<semaphore_mem>>, %arg16: memref<!tpu.dma_semaphore, #tpu.memory_space<semaphore_mem>>, %arg17: memref<!tpu.dma_semaphore, #tpu.memory_space<semaphore_mem>>, %arg18: memref<!tpu.dma_semaphore, #tpu.memory_space<semaphore_mem>>, %arg19: memref<!tpu.dma_semaphore, #tpu.memory_space<semaphore_mem>>, %arg20: memref<!tpu.dma_semaphore, #tpu.memory_space<semaphore_mem>>, %arg21: memref<!tpu.dma_semaphore, #tpu.memory_space<semaphore_mem>>, %arg22: memref<!tpu.dma_semaphore, #tpu.memory_space<semaphore_mem>>, %arg23: memref<!tpu.dma_semaphore, #tpu.memory_space<semaphore_mem>>) attributes {dimension_semantics = [#tpu.dimension_semantics<core_parallel>, #tpu.dimension_semantics<subcore_parallel>], iteration_bounds = array<i64: 2, 16>, scalar_prefetch = 0 : i64, scratch_operands = 17 : i64, tpu.core_type = #tpu.core_type<sc_vector_subcore>, window_params = [{transform_indices = #map}, {transform_indices = #map1}, {transform_indices = #map1}, {transform_indices = #map}, {transform_indices = #map1}]} {
    %mul3A = arith.constant 16 : i32
    %mul3A_0 = arith.muli %arg0, %mul3A : i32
    %add3A = arith.addi %mul3A_0, %arg1 : i32
    %mul3A_1 = arith.constant 640 : i32
    %mul3A_2 = arith.muli %arg1, %mul3A_1 : i32
    %dma_start3A = arith.constant 0 : i32
    %dma_start3A_3 = arith.constant 0 : i32
    %dma_start3A_4 = tpu.memref_slice %arg3[%add3A, %dma_start3A, %dma_start3A_3] : memref<32x80x128xi32, #tpu.memory_space<hbm>> -> memref<1x80x128xi32, #tpu.memory_space<hbm>>
    %dma_start3A_5 = tpu.memref_squeeze %dma_start3A_4 : memref<1x80x128xi32, #tpu.memory_space<hbm>> -> memref<80x128xi32, #tpu.memory_space<hbm>>
    %dma_start3A_6 = arith.constant 0 : i32
    %dma_start3A_7 = arith.constant 0 : i32
    %dma_start3A_8 = tpu.memref_slice %arg3[%add3A, %dma_start3A_6, %dma_start3A_7] : memref<32x80x128xi32, #tpu.memory_space<hbm>> -> memref<1x80x128xi32, #tpu.memory_space<hbm>>
    %dma_start3A_9 = tpu.memref_squeeze %dma_start3A_8 : memref<1x80x128xi32, #tpu.memory_space<hbm>> -> memref<80x128xi32, #tpu.memory_space<hbm>>
    tpu.enqueue_dma source(%dma_start3A_9 : memref<80x128xi32, #tpu.memory_space<hbm>>) target(%arg7 : memref<80x128xi32, #tpu.memory_space<vmem>>) target_semaphore(%arg23 : memref<!tpu.dma_semaphore, #tpu.memory_space<semaphore_mem>>)
    %dma_start3A_10 = arith.constant 0 : i32
    %dma_start3A_11 = arith.constant 0 : i32
    %dma_start3A_12 = tpu.memref_slice %arg4[%add3A, %dma_start3A_10, %dma_start3A_11] : memref<32x80x128xi32, #tpu.memory_space<hbm>> -> memref<1x80x128xi32, #tpu.memory_space<hbm>>
    %dma_start3A_13 = tpu.memref_squeeze %dma_start3A_12 : memref<1x80x128xi32, #tpu.memory_space<hbm>> -> memref<80x128xi32, #tpu.memory_space<hbm>>
    %dma_start3A_14 = arith.constant 0 : i32
    %dma_start3A_15 = arith.constant 0 : i32
    %dma_start3A_16 = tpu.memref_slice %arg4[%add3A, %dma_start3A_14, %dma_start3A_15] : memref<32x80x128xi32, #tpu.memory_space<hbm>> -> memref<1x80x128xi32, #tpu.memory_space<hbm>>
    %dma_start3A_17 = tpu.memref_squeeze %dma_start3A_16 : memref<1x80x128xi32, #tpu.memory_space<hbm>> -> memref<80x128xi32, #tpu.memory_space<hbm>>
    tpu.enqueue_dma source(%dma_start3A_17 : memref<80x128xi32, #tpu.memory_space<hbm>>) target(%arg8 : memref<80x128xi32, #tpu.memory_space<vmem>>) target_semaphore(%arg23 : memref<!tpu.dma_semaphore, #tpu.memory_space<semaphore_mem>>)
    "tpu.region"() ({
      %run_scoped3A = tpu.sem_alloc : memref<!tpu.dma_semaphore, #tpu.memory_space<semaphore_mem>>
      tpu.enqueue_dma source(%arg5 : memref<128x64xf32, #tpu.memory_space<hbm>>) target(%arg13 : memref<128x64xf32, #tpu.memory_space<vmem>>) target_semaphore(%run_scoped3A : memref<!tpu.dma_semaphore, #tpu.memory_space<semaphore_mem>>)
      tpu.wait_dma2 semaphore(%run_scoped3A : memref<!tpu.dma_semaphore, #tpu.memory_space<semaphore_mem>>) src(%arg5 : memref<128x64xf32, #tpu.memory_space<hbm>>) dst(%arg13 : memref<128x64xf32, #tpu.memory_space<vmem>>)
      tpu.yield
    }) : () -> ()
    %add3A_18 = arith.constant 0 : i32
    %add3A_19 = arith.addi %mul3A_2, %add3A_18 : i32
    "tpu.region"() ({
      %run_scoped3A = tpu.sem_alloc : memref<!tpu.dma_semaphore, #tpu.memory_space<semaphore_mem>>
      %dma_start3A_181 = arith.constant 0 : i32
      %dma_start3A_182 = arith.constant 0 : i32
      %dma_start3A_183 = tpu.memref_slice %arg13[%dma_start3A_181, %dma_start3A_182] : memref<128x64xf32, #tpu.memory_space<vmem>> -> memref<128x64xf32, #tpu.memory_space<vmem>>
      %dma_start3A_184 = arith.constant 0 : i32
      %dma_start3A_185 = tpu.memref_slice %arg14[%add3A_19, %dma_start3A_184] : memref<10240x64xf32, #tpu.memory_space<vmem_shared>> -> memref<128x64xf32, #tpu.memory_space<vmem_shared>>
      %dma_start3A_186 = arith.constant 0 : i32
      %dma_start3A_187 = tpu.memref_slice %arg14[%add3A_19, %dma_start3A_186] : memref<10240x64xf32, #tpu.memory_space<vmem_shared>> -> memref<128x64xf32, #tpu.memory_space<vmem_shared>>
      %dma_start3A_188 = arith.constant 0 : i32
      %dma_start3A_189 = arith.constant 0 : i32
      %dma_start3A_190 = tpu.memref_slice %arg13[%dma_start3A_188, %dma_start3A_189] : memref<128x64xf32, #tpu.memory_space<vmem>> -> memref<128x64xf32, #tpu.memory_space<vmem>>
      tpu.enqueue_dma source(%dma_start3A_190 : memref<128x64xf32, #tpu.memory_space<vmem>>) target(%dma_start3A_187 : memref<128x64xf32, #tpu.memory_space<vmem_shared>>) target_semaphore(%run_scoped3A : memref<!tpu.dma_semaphore, #tpu.memory_space<semaphore_mem>>)
      %dma_wait3A_191 = arith.constant 0 : i32
      %dma_wait3A_192 = arith.constant 0 : i32
      %dma_wait3A_193 = tpu.memref_slice %arg13[%dma_wait3A_191, %dma_wait3A_192] : memref<128x64xf32, #tpu.memory_space<vmem>> -> memref<128x64xf32, #tpu.memory_space<vmem>>
      %dma_wait3A_194 = arith.constant 0 : i32
      %dma_wait3A_195 = tpu.memref_slice %arg14[%add3A_19, %dma_wait3A_194] : memref<10240x64xf32, #tpu.memory_space<vmem_shared>> -> memref<128x64xf32, #tpu.memory_space<vmem_shared>>
      %dma_wait3A_196 = arith.constant 0 : i32
      %dma_wait3A_197 = tpu.memref_slice %arg14[%add3A_19, %dma_wait3A_196] : memref<10240x64xf32, #tpu.memory_space<vmem_shared>> -> memref<128x64xf32, #tpu.memory_space<vmem_shared>>
      %dma_wait3A_198 = arith.constant 0 : i32
      %dma_wait3A_199 = arith.constant 0 : i32
      %dma_wait3A_200 = tpu.memref_slice %arg13[%dma_wait3A_198, %dma_wait3A_199] : memref<128x64xf32, #tpu.memory_space<vmem>> -> memref<128x64xf32, #tpu.memory_space<vmem>>
      tpu.wait_dma2 semaphore(%run_scoped3A : memref<!tpu.dma_semaphore, #tpu.memory_space<semaphore_mem>>) src(%dma_wait3A_200 : memref<128x64xf32, #tpu.memory_space<vmem>>) dst(%dma_wait3A_197 : memref<128x64xf32, #tpu.memory_space<vmem_shared>>)
      tpu.yield
    }) : () -> ()
    %add3A_20 = arith.constant 128 : i32
    %add3A_21 = arith.addi %mul3A_2, %add3A_20 : i32
    "tpu.region"() ({
      %run_scoped3A = tpu.sem_alloc : memref<!tpu.dma_semaphore, #tpu.memory_space<semaphore_mem>>
      %dma_start3A_181 = arith.constant 0 : i32
      %dma_start3A_182 = arith.constant 0 : i32
      %dma_start3A_183 = tpu.memref_slice %arg13[%dma_start3A_181, %dma_start3A_182] : memref<128x64xf32, #tpu.memory_space<vmem>> -> memref<128x64xf32, #tpu.memory_space<vmem>>
      %dma_start3A_184 = arith.constant 0 : i32
      %dma_start3A_185 = tpu.memref_slice %arg14[%add3A_21, %dma_start3A_184] : memref<10240x64xf32, #tpu.memory_space<vmem_shared>> -> memref<128x64xf32, #tpu.memory_space<vmem_shared>>
      %dma_start3A_186 = arith.constant 0 : i32
      %dma_start3A_187 = tpu.memref_slice %arg14[%add3A_21, %dma_start3A_186] : memref<10240x64xf32, #tpu.memory_space<vmem_shared>> -> memref<128x64xf32, #tpu.memory_space<vmem_shared>>
      %dma_start3A_188 = arith.constant 0 : i32
      %dma_start3A_189 = arith.constant 0 : i32
      %dma_start3A_190 = tpu.memref_slice %arg13[%dma_start3A_188, %dma_start3A_189] : memref<128x64xf32, #tpu.memory_space<vmem>> -> memref<128x64xf32, #tpu.memory_space<vmem>>
      tpu.enqueue_dma source(%dma_start3A_190 : memref<128x64xf32, #tpu.memory_space<vmem>>) target(%dma_start3A_187 : memref<128x64xf32, #tpu.memory_space<vmem_shared>>) target_semaphore(%run_scoped3A : memref<!tpu.dma_semaphore, #tpu.memory_space<semaphore_mem>>)
      %dma_wait3A_191 = arith.constant 0 : i32
      %dma_wait3A_192 = arith.constant 0 : i32
      %dma_wait3A_193 = tpu.memref_slice %arg13[%dma_wait3A_191, %dma_wait3A_192] : memref<128x64xf32, #tpu.memory_space<vmem>> -> memref<128x64xf32, #tpu.memory_space<vmem>>
      %dma_wait3A_194 = arith.constant 0 : i32
      %dma_wait3A_195 = tpu.memref_slice %arg14[%add3A_21, %dma_wait3A_194] : memref<10240x64xf32, #tpu.memory_space<vmem_shared>> -> memref<128x64xf32, #tpu.memory_space<vmem_shared>>
      %dma_wait3A_196 = arith.constant 0 : i32
      %dma_wait3A_197 = tpu.memref_slice %arg14[%add3A_21, %dma_wait3A_196] : memref<10240x64xf32, #tpu.memory_space<vmem_shared>> -> memref<128x64xf32, #tpu.memory_space<vmem_shared>>
      %dma_wait3A_198 = arith.constant 0 : i32
      %dma_wait3A_199 = arith.constant 0 : i32
      %dma_wait3A_200 = tpu.memref_slice %arg13[%dma_wait3A_198, %dma_wait3A_199] : memref<128x64xf32, #tpu.memory_space<vmem>> -> memref<128x64xf32, #tpu.memory_space<vmem>>
      tpu.wait_dma2 semaphore(%run_scoped3A : memref<!tpu.dma_semaphore, #tpu.memory_space<semaphore_mem>>) src(%dma_wait3A_200 : memref<128x64xf32, #tpu.memory_space<vmem>>) dst(%dma_wait3A_197 : memref<128x64xf32, #tpu.memory_space<vmem_shared>>)
      tpu.yield
    }) : () -> ()
    %add3A_22 = arith.constant 256 : i32
    %add3A_23 = arith.addi %mul3A_2, %add3A_22 : i32
    "tpu.region"() ({
      %run_scoped3A = tpu.sem_alloc : memref<!tpu.dma_semaphore, #tpu.memory_space<semaphore_mem>>
      %dma_start3A_181 = arith.constant 0 : i32
      %dma_start3A_182 = arith.constant 0 : i32
      %dma_start3A_183 = tpu.memref_slice %arg13[%dma_start3A_181, %dma_start3A_182] : memref<128x64xf32, #tpu.memory_space<vmem>> -> memref<128x64xf32, #tpu.memory_space<vmem>>
      %dma_start3A_184 = arith.constant 0 : i32
      %dma_start3A_185 = tpu.memref_slice %arg14[%add3A_23, %dma_start3A_184] : memref<10240x64xf32, #tpu.memory_space<vmem_shared>> -> memref<128x64xf32, #tpu.memory_space<vmem_shared>>
      %dma_start3A_186 = arith.constant 0 : i32
      %dma_start3A_187 = tpu.memref_slice %arg14[%add3A_23, %dma_start3A_186] : memref<10240x64xf32, #tpu.memory_space<vmem_shared>> -> memref<128x64xf32, #tpu.memory_space<vmem_shared>>
      %dma_start3A_188 = arith.constant 0 : i32
      %dma_start3A_189 = arith.constant 0 : i32
      %dma_start3A_190 = tpu.memref_slice %arg13[%dma_start3A_188, %dma_start3A_189] : memref<128x64xf32, #tpu.memory_space<vmem>> -> memref<128x64xf32, #tpu.memory_space<vmem>>
      tpu.enqueue_dma source(%dma_start3A_190 : memref<128x64xf32, #tpu.memory_space<vmem>>) target(%dma_start3A_187 : memref<128x64xf32, #tpu.memory_space<vmem_shared>>) target_semaphore(%run_scoped3A : memref<!tpu.dma_semaphore, #tpu.memory_space<semaphore_mem>>)
      %dma_wait3A_191 = arith.constant 0 : i32
      %dma_wait3A_192 = arith.constant 0 : i32
      %dma_wait3A_193 = tpu.memref_slice %arg13[%dma_wait3A_191, %dma_wait3A_192] : memref<128x64xf32, #tpu.memory_space<vmem>> -> memref<128x64xf32, #tpu.memory_space<vmem>>
      %dma_wait3A_194 = arith.constant 0 : i32
      %dma_wait3A_195 = tpu.memref_slice %arg14[%add3A_23, %dma_wait3A_194] : memref<10240x64xf32, #tpu.memory_space<vmem_shared>> -> memref<128x64xf32, #tpu.memory_space<vmem_shared>>
      %dma_wait3A_196 = arith.constant 0 : i32
      %dma_wait3A_197 = tpu.memref_slice %arg14[%add3A_23, %dma_wait3A_196] : memref<10240x64xf32, #tpu.memory_space<vmem_shared>> -> memref<128x64xf32, #tpu.memory_space<vmem_shared>>
      %dma_wait3A_198 = arith.constant 0 : i32
      %dma_wait3A_199 = arith.constant 0 : i32
      %dma_wait3A_200 = tpu.memref_slice %arg13[%dma_wait3A_198, %dma_wait3A_199] : memref<128x64xf32, #tpu.memory_space<vmem>> -> memref<128x64xf32, #tpu.memory_space<vmem>>
      tpu.wait_dma2 semaphore(%run_scoped3A : memref<!tpu.dma_semaphore, #tpu.memory_space<semaphore_mem>>) src(%dma_wait3A_200 : memref<128x64xf32, #tpu.memory_space<vmem>>) dst(%dma_wait3A_197 : memref<128x64xf32, #tpu.memory_space<vmem_shared>>)
      tpu.yield
    }) : () -> ()
    %add3A_24 = arith.constant 384 : i32
    %add3A_25 = arith.addi %mul3A_2, %add3A_24 : i32
    "tpu.region"() ({
      %run_scoped3A = tpu.sem_alloc : memref<!tpu.dma_semaphore, #tpu.memory_space<semaphore_mem>>
      %dma_start3A_181 = arith.constant 0 : i32
      %dma_start3A_182 = arith.constant 0 : i32
      %dma_start3A_183 = tpu.memref_slice %arg13[%dma_start3A_181, %dma_start3A_182] : memref<128x64xf32, #tpu.memory_space<vmem>> -> memref<128x64xf32, #tpu.memory_space<vmem>>
      %dma_start3A_184 = arith.constant 0 : i32
      %dma_start3A_185 = tpu.memref_slice %arg14[%add3A_25, %dma_start3A_184] : memref<10240x64xf32, #tpu.memory_space<vmem_shared>> -> memref<128x64xf32, #tpu.memory_space<vmem_shared>>
      %dma_start3A_186 = arith.constant 0 : i32
      %dma_start3A_187 = tpu.memref_slice %arg14[%add3A_25, %dma_start3A_186] : memref<10240x64xf32, #tpu.memory_space<vmem_shared>> -> memref<128x64xf32, #tpu.memory_space<vmem_shared>>
      %dma_start3A_188 = arith.constant 0 : i32
      %dma_start3A_189 = arith.constant 0 : i32
      %dma_start3A_190 = tpu.memref_slice %arg13[%dma_start3A_188, %dma_start3A_189] : memref<128x64xf32, #tpu.memory_space<vmem>> -> memref<128x64xf32, #tpu.memory_space<vmem>>
      tpu.enqueue_dma source(%dma_start3A_190 : memref<128x64xf32, #tpu.memory_space<vmem>>) target(%dma_start3A_187 : memref<128x64xf32, #tpu.memory_space<vmem_shared>>) target_semaphore(%run_scoped3A : memref<!tpu.dma_semaphore, #tpu.memory_space<semaphore_mem>>)
      %dma_wait3A_191 = arith.constant 0 : i32
      %dma_wait3A_192 = arith.constant 0 : i32
      %dma_wait3A_193 = tpu.memref_slice %arg13[%dma_wait3A_191, %dma_wait3A_192] : memref<128x64xf32, #tpu.memory_space<vmem>> -> memref<128x64xf32, #tpu.memory_space<vmem>>
      %dma_wait3A_194 = arith.constant 0 : i32
      %dma_wait3A_195 = tpu.memref_slice %arg14[%add3A_25, %dma_wait3A_194] : memref<10240x64xf32, #tpu.memory_space<vmem_shared>> -> memref<128x64xf32, #tpu.memory_space<vmem_shared>>
      %dma_wait3A_196 = arith.constant 0 : i32
      %dma_wait3A_197 = tpu.memref_slice %arg14[%add3A_25, %dma_wait3A_196] : memref<10240x64xf32, #tpu.memory_space<vmem_shared>> -> memref<128x64xf32, #tpu.memory_space<vmem_shared>>
      %dma_wait3A_198 = arith.constant 0 : i32
      %dma_wait3A_199 = arith.constant 0 : i32
      %dma_wait3A_200 = tpu.memref_slice %arg13[%dma_wait3A_198, %dma_wait3A_199] : memref<128x64xf32, #tpu.memory_space<vmem>> -> memref<128x64xf32, #tpu.memory_space<vmem>>
      tpu.wait_dma2 semaphore(%run_scoped3A : memref<!tpu.dma_semaphore, #tpu.memory_space<semaphore_mem>>) src(%dma_wait3A_200 : memref<128x64xf32, #tpu.memory_space<vmem>>) dst(%dma_wait3A_197 : memref<128x64xf32, #tpu.memory_space<vmem_shared>>)
      tpu.yield
    }) : () -> ()
    %add3A_26 = arith.constant 512 : i32
    %add3A_27 = arith.addi %mul3A_2, %add3A_26 : i32
    "tpu.region"() ({
      %run_scoped3A = tpu.sem_alloc : memref<!tpu.dma_semaphore, #tpu.memory_space<semaphore_mem>>
      %dma_start3A_181 = arith.constant 0 : i32
      %dma_start3A_182 = arith.constant 0 : i32
      %dma_start3A_183 = tpu.memref_slice %arg13[%dma_start3A_181, %dma_start3A_182] : memref<128x64xf32, #tpu.memory_space<vmem>> -> memref<128x64xf32, #tpu.memory_space<vmem>>
      %dma_start3A_184 = arith.constant 0 : i32
      %dma_start3A_185 = tpu.memref_slice %arg14[%add3A_27, %dma_start3A_184] : memref<10240x64xf32, #tpu.memory_space<vmem_shared>> -> memref<128x64xf32, #tpu.memory_space<vmem_shared>>
      %dma_start3A_186 = arith.constant 0 : i32
      %dma_start3A_187 = tpu.memref_slice %arg14[%add3A_27, %dma_start3A_186] : memref<10240x64xf32, #tpu.memory_space<vmem_shared>> -> memref<128x64xf32, #tpu.memory_space<vmem_shared>>
      %dma_start3A_188 = arith.constant 0 : i32
      %dma_start3A_189 = arith.constant 0 : i32
      %dma_start3A_190 = tpu.memref_slice %arg13[%dma_start3A_188, %dma_start3A_189] : memref<128x64xf32, #tpu.memory_space<vmem>> -> memref<128x64xf32, #tpu.memory_space<vmem>>
      tpu.enqueue_dma source(%dma_start3A_190 : memref<128x64xf32, #tpu.memory_space<vmem>>) target(%dma_start3A_187 : memref<128x64xf32, #tpu.memory_space<vmem_shared>>) target_semaphore(%run_scoped3A : memref<!tpu.dma_semaphore, #tpu.memory_space<semaphore_mem>>)
      %dma_wait3A_191 = arith.constant 0 : i32
      %dma_wait3A_192 = arith.constant 0 : i32
      %dma_wait3A_193 = tpu.memref_slice %arg13[%dma_wait3A_191, %dma_wait3A_192] : memref<128x64xf32, #tpu.memory_space<vmem>> -> memref<128x64xf32, #tpu.memory_space<vmem>>
      %dma_wait3A_194 = arith.constant 0 : i32
      %dma_wait3A_195 = tpu.memref_slice %arg14[%add3A_27, %dma_wait3A_194] : memref<10240x64xf32, #tpu.memory_space<vmem_shared>> -> memref<128x64xf32, #tpu.memory_space<vmem_shared>>
      %dma_wait3A_196 = arith.constant 0 : i32
      %dma_wait3A_197 = tpu.memref_slice %arg14[%add3A_27, %dma_wait3A_196] : memref<10240x64xf32, #tpu.memory_space<vmem_shared>> -> memref<128x64xf32, #tpu.memory_space<vmem_shared>>
      %dma_wait3A_198 = arith.constant 0 : i32
      %dma_wait3A_199 = arith.constant 0 : i32
      %dma_wait3A_200 = tpu.memref_slice %arg13[%dma_wait3A_198, %dma_wait3A_199] : memref<128x64xf32, #tpu.memory_space<vmem>> -> memref<128x64xf32, #tpu.memory_space<vmem>>
      tpu.wait_dma2 semaphore(%run_scoped3A : memref<!tpu.dma_semaphore, #tpu.memory_space<semaphore_mem>>) src(%dma_wait3A_200 : memref<128x64xf32, #tpu.memory_space<vmem>>) dst(%dma_wait3A_197 : memref<128x64xf32, #tpu.memory_space<vmem_shared>>)
      tpu.yield
    }) : () -> ()
    %dma_wait3A = arith.constant 0 : i32
    %dma_wait3A_28 = arith.constant 0 : i32
    %dma_wait3A_29 = tpu.memref_slice %arg3[%add3A, %dma_wait3A, %dma_wait3A_28] : memref<32x80x128xi32, #tpu.memory_space<hbm>> -> memref<1x80x128xi32, #tpu.memory_space<hbm>>
    %dma_wait3A_30 = tpu.memref_squeeze %dma_wait3A_29 : memref<1x80x128xi32, #tpu.memory_space<hbm>> -> memref<80x128xi32, #tpu.memory_space<hbm>>
    %dma_wait3A_31 = arith.constant 0 : i32
    %dma_wait3A_32 = arith.constant 0 : i32
    %dma_wait3A_33 = tpu.memref_slice %arg3[%add3A, %dma_wait3A_31, %dma_wait3A_32] : memref<32x80x128xi32, #tpu.memory_space<hbm>> -> memref<1x80x128xi32, #tpu.memory_space<hbm>>
    %dma_wait3A_34 = tpu.memref_squeeze %dma_wait3A_33 : memref<1x80x128xi32, #tpu.memory_space<hbm>> -> memref<80x128xi32, #tpu.memory_space<hbm>>
    tpu.wait_dma2 semaphore(%arg23 : memref<!tpu.dma_semaphore, #tpu.memory_space<semaphore_mem>>) src(%dma_wait3A_34 : memref<80x128xi32, #tpu.memory_space<hbm>>) dst(%arg7 : memref<80x128xi32, #tpu.memory_space<vmem>>)
    %dma_wait3A_35 = arith.constant 0 : i32
    %dma_wait3A_36 = arith.constant 0 : i32
    %dma_wait3A_37 = tpu.memref_slice %arg4[%add3A, %dma_wait3A_35, %dma_wait3A_36] : memref<32x80x128xi32, #tpu.memory_space<hbm>> -> memref<1x80x128xi32, #tpu.memory_space<hbm>>
    %dma_wait3A_38 = tpu.memref_squeeze %dma_wait3A_37 : memref<1x80x128xi32, #tpu.memory_space<hbm>> -> memref<80x128xi32, #tpu.memory_space<hbm>>
    %dma_wait3A_39 = arith.constant 0 : i32
    %dma_wait3A_40 = arith.constant 0 : i32
    %dma_wait3A_41 = tpu.memref_slice %arg4[%add3A, %dma_wait3A_39, %dma_wait3A_40] : memref<32x80x128xi32, #tpu.memory_space<hbm>> -> memref<1x80x128xi32, #tpu.memory_space<hbm>>
    %dma_wait3A_42 = tpu.memref_squeeze %dma_wait3A_41 : memref<1x80x128xi32, #tpu.memory_space<hbm>> -> memref<80x128xi32, #tpu.memory_space<hbm>>
    tpu.wait_dma2 semaphore(%arg23 : memref<!tpu.dma_semaphore, #tpu.memory_space<semaphore_mem>>) src(%dma_wait3A_42 : memref<80x128xi32, #tpu.memory_space<hbm>>) dst(%arg8 : memref<80x128xi32, #tpu.memory_space<vmem>>)
    %barrier3A = arith.constant 0 : index
    tpu.barrier barrier_id(%barrier3A)
    %dma_start3A_43 = arith.constant 0 : i32
    %dma_start3A_44 = arith.constant 0 : i32
    %dma_start3A_45 = tpu.memref_slice %arg7[%dma_start3A_43, %dma_start3A_44] : memref<80x128xi32, #tpu.memory_space<vmem>> -> memref<1x128xi32, #tpu.memory_space<vmem>>
    %dma_start3A_46 = tpu.memref_squeeze %dma_start3A_45 : memref<1x128xi32, #tpu.memory_space<vmem>> -> memref<128xi32, #tpu.memory_space<vmem>>
    %dma_start3A_47 = arith.constant 0 : i32
    %dma_start3A_48 = arith.constant 0 : i32
    %dma_start3A_49 = tpu.memref_slice %arg2[%dma_start3A_47, %dma_start3A_48] : memref<10000x64xf32, #tpu.memory_space<hbm>> -> memref<10000x64xf32, #tpu.memory_space<hbm>>
    tpu.enqueue_indirect_dma source(%dma_start3A_49 : memref<10000x64xf32, #tpu.memory_space<hbm>>) target(%arg9 : memref<128x64xf32, #tpu.memory_space<vmem>>) offsets(%dma_start3A_46 : memref<128xi32, #tpu.memory_space<vmem>>) semaphore(%arg15 : memref<!tpu.dma_semaphore, #tpu.memory_space<semaphore_mem>>)
    %dma_start3A_50 = arith.constant 1 : i32
    %dma_start3A_51 = arith.constant 0 : i32
    %dma_start3A_52 = tpu.memref_slice %arg7[%dma_start3A_50, %dma_start3A_51] : memref<80x128xi32, #tpu.memory_space<vmem>> -> memref<1x128xi32, #tpu.memory_space<vmem>>
    %dma_start3A_53 = tpu.memref_squeeze %dma_start3A_52 : memref<1x128xi32, #tpu.memory_space<vmem>> -> memref<128xi32, #tpu.memory_space<vmem>>
    %dma_start3A_54 = arith.constant 0 : i32
    %dma_start3A_55 = arith.constant 0 : i32
    %dma_start3A_56 = tpu.memref_slice %arg2[%dma_start3A_54, %dma_start3A_55] : memref<10000x64xf32, #tpu.memory_space<hbm>> -> memref<10000x64xf32, #tpu.memory_space<hbm>>
    tpu.enqueue_indirect_dma source(%dma_start3A_56 : memref<10000x64xf32, #tpu.memory_space<hbm>>) target(%arg10 : memref<128x64xf32, #tpu.memory_space<vmem>>) offsets(%dma_start3A_53 : memref<128xi32, #tpu.memory_space<vmem>>) semaphore(%arg16 : memref<!tpu.dma_semaphore, #tpu.memory_space<semaphore_mem>>)
    %dma_start3A_57 = arith.constant 2 : i32
    %dma_start3A_58 = arith.constant 0 : i32
    %dma_start3A_59 = tpu.memref_slice %arg7[%dma_start3A_57, %dma_start3A_58] : memref<80x128xi32, #tpu.memory_space<vmem>> -> memref<1x128xi32, #tpu.memory_space<vmem>>
    %dma_start3A_60 = tpu.memref_squeeze %dma_start3A_59 : memref<1x128xi32, #tpu.memory_space<vmem>> -> memref<128xi32, #tpu.memory_space<vmem>>
    %dma_start3A_61 = arith.constant 0 : i32
    %dma_start3A_62 = arith.constant 0 : i32
    %dma_start3A_63 = tpu.memref_slice %arg2[%dma_start3A_61, %dma_start3A_62] : memref<10000x64xf32, #tpu.memory_space<hbm>> -> memref<10000x64xf32, #tpu.memory_space<hbm>>
    tpu.enqueue_indirect_dma source(%dma_start3A_63 : memref<10000x64xf32, #tpu.memory_space<hbm>>) target(%arg11 : memref<128x64xf32, #tpu.memory_space<vmem>>) offsets(%dma_start3A_60 : memref<128xi32, #tpu.memory_space<vmem>>) semaphore(%arg17 : memref<!tpu.dma_semaphore, #tpu.memory_space<semaphore_mem>>)
    %dma_start3A_64 = arith.constant 3 : i32
    %dma_start3A_65 = arith.constant 0 : i32
    %dma_start3A_66 = tpu.memref_slice %arg7[%dma_start3A_64, %dma_start3A_65] : memref<80x128xi32, #tpu.memory_space<vmem>> -> memref<1x128xi32, #tpu.memory_space<vmem>>
    %dma_start3A_67 = tpu.memref_squeeze %dma_start3A_66 : memref<1x128xi32, #tpu.memory_space<vmem>> -> memref<128xi32, #tpu.memory_space<vmem>>
    %dma_start3A_68 = arith.constant 0 : i32
    %dma_start3A_69 = arith.constant 0 : i32
    %dma_start3A_70 = tpu.memref_slice %arg2[%dma_start3A_68, %dma_start3A_69] : memref<10000x64xf32, #tpu.memory_space<hbm>> -> memref<10000x64xf32, #tpu.memory_space<hbm>>
    tpu.enqueue_indirect_dma source(%dma_start3A_70 : memref<10000x64xf32, #tpu.memory_space<hbm>>) target(%arg12 : memref<128x64xf32, #tpu.memory_space<vmem>>) offsets(%dma_start3A_67 : memref<128xi32, #tpu.memory_space<vmem>>) semaphore(%arg18 : memref<!tpu.dma_semaphore, #tpu.memory_space<semaphore_mem>>)
    %scan3A = arith.constant 0 : i32
    %scan3A_71 = arith.constant 0 : i32
    %scan3A_72 = arith.constant 19 : i32
    %scan3A_73 = arith.addi %scan3A_71, %scan3A_72 : i32
    %scan3A_74 = arith.constant 1 : i32
    scf.for %scan3A_181 = %scan3A_71 to %scan3A_73 step %scan3A_74  : i32 {
      %mul3A_182 = arith.constant 4 : i32
      %mul3A_183 = arith.muli %mul3A_182, %scan3A_181 : i32
      %add3A_184 = arith.constant 0 : i32
      %add3A_185 = arith.addi %mul3A_183, %add3A_184 : i32
      %dma_wait3A_186 = arith.constant 0 : i32
      %dma_wait3A_187 = tpu.memref_slice %arg7[%add3A_185, %dma_wait3A_186] : memref<80x128xi32, #tpu.memory_space<vmem>> -> memref<1x128xi32, #tpu.memory_space<vmem>>
      %dma_wait3A_188 = tpu.memref_squeeze %dma_wait3A_187 : memref<1x128xi32, #tpu.memory_space<vmem>> -> memref<128xi32, #tpu.memory_space<vmem>>
      %dma_wait3A_189 = arith.constant 0 : i32
      %dma_wait3A_190 = arith.constant 0 : i32
      %dma_wait3A_191 = tpu.memref_slice %arg2[%dma_wait3A_189, %dma_wait3A_190] : memref<10000x64xf32, #tpu.memory_space<hbm>> -> memref<10000x64xf32, #tpu.memory_space<hbm>>
      tpu.wait_indirect_dma semaphore(%arg15 : memref<!tpu.dma_semaphore, #tpu.memory_space<semaphore_mem>>) src(%dma_wait3A_191 : memref<10000x64xf32, #tpu.memory_space<hbm>>) dst(%arg9 : memref<128x64xf32, #tpu.memory_space<vmem>>)
      %add3A_192 = arith.constant 0 : i32
      %add3A_193 = arith.addi %mul3A_183, %add3A_192 : i32
      %dma_start3A_194 = arith.constant 0 : i32
      %dma_start3A_195 = tpu.memref_slice %arg8[%add3A_193, %dma_start3A_194] : memref<80x128xi32, #tpu.memory_space<vmem>> -> memref<1x128xi32, #tpu.memory_space<vmem>>
      %dma_start3A_196 = tpu.memref_squeeze %dma_start3A_195 : memref<1x128xi32, #tpu.memory_space<vmem>> -> memref<128xi32, #tpu.memory_space<vmem>>
      %dma_start3A_197 = arith.constant 0 : i32
      %dma_start3A_198 = arith.constant 0 : i32
      %dma_start3A_199 = tpu.memref_slice %arg14[%dma_start3A_197, %dma_start3A_198] : memref<10240x64xf32, #tpu.memory_space<vmem_shared>> -> memref<10240x64xf32, #tpu.memory_space<vmem_shared>>
      tpu.enqueue_indirect_dma source(%arg9 : memref<128x64xf32, #tpu.memory_space<vmem>>) target(%dma_start3A_199 : memref<10240x64xf32, #tpu.memory_space<vmem_shared>>) offsets(%dma_start3A_196 : memref<128xi32, #tpu.memory_space<vmem>>) semaphore(%arg19 : memref<!tpu.dma_semaphore, #tpu.memory_space<semaphore_mem>>) {add = true}
      %add3A_200 = arith.constant 1 : i32
      %add3A_201 = arith.addi %mul3A_183, %add3A_200 : i32
      %dma_wait3A_202 = arith.constant 0 : i32
      %dma_wait3A_203 = tpu.memref_slice %arg7[%add3A_201, %dma_wait3A_202] : memref<80x128xi32, #tpu.memory_space<vmem>> -> memref<1x128xi32, #tpu.memory_space<vmem>>
      %dma_wait3A_204 = tpu.memref_squeeze %dma_wait3A_203 : memref<1x128xi32, #tpu.memory_space<vmem>> -> memref<128xi32, #tpu.memory_space<vmem>>
      %dma_wait3A_205 = arith.constant 0 : i32
      %dma_wait3A_206 = arith.constant 0 : i32
      %dma_wait3A_207 = tpu.memref_slice %arg2[%dma_wait3A_205, %dma_wait3A_206] : memref<10000x64xf32, #tpu.memory_space<hbm>> -> memref<10000x64xf32, #tpu.memory_space<hbm>>
      tpu.wait_indirect_dma semaphore(%arg16 : memref<!tpu.dma_semaphore, #tpu.memory_space<semaphore_mem>>) src(%dma_wait3A_207 : memref<10000x64xf32, #tpu.memory_space<hbm>>) dst(%arg10 : memref<128x64xf32, #tpu.memory_space<vmem>>)
      %add3A_208 = arith.constant 1 : i32
      %add3A_209 = arith.addi %mul3A_183, %add3A_208 : i32
      %dma_start3A_210 = arith.constant 0 : i32
      %dma_start3A_211 = tpu.memref_slice %arg8[%add3A_209, %dma_start3A_210] : memref<80x128xi32, #tpu.memory_space<vmem>> -> memref<1x128xi32, #tpu.memory_space<vmem>>
      %dma_start3A_212 = tpu.memref_squeeze %dma_start3A_211 : memref<1x128xi32, #tpu.memory_space<vmem>> -> memref<128xi32, #tpu.memory_space<vmem>>
      %dma_start3A_213 = arith.constant 0 : i32
      %dma_start3A_214 = arith.constant 0 : i32
      %dma_start3A_215 = tpu.memref_slice %arg14[%dma_start3A_213, %dma_start3A_214] : memref<10240x64xf32, #tpu.memory_space<vmem_shared>> -> memref<10240x64xf32, #tpu.memory_space<vmem_shared>>
      tpu.enqueue_indirect_dma source(%arg10 : memref<128x64xf32, #tpu.memory_space<vmem>>) target(%dma_start3A_215 : memref<10240x64xf32, #tpu.memory_space<vmem_shared>>) offsets(%dma_start3A_212 : memref<128xi32, #tpu.memory_space<vmem>>) semaphore(%arg20 : memref<!tpu.dma_semaphore, #tpu.memory_space<semaphore_mem>>) {add = true}
      %add3A_216 = arith.constant 2 : i32
      %add3A_217 = arith.addi %mul3A_183, %add3A_216 : i32
      %dma_wait3A_218 = arith.constant 0 : i32
      %dma_wait3A_219 = tpu.memref_slice %arg7[%add3A_217, %dma_wait3A_218] : memref<80x128xi32, #tpu.memory_space<vmem>> -> memref<1x128xi32, #tpu.memory_space<vmem>>
      %dma_wait3A_220 = tpu.memref_squeeze %dma_wait3A_219 : memref<1x128xi32, #tpu.memory_space<vmem>> -> memref<128xi32, #tpu.memory_space<vmem>>
      %dma_wait3A_221 = arith.constant 0 : i32
      %dma_wait3A_222 = arith.constant 0 : i32
      %dma_wait3A_223 = tpu.memref_slice %arg2[%dma_wait3A_221, %dma_wait3A_222] : memref<10000x64xf32, #tpu.memory_space<hbm>> -> memref<10000x64xf32, #tpu.memory_space<hbm>>
      tpu.wait_indirect_dma semaphore(%arg17 : memref<!tpu.dma_semaphore, #tpu.memory_space<semaphore_mem>>) src(%dma_wait3A_223 : memref<10000x64xf32, #tpu.memory_space<hbm>>) dst(%arg11 : memref<128x64xf32, #tpu.memory_space<vmem>>)
      %add3A_224 = arith.constant 2 : i32
      %add3A_225 = arith.addi %mul3A_183, %add3A_224 : i32
      %dma_start3A_226 = arith.constant 0 : i32
      %dma_start3A_227 = tpu.memref_slice %arg8[%add3A_225, %dma_start3A_226] : memref<80x128xi32, #tpu.memory_space<vmem>> -> memref<1x128xi32, #tpu.memory_space<vmem>>
      %dma_start3A_228 = tpu.memref_squeeze %dma_start3A_227 : memref<1x128xi32, #tpu.memory_space<vmem>> -> memref<128xi32, #tpu.memory_space<vmem>>
      %dma_start3A_229 = arith.constant 0 : i32
      %dma_start3A_230 = arith.constant 0 : i32
      %dma_start3A_231 = tpu.memref_slice %arg14[%dma_start3A_229, %dma_start3A_230] : memref<10240x64xf32, #tpu.memory_space<vmem_shared>> -> memref<10240x64xf32, #tpu.memory_space<vmem_shared>>
      tpu.enqueue_indirect_dma source(%arg11 : memref<128x64xf32, #tpu.memory_space<vmem>>) target(%dma_start3A_231 : memref<10240x64xf32, #tpu.memory_space<vmem_shared>>) offsets(%dma_start3A_228 : memref<128xi32, #tpu.memory_space<vmem>>) semaphore(%arg21 : memref<!tpu.dma_semaphore, #tpu.memory_space<semaphore_mem>>) {add = true}
      %add3A_232 = arith.constant 3 : i32
      %add3A_233 = arith.addi %mul3A_183, %add3A_232 : i32
      %dma_wait3A_234 = arith.constant 0 : i32
      %dma_wait3A_235 = tpu.memref_slice %arg7[%add3A_233, %dma_wait3A_234] : memref<80x128xi32, #tpu.memory_space<vmem>> -> memref<1x128xi32, #tpu.memory_space<vmem>>
      %dma_wait3A_236 = tpu.memref_squeeze %dma_wait3A_235 : memref<1x128xi32, #tpu.memory_space<vmem>> -> memref<128xi32, #tpu.memory_space<vmem>>
      %dma_wait3A_237 = arith.constant 0 : i32
      %dma_wait3A_238 = arith.constant 0 : i32
      %dma_wait3A_239 = tpu.memref_slice %arg2[%dma_wait3A_237, %dma_wait3A_238] : memref<10000x64xf32, #tpu.memory_space<hbm>> -> memref<10000x64xf32, #tpu.memory_space<hbm>>
      tpu.wait_indirect_dma semaphore(%arg18 : memref<!tpu.dma_semaphore, #tpu.memory_space<semaphore_mem>>) src(%dma_wait3A_239 : memref<10000x64xf32, #tpu.memory_space<hbm>>) dst(%arg12 : memref<128x64xf32, #tpu.memory_space<vmem>>)
      %add3A_240 = arith.constant 3 : i32
      %add3A_241 = arith.addi %mul3A_183, %add3A_240 : i32
      %dma_start3A_242 = arith.constant 0 : i32
      %dma_start3A_243 = tpu.memref_slice %arg8[%add3A_241, %dma_start3A_242] : memref<80x128xi32, #tpu.memory_space<vmem>> -> memref<1x128xi32, #tpu.memory_space<vmem>>
      %dma_start3A_244 = tpu.memref_squeeze %dma_start3A_243 : memref<1x128xi32, #tpu.memory_space<vmem>> -> memref<128xi32, #tpu.memory_space<vmem>>
      %dma_start3A_245 = arith.constant 0 : i32
      %dma_start3A_246 = arith.constant 0 : i32
      %dma_start3A_247 = tpu.memref_slice %arg14[%dma_start3A_245, %dma_start3A_246] : memref<10240x64xf32, #tpu.memory_space<vmem_shared>> -> memref<10240x64xf32, #tpu.memory_space<vmem_shared>>
      tpu.enqueue_indirect_dma source(%arg12 : memref<128x64xf32, #tpu.memory_space<vmem>>) target(%dma_start3A_247 : memref<10240x64xf32, #tpu.memory_space<vmem_shared>>) offsets(%dma_start3A_244 : memref<128xi32, #tpu.memory_space<vmem>>) semaphore(%arg22 : memref<!tpu.dma_semaphore, #tpu.memory_space<semaphore_mem>>) {add = true}
      %add3A_248 = arith.constant 0 : i32
      %add3A_249 = arith.addi %mul3A_183, %add3A_248 : i32
      %dma_wait3A_250 = arith.constant 0 : i32
      %dma_wait3A_251 = tpu.memref_slice %arg8[%add3A_249, %dma_wait3A_250] : memref<80x128xi32, #tpu.memory_space<vmem>> -> memref<1x128xi32, #tpu.memory_space<vmem>>
      %dma_wait3A_252 = tpu.memref_squeeze %dma_wait3A_251 : memref<1x128xi32, #tpu.memory_space<vmem>> -> memref<128xi32, #tpu.memory_space<vmem>>
      %dma_wait3A_253 = arith.constant 0 : i32
      %dma_wait3A_254 = arith.constant 0 : i32
      %dma_wait3A_255 = tpu.memref_slice %arg14[%dma_wait3A_253, %dma_wait3A_254] : memref<10240x64xf32, #tpu.memory_space<vmem_shared>> -> memref<10240x64xf32, #tpu.memory_space<vmem_shared>>
      tpu.wait_indirect_dma semaphore(%arg19 : memref<!tpu.dma_semaphore, #tpu.memory_space<semaphore_mem>>) src(%arg9 : memref<128x64xf32, #tpu.memory_space<vmem>>) dst(%dma_wait3A_255 : memref<10240x64xf32, #tpu.memory_space<vmem_shared>>)
      %add3A_256 = arith.constant 4 : i32
      %add3A_257 = arith.addi %mul3A_183, %add3A_256 : i32
      %add3A_258 = arith.constant 0 : i32
      %add3A_259 = arith.addi %add3A_257, %add3A_258 : i32
      %dma_start3A_260 = arith.constant 0 : i32
      %dma_start3A_261 = tpu.memref_slice %arg7[%add3A_259, %dma_start3A_260] : memref<80x128xi32, #tpu.memory_space<vmem>> -> memref<1x128xi32, #tpu.memory_space<vmem>>
      %dma_start3A_262 = tpu.memref_squeeze %dma_start3A_261 : memref<1x128xi32, #tpu.memory_space<vmem>> -> memref<128xi32, #tpu.memory_space<vmem>>
      %dma_start3A_263 = arith.constant 0 : i32
      %dma_start3A_264 = arith.constant 0 : i32
      %dma_start3A_265 = tpu.memref_slice %arg2[%dma_start3A_263, %dma_start3A_264] : memref<10000x64xf32, #tpu.memory_space<hbm>> -> memref<10000x64xf32, #tpu.memory_space<hbm>>
      tpu.enqueue_indirect_dma source(%dma_start3A_265 : memref<10000x64xf32, #tpu.memory_space<hbm>>) target(%arg9 : memref<128x64xf32, #tpu.memory_space<vmem>>) offsets(%dma_start3A_262 : memref<128xi32, #tpu.memory_space<vmem>>) semaphore(%arg15 : memref<!tpu.dma_semaphore, #tpu.memory_space<semaphore_mem>>)
      %add3A_266 = arith.constant 1 : i32
      %add3A_267 = arith.addi %mul3A_183, %add3A_266 : i32
      %dma_wait3A_268 = arith.constant 0 : i32
      %dma_wait3A_269 = tpu.memref_slice %arg8[%add3A_267, %dma_wait3A_268] : memref<80x128xi32, #tpu.memory_space<vmem>> -> memref<1x128xi32, #tpu.memory_space<vmem>>
      %dma_wait3A_270 = tpu.memref_squeeze %dma_wait3A_269 : memref<1x128xi32, #tpu.memory_space<vmem>> -> memref<128xi32, #tpu.memory_space<vmem>>
      %dma_wait3A_271 = arith.constant 0 : i32
      %dma_wait3A_272 = arith.constant 0 : i32
      %dma_wait3A_273 = tpu.memref_slice %arg14[%dma_wait3A_271, %dma_wait3A_272] : memref<10240x64xf32, #tpu.memory_space<vmem_shared>> -> memref<10240x64xf32, #tpu.memory_space<vmem_shared>>
      tpu.wait_indirect_dma semaphore(%arg20 : memref<!tpu.dma_semaphore, #tpu.memory_space<semaphore_mem>>) src(%arg10 : memref<128x64xf32, #tpu.memory_space<vmem>>) dst(%dma_wait3A_273 : memref<10240x64xf32, #tpu.memory_space<vmem_shared>>)
      %add3A_274 = arith.constant 4 : i32
      %add3A_275 = arith.addi %mul3A_183, %add3A_274 : i32
      %add3A_276 = arith.constant 1 : i32
      %add3A_277 = arith.addi %add3A_275, %add3A_276 : i32
      %dma_start3A_278 = arith.constant 0 : i32
      %dma_start3A_279 = tpu.memref_slice %arg7[%add3A_277, %dma_start3A_278] : memref<80x128xi32, #tpu.memory_space<vmem>> -> memref<1x128xi32, #tpu.memory_space<vmem>>
      %dma_start3A_280 = tpu.memref_squeeze %dma_start3A_279 : memref<1x128xi32, #tpu.memory_space<vmem>> -> memref<128xi32, #tpu.memory_space<vmem>>
      %dma_start3A_281 = arith.constant 0 : i32
      %dma_start3A_282 = arith.constant 0 : i32
      %dma_start3A_283 = tpu.memref_slice %arg2[%dma_start3A_281, %dma_start3A_282] : memref<10000x64xf32, #tpu.memory_space<hbm>> -> memref<10000x64xf32, #tpu.memory_space<hbm>>
      tpu.enqueue_indirect_dma source(%dma_start3A_283 : memref<10000x64xf32, #tpu.memory_space<hbm>>) target(%arg10 : memref<128x64xf32, #tpu.memory_space<vmem>>) offsets(%dma_start3A_280 : memref<128xi32, #tpu.memory_space<vmem>>) semaphore(%arg16 : memref<!tpu.dma_semaphore, #tpu.memory_space<semaphore_mem>>)
      %add3A_284 = arith.constant 2 : i32
      %add3A_285 = arith.addi %mul3A_183, %add3A_284 : i32
      %dma_wait3A_286 = arith.constant 0 : i32
      %dma_wait3A_287 = tpu.memref_slice %arg8[%add3A_285, %dma_wait3A_286] : memref<80x128xi32, #tpu.memory_space<vmem>> -> memref<1x128xi32, #tpu.memory_space<vmem>>
      %dma_wait3A_288 = tpu.memref_squeeze %dma_wait3A_287 : memref<1x128xi32, #tpu.memory_space<vmem>> -> memref<128xi32, #tpu.memory_space<vmem>>
      %dma_wait3A_289 = arith.constant 0 : i32
      %dma_wait3A_290 = arith.constant 0 : i32
      %dma_wait3A_291 = tpu.memref_slice %arg14[%dma_wait3A_289, %dma_wait3A_290] : memref<10240x64xf32, #tpu.memory_space<vmem_shared>> -> memref<10240x64xf32, #tpu.memory_space<vmem_shared>>
      tpu.wait_indirect_dma semaphore(%arg21 : memref<!tpu.dma_semaphore, #tpu.memory_space<semaphore_mem>>) src(%arg11 : memref<128x64xf32, #tpu.memory_space<vmem>>) dst(%dma_wait3A_291 : memref<10240x64xf32, #tpu.memory_space<vmem_shared>>)
      %add3A_292 = arith.constant 4 : i32
      %add3A_293 = arith.addi %mul3A_183, %add3A_292 : i32
      %add3A_294 = arith.constant 2 : i32
      %add3A_295 = arith.addi %add3A_293, %add3A_294 : i32
      %dma_start3A_296 = arith.constant 0 : i32
      %dma_start3A_297 = tpu.memref_slice %arg7[%add3A_295, %dma_start3A_296] : memref<80x128xi32, #tpu.memory_space<vmem>> -> memref<1x128xi32, #tpu.memory_space<vmem>>
      %dma_start3A_298 = tpu.memref_squeeze %dma_start3A_297 : memref<1x128xi32, #tpu.memory_space<vmem>> -> memref<128xi32, #tpu.memory_space<vmem>>
      %dma_start3A_299 = arith.constant 0 : i32
      %dma_start3A_300 = arith.constant 0 : i32
      %dma_start3A_301 = tpu.memref_slice %arg2[%dma_start3A_299, %dma_start3A_300] : memref<10000x64xf32, #tpu.memory_space<hbm>> -> memref<10000x64xf32, #tpu.memory_space<hbm>>
      tpu.enqueue_indirect_dma source(%dma_start3A_301 : memref<10000x64xf32, #tpu.memory_space<hbm>>) target(%arg11 : memref<128x64xf32, #tpu.memory_space<vmem>>) offsets(%dma_start3A_298 : memref<128xi32, #tpu.memory_space<vmem>>) semaphore(%arg17 : memref<!tpu.dma_semaphore, #tpu.memory_space<semaphore_mem>>)
      %add3A_302 = arith.constant 3 : i32
      %add3A_303 = arith.addi %mul3A_183, %add3A_302 : i32
      %dma_wait3A_304 = arith.constant 0 : i32
      %dma_wait3A_305 = tpu.memref_slice %arg8[%add3A_303, %dma_wait3A_304] : memref<80x128xi32, #tpu.memory_space<vmem>> -> memref<1x128xi32, #tpu.memory_space<vmem>>
      %dma_wait3A_306 = tpu.memref_squeeze %dma_wait3A_305 : memref<1x128xi32, #tpu.memory_space<vmem>> -> memref<128xi32, #tpu.memory_space<vmem>>
      %dma_wait3A_307 = arith.constant 0 : i32
      %dma_wait3A_308 = arith.constant 0 : i32
      %dma_wait3A_309 = tpu.memref_slice %arg14[%dma_wait3A_307, %dma_wait3A_308] : memref<10240x64xf32, #tpu.memory_space<vmem_shared>> -> memref<10240x64xf32, #tpu.memory_space<vmem_shared>>
      tpu.wait_indirect_dma semaphore(%arg22 : memref<!tpu.dma_semaphore, #tpu.memory_space<semaphore_mem>>) src(%arg12 : memref<128x64xf32, #tpu.memory_space<vmem>>) dst(%dma_wait3A_309 : memref<10240x64xf32, #tpu.memory_space<vmem_shared>>)
      %add3A_310 = arith.constant 4 : i32
      %add3A_311 = arith.addi %mul3A_183, %add3A_310 : i32
      %add3A_312 = arith.constant 3 : i32
      %add3A_313 = arith.addi %add3A_311, %add3A_312 : i32
      %dma_start3A_314 = arith.constant 0 : i32
      %dma_start3A_315 = tpu.memref_slice %arg7[%add3A_313, %dma_start3A_314] : memref<80x128xi32, #tpu.memory_space<vmem>> -> memref<1x128xi32, #tpu.memory_space<vmem>>
      %dma_start3A_316 = tpu.memref_squeeze %dma_start3A_315 : memref<1x128xi32, #tpu.memory_space<vmem>> -> memref<128xi32, #tpu.memory_space<vmem>>
      %dma_start3A_317 = arith.constant 0 : i32
      %dma_start3A_318 = arith.constant 0 : i32
      %dma_start3A_319 = tpu.memref_slice %arg2[%dma_start3A_317, %dma_start3A_318] : memref<10000x64xf32, #tpu.memory_space<hbm>> -> memref<10000x64xf32, #tpu.memory_space<hbm>>
      tpu.enqueue_indirect_dma source(%dma_start3A_319 : memref<10000x64xf32, #tpu.memory_space<hbm>>) target(%arg12 : memref<128x64xf32, #tpu.memory_space<vmem>>) offsets(%dma_start3A_316 : memref<128xi32, #tpu.memory_space<vmem>>) semaphore(%arg18 : memref<!tpu.dma_semaphore, #tpu.memory_space<semaphore_mem>>)
    }
    %scan3A_75 = arith.constant 19 : i32
    %dma_wait3A_76 = arith.constant 76 : i32
    %dma_wait3A_77 = arith.constant 0 : i32
    %dma_wait3A_78 = tpu.memref_slice %arg7[%dma_wait3A_76, %dma_wait3A_77] : memref<80x128xi32, #tpu.memory_space<vmem>> -> memref<1x128xi32, #tpu.memory_space<vmem>>
    %dma_wait3A_79 = tpu.memref_squeeze %dma_wait3A_78 : memref<1x128xi32, #tpu.memory_space<vmem>> -> memref<128xi32, #tpu.memory_space<vmem>>
    %dma_wait3A_80 = arith.constant 0 : i32
    %dma_wait3A_81 = arith.constant 0 : i32
    %dma_wait3A_82 = tpu.memref_slice %arg2[%dma_wait3A_80, %dma_wait3A_81] : memref<10000x64xf32, #tpu.memory_space<hbm>> -> memref<10000x64xf32, #tpu.memory_space<hbm>>
    tpu.wait_indirect_dma semaphore(%arg15 : memref<!tpu.dma_semaphore, #tpu.memory_space<semaphore_mem>>) src(%dma_wait3A_82 : memref<10000x64xf32, #tpu.memory_space<hbm>>) dst(%arg9 : memref<128x64xf32, #tpu.memory_space<vmem>>)
    %dma_start3A_83 = arith.constant 76 : i32
    %dma_start3A_84 = arith.constant 0 : i32
    %dma_start3A_85 = tpu.memref_slice %arg8[%dma_start3A_83, %dma_start3A_84] : memref<80x128xi32, #tpu.memory_space<vmem>> -> memref<1x128xi32, #tpu.memory_space<vmem>>
    %dma_start3A_86 = tpu.memref_squeeze %dma_start3A_85 : memref<1x128xi32, #tpu.memory_space<vmem>> -> memref<128xi32, #tpu.memory_space<vmem>>
    %dma_start3A_87 = arith.constant 0 : i32
    %dma_start3A_88 = arith.constant 0 : i32
    %dma_start3A_89 = tpu.memref_slice %arg14[%dma_start3A_87, %dma_start3A_88] : memref<10240x64xf32, #tpu.memory_space<vmem_shared>> -> memref<10240x64xf32, #tpu.memory_space<vmem_shared>>
    tpu.enqueue_indirect_dma source(%arg9 : memref<128x64xf32, #tpu.memory_space<vmem>>) target(%dma_start3A_89 : memref<10240x64xf32, #tpu.memory_space<vmem_shared>>) offsets(%dma_start3A_86 : memref<128xi32, #tpu.memory_space<vmem>>) semaphore(%arg19 : memref<!tpu.dma_semaphore, #tpu.memory_space<semaphore_mem>>) {add = true}
    %dma_wait3A_90 = arith.constant 77 : i32
    %dma_wait3A_91 = arith.constant 0 : i32
    %dma_wait3A_92 = tpu.memref_slice %arg7[%dma_wait3A_90, %dma_wait3A_91] : memref<80x128xi32, #tpu.memory_space<vmem>> -> memref<1x128xi32, #tpu.memory_space<vmem>>
    %dma_wait3A_93 = tpu.memref_squeeze %dma_wait3A_92 : memref<1x128xi32, #tpu.memory_space<vmem>> -> memref<128xi32, #tpu.memory_space<vmem>>
    %dma_wait3A_94 = arith.constant 0 : i32
    %dma_wait3A_95 = arith.constant 0 : i32
    %dma_wait3A_96 = tpu.memref_slice %arg2[%dma_wait3A_94, %dma_wait3A_95] : memref<10000x64xf32, #tpu.memory_space<hbm>> -> memref<10000x64xf32, #tpu.memory_space<hbm>>
    tpu.wait_indirect_dma semaphore(%arg16 : memref<!tpu.dma_semaphore, #tpu.memory_space<semaphore_mem>>) src(%dma_wait3A_96 : memref<10000x64xf32, #tpu.memory_space<hbm>>) dst(%arg10 : memref<128x64xf32, #tpu.memory_space<vmem>>)
    %dma_start3A_97 = arith.constant 77 : i32
    %dma_start3A_98 = arith.constant 0 : i32
    %dma_start3A_99 = tpu.memref_slice %arg8[%dma_start3A_97, %dma_start3A_98] : memref<80x128xi32, #tpu.memory_space<vmem>> -> memref<1x128xi32, #tpu.memory_space<vmem>>
    %dma_start3A_100 = tpu.memref_squeeze %dma_start3A_99 : memref<1x128xi32, #tpu.memory_space<vmem>> -> memref<128xi32, #tpu.memory_space<vmem>>
    %dma_start3A_101 = arith.constant 0 : i32
    %dma_start3A_102 = arith.constant 0 : i32
    %dma_start3A_103 = tpu.memref_slice %arg14[%dma_start3A_101, %dma_start3A_102] : memref<10240x64xf32, #tpu.memory_space<vmem_shared>> -> memref<10240x64xf32, #tpu.memory_space<vmem_shared>>
    tpu.enqueue_indirect_dma source(%arg10 : memref<128x64xf32, #tpu.memory_space<vmem>>) target(%dma_start3A_103 : memref<10240x64xf32, #tpu.memory_space<vmem_shared>>) offsets(%dma_start3A_100 : memref<128xi32, #tpu.memory_space<vmem>>) semaphore(%arg20 : memref<!tpu.dma_semaphore, #tpu.memory_space<semaphore_mem>>) {add = true}
    %dma_wait3A_104 = arith.constant 78 : i32
    %dma_wait3A_105 = arith.constant 0 : i32
    %dma_wait3A_106 = tpu.memref_slice %arg7[%dma_wait3A_104, %dma_wait3A_105] : memref<80x128xi32, #tpu.memory_space<vmem>> -> memref<1x128xi32, #tpu.memory_space<vmem>>
    %dma_wait3A_107 = tpu.memref_squeeze %dma_wait3A_106 : memref<1x128xi32, #tpu.memory_space<vmem>> -> memref<128xi32, #tpu.memory_space<vmem>>
    %dma_wait3A_108 = arith.constant 0 : i32
    %dma_wait3A_109 = arith.constant 0 : i32
    %dma_wait3A_110 = tpu.memref_slice %arg2[%dma_wait3A_108, %dma_wait3A_109] : memref<10000x64xf32, #tpu.memory_space<hbm>> -> memref<10000x64xf32, #tpu.memory_space<hbm>>
    tpu.wait_indirect_dma semaphore(%arg17 : memref<!tpu.dma_semaphore, #tpu.memory_space<semaphore_mem>>) src(%dma_wait3A_110 : memref<10000x64xf32, #tpu.memory_space<hbm>>) dst(%arg11 : memref<128x64xf32, #tpu.memory_space<vmem>>)
    %dma_start3A_111 = arith.constant 78 : i32
    %dma_start3A_112 = arith.constant 0 : i32
    %dma_start3A_113 = tpu.memref_slice %arg8[%dma_start3A_111, %dma_start3A_112] : memref<80x128xi32, #tpu.memory_space<vmem>> -> memref<1x128xi32, #tpu.memory_space<vmem>>
    %dma_start3A_114 = tpu.memref_squeeze %dma_start3A_113 : memref<1x128xi32, #tpu.memory_space<vmem>> -> memref<128xi32, #tpu.memory_space<vmem>>
    %dma_start3A_115 = arith.constant 0 : i32
    %dma_start3A_116 = arith.constant 0 : i32
    %dma_start3A_117 = tpu.memref_slice %arg14[%dma_start3A_115, %dma_start3A_116] : memref<10240x64xf32, #tpu.memory_space<vmem_shared>> -> memref<10240x64xf32, #tpu.memory_space<vmem_shared>>
    tpu.enqueue_indirect_dma source(%arg11 : memref<128x64xf32, #tpu.memory_space<vmem>>) target(%dma_start3A_117 : memref<10240x64xf32, #tpu.memory_space<vmem_shared>>) offsets(%dma_start3A_114 : memref<128xi32, #tpu.memory_space<vmem>>) semaphore(%arg21 : memref<!tpu.dma_semaphore, #tpu.memory_space<semaphore_mem>>) {add = true}
    %dma_wait3A_118 = arith.constant 79 : i32
    %dma_wait3A_119 = arith.constant 0 : i32
    %dma_wait3A_120 = tpu.memref_slice %arg7[%dma_wait3A_118, %dma_wait3A_119] : memref<80x128xi32, #tpu.memory_space<vmem>> -> memref<1x128xi32, #tpu.memory_space<vmem>>
    %dma_wait3A_121 = tpu.memref_squeeze %dma_wait3A_120 : memref<1x128xi32, #tpu.memory_space<vmem>> -> memref<128xi32, #tpu.memory_space<vmem>>
    %dma_wait3A_122 = arith.constant 0 : i32
    %dma_wait3A_123 = arith.constant 0 : i32
    %dma_wait3A_124 = tpu.memref_slice %arg2[%dma_wait3A_122, %dma_wait3A_123] : memref<10000x64xf32, #tpu.memory_space<hbm>> -> memref<10000x64xf32, #tpu.memory_space<hbm>>
    tpu.wait_indirect_dma semaphore(%arg18 : memref<!tpu.dma_semaphore, #tpu.memory_space<semaphore_mem>>) src(%dma_wait3A_124 : memref<10000x64xf32, #tpu.memory_space<hbm>>) dst(%arg12 : memref<128x64xf32, #tpu.memory_space<vmem>>)
    %dma_start3A_125 = arith.constant 79 : i32
    %dma_start3A_126 = arith.constant 0 : i32
    %dma_start3A_127 = tpu.memref_slice %arg8[%dma_start3A_125, %dma_start3A_126] : memref<80x128xi32, #tpu.memory_space<vmem>> -> memref<1x128xi32, #tpu.memory_space<vmem>>
    %dma_start3A_128 = tpu.memref_squeeze %dma_start3A_127 : memref<1x128xi32, #tpu.memory_space<vmem>> -> memref<128xi32, #tpu.memory_space<vmem>>
    %dma_start3A_129 = arith.constant 0 : i32
    %dma_start3A_130 = arith.constant 0 : i32
    %dma_start3A_131 = tpu.memref_slice %arg14[%dma_start3A_129, %dma_start3A_130] : memref<10240x64xf32, #tpu.memory_space<vmem_shared>> -> memref<10240x64xf32, #tpu.memory_space<vmem_shared>>
    tpu.enqueue_indirect_dma source(%arg12 : memref<128x64xf32, #tpu.memory_space<vmem>>) target(%dma_start3A_131 : memref<10240x64xf32, #tpu.memory_space<vmem_shared>>) offsets(%dma_start3A_128 : memref<128xi32, #tpu.memory_space<vmem>>) semaphore(%arg22 : memref<!tpu.dma_semaphore, #tpu.memory_space<semaphore_mem>>) {add = true}
    %dma_wait3A_132 = arith.constant 76 : i32
    %dma_wait3A_133 = arith.constant 0 : i32
    %dma_wait3A_134 = tpu.memref_slice %arg8[%dma_wait3A_132, %dma_wait3A_133] : memref<80x128xi32, #tpu.memory_space<vmem>> -> memref<1x128xi32, #tpu.memory_space<vmem>>
    %dma_wait3A_135 = tpu.memref_squeeze %dma_wait3A_134 : memref<1x128xi32, #tpu.memory_space<vmem>> -> memref<128xi32, #tpu.memory_space<vmem>>
    %dma_wait3A_136 = arith.constant 0 : i32
    %dma_wait3A_137 = arith.constant 0 : i32
    %dma_wait3A_138 = tpu.memref_slice %arg14[%dma_wait3A_136, %dma_wait3A_137] : memref<10240x64xf32, #tpu.memory_space<vmem_shared>> -> memref<10240x64xf32, #tpu.memory_space<vmem_shared>>
    tpu.wait_indirect_dma semaphore(%arg19 : memref<!tpu.dma_semaphore, #tpu.memory_space<semaphore_mem>>) src(%arg9 : memref<128x64xf32, #tpu.memory_space<vmem>>) dst(%dma_wait3A_138 : memref<10240x64xf32, #tpu.memory_space<vmem_shared>>)
    %dma_wait3A_139 = arith.constant 77 : i32
    %dma_wait3A_140 = arith.constant 0 : i32
    %dma_wait3A_141 = tpu.memref_slice %arg8[%dma_wait3A_139, %dma_wait3A_140] : memref<80x128xi32, #tpu.memory_space<vmem>> -> memref<1x128xi32, #tpu.memory_space<vmem>>
    %dma_wait3A_142 = tpu.memref_squeeze %dma_wait3A_141 : memref<1x128xi32, #tpu.memory_space<vmem>> -> memref<128xi32, #tpu.memory_space<vmem>>
    %dma_wait3A_143 = arith.constant 0 : i32
    %dma_wait3A_144 = arith.constant 0 : i32
    %dma_wait3A_145 = tpu.memref_slice %arg14[%dma_wait3A_143, %dma_wait3A_144] : memref<10240x64xf32, #tpu.memory_space<vmem_shared>> -> memref<10240x64xf32, #tpu.memory_space<vmem_shared>>
    tpu.wait_indirect_dma semaphore(%arg20 : memref<!tpu.dma_semaphore, #tpu.memory_space<semaphore_mem>>) src(%arg10 : memref<128x64xf32, #tpu.memory_space<vmem>>) dst(%dma_wait3A_145 : memref<10240x64xf32, #tpu.memory_space<vmem_shared>>)
    %dma_wait3A_146 = arith.constant 78 : i32
    %dma_wait3A_147 = arith.constant 0 : i32
    %dma_wait3A_148 = tpu.memref_slice %arg8[%dma_wait3A_146, %dma_wait3A_147] : memref<80x128xi32, #tpu.memory_space<vmem>> -> memref<1x128xi32, #tpu.memory_space<vmem>>
    %dma_wait3A_149 = tpu.memref_squeeze %dma_wait3A_148 : memref<1x128xi32, #tpu.memory_space<vmem>> -> memref<128xi32, #tpu.memory_space<vmem>>
    %dma_wait3A_150 = arith.constant 0 : i32
    %dma_wait3A_151 = arith.constant 0 : i32
    %dma_wait3A_152 = tpu.memref_slice %arg14[%dma_wait3A_150, %dma_wait3A_151] : memref<10240x64xf32, #tpu.memory_space<vmem_shared>> -> memref<10240x64xf32, #tpu.memory_space<vmem_shared>>
    tpu.wait_indirect_dma semaphore(%arg21 : memref<!tpu.dma_semaphore, #tpu.memory_space<semaphore_mem>>) src(%arg11 : memref<128x64xf32, #tpu.memory_space<vmem>>) dst(%dma_wait3A_152 : memref<10240x64xf32, #tpu.memory_space<vmem_shared>>)
    %dma_wait3A_153 = arith.constant 79 : i32
    %dma_wait3A_154 = arith.constant 0 : i32
    %dma_wait3A_155 = tpu.memref_slice %arg8[%dma_wait3A_153, %dma_wait3A_154] : memref<80x128xi32, #tpu.memory_space<vmem>> -> memref<1x128xi32, #tpu.memory_space<vmem>>
    %dma_wait3A_156 = tpu.memref_squeeze %dma_wait3A_155 : memref<1x128xi32, #tpu.memory_space<vmem>> -> memref<128xi32, #tpu.memory_space<vmem>>
    %dma_wait3A_157 = arith.constant 0 : i32
    %dma_wait3A_158 = arith.constant 0 : i32
    %dma_wait3A_159 = tpu.memref_slice %arg14[%dma_wait3A_157, %dma_wait3A_158] : memref<10240x64xf32, #tpu.memory_space<vmem_shared>> -> memref<10240x64xf32, #tpu.memory_space<vmem_shared>>
    tpu.wait_indirect_dma semaphore(%arg22 : memref<!tpu.dma_semaphore, #tpu.memory_space<semaphore_mem>>) src(%arg12 : memref<128x64xf32, #tpu.memory_space<vmem>>) dst(%dma_wait3A_159 : memref<10240x64xf32, #tpu.memory_space<vmem_shared>>)
    %barrier3A_160 = arith.constant 0 : index
    tpu.barrier barrier_id(%barrier3A_160)
    %add3A_161 = arith.constant 0 : i32
    %add3A_162 = arith.addi %mul3A_2, %add3A_161 : i32
    %add3A_163 = arith.constant 0 : i32
    %add3A_164 = arith.addi %mul3A_2, %add3A_163 : i32
    "tpu.region"() ({
      %run_scoped3A = tpu.sem_alloc : memref<!tpu.dma_semaphore, #tpu.memory_space<semaphore_mem>>
      %dma_start3A_181 = arith.constant 0 : i32
      %dma_start3A_182 = tpu.memref_slice %arg6[%arg0, %add3A_164, %dma_start3A_181] : memref<2x10240x128xf32, #tpu.memory_space<hbm>> -> memref<1x128x64xf32, #tpu.memory_space<hbm>>
      %dma_start3A_183 = tpu.memref_squeeze %dma_start3A_182 : memref<1x128x64xf32, #tpu.memory_space<hbm>> -> memref<128x64xf32, #tpu.memory_space<hbm>>
      %dma_start3A_184 = arith.constant 0 : i32
      %dma_start3A_185 = tpu.memref_slice %arg14[%add3A_162, %dma_start3A_184] : memref<10240x64xf32, #tpu.memory_space<vmem_shared>> -> memref<128x64xf32, #tpu.memory_space<vmem_shared>>
      tpu.enqueue_dma source(%dma_start3A_185 : memref<128x64xf32, #tpu.memory_space<vmem_shared>>) target(%dma_start3A_183 : memref<128x64xf32, #tpu.memory_space<hbm>>) target_semaphore(%run_scoped3A : memref<!tpu.dma_semaphore, #tpu.memory_space<semaphore_mem>>)
      %dma_wait3A_186 = arith.constant 0 : i32
      %dma_wait3A_187 = tpu.memref_slice %arg6[%arg0, %add3A_164, %dma_wait3A_186] : memref<2x10240x128xf32, #tpu.memory_space<hbm>> -> memref<1x128x64xf32, #tpu.memory_space<hbm>>
      %dma_wait3A_188 = tpu.memref_squeeze %dma_wait3A_187 : memref<1x128x64xf32, #tpu.memory_space<hbm>> -> memref<128x64xf32, #tpu.memory_space<hbm>>
      %dma_wait3A_189 = arith.constant 0 : i32
      %dma_wait3A_190 = tpu.memref_slice %arg14[%add3A_162, %dma_wait3A_189] : memref<10240x64xf32, #tpu.memory_space<vmem_shared>> -> memref<128x64xf32, #tpu.memory_space<vmem_shared>>
      tpu.wait_dma2 semaphore(%run_scoped3A : memref<!tpu.dma_semaphore, #tpu.memory_space<semaphore_mem>>) src(%dma_wait3A_190 : memref<128x64xf32, #tpu.memory_space<vmem_shared>>) dst(%dma_wait3A_188 : memref<128x64xf32, #tpu.memory_space<hbm>>)
      tpu.yield
    }) : () -> ()
    %add3A_165 = arith.constant 128 : i32
    %add3A_166 = arith.addi %mul3A_2, %add3A_165 : i32
    %add3A_167 = arith.constant 128 : i32
    %add3A_168 = arith.addi %mul3A_2, %add3A_167 : i32
    "tpu.region"() ({
      %run_scoped3A = tpu.sem_alloc : memref<!tpu.dma_semaphore, #tpu.memory_space<semaphore_mem>>
      %dma_start3A_181 = arith.constant 0 : i32
      %dma_start3A_182 = tpu.memref_slice %arg6[%arg0, %add3A_168, %dma_start3A_181] : memref<2x10240x128xf32, #tpu.memory_space<hbm>> -> memref<1x128x64xf32, #tpu.memory_space<hbm>>
      %dma_start3A_183 = tpu.memref_squeeze %dma_start3A_182 : memref<1x128x64xf32, #tpu.memory_space<hbm>> -> memref<128x64xf32, #tpu.memory_space<hbm>>
      %dma_start3A_184 = arith.constant 0 : i32
      %dma_start3A_185 = tpu.memref_slice %arg14[%add3A_166, %dma_start3A_184] : memref<10240x64xf32, #tpu.memory_space<vmem_shared>> -> memref<128x64xf32, #tpu.memory_space<vmem_shared>>
      tpu.enqueue_dma source(%dma_start3A_185 : memref<128x64xf32, #tpu.memory_space<vmem_shared>>) target(%dma_start3A_183 : memref<128x64xf32, #tpu.memory_space<hbm>>) target_semaphore(%run_scoped3A : memref<!tpu.dma_semaphore, #tpu.memory_space<semaphore_mem>>)
      %dma_wait3A_186 = arith.constant 0 : i32
      %dma_wait3A_187 = tpu.memref_slice %arg6[%arg0, %add3A_168, %dma_wait3A_186] : memref<2x10240x128xf32, #tpu.memory_space<hbm>> -> memref<1x128x64xf32, #tpu.memory_space<hbm>>
      %dma_wait3A_188 = tpu.memref_squeeze %dma_wait3A_187 : memref<1x128x64xf32, #tpu.memory_space<hbm>> -> memref<128x64xf32, #tpu.memory_space<hbm>>
      %dma_wait3A_189 = arith.constant 0 : i32
      %dma_wait3A_190 = tpu.memref_slice %arg14[%add3A_166, %dma_wait3A_189] : memref<10240x64xf32, #tpu.memory_space<vmem_shared>> -> memref<128x64xf32, #tpu.memory_space<vmem_shared>>
      tpu.wait_dma2 semaphore(%run_scoped3A : memref<!tpu.dma_semaphore, #tpu.memory_space<semaphore_mem>>) src(%dma_wait3A_190 : memref<128x64xf32, #tpu.memory_space<vmem_shared>>) dst(%dma_wait3A_188 : memref<128x64xf32, #tpu.memory_space<hbm>>)
      tpu.yield
    }) : () -> ()
    %add3A_169 = arith.constant 256 : i32
    %add3A_170 = arith.addi %mul3A_2, %add3A_169 : i32
    %add3A_171 = arith.constant 256 : i32
    %add3A_172 = arith.addi %mul3A_2, %add3A_171 : i32
    "tpu.region"() ({
      %run_scoped3A = tpu.sem_alloc : memref<!tpu.dma_semaphore, #tpu.memory_space<semaphore_mem>>
      %dma_start3A_181 = arith.constant 0 : i32
      %dma_start3A_182 = tpu.memref_slice %arg6[%arg0, %add3A_172, %dma_start3A_181] : memref<2x10240x128xf32, #tpu.memory_space<hbm>> -> memref<1x128x64xf32, #tpu.memory_space<hbm>>
      %dma_start3A_183 = tpu.memref_squeeze %dma_start3A_182 : memref<1x128x64xf32, #tpu.memory_space<hbm>> -> memref<128x64xf32, #tpu.memory_space<hbm>>
      %dma_start3A_184 = arith.constant 0 : i32
      %dma_start3A_185 = tpu.memref_slice %arg14[%add3A_170, %dma_start3A_184] : memref<10240x64xf32, #tpu.memory_space<vmem_shared>> -> memref<128x64xf32, #tpu.memory_space<vmem_shared>>
      tpu.enqueue_dma source(%dma_start3A_185 : memref<128x64xf32, #tpu.memory_space<vmem_shared>>) target(%dma_start3A_183 : memref<128x64xf32, #tpu.memory_space<hbm>>) target_semaphore(%run_scoped3A : memref<!tpu.dma_semaphore, #tpu.memory_space<semaphore_mem>>)
      %dma_wait3A_186 = arith.constant 0 : i32
      %dma_wait3A_187 = tpu.memref_slice %arg6[%arg0, %add3A_172, %dma_wait3A_186] : memref<2x10240x128xf32, #tpu.memory_space<hbm>> -> memref<1x128x64xf32, #tpu.memory_space<hbm>>
      %dma_wait3A_188 = tpu.memref_squeeze %dma_wait3A_187 : memref<1x128x64xf32, #tpu.memory_space<hbm>> -> memref<128x64xf32, #tpu.memory_space<hbm>>
      %dma_wait3A_189 = arith.constant 0 : i32
      %dma_wait3A_190 = tpu.memref_slice %arg14[%add3A_170, %dma_wait3A_189] : memref<10240x64xf32, #tpu.memory_space<vmem_shared>> -> memref<128x64xf32, #tpu.memory_space<vmem_shared>>
      tpu.wait_dma2 semaphore(%run_scoped3A : memref<!tpu.dma_semaphore, #tpu.memory_space<semaphore_mem>>) src(%dma_wait3A_190 : memref<128x64xf32, #tpu.memory_space<vmem_shared>>) dst(%dma_wait3A_188 : memref<128x64xf32, #tpu.memory_space<hbm>>)
      tpu.yield
    }) : () -> ()
    %add3A_173 = arith.constant 384 : i32
    %add3A_174 = arith.addi %mul3A_2, %add3A_173 : i32
    %add3A_175 = arith.constant 384 : i32
    %add3A_176 = arith.addi %mul3A_2, %add3A_175 : i32
    "tpu.region"() ({
      %run_scoped3A = tpu.sem_alloc : memref<!tpu.dma_semaphore, #tpu.memory_space<semaphore_mem>>
      %dma_start3A_181 = arith.constant 0 : i32
      %dma_start3A_182 = tpu.memref_slice %arg6[%arg0, %add3A_176, %dma_start3A_181] : memref<2x10240x128xf32, #tpu.memory_space<hbm>> -> memref<1x128x64xf32, #tpu.memory_space<hbm>>
      %dma_start3A_183 = tpu.memref_squeeze %dma_start3A_182 : memref<1x128x64xf32, #tpu.memory_space<hbm>> -> memref<128x64xf32, #tpu.memory_space<hbm>>
      %dma_start3A_184 = arith.constant 0 : i32
      %dma_start3A_185 = tpu.memref_slice %arg14[%add3A_174, %dma_start3A_184] : memref<10240x64xf32, #tpu.memory_space<vmem_shared>> -> memref<128x64xf32, #tpu.memory_space<vmem_shared>>
      tpu.enqueue_dma source(%dma_start3A_185 : memref<128x64xf32, #tpu.memory_space<vmem_shared>>) target(%dma_start3A_183 : memref<128x64xf32, #tpu.memory_space<hbm>>) target_semaphore(%run_scoped3A : memref<!tpu.dma_semaphore, #tpu.memory_space<semaphore_mem>>)
      %dma_wait3A_186 = arith.constant 0 : i32
      %dma_wait3A_187 = tpu.memref_slice %arg6[%arg0, %add3A_176, %dma_wait3A_186] : memref<2x10240x128xf32, #tpu.memory_space<hbm>> -> memref<1x128x64xf32, #tpu.memory_space<hbm>>
      %dma_wait3A_188 = tpu.memref_squeeze %dma_wait3A_187 : memref<1x128x64xf32, #tpu.memory_space<hbm>> -> memref<128x64xf32, #tpu.memory_space<hbm>>
      %dma_wait3A_189 = arith.constant 0 : i32
      %dma_wait3A_190 = tpu.memref_slice %arg14[%add3A_174, %dma_wait3A_189] : memref<10240x64xf32, #tpu.memory_space<vmem_shared>> -> memref<128x64xf32, #tpu.memory_space<vmem_shared>>
      tpu.wait_dma2 semaphore(%run_scoped3A : memref<!tpu.dma_semaphore, #tpu.memory_space<semaphore_mem>>) src(%dma_wait3A_190 : memref<128x64xf32, #tpu.memory_space<vmem_shared>>) dst(%dma_wait3A_188 : memref<128x64xf32, #tpu.memory_space<hbm>>)
      tpu.yield
    }) : () -> ()
    %add3A_177 = arith.constant 512 : i32
    %add3A_178 = arith.addi %mul3A_2, %add3A_177 : i32
    %add3A_179 = arith.constant 512 : i32
    %add3A_180 = arith.addi %mul3A_2, %add3A_179 : i32
    "tpu.region"() ({
      %run_scoped3A = tpu.sem_alloc : memref<!tpu.dma_semaphore, #tpu.memory_space<semaphore_mem>>
      %dma_start3A_181 = arith.constant 0 : i32
      %dma_start3A_182 = tpu.memref_slice %arg6[%arg0, %add3A_180, %dma_start3A_181] : memref<2x10240x128xf32, #tpu.memory_space<hbm>> -> memref<1x128x64xf32, #tpu.memory_space<hbm>>
      %dma_start3A_183 = tpu.memref_squeeze %dma_start3A_182 : memref<1x128x64xf32, #tpu.memory_space<hbm>> -> memref<128x64xf32, #tpu.memory_space<hbm>>
      %dma_start3A_184 = arith.constant 0 : i32
      %dma_start3A_185 = tpu.memref_slice %arg14[%add3A_178, %dma_start3A_184] : memref<10240x64xf32, #tpu.memory_space<vmem_shared>> -> memref<128x64xf32, #tpu.memory_space<vmem_shared>>
      tpu.enqueue_dma source(%dma_start3A_185 : memref<128x64xf32, #tpu.memory_space<vmem_shared>>) target(%dma_start3A_183 : memref<128x64xf32, #tpu.memory_space<hbm>>) target_semaphore(%run_scoped3A : memref<!tpu.dma_semaphore, #tpu.memory_space<semaphore_mem>>)
      %dma_wait3A_186 = arith.constant 0 : i32
      %dma_wait3A_187 = tpu.memref_slice %arg6[%arg0, %add3A_180, %dma_wait3A_186] : memref<2x10240x128xf32, #tpu.memory_space<hbm>> -> memref<1x128x64xf32, #tpu.memory_space<hbm>>
      %dma_wait3A_188 = tpu.memref_squeeze %dma_wait3A_187 : memref<1x128x64xf32, #tpu.memory_space<hbm>> -> memref<128x64xf32, #tpu.memory_space<hbm>>
      %dma_wait3A_189 = arith.constant 0 : i32
      %dma_wait3A_190 = tpu.memref_slice %arg14[%add3A_178, %dma_wait3A_189] : memref<10240x64xf32, #tpu.memory_space<vmem_shared>> -> memref<128x64xf32, #tpu.memory_space<vmem_shared>>
      tpu.wait_dma2 semaphore(%run_scoped3A : memref<!tpu.dma_semaphore, #tpu.memory_space<semaphore_mem>>) src(%dma_wait3A_190 : memref<128x64xf32, #tpu.memory_space<vmem_shared>>) dst(%dma_wait3A_188 : memref<128x64xf32, #tpu.memory_space<hbm>>)
      tpu.yield
    }) : () -> ()
    return
  }
}

module attributes {stable_mosaic.version = 14 : i64} {
  func.func @_tc_layer1_body(%arg0: memref<10000x128xf32, #tpu.memory_space<vmem>>, %arg1: memref<128x64xf32, #tpu.memory_space<vmem>>, %arg2: memref<2x10000x1xf32, #tpu.memory_space<vmem>>, %arg3: memref<10000x64xf32, #tpu.memory_space<vmem>>, %arg4: memref<10000x1xf32, #tpu.memory_space<vmem>>) attributes {dimension_semantics = [], scalar_prefetch = 0 : i64, scratch_operands = 0 : i64, tpu.core_type = #tpu.core_type<tc>} {
    %get3A = arith.constant 0 : index
    %get3A_0 = arith.constant 0 : index
    %get3A_1 = arith.constant 0 : index
    %get3A_2 = vector.load %arg2[%get3A, %get3A_0, %get3A_1] : memref<2x10000x1xf32, #tpu.memory_space<vmem>>, vector<1x10000x1xf32>
    %get3A_3 = vector.shape_cast %get3A_2 : vector<1x10000x1xf32> to vector<10000x1xf32>
    %add3A = arith.constant 1.000000e+00 : f32
    %add3A_4 = vector.broadcast %add3A : f32 to vector<10000x1xf32>
    %add3A_5 = arith.addf %add3A_4, %get3A_3 : vector<10000x1xf32>
    %get3A_6 = arith.constant 1 : index
    %get3A_7 = arith.constant 0 : index
    %get3A_8 = arith.constant 0 : index
    %get3A_9 = vector.load %arg2[%get3A_6, %get3A_7, %get3A_8] : memref<2x10000x1xf32, #tpu.memory_space<vmem>>, vector<1x10000x1xf32>
    %get3A_10 = vector.shape_cast %get3A_9 : vector<1x10000x1xf32> to vector<10000x1xf32>
    %add3A_11 = arith.addf %add3A_5, %get3A_10 : vector<10000x1xf32>
    %rsqrt3A = math.rsqrt %add3A_11 : vector<10000x1xf32>
    %swap3A = arith.constant 0 : index
    %swap3A_12 = arith.constant 0 : index
    %swap3A_13 = vector.load %arg4[%swap3A, %swap3A_12] : memref<10000x1xf32, #tpu.memory_space<vmem>>, vector<10000x1xf32>
    tpu.vector_store %arg4[%swap3A, %swap3A_12], %rsqrt3A {strides = array<i32>} : memref<10000x1xf32, #tpu.memory_space<vmem>>, vector<10000x1xf32>,
    %get3A_14 = arith.constant 0 : index
    %get3A_15 = arith.constant 0 : index
    %get3A_16 = vector.load %arg0[%get3A_14, %get3A_15] : memref<10000x128xf32, #tpu.memory_space<vmem>>, vector<10000x128xf32>
    %get3A_17 = arith.constant 0 : index
    %get3A_18 = arith.constant 0 : index
    %get3A_19 = vector.load %arg1[%get3A_17, %get3A_18] : memref<128x64xf32, #tpu.memory_space<vmem>>, vector<128x64xf32>
    %dot_general3A = arith.constant dense<0.000000e+00> : vector<10000x64xf32>
    %dot_general3A_20 = tpu.matmul %get3A_16, %get3A_19, %dot_general3A {dimension_numbers = #tpu.dot_dimension_numbers<[1], [0], [0], [1], [0, 0, 1, 1], [], []>, transpose_lhs_hint = false} : vector<10000x128xf32>, vector<128x64xf32>, vector<10000x64xf32> -> vector<10000x64xf32>
    %mul3A = vector.broadcast %rsqrt3A : vector<10000x1xf32> to vector<10000x64xf32>
    %mul3A_21 = arith.mulf %mul3A, %dot_general3A_20 : vector<10000x64xf32>
    %swap3A_22 = arith.constant 0 : index
    %swap3A_23 = arith.constant 0 : index
    %swap3A_24 = vector.load %arg3[%swap3A_22, %swap3A_23] : memref<10000x64xf32, #tpu.memory_space<vmem>>, vector<10000x64xf32>
    tpu.vector_store %arg3[%swap3A_22, %swap3A_23], %mul3A_21 {strides = array<i32>} : memref<10000x64xf32, #tpu.memory_space<vmem>>, vector<10000x64xf32>,
    return
  }
}

module attributes {stable_mosaic.version = 14 : i64} {
  func.func @_tc_mid_body(%arg0: memref<2x10240x128xf32, #tpu.memory_space<vmem>>, %arg1: memref<10000x64xf32, #tpu.memory_space<vmem>>, %arg2: memref<10000x1xf32, #tpu.memory_space<vmem>>, %arg3: memref<1x64xf32, #tpu.memory_space<vmem>>, %arg4: memref<1x64xf32, #tpu.memory_space<vmem>>, %arg5: memref<1x64xf32, #tpu.memory_space<vmem>>, %arg6: memref<1x64xf32, #tpu.memory_space<vmem>>, %arg7: memref<64x32xf32, #tpu.memory_space<vmem>>, %arg8: memref<10000x32xf32, #tpu.memory_space<vmem>>) attributes {dimension_semantics = [], scalar_prefetch = 0 : i64, scratch_operands = 0 : i64, tpu.core_type = #tpu.core_type<tc>} {
    %get3A = arith.constant 0 : index
    %get3A_0 = arith.constant 0 : index
    %get3A_1 = vector.load %arg2[%get3A, %get3A_0] : memref<10000x1xf32, #tpu.memory_space<vmem>>, vector<10000x1xf32>
    %get3A_2 = arith.constant 0 : index
    %get3A_3 = arith.constant 0 : index
    %get3A_4 = arith.constant 0 : index
    %get3A_5 = vector.load %arg0[%get3A_2, %get3A_3, %get3A_4] : memref<2x10240x128xf32, #tpu.memory_space<vmem>>, vector<1x10000x64xf32>
    %get3A_6 = vector.shape_cast %get3A_5 : vector<1x10000x64xf32> to vector<10000x64xf32>
    %get3A_7 = arith.constant 1 : index
    %get3A_8 = arith.constant 0 : index
    %get3A_9 = arith.constant 0 : index
    %get3A_10 = vector.load %arg0[%get3A_7, %get3A_8, %get3A_9] : memref<2x10240x128xf32, #tpu.memory_space<vmem>>, vector<1x10000x64xf32>
    %get3A_11 = vector.shape_cast %get3A_10 : vector<1x10000x64xf32> to vector<10000x64xf32>
    %add3A = arith.addf %get3A_6, %get3A_11 : vector<10000x64xf32>
    %get3A_12 = arith.constant 0 : index
    %get3A_13 = arith.constant 0 : index
    %get3A_14 = vector.load %arg1[%get3A_12, %get3A_13] : memref<10000x64xf32, #tpu.memory_space<vmem>>, vector<10000x64xf32>
    %add3A_15 = arith.addf %add3A, %get3A_14 : vector<10000x64xf32>
    %mul3A = vector.broadcast %get3A_1 : vector<10000x1xf32> to vector<10000x64xf32>
    %mul3A_16 = arith.mulf %mul3A, %add3A_15 : vector<10000x64xf32>
    %get3A_17 = arith.constant 0 : index
    %get3A_18 = arith.constant 0 : index
    %get3A_19 = vector.load %arg3[%get3A_17, %get3A_18] : memref<1x64xf32, #tpu.memory_space<vmem>>, vector<1x64xf32>
    %add3A_20 = vector.broadcast %get3A_19 : vector<1x64xf32> to vector<10000x64xf32>
    %add3A_21 = arith.addf %mul3A_16, %add3A_20 : vector<10000x64xf32>
    %max3A = arith.constant 0.000000e+00 : f32
    %max3A_22 = vector.broadcast %max3A : f32 to vector<10000x64xf32>
    %max3A_23 = arith.maximumf %add3A_21, %max3A_22 : vector<10000x64xf32>
    %get3A_24 = arith.constant 0 : index
    %get3A_25 = arith.constant 0 : index
    %get3A_26 = vector.load %arg6[%get3A_24, %get3A_25] : memref<1x64xf32, #tpu.memory_space<vmem>>, vector<1x64xf32>
    %reduce_sum3A = arith.constant dense<0.000000e+00> : vector<64xf32>
    %reduce_sum3A_27 = vector.multi_reduction <add>, %max3A_23, %reduce_sum3A [0] : vector<10000x64xf32> to vector<64xf32>
    %broadcast_in_dim3A = vector.shape_cast %reduce_sum3A_27 : vector<64xf32> to vector<1x64xf32>
    %div3A = arith.constant 1.000000e+04 : f32
    %div3A_28 = vector.broadcast %div3A : f32 to vector<1x64xf32>
    %div3A_29 = arith.divf %broadcast_in_dim3A, %div3A_28 : vector<1x64xf32>
    %mul3A_30 = arith.mulf %get3A_26, %div3A_29 : vector<1x64xf32>
    %sub3A = vector.broadcast %mul3A_30 : vector<1x64xf32> to vector<10000x64xf32>
    %sub3A_31 = arith.subf %max3A_23, %sub3A : vector<10000x64xf32>
    %mul3A_32 = arith.mulf %sub3A_31, %sub3A_31 : vector<10000x64xf32>
    %reduce_sum3A_33 = arith.constant dense<0.000000e+00> : vector<64xf32>
    %reduce_sum3A_34 = vector.multi_reduction <add>, %mul3A_32, %reduce_sum3A_33 [0] : vector<10000x64xf32> to vector<64xf32>
    %broadcast_in_dim3A_35 = vector.shape_cast %reduce_sum3A_34 : vector<64xf32> to vector<1x64xf32>
    %div3A_36 = arith.constant 1.000000e+04 : f32
    %div3A_37 = vector.broadcast %div3A_36 : f32 to vector<1x64xf32>
    %div3A_38 = arith.divf %broadcast_in_dim3A_35, %div3A_37 : vector<1x64xf32>
    %get3A_39 = arith.constant 0 : index
    %get3A_40 = arith.constant 0 : index
    %get3A_41 = vector.load %arg4[%get3A_39, %get3A_40] : memref<1x64xf32, #tpu.memory_space<vmem>>, vector<1x64xf32>
    %mul3A_42 = vector.broadcast %get3A_41 : vector<1x64xf32> to vector<10000x64xf32>
    %mul3A_43 = arith.mulf %mul3A_42, %sub3A_31 : vector<10000x64xf32>
    %add3A_44 = arith.constant 9.99999974E-6 : f32
    %add3A_45 = vector.broadcast %add3A_44 : f32 to vector<1x64xf32>
    %add3A_46 = arith.addf %div3A_38, %add3A_45 : vector<1x64xf32>
    %sqrt3A = math.sqrt %add3A_46 : vector<1x64xf32>
    %div3A_47 = vector.broadcast %sqrt3A : vector<1x64xf32> to vector<10000x64xf32>
    %div3A_48 = arith.divf %mul3A_43, %div3A_47 : vector<10000x64xf32>
    %get3A_49 = arith.constant 0 : index
    %get3A_50 = arith.constant 0 : index
    %get3A_51 = vector.load %arg5[%get3A_49, %get3A_50] : memref<1x64xf32, #tpu.memory_space<vmem>>, vector<1x64xf32>
    %add3A_52 = vector.broadcast %get3A_51 : vector<1x64xf32> to vector<10000x64xf32>
    %add3A_53 = arith.addf %div3A_48, %add3A_52 : vector<10000x64xf32>
    %get3A_54 = arith.constant 0 : index
    %get3A_55 = arith.constant 0 : index
    %get3A_56 = vector.load %arg7[%get3A_54, %get3A_55] : memref<64x32xf32, #tpu.memory_space<vmem>>, vector<64x32xf32>
    %dot_general3A = arith.constant dense<0.000000e+00> : vector<10000x32xf32>
    %dot_general3A_57 = tpu.matmul %add3A_53, %get3A_56, %dot_general3A {dimension_numbers = #tpu.dot_dimension_numbers<[1], [0], [0], [1], [0, 0, 1, 1], [], []>, transpose_lhs_hint = false} : vector<10000x64xf32>, vector<64x32xf32>, vector<10000x32xf32> -> vector<10000x32xf32>
    %mul3A_58 = vector.broadcast %get3A_1 : vector<10000x1xf32> to vector<10000x32xf32>
    %mul3A_59 = arith.mulf %mul3A_58, %dot_general3A_57 : vector<10000x32xf32>
    %swap3A = arith.constant 0 : index
    %swap3A_60 = arith.constant 0 : index
    %swap3A_61 = vector.load %arg8[%swap3A, %swap3A_60] : memref<10000x32xf32, #tpu.memory_space<vmem>>, vector<10000x32xf32>
    tpu.vector_store %arg8[%swap3A, %swap3A_60], %mul3A_59 {strides = array<i32>} : memref<10000x32xf32, #tpu.memory_space<vmem>>, vector<10000x32xf32>,
    return
  }
}

module attributes {stable_mosaic.version = 14 : i64} {
  func.func @_tc_mid_body(%arg0: memref<2x10240x128xf32, #tpu.memory_space<vmem>>, %arg1: memref<10000x32xf32, #tpu.memory_space<vmem>>, %arg2: memref<10000x1xf32, #tpu.memory_space<vmem>>, %arg3: memref<1x32xf32, #tpu.memory_space<vmem>>, %arg4: memref<1x32xf32, #tpu.memory_space<vmem>>, %arg5: memref<1x32xf32, #tpu.memory_space<vmem>>, %arg6: memref<1x32xf32, #tpu.memory_space<vmem>>, %arg7: memref<32x16xf32, #tpu.memory_space<vmem>>, %arg8: memref<10000x16xf32, #tpu.memory_space<vmem>>) attributes {dimension_semantics = [], scalar_prefetch = 0 : i64, scratch_operands = 0 : i64, tpu.core_type = #tpu.core_type<tc>} {
    %get3A = arith.constant 0 : index
    %get3A_0 = arith.constant 0 : index
    %get3A_1 = vector.load %arg2[%get3A, %get3A_0] : memref<10000x1xf32, #tpu.memory_space<vmem>>, vector<10000x1xf32>
    %get3A_2 = arith.constant 0 : index
    %get3A_3 = arith.constant 0 : index
    %get3A_4 = arith.constant 0 : index
    %get3A_5 = vector.load %arg0[%get3A_2, %get3A_3, %get3A_4] : memref<2x10240x128xf32, #tpu.memory_space<vmem>>, vector<1x10000x32xf32>
    %get3A_6 = vector.shape_cast %get3A_5 : vector<1x10000x32xf32> to vector<10000x32xf32>
    %get3A_7 = arith.constant 1 : index
    %get3A_8 = arith.constant 0 : index
    %get3A_9 = arith.constant 0 : index
    %get3A_10 = vector.load %arg0[%get3A_7, %get3A_8, %get3A_9] : memref<2x10240x128xf32, #tpu.memory_space<vmem>>, vector<1x10000x32xf32>
    %get3A_11 = vector.shape_cast %get3A_10 : vector<1x10000x32xf32> to vector<10000x32xf32>
    %add3A = arith.addf %get3A_6, %get3A_11 : vector<10000x32xf32>
    %get3A_12 = arith.constant 0 : index
    %get3A_13 = arith.constant 0 : index
    %get3A_14 = vector.load %arg1[%get3A_12, %get3A_13] : memref<10000x32xf32, #tpu.memory_space<vmem>>, vector<10000x32xf32>
    %add3A_15 = arith.addf %add3A, %get3A_14 : vector<10000x32xf32>
    %mul3A = vector.broadcast %get3A_1 : vector<10000x1xf32> to vector<10000x32xf32>
    %mul3A_16 = arith.mulf %mul3A, %add3A_15 : vector<10000x32xf32>
    %get3A_17 = arith.constant 0 : index
    %get3A_18 = arith.constant 0 : index
    %get3A_19 = vector.load %arg3[%get3A_17, %get3A_18] : memref<1x32xf32, #tpu.memory_space<vmem>>, vector<1x32xf32>
    %add3A_20 = vector.broadcast %get3A_19 : vector<1x32xf32> to vector<10000x32xf32>
    %add3A_21 = arith.addf %mul3A_16, %add3A_20 : vector<10000x32xf32>
    %max3A = arith.constant 0.000000e+00 : f32
    %max3A_22 = vector.broadcast %max3A : f32 to vector<10000x32xf32>
    %max3A_23 = arith.maximumf %add3A_21, %max3A_22 : vector<10000x32xf32>
    %get3A_24 = arith.constant 0 : index
    %get3A_25 = arith.constant 0 : index
    %get3A_26 = vector.load %arg6[%get3A_24, %get3A_25] : memref<1x32xf32, #tpu.memory_space<vmem>>, vector<1x32xf32>
    %reduce_sum3A = arith.constant dense<0.000000e+00> : vector<32xf32>
    %reduce_sum3A_27 = vector.multi_reduction <add>, %max3A_23, %reduce_sum3A [0] : vector<10000x32xf32> to vector<32xf32>
    %broadcast_in_dim3A = vector.shape_cast %reduce_sum3A_27 : vector<32xf32> to vector<1x32xf32>
    %div3A = arith.constant 1.000000e+04 : f32
    %div3A_28 = vector.broadcast %div3A : f32 to vector<1x32xf32>
    %div3A_29 = arith.divf %broadcast_in_dim3A, %div3A_28 : vector<1x32xf32>
    %mul3A_30 = arith.mulf %get3A_26, %div3A_29 : vector<1x32xf32>
    %sub3A = vector.broadcast %mul3A_30 : vector<1x32xf32> to vector<10000x32xf32>
    %sub3A_31 = arith.subf %max3A_23, %sub3A : vector<10000x32xf32>
    %mul3A_32 = arith.mulf %sub3A_31, %sub3A_31 : vector<10000x32xf32>
    %reduce_sum3A_33 = arith.constant dense<0.000000e+00> : vector<32xf32>
    %reduce_sum3A_34 = vector.multi_reduction <add>, %mul3A_32, %reduce_sum3A_33 [0] : vector<10000x32xf32> to vector<32xf32>
    %broadcast_in_dim3A_35 = vector.shape_cast %reduce_sum3A_34 : vector<32xf32> to vector<1x32xf32>
    %div3A_36 = arith.constant 1.000000e+04 : f32
    %div3A_37 = vector.broadcast %div3A_36 : f32 to vector<1x32xf32>
    %div3A_38 = arith.divf %broadcast_in_dim3A_35, %div3A_37 : vector<1x32xf32>
    %get3A_39 = arith.constant 0 : index
    %get3A_40 = arith.constant 0 : index
    %get3A_41 = vector.load %arg4[%get3A_39, %get3A_40] : memref<1x32xf32, #tpu.memory_space<vmem>>, vector<1x32xf32>
    %mul3A_42 = vector.broadcast %get3A_41 : vector<1x32xf32> to vector<10000x32xf32>
    %mul3A_43 = arith.mulf %mul3A_42, %sub3A_31 : vector<10000x32xf32>
    %add3A_44 = arith.constant 9.99999974E-6 : f32
    %add3A_45 = vector.broadcast %add3A_44 : f32 to vector<1x32xf32>
    %add3A_46 = arith.addf %div3A_38, %add3A_45 : vector<1x32xf32>
    %sqrt3A = math.sqrt %add3A_46 : vector<1x32xf32>
    %div3A_47 = vector.broadcast %sqrt3A : vector<1x32xf32> to vector<10000x32xf32>
    %div3A_48 = arith.divf %mul3A_43, %div3A_47 : vector<10000x32xf32>
    %get3A_49 = arith.constant 0 : index
    %get3A_50 = arith.constant 0 : index
    %get3A_51 = vector.load %arg5[%get3A_49, %get3A_50] : memref<1x32xf32, #tpu.memory_space<vmem>>, vector<1x32xf32>
    %add3A_52 = vector.broadcast %get3A_51 : vector<1x32xf32> to vector<10000x32xf32>
    %add3A_53 = arith.addf %div3A_48, %add3A_52 : vector<10000x32xf32>
    %get3A_54 = arith.constant 0 : index
    %get3A_55 = arith.constant 0 : index
    %get3A_56 = vector.load %arg7[%get3A_54, %get3A_55] : memref<32x16xf32, #tpu.memory_space<vmem>>, vector<32x16xf32>
    %dot_general3A = arith.constant dense<0.000000e+00> : vector<10000x16xf32>
    %dot_general3A_57 = tpu.matmul %add3A_53, %get3A_56, %dot_general3A {dimension_numbers = #tpu.dot_dimension_numbers<[1], [0], [0], [1], [0, 0, 1, 1], [], []>, transpose_lhs_hint = false} : vector<10000x32xf32>, vector<32x16xf32>, vector<10000x16xf32> -> vector<10000x16xf32>
    %mul3A_58 = vector.broadcast %get3A_1 : vector<10000x1xf32> to vector<10000x16xf32>
    %mul3A_59 = arith.mulf %mul3A_58, %dot_general3A_57 : vector<10000x16xf32>
    %swap3A = arith.constant 0 : index
    %swap3A_60 = arith.constant 0 : index
    %swap3A_61 = vector.load %arg8[%swap3A, %swap3A_60] : memref<10000x16xf32, #tpu.memory_space<vmem>>, vector<10000x16xf32>
    tpu.vector_store %arg8[%swap3A, %swap3A_60], %mul3A_59 {strides = array<i32>} : memref<10000x16xf32, #tpu.memory_space<vmem>>, vector<10000x16xf32>,
    return
  }
}

module attributes {stable_mosaic.version = 14 : i64} {
  func.func @_tc_head_body(%arg0: memref<2x10240x128xf32, #tpu.memory_space<vmem>>, %arg1: memref<10000x16xf32, #tpu.memory_space<vmem>>, %arg2: memref<10000x1xf32, #tpu.memory_space<vmem>>, %arg3: memref<1x16xf32, #tpu.memory_space<vmem>>, %arg4: memref<1x16xf32, #tpu.memory_space<vmem>>, %arg5: memref<1x16xf32, #tpu.memory_space<vmem>>, %arg6: memref<1x16xf32, #tpu.memory_space<vmem>>, %arg7: memref<1x10000xi32, #tpu.memory_space<vmem>>, %arg8: memref<16x329xf32, #tpu.memory_space<vmem>>, %arg9: memref<1x329xf32, #tpu.memory_space<vmem>>, %arg10: memref<1x329xf32, #tpu.memory_space<vmem>>, %arg11: memref<1x329xf32, #tpu.memory_space<vmem>>, %arg12: memref<329x658xf32, #tpu.memory_space<vmem>>, %arg13: memref<1x658xf32, #tpu.memory_space<vmem>>, %arg14: memref<1x658xf32, #tpu.memory_space<vmem>>, %arg15: memref<1x658xf32, #tpu.memory_space<vmem>>, %arg16: memref<658x1317xf32, #tpu.memory_space<vmem>>, %arg17: memref<1x1317xf32, #tpu.memory_space<vmem>>, %arg18: memref<64x1317xf32, #tpu.memory_space<vmem>>, %arg19: memref<64x1317xf32, #tpu.memory_space<vmem>>) attributes {dimension_semantics = [], scalar_prefetch = 0 : i64, scratch_operands = 0 : i64, tpu.core_type = #tpu.core_type<tc>} {
    %get3A = arith.constant 0 : index
    %get3A_0 = arith.constant 0 : index
    %get3A_1 = arith.constant 0 : index
    %get3A_2 = vector.load %arg0[%get3A, %get3A_0, %get3A_1] : memref<2x10240x128xf32, #tpu.memory_space<vmem>>, vector<1x10000x16xf32>
    %get3A_3 = vector.shape_cast %get3A_2 : vector<1x10000x16xf32> to vector<10000x16xf32>
    %get3A_4 = arith.constant 1 : index
    %get3A_5 = arith.constant 0 : index
    %get3A_6 = arith.constant 0 : index
    %get3A_7 = vector.load %arg0[%get3A_4, %get3A_5, %get3A_6] : memref<2x10240x128xf32, #tpu.memory_space<vmem>>, vector<1x10000x16xf32>
    %get3A_8 = vector.shape_cast %get3A_7 : vector<1x10000x16xf32> to vector<10000x16xf32>
    %add3A = arith.addf %get3A_3, %get3A_8 : vector<10000x16xf32>
    %get3A_9 = arith.constant 0 : index
    %get3A_10 = arith.constant 0 : index
    %get3A_11 = vector.load %arg1[%get3A_9, %get3A_10] : memref<10000x16xf32, #tpu.memory_space<vmem>>, vector<10000x16xf32>
    %add3A_12 = arith.addf %add3A, %get3A_11 : vector<10000x16xf32>
    %get3A_13 = arith.constant 0 : index
    %get3A_14 = arith.constant 0 : index
    %get3A_15 = vector.load %arg2[%get3A_13, %get3A_14] : memref<10000x1xf32, #tpu.memory_space<vmem>>, vector<10000x1xf32>
    %mul3A = vector.broadcast %get3A_15 : vector<10000x1xf32> to vector<10000x16xf32>
    %mul3A_16 = arith.mulf %mul3A, %add3A_12 : vector<10000x16xf32>
    %get3A_17 = arith.constant 0 : index
    %get3A_18 = arith.constant 0 : index
    %get3A_19 = vector.load %arg3[%get3A_17, %get3A_18] : memref<1x16xf32, #tpu.memory_space<vmem>>, vector<1x16xf32>
    %add3A_20 = vector.broadcast %get3A_19 : vector<1x16xf32> to vector<10000x16xf32>
    %add3A_21 = arith.addf %mul3A_16, %add3A_20 : vector<10000x16xf32>
    %max3A = arith.constant 0.000000e+00 : f32
    %max3A_22 = vector.broadcast %max3A : f32 to vector<10000x16xf32>
    %max3A_23 = arith.maximumf %add3A_21, %max3A_22 : vector<10000x16xf32>
    %get3A_24 = arith.constant 0 : index
    %get3A_25 = arith.constant 0 : index
    %get3A_26 = vector.load %arg6[%get3A_24, %get3A_25] : memref<1x16xf32, #tpu.memory_space<vmem>>, vector<1x16xf32>
    %reduce_sum3A = arith.constant dense<0.000000e+00> : vector<16xf32>
    %reduce_sum3A_27 = vector.multi_reduction <add>, %max3A_23, %reduce_sum3A [0] : vector<10000x16xf32> to vector<16xf32>
    %broadcast_in_dim3A = vector.shape_cast %reduce_sum3A_27 : vector<16xf32> to vector<1x16xf32>
    %div3A = arith.constant 1.000000e+04 : f32
    %div3A_28 = vector.broadcast %div3A : f32 to vector<1x16xf32>
    %div3A_29 = arith.divf %broadcast_in_dim3A, %div3A_28 : vector<1x16xf32>
    %mul3A_30 = arith.mulf %get3A_26, %div3A_29 : vector<1x16xf32>
    %sub3A = vector.broadcast %mul3A_30 : vector<1x16xf32> to vector<10000x16xf32>
    %sub3A_31 = arith.subf %max3A_23, %sub3A : vector<10000x16xf32>
    %mul3A_32 = arith.mulf %sub3A_31, %sub3A_31 : vector<10000x16xf32>
    %reduce_sum3A_33 = arith.constant dense<0.000000e+00> : vector<16xf32>
    %reduce_sum3A_34 = vector.multi_reduction <add>, %mul3A_32, %reduce_sum3A_33 [0] : vector<10000x16xf32> to vector<16xf32>
    %broadcast_in_dim3A_35 = vector.shape_cast %reduce_sum3A_34 : vector<16xf32> to vector<1x16xf32>
    %div3A_36 = arith.constant 1.000000e+04 : f32
    %div3A_37 = vector.broadcast %div3A_36 : f32 to vector<1x16xf32>
    %div3A_38 = arith.divf %broadcast_in_dim3A_35, %div3A_37 : vector<1x16xf32>
    %get3A_39 = arith.constant 0 : index
    %get3A_40 = arith.constant 0 : index
    %get3A_41 = vector.load %arg4[%get3A_39, %get3A_40] : memref<1x16xf32, #tpu.memory_space<vmem>>, vector<1x16xf32>
    %mul3A_42 = vector.broadcast %get3A_41 : vector<1x16xf32> to vector<10000x16xf32>
    %mul3A_43 = arith.mulf %mul3A_42, %sub3A_31 : vector<10000x16xf32>
    %add3A_44 = arith.constant 9.99999974E-6 : f32
    %add3A_45 = vector.broadcast %add3A_44 : f32 to vector<1x16xf32>
    %add3A_46 = arith.addf %div3A_38, %add3A_45 : vector<1x16xf32>
    %sqrt3A = math.sqrt %add3A_46 : vector<1x16xf32>
    %div3A_47 = vector.broadcast %sqrt3A : vector<1x16xf32> to vector<10000x16xf32>
    %div3A_48 = arith.divf %mul3A_43, %div3A_47 : vector<10000x16xf32>
    %get3A_49 = arith.constant 0 : index
    %get3A_50 = arith.constant 0 : index
    %get3A_51 = vector.load %arg5[%get3A_49, %get3A_50] : memref<1x16xf32, #tpu.memory_space<vmem>>, vector<1x16xf32>
    %add3A_52 = vector.broadcast %get3A_51 : vector<1x16xf32> to vector<10000x16xf32>
    %add3A_53 = arith.addf %div3A_48, %add3A_52 : vector<10000x16xf32>
    %iota3A = tpu.iota {dimensions = array<i32: 0>} : vector<64x10000xi32>
    %get3A_54 = arith.constant 0 : index
    %get3A_55 = arith.constant 0 : index
    %get3A_56 = vector.load %arg7[%get3A_54, %get3A_55] : memref<1x10000xi32, #tpu.memory_space<vmem>>, vector<1x10000xi32>
    %eq3A = vector.broadcast %get3A_56 : vector<1x10000xi32> to vector<64x10000xi32>
    %eq3A_57 = arith.cmpi eq, %iota3A, %eq3A : vector<64x10000xi32>
    %convert_element_type3A = arith.extui %eq3A_57 : vector<64x10000xi1> to vector<64x10000xi32>
    %convert_element_type3A_58 = arith.sitofp %convert_element_type3A : vector<64x10000xi32> to vector<64x10000xf32>
    %dot_general3A = arith.constant dense<0.000000e+00> : vector<64x16xf32>
    %dot_general3A_59 = tpu.matmul %convert_element_type3A_58, %add3A_53, %dot_general3A {dimension_numbers = #tpu.dot_dimension_numbers<[1], [0], [0], [1], [0, 0, 1, 1], [], []>, transpose_lhs_hint = false} : vector<64x10000xf32>, vector<10000x16xf32>, vector<64x16xf32> -> vector<64x16xf32>
    %reduce_sum3A_60 = arith.constant dense<0.000000e+00> : vector<64xf32>
    %reduce_sum3A_61 = vector.multi_reduction <add>, %convert_element_type3A_58, %reduce_sum3A_60 [1] : vector<64x10000xf32> to vector<64xf32>
    %broadcast_in_dim3A_62 = vector.shape_cast %reduce_sum3A_61 : vector<64xf32> to vector<64x1xf32>
    %max3A_63 = arith.constant 1.000000e+00 : f32
    %max3A_64 = vector.broadcast %max3A_63 : f32 to vector<64x1xf32>
    %max3A_65 = arith.maximumf %broadcast_in_dim3A_62, %max3A_64 : vector<64x1xf32>
    %div3A_66 = vector.broadcast %max3A_65 : vector<64x1xf32> to vector<64x16xf32>
    %div3A_67 = arith.divf %dot_general3A_59, %div3A_66 : vector<64x16xf32>
    %get3A_68 = arith.constant 0 : index
    %get3A_69 = arith.constant 0 : index
    %get3A_70 = vector.load %arg8[%get3A_68, %get3A_69] : memref<16x329xf32, #tpu.memory_space<vmem>>, vector<16x329xf32>
    %dot_general3A_71 = arith.constant dense<0.000000e+00> : vector<64x329xf32>
    %dot_general3A_72 = tpu.matmul %div3A_67, %get3A_70, %dot_general3A_71 {dimension_numbers = #tpu.dot_dimension_numbers<[1], [0], [0], [1], [0, 0, 1, 1], [], []>, transpose_lhs_hint = false} : vector<64x16xf32>, vector<16x329xf32>, vector<64x329xf32> -> vector<64x329xf32>
    %get3A_73 = arith.constant 0 : index
    %get3A_74 = arith.constant 0 : index
    %get3A_75 = vector.load %arg9[%get3A_73, %get3A_74] : memref<1x329xf32, #tpu.memory_space<vmem>>, vector<1x329xf32>
    %add3A_76 = vector.broadcast %get3A_75 : vector<1x329xf32> to vector<64x329xf32>
    %add3A_77 = arith.addf %dot_general3A_72, %add3A_76 : vector<64x329xf32>
    %reduce_sum3A_78 = arith.constant dense<0.000000e+00> : vector<329xf32>
    %reduce_sum3A_79 = vector.multi_reduction <add>, %add3A_77, %reduce_sum3A_78 [0] : vector<64x329xf32> to vector<329xf32>
    %broadcast_in_dim3A_80 = vector.shape_cast %reduce_sum3A_79 : vector<329xf32> to vector<1x329xf32>
    %div3A_81 = arith.constant 6.400000e+01 : f32
    %div3A_82 = vector.broadcast %div3A_81 : f32 to vector<1x329xf32>
    %div3A_83 = arith.divf %broadcast_in_dim3A_80, %div3A_82 : vector<1x329xf32>
    %sub3A_84 = vector.broadcast %div3A_83 : vector<1x329xf32> to vector<64x329xf32>
    %sub3A_85 = arith.subf %add3A_77, %sub3A_84 : vector<64x329xf32>
    %integer_pow3A = arith.mulf %sub3A_85, %sub3A_85 : vector<64x329xf32>
    %reduce_sum3A_86 = arith.constant dense<0.000000e+00> : vector<329xf32>
    %reduce_sum3A_87 = vector.multi_reduction <add>, %integer_pow3A, %reduce_sum3A_86 [0] : vector<64x329xf32> to vector<329xf32>
    %broadcast_in_dim3A_88 = vector.shape_cast %reduce_sum3A_87 : vector<329xf32> to vector<1x329xf32>
    %div3A_89 = arith.constant 6.400000e+01 : f32
    %div3A_90 = vector.broadcast %div3A_89 : f32 to vector<1x329xf32>
    %div3A_91 = arith.divf %broadcast_in_dim3A_88, %div3A_90 : vector<1x329xf32>
    %get3A_92 = arith.constant 0 : index
    %get3A_93 = arith.constant 0 : index
    %get3A_94 = vector.load %arg10[%get3A_92, %get3A_93] : memref<1x329xf32, #tpu.memory_space<vmem>>, vector<1x329xf32>
    %sub3A_95 = vector.broadcast %div3A_83 : vector<1x329xf32> to vector<64x329xf32>
    %sub3A_96 = arith.subf %add3A_77, %sub3A_95 : vector<64x329xf32>
    %mul3A_97 = vector.broadcast %get3A_94 : vector<1x329xf32> to vector<64x329xf32>
    %mul3A_98 = arith.mulf %mul3A_97, %sub3A_96 : vector<64x329xf32>
    %add3A_99 = arith.constant 9.99999974E-6 : f32
    %add3A_100 = vector.broadcast %add3A_99 : f32 to vector<1x329xf32>
    %add3A_101 = arith.addf %div3A_91, %add3A_100 : vector<1x329xf32>
    %sqrt3A_102 = math.sqrt %add3A_101 : vector<1x329xf32>
    %div3A_103 = vector.broadcast %sqrt3A_102 : vector<1x329xf32> to vector<64x329xf32>
    %div3A_104 = arith.divf %mul3A_98, %div3A_103 : vector<64x329xf32>
    %get3A_105 = arith.constant 0 : index
    %get3A_106 = arith.constant 0 : index
    %get3A_107 = vector.load %arg11[%get3A_105, %get3A_106] : memref<1x329xf32, #tpu.memory_space<vmem>>, vector<1x329xf32>
    %add3A_108 = vector.broadcast %get3A_107 : vector<1x329xf32> to vector<64x329xf32>
    %add3A_109 = arith.addf %div3A_104, %add3A_108 : vector<64x329xf32>
    %get3A_110 = arith.constant 0 : index
    %get3A_111 = arith.constant 0 : index
    %get3A_112 = vector.load %arg12[%get3A_110, %get3A_111] : memref<329x658xf32, #tpu.memory_space<vmem>>, vector<329x658xf32>
    %dot_general3A_113 = arith.constant dense<0.000000e+00> : vector<64x658xf32>
    %dot_general3A_114 = tpu.matmul %add3A_109, %get3A_112, %dot_general3A_113 {dimension_numbers = #tpu.dot_dimension_numbers<[1], [0], [0], [1], [0, 0, 1, 1], [], []>, transpose_lhs_hint = false} : vector<64x329xf32>, vector<329x658xf32>, vector<64x658xf32> -> vector<64x658xf32>
    %get3A_115 = arith.constant 0 : index
    %get3A_116 = arith.constant 0 : index
    %get3A_117 = vector.load %arg13[%get3A_115, %get3A_116] : memref<1x658xf32, #tpu.memory_space<vmem>>, vector<1x658xf32>
    %add3A_118 = vector.broadcast %get3A_117 : vector<1x658xf32> to vector<64x658xf32>
    %add3A_119 = arith.addf %dot_general3A_114, %add3A_118 : vector<64x658xf32>
    %reduce_sum3A_120 = arith.constant dense<0.000000e+00> : vector<658xf32>
    %reduce_sum3A_121 = vector.multi_reduction <add>, %add3A_119, %reduce_sum3A_120 [0] : vector<64x658xf32> to vector<658xf32>
    %broadcast_in_dim3A_122 = vector.shape_cast %reduce_sum3A_121 : vector<658xf32> to vector<1x658xf32>
    %div3A_123 = arith.constant 6.400000e+01 : f32
    %div3A_124 = vector.broadcast %div3A_123 : f32 to vector<1x658xf32>
    %div3A_125 = arith.divf %broadcast_in_dim3A_122, %div3A_124 : vector<1x658xf32>
    %sub3A_126 = vector.broadcast %div3A_125 : vector<1x658xf32> to vector<64x658xf32>
    %sub3A_127 = arith.subf %add3A_119, %sub3A_126 : vector<64x658xf32>
    %integer_pow3A_128 = arith.mulf %sub3A_127, %sub3A_127 : vector<64x658xf32>
    %reduce_sum3A_129 = arith.constant dense<0.000000e+00> : vector<658xf32>
    %reduce_sum3A_130 = vector.multi_reduction <add>, %integer_pow3A_128, %reduce_sum3A_129 [0] : vector<64x658xf32> to vector<658xf32>
    %broadcast_in_dim3A_131 = vector.shape_cast %reduce_sum3A_130 : vector<658xf32> to vector<1x658xf32>
    %div3A_132 = arith.constant 6.400000e+01 : f32
    %div3A_133 = vector.broadcast %div3A_132 : f32 to vector<1x658xf32>
    %div3A_134 = arith.divf %broadcast_in_dim3A_131, %div3A_133 : vector<1x658xf32>
    %get3A_135 = arith.constant 0 : index
    %get3A_136 = arith.constant 0 : index
    %get3A_137 = vector.load %arg14[%get3A_135, %get3A_136] : memref<1x658xf32, #tpu.memory_space<vmem>>, vector<1x658xf32>
    %sub3A_138 = vector.broadcast %div3A_125 : vector<1x658xf32> to vector<64x658xf32>
    %sub3A_139 = arith.subf %add3A_119, %sub3A_138 : vector<64x658xf32>
    %mul3A_140 = vector.broadcast %get3A_137 : vector<1x658xf32> to vector<64x658xf32>
    %mul3A_141 = arith.mulf %mul3A_140, %sub3A_139 : vector<64x658xf32>
    %add3A_142 = arith.constant 9.99999974E-6 : f32
    %add3A_143 = vector.broadcast %add3A_142 : f32 to vector<1x658xf32>
    %add3A_144 = arith.addf %div3A_134, %add3A_143 : vector<1x658xf32>
    %sqrt3A_145 = math.sqrt %add3A_144 : vector<1x658xf32>
    %div3A_146 = vector.broadcast %sqrt3A_145 : vector<1x658xf32> to vector<64x658xf32>
    %div3A_147 = arith.divf %mul3A_141, %div3A_146 : vector<64x658xf32>
    %get3A_148 = arith.constant 0 : index
    %get3A_149 = arith.constant 0 : index
    %get3A_150 = vector.load %arg15[%get3A_148, %get3A_149] : memref<1x658xf32, #tpu.memory_space<vmem>>, vector<1x658xf32>
    %add3A_151 = vector.broadcast %get3A_150 : vector<1x658xf32> to vector<64x658xf32>
    %add3A_152 = arith.addf %div3A_147, %add3A_151 : vector<64x658xf32>
    %get3A_153 = arith.constant 0 : index
    %get3A_154 = arith.constant 0 : index
    %get3A_155 = vector.load %arg16[%get3A_153, %get3A_154] : memref<658x1317xf32, #tpu.memory_space<vmem>>, vector<658x1317xf32>
    %dot_general3A_156 = arith.constant dense<0.000000e+00> : vector<64x1317xf32>
    %dot_general3A_157 = tpu.matmul %add3A_152, %get3A_155, %dot_general3A_156 {dimension_numbers = #tpu.dot_dimension_numbers<[1], [0], [0], [1], [0, 0, 1, 1], [], []>, transpose_lhs_hint = false} : vector<64x658xf32>, vector<658x1317xf32>, vector<64x1317xf32> -> vector<64x1317xf32>
    %get3A_158 = arith.constant 0 : index
    %get3A_159 = arith.constant 0 : index
    %get3A_160 = vector.load %arg17[%get3A_158, %get3A_159] : memref<1x1317xf32, #tpu.memory_space<vmem>>, vector<1x1317xf32>
    %add3A_161 = vector.broadcast %get3A_160 : vector<1x1317xf32> to vector<64x1317xf32>
    %add3A_162 = arith.addf %dot_general3A_157, %add3A_161 : vector<64x1317xf32>
    %swap3A = arith.constant 0 : index
    %swap3A_163 = arith.constant 0 : index
    %swap3A_164 = vector.load %arg18[%swap3A, %swap3A_163] : memref<64x1317xf32, #tpu.memory_space<vmem>>, vector<64x1317xf32>
    tpu.vector_store %arg18[%swap3A, %swap3A_163], %add3A_162 {strides = array<i32>} : memref<64x1317xf32, #tpu.memory_space<vmem>>, vector<64x1317xf32>,
    %logistic3A = arith.negf %add3A_162 : vector<64x1317xf32>
    %logistic3A_165 = math.exp %logistic3A : vector<64x1317xf32>
    %logistic3A_166 = arith.constant 1.000000e+00 : f32
    %logistic3A_167 = vector.broadcast %logistic3A_166 : f32 to vector<64x1317xf32>
    %logistic3A_168 = arith.addf %logistic3A_167, %logistic3A_165 : vector<64x1317xf32>
    %logistic3A_169 = arith.divf %logistic3A_167, %logistic3A_168 : vector<64x1317xf32>
    %swap3A_170 = arith.constant 0 : index
    %swap3A_171 = arith.constant 0 : index
    %swap3A_172 = vector.load %arg19[%swap3A_170, %swap3A_171] : memref<64x1317xf32, #tpu.memory_space<vmem>>, vector<64x1317xf32>
    tpu.vector_store %arg19[%swap3A_170, %swap3A_171], %logistic3A_169 {strides = array<i32>} : memref<64x1317xf32, #tpu.memory_space<vmem>>, vector<64x1317xf32>,
    return
  }
}

</mosaic_0001>

<sc_bundles>
// kernel: kernel.10.cloned.1.call-start
scs
__scs_entry_jumppad:
0x0: {  	(pc) =	sbr.rel $0x88, $3  }
0x1: {  	(tag) =	ssettag $0x0;
	lr =	simm.s32 $0x1  }
0x2: {  	[smem:$0x3F85] =	sst lr;
	_ =	strace $0xD0000000  }
0x3: {  	_ = 	snop  }
0x4: {  	_ = 	snop  }
0x5: {  	_ = 	snop  }
0x6: {  	_ = 	snop  }
0x7: {  	_ = 	snop  }
__scs_overlays_trampoline_lowered:
0x8: {  	[smem:$0x3F94] =	sst s0  }
0x9: {  	[smem:$0x3F95] =	sst s1  }
0xa: {  	[smem:$0x3F96] =	sst s2  }
0xb: {  	[smem:$0x3F97] =	sst s3  }
0xc: {  	[smem:$0x3F98] =	sst s4  }
0xd: {  	[smem:$0x3F99] =	sst s5  }
0xe: {  	[smem:$0x3F9A] =	sst s6  }
0xf: {  	[smem:$0x3F9B] =	sst s7  }
0x10: {  	[smem:$0x3F9C] =	sst s8  }
0x11: {  	[smem:$0x3F9D] =	sst s9;
	s0 =	simm.s32 @!p0 $0x0  }
0x12: {  	s1 =	sld [smem:$0x3F83];
	s0 =	simm.s32 @p0 $0x1  }
0x13: {  	[smem:$0x3F9E] =	sst s0;
	s0 =	simm.s32 @!p1 $0x0  }
0x14: {  	s2 =	sld [smem:$0x3F82];
	s0 =	simm.s32 @p1 $0x1  }
0x15: {  	[smem:$0x3F9F] =	sst s0;
	s0 =	simm.s32 @!p2 $0x0  }
0x16: {  	s3 =	sld [smem:$0x3FDB];
	s0 =	simm.s32 @p2 $0x1  }
0x17: {  	s4 =	simm.s32 $0x1BF5;
	[smem:$0x3FA1] =	sst s0  }
0x18: {  	s0 =	sld [smem:$0x3F84];
	_ =	swait.ge [sflag:s4], $0x0  }
0x19: {  	s7 =	sld [smem:$0x3F85]  }
0x1a: {  	s8 =	sadd.s32 $0xFFFFE003, lr  }
0x1b: {  	s9 =	sadd.s32 $0xFFFFFEF7, lr;
	s5 =	simm.s32 $0xFFFFFFFF;
	p2 =	slt.u32 s8, $0xFFFFF086  }
0x1c: {  	p1 =	slt.u32 s9, $0xF7A;
	s5 =	simm.s32 @!p2 $0x0  }
0x1d: {  	s5 =	simm.s32 @p1 $0x1;
	p0 =	seq.s32 s7, s2  }
0x1e: {  	s7 =	smul.u32 @!p0 $0xF7A, s2;
	p2 =	seq.s32 @!p0 s5, $0x0  }
0x1f: {  	s9 =	smul.u32 $0xF7A, s1;
	s8 =	simm.s32 @!p0 $0x1BF5;
	p2 =	por !p2, p0  }
0x20: {  	[sflag:s8] =	ssyncset.s32 @!p0 $0xFFFFF086;
	s6 =	sadd.s32 @!p0 s3, s7;
	s7 =	simm.s32 @!p0 $0x108  }
0x21: {  	s3 =	sadd.s32 s3, s9;
	s6 =	sadd.s32 @!p0 $0x88, s6;
	s7 =	simm.s32 @p2 $0x1082  }
0x22: {  	[simem:s7], [sflag:s8] =	dma.local @!p0 [hbm:s6], $0xF7A  }
0x23: {  	s9 =	sor.u32 $0xD0000000, s2;
	s6 =	simm.s32 $0x108;
	_ =	swait.ge @!p0 [sflag:s8], $0x0  }
0x24: {  	s3 =	sadd.s32 $0x88, s3;
	s6 =	simm.s32 @!p1 $0x1082;
	[sflag:s4] =	ssyncset.s32 $0xFFFFF086  }
0x25: {  	[simem:s6], [sflag:s4] =	dma.local [hbm:s3], $0xF7A  }
0x26: {  	[smem:$0x3F85] =	sst s1;
	(tag) =	ssettag s2;
	_ =	strace s9  }
0x27: {  	s1 =	sld [smem:$0x3F95]  }
0x28: {  	s2 =	sld [smem:$0x3F96]  }
0x29: {  	s4 =	sld [smem:$0x3F98]  }
0x2a: {  	p0 =	seq.s32 s5, $0x0;
	s5 =	sld [smem:$0x3F99]  }
0x2b: {  	s6 =	sld [smem:$0x3F9A]  }
0x2c: {  	s7 =	sld [smem:$0x3F9B]  }
0x2d: {  	s3 =	simm.s32 $0x108;
	s8 =	sld [smem:$0x3F9C]  }
0x2e: {  	s3 =	simm.s32 @!p0 $0x1082;
	s9 =	sld [smem:$0x3F9D]  }
0x2f: {  	lr =	sadd.s32 s0, s3;
	s0 =	sld [smem:$0x3F94]  }
0x30: {  	s3 =	sld [smem:$0x3F97]  }
0x31: {  	[smem:$0x3FA0] =	sst s10  }
0x32: {  	s10 =	sld [smem:$0x3F9E];
	_ =	sdelay $0x3  }
0x33: {  	p0 =	seq.s32 s10, $0x1;
	s10 =	sld [smem:$0x3FA0];
	_ =	sdelay $0x3  }
0x34: {  	[smem:$0x3FA0] =	sst s10  }
0x35: {  	s10 =	sld [smem:$0x3F9F];
	_ =	sdelay $0x3  }
0x36: {  	p1 =	seq.s32 s10, $0x1;
	s10 =	sld [smem:$0x3FA0];
	_ =	sdelay $0x3  }
0x37: {  	[smem:$0x3FA0] =	sst s10  }
0x38: {  	s10 =	sld [smem:$0x3FA1]  }
0x39: {  	_ = 	snop;
	(pc) =	sbr.ind lr, $3  }
0x3a: {  	_ = 	snop  }
0x3b: {  	_ = 	snop  }
0x3c: {  	p2 =	seq.s32 s10, $0x1;
	s10 =	sld [smem:$0x3FA0]  }
0x3d: {  	_ =	shalt  }
0x3e: {  	_ =	shalt  }
0x3f: {  	_ =	shalt  }
0x40: {  	_ =	shalt  }
0x41: {  	_ =	shalt  }
0x42: {  	_ =	shalt  }
0x43: {  	_ =	shalt  }
0x44: {  	_ =	shalt  }
0x45: {  	_ =	shalt  }
0x46: {  	_ =	shalt  }
0x47: {  	_ =	shalt  }
0x48: {  	_ =	shalt  }
0x49: {  	_ =	shalt  }
0x4a: {  	_ =	shalt  }
0x4b: {  	_ =	shalt  }
0x4c: {  	_ =	shalt  }
0x4d: {  	_ =	shalt  }
0x4e: {  	_ =	shalt  }
0x4f: {  	_ =	shalt  }
0x50: {  	_ =	shalt  }
0x51: {  	_ =	shalt  }
0x52: {  	_ =	shalt  }
0x53: {  	_ =	shalt  }
0x54: {  	_ =	shalt  }
0x55: {  	_ =	shalt  }
0x56: {  	_ =	shalt  }
0x57: {  	_ =	shalt  }
0x58: {  	_ =	shalt  }
0x59: {  	_ =	shalt  }
0x5a: {  	_ =	shalt  }
0x5b: {  	_ =	shalt  }
0x5c: {  	_ =	shalt  }
0x5d: {  	_ =	shalt  }
0x5e: {  	_ =	shalt  }
0x5f: {  	_ =	shalt  }
0x60: {  	_ =	shalt  }
0x61: {  	_ =	shalt  }
0x62: {  	_ =	shalt  }
0x63: {  	_ =	shalt  }
0x64: {  	_ =	shalt  }
0x65: {  	_ =	shalt  }
0x66: {  	_ =	shalt  }
0x67: {  	_ =	shalt  }
0x68: {  	_ =	shalt  }
0x69: {  	_ =	shalt  }
0x6a: {  	_ =	shalt  }
0x6b: {  	_ =	shalt  }
0x6c: {  	_ =	shalt  }
0x6d: {  	_ =	shalt  }
0x6e: {  	_ =	shalt  }
0x6f: {  	_ =	shalt  }
0x70: {  	_ =	shalt  }
0x71: {  	_ =	shalt  }
0x72: {  	_ =	shalt  }
0x73: {  	_ =	shalt  }
0x74: {  	_ =	shalt  }
0x75: {  	_ =	shalt  }
0x76: {  	_ =	shalt  }
0x77: {  	_ =	shalt  }
0x78: {  	_ =	shalt  }
0x79: {  	_ =	shalt  }
0x7a: {  	_ =	shalt  }
0x7b: {  	_ =	shalt  }
0x7c: {  	_ =	shalt  }
0x7d: {  	_ =	shalt  }
0x7e: {  	_ =	shalt  }
0x7f: {  	_ =	shalt  }
0x80: {  	_ =	shalt  }
0x81: {  	_ =	shalt  }
0x82: {  	_ =	shalt  }
0x83: {  	_ =	shalt  }
0x84: {  	_ =	shalt  }
0x85: {  	_ =	shalt  }
0x86: {  	_ =	shalt  }
0x87: {  	_ =	shalt  }
.Lfunc_end0:
.L_simem_size_0:
called_computation_lowered:
.L_overlay_start_0:
0x88: {  	s2 =	sld [smem:$0x3FD9]  }
0x89: {  	s3 =	sld [smem:$0x3FFE];
	_ =	sdelay $0x1  }
0x8a: {  	s1 =	srdreg.scid  }
0x8b: {  	s0 =	sand.u32 $0x1, s1  }
0x8c: {  	s14 =	sshll.u32 s0, $0xA;
	s2 =	sadd.s32 s3, s2  }
0x8d: {  	s2 =	sadd.s32 s2, s14  }
0x8e: {  	[smem:$0x3FAC] =	sst s2  }
0x8f: {  	_ = 	snop  }
0x90: {  	s2 =	sld [smem:$0x3FD0];
	_ =	sdelay $0x2  }
0x91: {  	s15 =	simm.s32 $0xA;
	s4 =	simm.s32 $0x10  }
0x92: {  	[smem:s4], [sflag:s15] =	dma.local [hbm:s2], $0x1  }
0x93: {  	_ =	swait.eq [sflag:s15], $0x1  }
0x94: {  	[sflag:s15] =	ssyncset.done $0x0  }
0x95: {  	s16 =	sld [smem:$0x10];
	[sflag:s15] =	ssyncadd.s32 $0xFFFFFFFF  }
0x96: {  	s17 =	sld [smem:$0x11];
	(tm) =	ssettm $0x1  }
0x97: {  	s18 =	sld [smem:$0x3FFB];
	_ =	sdelay $0x3  }
0x98: {  	_ =	strace s18  }
0x99: {  	s4 =	sld [smem:$0x3FFC];
	_ =	sdelay $0x3  }
0x9a: {  	_ =	strace s4  }
0x9b: {  	s4 =	sld [smem:$0x3FFD];
	_ =	sdelay $0x3  }
0x9c: {  	_ =	strace s4  }
0x9d: {  	_ =	strace $0x8FFFFFFF  }
0x9e: {  	s19 =	sld [smem:$0x3FDB];
	_ =	sdelay $0x1  }
0x9f: {  	s5 =	simm.s32 $_scs_section_size  }
0xa0: {  	s6 =	simm.s32 $_size__tile_overlayer_lowered;
	s7 =	simm.s32 $_tile_overlayer_lowered  }
0xa1: {  	s22 =	simm.s32 $0x1BFF;
	s21 =	sshll.u32 s7, $0x1;
	s4 =	sadd.s32 s5, s19  }
0xa2: {  	s8 =	simm.s32 $0x0;
	s20 =	sshll.u32 s6, $0x1;
	s6 =	sadd.s32 s21, s4  }
0xa3: {  	[timem:s8], [sflag:s22] =	dma.local [hbm:s6], s20  }
0xa4: {  	_ =	swait.ge [sflag:s22], s20  }
0xa5: {  	s5 =	ssub.s32 $0x0, s20;
	[sflag:s22] =	ssyncset.done $0x0  }
0xa6: {  	[sflag:s22] =	ssyncadd.s32 s5;
	_ =	sdelay $0x1  }
0xa7: {  	s23 =	simm.s32 $0x1B8B  }
0xa8: {  	_ =	swait.ge [sflag:s23], $0x1  }
0xa9: {  	[sflag:s23] =	ssyncset.done $0x0  }
0xaa: {  	s25 =	simm.s32 $0x1B8E;
	s24 =	sld [smem:$0x3FFE];
	[sflag:s23] =	ssyncadd.s32 $0xFFFFFFFF  }
0xab: {  	s26 =	simm.s32 $execute0_lowered;
	[smem:$0x3FD2] =	sst s25  }
0xac: {  	s6 =	sshll.u32 s26, $0x1;
	_ =	strace $0x80000046;
	[dreg:$0x1] =	wrdreg $0xFFFFFFFF  }
0xad: {  	s28 =	simm.s32 $_size_execute0_lowered;
	s4 =	sadd.s32 s4, s6;
	[dreg:$0x0] =	wrdreg $0x0  }
0xae: {  	s6 =	sshll.u32 s28, $0x1;
	[dreg:$0x2] =	wrdreg s4  }
0xaf: {  	[dreg:$0x3] =	wrdreg s6  }
0xb0: {  	[dreg:$0x4] =	wrdreg $0xC0  }
0xb1: {  	_ =	task [dreg:s8], $0x5FFFF  }
0xb2: {  	[dreg:$0x1] =	wrdreg $0xFFFFFFFF  }
0xb3: {  	[dreg:$0x0] =	wrdreg $0x60  }
0xb4: {  	[dreg:$0x2] =	wrdreg s24  }
0xb5: {  	[dreg:$0x3] =	wrdreg s16  }
0xb6: {  	[dreg:$0x4] =	wrdreg s17  }
0xb7: {  	[dreg:$0x5] =	wrdreg $0x29000  }
0xb8: {  	[dreg:$0x6] =	wrdreg $0x9  }
0xb9: {  	_ =	task.clear_ibuf [dreg:s8], $0x7FFFF;
	_ =	strace $0x90000046  }
0xba: {  	s29 =	simm.s32 $0x9;
	_ =	strace $0x80000048  }
0xbb: {  	_ =	swait.ge [sflag:s29], $0x1  }
0xbc: {  	[sflag:s29] =	ssyncadd.s32 $0xFFFFFFFF  }
0xbd: {  	_ =	strace $0x90000048  }
0xbe: {  	_ =	sfence  }
0xbf: {  	s30 =	sld [smem:$0x0];
	_ =	sdelay $0x2  }
0xc0: {  	s31 =	sshll.u32 s1, $0xD;
	s1 =	sshrl.u32 s1, $0x2  }
0xc1: {  	s3 =	sand.u32 $0x4000, s31;
	s1 =	sadd.s32 s1, s30  }
0xc2: {  	s0 =	sor.u32 s3, s0;
	s1 =	sshll.u32 s1, $0x11  }
0xc3: {  	s0 =	sor.u32 s1, s0  }
0xc4: {  	s0 =	sadd.s32 $0x8F2B, s0  }
0xc5: {  	[sflag:s0] =	ssyncadd.remote.s32 $0x1  }
0xc6: {  	_ =	sfence.sel $0xFFFF  }
0xc7: {  	[dreg:$0x0] =	wrdreg $0xFFFFFFFF;
	(pc) =	sbr.abs _section_cstart, $3  }
0xc8: {  	[dreg:$0x1] =	wrdreg $0xFFFFFFFF  }
0xc9: {  	_ =	task.clear_ibuf [dreg:s8], $0x2FFFF;
	_ =	strace $0x9FFFFFFF  }
0xca: {  	(tm) =	ssettm $0x7FFFFFFF  }
0xcb: {  	_ =	shalt  }
tec
execute0_lowered:
.L_overlay_start_1:
0x0: {  	(tag) =	ssettag $0x1  }
0x1: {  	s5 =	rddreg [dreg:$0x0]  }
0x2: {  	s1 =	rddreg [dreg:$0x1]  }
0x3: {  	s16 =	rddreg [dreg:$0x2]  }
0x4: {  	s0 =	srdreg.scid;
	s3 =	rddreg [dreg:$0x3];
	s4 =	simm.s32 $0x0  }
0x5: {  	s21 =	simm.s32 $0x80;
	s10 =	sand.u32 $0x1, s0;
	s0 =	stileid.u32  }
0x6: {  	s22 =	simm.s32 $0x0;
	[smem:$0x7FF] =	sst s4;
	s11 =	smul.u32 $0x280, s0  }
0x7: {  	s2 =	sshll.u32 s10, $0x4;
	s7 =	ssub.s32 $0x2, s10;
	s18 =	smul.u32 $0x500, s0  }
0x8: {  	s19 =	sshll.u32 s10, $0x7;
	s6 =	sor.u32 s0, s2;
	s2 =	rddreg [dreg:$0x4]  }
0x9: {  	_ =	strace $0x80000047;
	s28 =	sshrl.u32 s7, $0x1;
	s6 =	smul.u32 $0x500, s6  }
0xa: {  	s17 =	ssub.s32 s7, s28;
	s13 =	sadd.s32 $0x80, s11;
	s14 =	sadd.s32 $0x100, s11  }
0xb: {  	s15 =	sadd.s32 $0x180, s11;
	s20 =	sadd.s32 $0x200, s11;
	s30 =	sor.u32 s19, s18  }
0xc: {  	s7 =	sadd.s32 s13, s3;
	s8 =	sadd.s32 s14, s3;
	s9 =	sadd.s32 s15, s3  }
0xd: {  	s29 =	sshll.u32 s13, $0x1;
	s10 =	sadd.s32 s20, s3;
	s18 =	sshrl.u32 s30, $0x3  }
0xe: {  	s14 =	sshll.u32 s14, $0x1;
	s15 =	sshll.u32 s15, $0x1;
	s31 =	sshll.u32 s20, $0x1  }
0xf: {  	s17 =	smax.u32 s17, $0x1;
	s20 =	simm.s32 $0x2880;
	s12 =	sadd.s32 s6, s5  }
0x10: {  	s5 =	sadd.s32 $0xE800, s5;
	s6 =	sadd.s32 s11, s3;
	s13 =	sor.u32 s19, s29  }
0x11: {  	s14 =	sor.u32 s19, s14;
	s15 =	sor.u32 s19, s15;
	s13 =	sshrl.u32 s13, $0x3  }
0x12: {  	s11 =	sadd.s32 $0x4800, s12;
	s12 =	sadd.s32 s16, s18;
	s18 =	sor.u32 s19, s31  }
0x13: {  	s14 =	sshrl.u32 s14, $0x3;
	s15 =	sshrl.u32 s15, $0x3;
	s19 =	simm.s32 $0x1  }
0x14: {  	s13 =	sadd.s32 s16, s13;
	s18 =	sshrl.u32 s18, $0x3;
	s14 =	sadd.s32 s16, s14  }
0x15: {  	s15 =	sadd.s32 s16, s15;
	s16 =	sadd.s32 s16, s18;
	s18 =	simm.s32 $0x2800  }
.LBB2_1:
0x16: {  	[tilespmem:s18], [sflag:$0x1] =	stream.linear.gather [hbm4b:s1+s4], $0x80, $0x38;
	[tilespmem:$0x2B80] =	vst v63  }
0x17: {  	_ =	swait.ge [sflag:s19], $0x80  }
0x18: {  	[sflag:s19] =	ssyncset.done $0x0  }
0x19: {  	[sflag:s19] =	ssyncadd.s32 $0xFFFFFF80  }
0x1a: {  	[tilespmem:s20], [sflag:$0x1] =	stream.linear.gather [hbm4b:s5+s4], $0x80, $0x38;
	[tilespmem:$0x2B80] =	vst v63  }
0x1b: {  	_ =	swait.ge [sflag:s19], $0x80  }
0x1c: {  	[sflag:s19] =	ssyncset.done $0x0  }
0x1d: {  	[sflag:s19] =	ssyncadd.s32 $0xFFFFFF80  }
0x1e: {  	[spmem:s6] =	stream.linear.scatter [tilespmem:s20], [sflag:$0x1], $0x80, $0x38;
	[tilespmem:$0x2B80] =	vst v63  }
0x1f: {  	_ =	swait.ge [sflag:s19], $0x80  }
0x20: {  	[sflag:s19] =	ssyncset.done $0x0  }
0x21: {  	[sflag:s19] =	ssyncadd.s32 $0xFFFFFF80  }
0x22: {  	[spmem:s7] =	stream.linear.scatter [tilespmem:s20], [sflag:$0x1], $0x80, $0x38;
	[tilespmem:$0x2B80] =	vst v63  }
0x23: {  	_ =	swait.ge [sflag:s19], $0x80  }
0x24: {  	[sflag:s19] =	ssyncset.done $0x0  }
0x25: {  	[sflag:s19] =	ssyncadd.s32 $0xFFFFFF80  }
0x26: {  	[spmem:s8] =	stream.linear.scatter [tilespmem:s20], [sflag:$0x1], $0x80, $0x38;
	[tilespmem:$0x2B80] =	vst v63  }
0x27: {  	_ =	swait.ge [sflag:s19], $0x80  }
0x28: {  	[sflag:s19] =	ssyncset.done $0x0  }
0x29: {  	[sflag:s19] =	ssyncadd.s32 $0xFFFFFF80  }
0x2a: {  	[spmem:s9] =	stream.linear.scatter [tilespmem:s20], [sflag:$0x1], $0x80, $0x38;
	[tilespmem:$0x2B80] =	vst v63  }
0x2b: {  	_ =	swait.ge [sflag:s19], $0x80  }
0x2c: {  	[sflag:s19] =	ssyncset.done $0x0  }
0x2d: {  	[sflag:s19] =	ssyncadd.s32 $0xFFFFFF80  }
0x2e: {  	[spmem:s10] =	stream.linear.scatter [tilespmem:s20], [sflag:$0x1], $0x80, $0x38;
	[tilespmem:$0x2B80] =	vst v63  }
0x2f: {  	_ =	swait.ge [sflag:s19], $0x80  }
0x30: {  	[sflag:s19] =	ssyncset.done $0x0  }
0x31: {  	[sflag:s19] =	ssyncadd.s32 $0xFFFFFF80  }
0x32: {  	[bflag:$0x0] =	sbarrier.arrive $0xFFFF  }
0x33: {  	[tilespmem:s4], [sflag:$0x1] =	stream.linear.gather [hbm4b:s11+s4], $0x2800, $0x38;
	[tilespmem:$0x2B80] =	vst v63  }
0x34: {  	_ =	swait.ge [sflag:s19], $0x2800  }
0x35: {  	[sflag:s19] =	ssyncset.done $0x0  }
0x36: {  	s23 =	simm.s32 $0x0;
	[sflag:s19] =	ssyncadd.s32 $0xFFFFD800  }
0x37: {  	[spmem:s3] =	stream.indirect.scatter.add.f32 [tilespmem:s18], [sflag:$0x1], $0x1, s23, s21, $0xb8;
	[tilespmem:$0x2B80] =	vst v63  }
0x38: {  	_ =	swait.ge [sflag:s19], $0x80  }
0x39: {  	s23 =	simm.s32 $0x200;
	[sflag:s19] =	ssyncset.done $0x0  }
.LBB2_2:
0x3a: {  	s24 =	sshra.s32 s23, $0x2;
	[sflag:s19] =	ssyncadd.s32 $0xFFFFFF80;
	p0 =	sne.s32 s23, $0x9E00  }
0x3b: {  	[spmem:s3] =	stream.indirect.scatter.add.f32 [tilespmem:s18], [sflag:$0x1], $0x1, s24, s21, $0xb8;
	[tilespmem:$0x2B80] =	vst v63  }
.Ltmp0:
0x3c: {  	_ = 	snop;
	(pc) =	sbr.rel @p0 .LBB2_2-.Ltmp0, $4  }
0x3d: {  	_ = 	snop  }
0x3e: {  	s23 =	sadd.s32 $0x200, s23  }
0x3f: {  	_ =	swait.ge [sflag:s19], $0x80  }
0x40: {  	[sflag:s19] =	ssyncset.done $0x0  }
0x41: {  	[sflag:s19] =	ssyncadd.s32 $0xFFFFFF80;
	s23 =	sshll.u32 s0, $0x6  }
0x42: {  	s24 =	sshrl.u32 s6, $0x3;
	[bflag:$0x0] =	sbarrier.arrive $0xFFFF;
	s23 =	sor.u32 $0x1C01, s23  }
0x43: {  	[hbm:s12], [sflag:s23] =	dma.local [spmem:s24], $0x10  }
0x44: {  	_ =	swait.ge [sflag:s19], $0x10  }
0x45: {  	[sflag:s19] =	ssyncset.done $0x0  }
0x46: {  	s28 =	sshrl.u32 s7, $0x3;
	[sflag:s19] =	ssyncadd.s32 $0xFFFFFFF0  }
0x47: {  	[hbm:s13], [sflag:s23] =	dma.local [spmem:s28], $0x10  }
0x48: {  	_ =	swait.ge [sflag:s19], $0x10  }
0x49: {  	[sflag:s19] =	ssyncset.done $0x0  }
0x4a: {  	s29 =	sshrl.u32 s8, $0x3;
	[sflag:s19] =	ssyncadd.s32 $0xFFFFFFF0  }
0x4b: {  	[hbm:s14], [sflag:s23] =	dma.local [spmem:s29], $0x10  }
0x4c: {  	_ =	swait.ge [sflag:s19], $0x10  }
0x4d: {  	[sflag:s19] =	ssyncset.done $0x0  }
0x4e: {  	s30 =	sshrl.u32 s9, $0x3;
	[sflag:s19] =	ssyncadd.s32 $0xFFFFFFF0  }
0x4f: {  	[hbm:s15], [sflag:s23] =	dma.local [spmem:s30], $0x10  }
0x50: {  	s22 =	sadd.s32 $0x1, s22;
	_ =	swait.ge [sflag:s19], $0x10  }
0x51: {  	p0 =	sne.s32 s22, s17;
	[sflag:s19] =	ssyncset.done $0x0  }
.Ltmp1:
0x52: {  	s31 =	sshrl.u32 s10, $0x3;
	[sflag:s19] =	ssyncadd.s32 $0xFFFFFFF0;
	(pc) =	sbr.rel @p0 .LBB2_1-.Ltmp1, $4  }
0x53: {  	[hbm:s16], [sflag:s23] =	dma.local [spmem:s31], $0x10  }
0x54: {  	_ =	swait.ge [sflag:s19], $0x10  }
0x55: {  	[sflag:s19] =	ssyncset.done $0x0  }
0x56: {  	[sflag:s19] =	ssyncadd.s32 $0xFFFFFFF0  }
0x57: {  	_ =	sfence.sel $0x180000  }
0x58: {  	[bflag:$0x0] =	sbarrier.arrive $0xFFFF  }
0x59: {  	p0 =	sne.s32 s0, $0x0;
	_ =	strace $0x90000047  }
0x5a: {  	s0 =	sadd.s32 @!p0 $0x100000, s2;
	[bflag:$0x2] =	sbarrier.arrive $0xFFFF  }
0x5b: {  	[sflag:s0] =	ssyncadd.tile.s32 @!p0 $0x1;
	_ =	shalt  }
.Lfunc_end2:
_tile_overlayer_lowered:
.L_overlay_start_2:
0x5c: {  	(tag) =	ssettag $0x2  }
0x5d: {  	s0 =	rddreg [dreg:$0x0];
	s2 =	stileid.u32  }
0x5e: {  	s1 =	rddreg [dreg:$0x1];
	p0 =	sne.s32 s2, $0x0  }
0x5f: {  	s3 =	rddreg [dreg:$0x2];
	[bflag:$0x3] =	sbarrier.arrive $0xFFFF;
	s2 =	simm.s32 @!p0 $0x1C01  }
0x60: {  	[timem:s3], [sflag:s2] =	dma.local @!p0 [hbm:s0], s1  }
0x61: {  	s0 =	simm.s32 @!p0 $0x1  }
0x62: {  	_ =	swait.ge @!p0 [sflag:s0], s1  }
0x63: {  	s1 =	ssub.s32 @!p0 $0x0, s1;
	[sflag:s0] =	ssyncset.done @!p0 $0x0  }
0x64: {  	[sflag:s0] =	ssyncadd.s32 @!p0 s1  }
0x65: {  	[bflag:$0x3] =	sbarrier.arrive $0xFFFF  }
0x66: {  	_ =	shalt  }

// kernel: kernel.13.cloned.1.call-start
scs
__scs_entry_jumppad:
0x0: {  	(pc) =	sbr.rel $0x88, $3  }
0x1: {  	(tag) =	ssettag $0x0;
	lr =	simm.s32 $0x1  }
0x2: {  	[smem:$0x3F85] =	sst lr;
	_ =	strace $0xD0000000  }
0x3: {  	_ = 	snop  }
0x4: {  	_ = 	snop  }
0x5: {  	_ = 	snop  }
0x6: {  	_ = 	snop  }
0x7: {  	_ = 	snop  }
__scs_overlays_trampoline_lowered:
0x8: {  	[smem:$0x3F94] =	sst s0  }
0x9: {  	[smem:$0x3F95] =	sst s1  }
0xa: {  	[smem:$0x3F96] =	sst s2  }
0xb: {  	[smem:$0x3F97] =	sst s3  }
0xc: {  	[smem:$0x3F98] =	sst s4  }
0xd: {  	[smem:$0x3F99] =	sst s5  }
0xe: {  	[smem:$0x3F9A] =	sst s6  }
0xf: {  	[smem:$0x3F9B] =	sst s7  }
0x10: {  	[smem:$0x3F9C] =	sst s8  }
0x11: {  	[smem:$0x3F9D] =	sst s9;
	s0 =	simm.s32 @!p0 $0x0  }
0x12: {  	s1 =	sld [smem:$0x3F83];
	s0 =	simm.s32 @p0 $0x1  }
0x13: {  	[smem:$0x3F9E] =	sst s0;
	s0 =	simm.s32 @!p1 $0x0  }
0x14: {  	s2 =	sld [smem:$0x3F82];
	s0 =	simm.s32 @p1 $0x1  }
0x15: {  	[smem:$0x3F9F] =	sst s0;
	s0 =	simm.s32 @!p2 $0x0  }
0x16: {  	s3 =	sld [smem:$0x3FDB];
	s0 =	simm.s32 @p2 $0x1  }
0x17: {  	s4 =	simm.s32 $0x1BF5;
	[smem:$0x3FA1] =	sst s0  }
0x18: {  	s0 =	sld [smem:$0x3F84];
	_ =	swait.ge [sflag:s4], $0x0  }
0x19: {  	s7 =	sld [smem:$0x3F85]  }
0x1a: {  	s8 =	sadd.s32 $0xFFFFE003, lr  }
0x1b: {  	s9 =	sadd.s32 $0xFFFFFEF7, lr;
	s5 =	simm.s32 $0xFFFFFFFF;
	p2 =	slt.u32 s8, $0xFFFFF086  }
0x1c: {  	p1 =	slt.u32 s9, $0xF7A;
	s5 =	simm.s32 @!p2 $0x0  }
0x1d: {  	s5 =	simm.s32 @p1 $0x1;
	p0 =	seq.s32 s7, s2  }
0x1e: {  	s7 =	smul.u32 @!p0 $0xF7A, s2;
	p2 =	seq.s32 @!p0 s5, $0x0  }
0x1f: {  	s9 =	smul.u32 $0xF7A, s1;
	s8 =	simm.s32 @!p0 $0x1BF5;
	p2 =	por !p2, p0  }
0x20: {  	[sflag:s8] =	ssyncset.s32 @!p0 $0xFFFFF086;
	s6 =	sadd.s32 @!p0 s3, s7;
	s7 =	simm.s32 @!p0 $0x108  }
0x21: {  	s3 =	sadd.s32 s3, s9;
	s6 =	sadd.s32 @!p0 $0x88, s6;
	s7 =	simm.s32 @p2 $0x1082  }
0x22: {  	[simem:s7], [sflag:s8] =	dma.local @!p0 [hbm:s6], $0xF7A  }
0x23: {  	s9 =	sor.u32 $0xD0000000, s2;
	s6 =	simm.s32 $0x108;
	_ =	swait.ge @!p0 [sflag:s8], $0x0  }
0x24: {  	s3 =	sadd.s32 $0x88, s3;
	s6 =	simm.s32 @!p1 $0x1082;
	[sflag:s4] =	ssyncset.s32 $0xFFFFF086  }
0x25: {  	[simem:s6], [sflag:s4] =	dma.local [hbm:s3], $0xF7A  }
0x26: {  	[smem:$0x3F85] =	sst s1;
	(tag) =	ssettag s2;
	_ =	strace s9  }
0x27: {  	s1 =	sld [smem:$0x3F95]  }
0x28: {  	s2 =	sld [smem:$0x3F96]  }
0x29: {  	s4 =	sld [smem:$0x3F98]  }
0x2a: {  	p0 =	seq.s32 s5, $0x0;
	s5 =	sld [smem:$0x3F99]  }
0x2b: {  	s6 =	sld [smem:$0x3F9A]  }
0x2c: {  	s7 =	sld [smem:$0x3F9B]  }
0x2d: {  	s3 =	simm.s32 $0x108;
	s8 =	sld [smem:$0x3F9C]  }
0x2e: {  	s3 =	simm.s32 @!p0 $0x1082;
	s9 =	sld [smem:$0x3F9D]  }
0x2f: {  	lr =	sadd.s32 s0, s3;
	s0 =	sld [smem:$0x3F94]  }
0x30: {  	s3 =	sld [smem:$0x3F97]  }
0x31: {  	[smem:$0x3FA0] =	sst s10  }
0x32: {  	s10 =	sld [smem:$0x3F9E];
	_ =	sdelay $0x3  }
0x33: {  	p0 =	seq.s32 s10, $0x1;
	s10 =	sld [smem:$0x3FA0];
	_ =	sdelay $0x3  }
0x34: {  	[smem:$0x3FA0] =	sst s10  }
0x35: {  	s10 =	sld [smem:$0x3F9F];
	_ =	sdelay $0x3  }
0x36: {  	p1 =	seq.s32 s10, $0x1;
	s10 =	sld [smem:$0x3FA0];
	_ =	sdelay $0x3  }
0x37: {  	[smem:$0x3FA0] =	sst s10  }
0x38: {  	s10 =	sld [smem:$0x3FA1]  }
0x39: {  	_ = 	snop;
	(pc) =	sbr.ind lr, $3  }
0x3a: {  	_ = 	snop  }
0x3b: {  	_ = 	snop  }
0x3c: {  	p2 =	seq.s32 s10, $0x1;
	s10 =	sld [smem:$0x3FA0]  }
0x3d: {  	_ =	shalt  }
0x3e: {  	_ =	shalt  }
0x3f: {  	_ =	shalt  }
0x40: {  	_ =	shalt  }
0x41: {  	_ =	shalt  }
0x42: {  	_ =	shalt  }
0x43: {  	_ =	shalt  }
0x44: {  	_ =	shalt  }
0x45: {  	_ =	shalt  }
0x46: {  	_ =	shalt  }
0x47: {  	_ =	shalt  }
0x48: {  	_ =	shalt  }
0x49: {  	_ =	shalt  }
0x4a: {  	_ =	shalt  }
0x4b: {  	_ =	shalt  }
0x4c: {  	_ =	shalt  }
0x4d: {  	_ =	shalt  }
0x4e: {  	_ =	shalt  }
0x4f: {  	_ =	shalt  }
0x50: {  	_ =	shalt  }
0x51: {  	_ =	shalt  }
0x52: {  	_ =	shalt  }
0x53: {  	_ =	shalt  }
0x54: {  	_ =	shalt  }
0x55: {  	_ =	shalt  }
0x56: {  	_ =	shalt  }
0x57: {  	_ =	shalt  }
0x58: {  	_ =	shalt  }
0x59: {  	_ =	shalt  }
0x5a: {  	_ =	shalt  }
0x5b: {  	_ =	shalt  }
0x5c: {  	_ =	shalt  }
0x5d: {  	_ =	shalt  }
0x5e: {  	_ =	shalt  }
0x5f: {  	_ =	shalt  }
0x60: {  	_ =	shalt  }
0x61: {  	_ =	shalt  }
0x62: {  	_ =	shalt  }
0x63: {  	_ =	shalt  }
0x64: {  	_ =	shalt  }
0x65: {  	_ =	shalt  }
0x66: {  	_ =	shalt  }
0x67: {  	_ =	shalt  }
0x68: {  	_ =	shalt  }
0x69: {  	_ =	shalt  }
0x6a: {  	_ =	shalt  }
0x6b: {  	_ =	shalt  }
0x6c: {  	_ =	shalt  }
0x6d: {  	_ =	shalt  }
0x6e: {  	_ =	shalt  }
0x6f: {  	_ =	shalt  }
0x70: {  	_ =	shalt  }
0x71: {  	_ =	shalt  }
0x72: {  	_ =	shalt  }
0x73: {  	_ =	shalt  }
0x74: {  	_ =	shalt  }
0x75: {  	_ =	shalt  }
0x76: {  	_ =	shalt  }
0x77: {  	_ =	shalt  }
0x78: {  	_ =	shalt  }
0x79: {  	_ =	shalt  }
0x7a: {  	_ =	shalt  }
0x7b: {  	_ =	shalt  }
0x7c: {  	_ =	shalt  }
0x7d: {  	_ =	shalt  }
0x7e: {  	_ =	shalt  }
0x7f: {  	_ =	shalt  }
0x80: {  	_ =	shalt  }
0x81: {  	_ =	shalt  }
0x82: {  	_ =	shalt  }
0x83: {  	_ =	shalt  }
0x84: {  	_ =	shalt  }
0x85: {  	_ =	shalt  }
0x86: {  	_ =	shalt  }
0x87: {  	_ =	shalt  }
.Lfunc_end0:
.L_simem_size_0:
called_computation.1_lowered:
.L_overlay_start_0:
0x88: {  	s2 =	sld [smem:$0x3FD9]  }
0x89: {  	s3 =	sld [smem:$0x3FFE];
	_ =	sdelay $0x1  }
0x8a: {  	s1 =	srdreg.scid  }
0x8b: {  	s0 =	sand.u32 $0x1, s1  }
0x8c: {  	s14 =	sshll.u32 s0, $0xA;
	s2 =	sadd.s32 s3, s2  }
0x8d: {  	s2 =	sadd.s32 s2, s14  }
0x8e: {  	[smem:$0x3FAC] =	sst s2  }
0x8f: {  	_ = 	snop  }
0x90: {  	s2 =	sld [smem:$0x3FD0];
	_ =	sdelay $0x2  }
0x91: {  	s15 =	simm.s32 $0xA;
	s4 =	simm.s32 $0x10  }
0x92: {  	[smem:s4], [sflag:s15] =	dma.local [hbm:s2], $0x1  }
0x93: {  	_ =	swait.eq [sflag:s15], $0x1  }
0x94: {  	[sflag:s15] =	ssyncset.done $0x0  }
0x95: {  	[sflag:s15] =	ssyncadd.s32 $0xFFFFFFFF  }
0x96: {  	s16 =	sld [smem:$0x11];
	(tm) =	ssettm $0x1  }
0x97: {  	s17 =	sld [smem:$0x3FFB];
	_ =	sdelay $0x3  }
0x98: {  	_ =	strace s17  }
0x99: {  	s3 =	sld [smem:$0x3FFC];
	_ =	sdelay $0x3  }
0x9a: {  	_ =	strace s3  }
0x9b: {  	s3 =	sld [smem:$0x3FFD];
	_ =	sdelay $0x3  }
0x9c: {  	_ =	strace s3  }
0x9d: {  	_ =	strace $0x8FFFFFFF  }
0x9e: {  	s18 =	sld [smem:$0x3FDB];
	_ =	sdelay $0x1  }
0x9f: {  	s19 =	simm.s32 $_scs_section_size  }
0xa0: {  	s5 =	simm.s32 $_size__tile_overlayer_lowered;
	s6 =	simm.s32 $_tile_overlayer_lowered  }
0xa1: {  	s22 =	simm.s32 $0x1BFF;
	s21 =	sshll.u32 s6, $0x1;
	s3 =	sadd.s32 s19, s18  }
0xa2: {  	s7 =	simm.s32 $0x0;
	s20 =	sshll.u32 s5, $0x1;
	s5 =	sadd.s32 s21, s3  }
0xa3: {  	[timem:s7], [sflag:s22] =	dma.local [hbm:s5], s20  }
0xa4: {  	_ =	swait.ge [sflag:s22], s20  }
0xa5: {  	s4 =	ssub.s32 $0x0, s20;
	[sflag:s22] =	ssyncset.done $0x0  }
0xa6: {  	[sflag:s22] =	ssyncadd.s32 s4;
	_ =	sdelay $0x1  }
0xa7: {  	s23 =	simm.s32 $0x1B8B  }
0xa8: {  	_ =	swait.ge [sflag:s23], $0x1  }
0xa9: {  	[sflag:s23] =	ssyncset.done $0x0  }
0xaa: {  	s25 =	simm.s32 $0x1B8E;
	s24 =	sld [smem:$0x3FFE];
	[sflag:s23] =	ssyncadd.s32 $0xFFFFFFFF  }
0xab: {  	s26 =	simm.s32 $execute0_lowered;
	[smem:$0x3FD2] =	sst s25  }
0xac: {  	s5 =	sshll.u32 s26, $0x1;
	_ =	strace $0x80000049;
	[dreg:$0x1] =	wrdreg $0xFFFFFFFF  }
0xad: {  	s28 =	simm.s32 $_size_execute0_lowered;
	s3 =	sadd.s32 s3, s5;
	[dreg:$0x0] =	wrdreg $0x0  }
0xae: {  	s5 =	sshll.u32 s28, $0x1;
	[dreg:$0x2] =	wrdreg s3  }
0xaf: {  	[dreg:$0x3] =	wrdreg s5  }
0xb0: {  	[dreg:$0x4] =	wrdreg $0xC0  }
0xb1: {  	_ =	task [dreg:s7], $0x5FFFF  }
0xb2: {  	[dreg:$0x1] =	wrdreg $0xFFFFFFFF  }
0xb3: {  	[dreg:$0x0] =	wrdreg $0x60  }
0xb4: {  	[dreg:$0x2] =	wrdreg s24  }
0xb5: {  	[dreg:$0x3] =	wrdreg s16  }
0xb6: {  	[dreg:$0x4] =	wrdreg $0xF0000  }
0xb7: {  	[dreg:$0x5] =	wrdreg $0x9  }
0xb8: {  	_ =	task.clear_ibuf [dreg:s7], $0x6FFFF;
	_ =	strace $0x90000049  }
0xb9: {  	s29 =	simm.s32 $0x9;
	_ =	strace $0x8000004B  }
0xba: {  	_ =	swait.ge [sflag:s29], $0x1  }
0xbb: {  	[sflag:s29] =	ssyncadd.s32 $0xFFFFFFFF  }
0xbc: {  	_ =	strace $0x9000004B  }
0xbd: {  	_ =	sfence  }
0xbe: {  	s30 =	sld [smem:$0x0];
	_ =	sdelay $0x2  }
0xbf: {  	s31 =	sshll.u32 s1, $0xD;
	s1 =	sshrl.u32 s1, $0x2  }
0xc0: {  	s3 =	sand.u32 $0x4000, s31;
	s1 =	sadd.s32 s1, s30  }
0xc1: {  	s0 =	sor.u32 s3, s0;
	s1 =	sshll.u32 s1, $0x11  }
0xc2: {  	s0 =	sor.u32 s1, s0  }
0xc3: {  	s0 =	sadd.s32 $0x8F2B, s0  }
0xc4: {  	[sflag:s0] =	ssyncadd.remote.s32 $0x1  }
0xc5: {  	_ =	sfence.sel $0xFFFF  }
0xc6: {  	[dreg:$0x0] =	wrdreg $0xFFFFFFFF;
	(pc) =	sbr.abs _section_cstart, $3  }
0xc7: {  	[dreg:$0x1] =	wrdreg $0xFFFFFFFF  }
0xc8: {  	_ =	task.clear_ibuf [dreg:s7], $0x2FFFF;
	_ =	strace $0x9FFFFFFF  }
0xc9: {  	(tm) =	ssettm $0x7FFFFFFF  }
tec
execute0_lowered:
.L_overlay_start_1:
0x0: {  	(tag) =	ssettag $0x1  }
0x1: {  	s0 =	rddreg [dreg:$0x0]  }
0x2: {  	s1 =	srdreg.scid;
	s3 =	rddreg [dreg:$0x2]  }
0x3: {  	s15 =	stileid.u32;
	s4 =	simm.s32 $0x0;
	s28 =	simm.s32 $0x9000  }
0x4: {  	s30 =	simm.s32 $0xB000;
	s31 =	simm.s32 $0x1;
	s29 =	simm.s32 $0x7  }
0x5: {  	s1 =	sand.u32 $0x1, s1;
	[smem:$0x7FF] =	sst s4;
	s7 =	smul.u32 $0x280, s15  }
0x6: {  	s5 =	sadd.s32 $0x22A00, s0;
	s9 =	smul.u32 $0x28000, s15;
	s2 =	sshll.u32 s1, $0x4  }
0x7: {  	_ =	strace $0x8000004A;
	s6 =	ssub.s32 $0x2, s1;
	s1 =	smul.u32 $0x140000, s1  }
0x8: {  	s2 =	sor.u32 s15, s2;
	s8 =	sshrl.u32 s6, $0x1;
	s17 =	sshrl.u32 s9, $0x2  }
0x9: {  	s12 =	sadd.s32 $0x80, s7;
	s13 =	sadd.s32 $0x100, s7;
	s15 =	smul.u32 $0x14000, s15  }
0xa: {  	s14 =	sadd.s32 $0x180, s7;
	s19 =	sadd.s32 $0x200, s7;
	s2 =	smul.u32 $0x500, s2  }
0xb: {  	s6 =	ssub.s32 s6, s8;
	s8 =	sadd.s32 s17, s3;
	s18 =	sshll.u32 s12, $0x6  }
0xc: {  	s10 =	sshll.u32 s13, $0x6;
	s11 =	sshll.u32 s14, $0x6;
	s12 =	sshll.u32 s12, $0x7  }
0xd: {  	s21 =	sshll.u32 s19, $0x6;
	s23 =	sshll.u32 s13, $0x7;
	s24 =	sshll.u32 s14, $0x7  }
0xe: {  	s9 =	sadd.s32 s18, s3;
	s10 =	sadd.s32 s10, s3;
	s11 =	sadd.s32 s11, s3  }
0xf: {  	s20 =	sadd.s32 s15, s1;
	s13 =	sadd.s32 s1, s24;
	s18 =	smax.u32 s6, $0x1  }
0x10: {  	s24 =	simm.s32 $0x5000;
	s6 =	simm.s32 $0x8;
	s2 =	sadd.s32 s2, s0  }
0x11: {  	s0 =	sadd.s32 $0x36400, s0;
	s7 =	sshrl.u32 s20, $0x3;
	s13 =	sshrl.u32 s13, $0x3  }
0x12: {  	s20 =	simm.s32 $0xD000;
	s16 =	sadd.s32 $0x18A00, s2;
	s2 =	sadd.s32 $0xEA00, s2  }
0x13: {  	s7 =	sadd.s32 s0, s7;
	s26 =	sadd.s32 s0, s13;
	[dreg:$0x4] =	wrdreg s16  }
0x14: {  	s13 =	simm.s32 $0x0;
	[dreg:$0x5] =	wrdreg s2;
	s16 =	sadd.s32 s1, s12  }
0x15: {  	s12 =	sadd.s32 s21, s3;
	[dreg:$0x6] =	wrdreg s7;
	s2 =	sshll.u32 s19, $0x7  }
0x16: {  	[dreg:$0x9] =	wrdreg s26;
	s21 =	simm.s32 $0xA;
	s22 =	sshrl.u32 s16, $0x3  }
0x17: {  	s19 =	simm.s32 $0x5;
	s26 =	simm.s32 $0x6;
	s7 =	sadd.s32 s0, s22  }
0x18: {  	s22 =	simm.s32 $0x9;
	[dreg:$0x7] =	wrdreg s7;
	s7 =	sadd.s32 s1, s23  }
0x19: {  	s1 =	sadd.s32 s1, s2;
	s23 =	simm.s32 $0x80;
	s7 =	sshrl.u32 s7, $0x3  }
0x1a: {  	s2 =	simm.s32 $0x3;
	s1 =	sshrl.u32 s1, $0x3;
	s25 =	sadd.s32 s0, s7  }
0x1b: {  	s17 =	sadd.s32 s0, s1;
	s0 =	simm.s32 $0x2;
	s1 =	simm.s32 $0x4  }
0x1c: {  	s7 =	simm.s32 $0x10;
	[dreg:$0x8] =	wrdreg s25;
	s25 =	simm.s32 $0x7000  }
.LBB2_1:
0x1d: {  	s14 =	rddreg [dreg:$0x4]  }
0x1e: {  	[tilespmem:s4], [sflag:$0x9] =	stream.linear.gather [hbm4b:s14+s4], $0x2800, $0x38;
	[tilespmem:$0x19000] =	vst v63  }
0x1f: {  	s16 =	rddreg [dreg:$0x5];
	s15 =	simm.s32 $0x2800  }
0x20: {  	[tilespmem:s15], [sflag:$0x9] =	stream.linear.gather [hbm4b:s16+s4], $0x2800, $0x38;
	[tilespmem:$0x19000] =	vst v63  }
0x21: {  	s15 =	rddreg [dreg:$0x1]  }
0x22: {  	[tilespmem:s20], [sflag:$0xA] =	stream.linear.gather [hbm4b:s15+s4], $0x2000, $0x38;
	[tilespmem:$0x19000] =	vst v63  }
0x23: {  	_ =	swait.ge [sflag:s21], $0x2000  }
0x24: {  	[sflag:s21] =	ssyncset.done $0x0  }
0x25: {  	[sflag:s21] =	ssyncadd.s32 $0xFFFFE000  }
0x26: {  	[spmem:s8] =	stream.linear.scatter [tilespmem:s20], [sflag:$0xA], $0x2000, $0x38;
	[tilespmem:$0x19000] =	vst v63  }
0x27: {  	_ =	swait.ge [sflag:s21], $0x2000  }
0x28: {  	[sflag:s21] =	ssyncset.done $0x0  }
0x29: {  	[sflag:s21] =	ssyncadd.s32 $0xFFFFE000  }
0x2a: {  	[spmem:s9] =	stream.linear.scatter [tilespmem:s20], [sflag:$0xA], $0x2000, $0x38;
	[tilespmem:$0x19000] =	vst v63  }
0x2b: {  	_ =	swait.ge [sflag:s21], $0x2000  }
0x2c: {  	[sflag:s21] =	ssyncset.done $0x0  }
0x2d: {  	[sflag:s21] =	ssyncadd.s32 $0xFFFFE000  }
0x2e: {  	[spmem:s10] =	stream.linear.scatter [tilespmem:s20], [sflag:$0xA], $0x2000, $0x38;
	[tilespmem:$0x19000] =	vst v63  }
0x2f: {  	_ =	swait.ge [sflag:s21], $0x2000  }
0x30: {  	[sflag:s21] =	ssyncset.done $0x0  }
0x31: {  	[sflag:s21] =	ssyncadd.s32 $0xFFFFE000  }
0x32: {  	[spmem:s11] =	stream.linear.scatter [tilespmem:s20], [sflag:$0xA], $0x2000, $0x38;
	[tilespmem:$0x19000] =	vst v63  }
0x33: {  	_ =	swait.ge [sflag:s21], $0x2000  }
0x34: {  	[sflag:s21] =	ssyncset.done $0x0  }
0x35: {  	[sflag:s21] =	ssyncadd.s32 $0xFFFFE000  }
0x36: {  	[spmem:s12] =	stream.linear.scatter [tilespmem:s20], [sflag:$0xA], $0x2000, $0x38;
	[tilespmem:$0x19000] =	vst v63  }
0x37: {  	_ =	swait.ge [sflag:s21], $0x2000  }
0x38: {  	[sflag:s21] =	ssyncset.done $0x0  }
0x39: {  	[sflag:s21] =	ssyncadd.s32 $0xFFFFE000  }
0x3a: {  	_ =	swait.ge [sflag:s22], $0x2800  }
0x3b: {  	[sflag:s22] =	ssyncset.done $0x0  }
0x3c: {  	[sflag:s22] =	ssyncadd.s32 $0xFFFFD800  }
0x3d: {  	_ =	swait.ge [sflag:s22], $0x2800  }
0x3e: {  	[sflag:s22] =	ssyncset.done $0x0  }
0x3f: {  	[sflag:s22] =	ssyncadd.s32 $0xFFFFD800  }
0x40: {  	[bflag:$0x0] =	sbarrier.arrive $0xFFFF  }
0x41: {  	[tilespmem:s24], [sflag:$0x1] =	stream.indirect.gather [hbm4b:s5+s23], $0x40, s4, s23, $0xb8;
	[tilespmem:$0x19000] =	vst v63  }
0x42: {  	_ = 	snop  }
0x43: {  	[tilespmem:s25], [sflag:$0x2] =	stream.indirect.gather [hbm4b:s5+s23], $0x40, s23, s23, $0xb8;
	[tilespmem:$0x19000] =	vst v63  }
0x44: {  	s16 =	simm.s32 $0x100  }
0x45: {  	[tilespmem:s28], [sflag:$0x3] =	stream.indirect.gather [hbm4b:s5+s23], $0x40, s16, s23, $0xb8;
	[tilespmem:$0x19000] =	vst v63  }
0x46: {  	s15 =	simm.s32 $0x180  }
0x47: {  	[tilespmem:s30], [sflag:$0x4] =	stream.indirect.gather [hbm4b:s5+s23], $0x40, s15, s23, $0xb8;
	[tilespmem:$0x19000] =	vst v63  }
0x48: {  	_ =	swait.ge [sflag:s31], $0x2000  }
0x49: {  	[sflag:s31] =	ssyncset.done $0x0  }
0x4a: {  	s16 =	simm.s32 $0x2800;
	[sflag:s31] =	ssyncadd.s32 $0xFFFFE000  }
0x4b: {  	[spmem:s3] =	stream.indirect.scatter.add.f32 [tilespmem:s24], [sflag:$0x5], $0x40, s16, s23, $0xb8;
	[tilespmem:$0x19000] =	vst v63  }
0x4c: {  	_ =	swait.ge [sflag:s0], $0x2000  }
0x4d: {  	[sflag:s0] =	ssyncset.done $0x0  }
0x4e: {  	s15 =	simm.s32 $0x2880;
	[sflag:s0] =	ssyncadd.s32 $0xFFFFE000  }
0x4f: {  	[spmem:s3] =	stream.indirect.scatter.add.f32 [tilespmem:s25], [sflag:$0x6], $0x40, s15, s23, $0xb8;
	[tilespmem:$0x19000] =	vst v63  }
0x50: {  	_ =	swait.ge [sflag:s2], $0x2000  }
0x51: {  	[sflag:s2] =	ssyncset.done $0x0  }
0x52: {  	s16 =	simm.s32 $0x2900;
	[sflag:s2] =	ssyncadd.s32 $0xFFFFE000  }
0x53: {  	[spmem:s3] =	stream.indirect.scatter.add.f32 [tilespmem:s28], [sflag:$0x7], $0x40, s16, s23, $0xb8;
	[tilespmem:$0x19000] =	vst v63  }
0x54: {  	_ =	swait.ge [sflag:s1], $0x2000  }
0x55: {  	[sflag:s1] =	ssyncset.done $0x0  }
0x56: {  	s15 =	simm.s32 $0x2980;
	[sflag:s1] =	ssyncadd.s32 $0xFFFFE000  }
0x57: {  	[spmem:s3] =	stream.indirect.scatter.add.f32 [tilespmem:s30], [sflag:$0x8], $0x40, s15, s23, $0xb8;
	[tilespmem:$0x19000] =	vst v63  }
0x58: {  	_ =	swait.ge [sflag:s19], $0x2000  }
0x59: {  	[sflag:s19] =	ssyncset.done $0x0  }
0x5a: {  	s16 =	simm.s32 $0x200;
	[sflag:s19] =	ssyncadd.s32 $0xFFFFE000  }
0x5b: {  	[tilespmem:s24], [sflag:$0x1] =	stream.indirect.gather [hbm4b:s5+s23], $0x40, s16, s23, $0xb8;
	[tilespmem:$0x19000] =	vst v63  }
0x5c: {  	_ =	swait.ge [sflag:s26], $0x2000  }
0x5d: {  	[sflag:s26] =	ssyncset.done $0x0  }
0x5e: {  	s15 =	simm.s32 $0x280;
	[sflag:s26] =	ssyncadd.s32 $0xFFFFE000  }
0x5f: {  	[tilespmem:s25], [sflag:$0x2] =	stream.indirect.gather [hbm4b:s5+s23], $0x40, s15, s23, $0xb8;
	[tilespmem:$0x19000] =	vst v63  }
0x60: {  	_ =	swait.ge [sflag:s29], $0x2000  }
0x61: {  	[sflag:s29] =	ssyncset.done $0x0  }
0x62: {  	s16 =	simm.s32 $0x300;
	[sflag:s29] =	ssyncadd.s32 $0xFFFFE000  }
0x63: {  	[tilespmem:s28], [sflag:$0x3] =	stream.indirect.gather [hbm4b:s5+s23], $0x40, s16, s23, $0xb8;
	[tilespmem:$0x19000] =	vst v63  }
0x64: {  	_ =	swait.ge [sflag:s6], $0x2000  }
0x65: {  	[sflag:s6] =	ssyncset.done $0x0  }
0x66: {  	s14 =	simm.s32 $0x800;
	s15 =	simm.s32 $0x380;
	[sflag:s6] =	ssyncadd.s32 $0xFFFFE000  }
.LBB2_2:
0x67: {  	[tilespmem:s30], [sflag:$0x4] =	stream.indirect.gather [hbm4b:s5+s23], $0x40, s15, s23, $0xb8;
	[tilespmem:$0x19000] =	vst v63  }
0x68: {  	s15 =	smov.u32 s14  }
0x69: {  	p0 =	sne.s32 s14, $0x9000;
	s14 =	sadd.s32 $0x800, s14;
	_ =	swait.ge [sflag:s31], $0x2000  }
0x6a: {  	s15 =	sshra.s32 s15, $0x2;
	[sflag:s31] =	ssyncset.done $0x0  }
0x6b: {  	s16 =	sadd.s32 $0x2800, s15;
	[sflag:s31] =	ssyncadd.s32 $0xFFFFE000  }
0x6c: {  	[spmem:s3] =	stream.indirect.scatter.add.f32 [tilespmem:s24], [sflag:$0x5], $0x40, s16, s23, $0xb8;
	[tilespmem:$0x19000] =	vst v63  }
0x6d: {  	_ =	swait.ge [sflag:s0], $0x2000  }
0x6e: {  	[sflag:s0] =	ssyncset.done $0x0  }
0x6f: {  	s16 =	sadd.s32 $0x2880, s15;
	[sflag:s0] =	ssyncadd.s32 $0xFFFFE000  }
0x70: {  	[spmem:s3] =	stream.indirect.scatter.add.f32 [tilespmem:s25], [sflag:$0x6], $0x40, s16, s23, $0xb8;
	[tilespmem:$0x19000] =	vst v63  }
0x71: {  	_ =	swait.ge [sflag:s2], $0x2000  }
0x72: {  	[sflag:s2] =	ssyncset.done $0x0  }
0x73: {  	s16 =	sadd.s32 $0x2900, s15;
	[sflag:s2] =	ssyncadd.s32 $0xFFFFE000  }
0x74: {  	[spmem:s3] =	stream.indirect.scatter.add.f32 [tilespmem:s28], [sflag:$0x7], $0x40, s16, s23, $0xb8;
	[tilespmem:$0x19000] =	vst v63  }
0x75: {  	_ =	swait.ge [sflag:s1], $0x2000  }
0x76: {  	[sflag:s1] =	ssyncset.done $0x0  }
0x77: {  	s16 =	sadd.s32 $0x2980, s15;
	[sflag:s1] =	ssyncadd.s32 $0xFFFFE000  }
0x78: {  	[spmem:s3] =	stream.indirect.scatter.add.f32 [tilespmem:s30], [sflag:$0x8], $0x40, s16, s23, $0xb8;
	[tilespmem:$0x19000] =	vst v63  }
0x79: {  	_ =	swait.ge [sflag:s19], $0x2000  }
0x7a: {  	[sflag:s19] =	ssyncset.done $0x0  }
0x7b: {  	s16 =	sadd.s32 $0x200, s15;
	[sflag:s19] =	ssyncadd.s32 $0xFFFFE000  }
0x7c: {  	[tilespmem:s24], [sflag:$0x1] =	stream.indirect.gather [hbm4b:s5+s23], $0x40, s16, s23, $0xb8;
	[tilespmem:$0x19000] =	vst v63  }
0x7d: {  	_ =	swait.ge [sflag:s26], $0x2000  }
0x7e: {  	[sflag:s26] =	ssyncset.done $0x0  }
0x7f: {  	s16 =	sadd.s32 $0x280, s15;
	[sflag:s26] =	ssyncadd.s32 $0xFFFFE000  }
0x80: {  	[tilespmem:s25], [sflag:$0x2] =	stream.indirect.gather [hbm4b:s5+s23], $0x40, s16, s23, $0xb8;
	[tilespmem:$0x19000] =	vst v63  }
0x81: {  	_ =	swait.ge [sflag:s29], $0x2000  }
0x82: {  	[sflag:s29] =	ssyncset.done $0x0  }
.Ltmp0:
0x83: {  	s16 =	sadd.s32 $0x300, s15;
	[sflag:s29] =	ssyncadd.s32 $0xFFFFE000;
	(pc) =	sbr.rel @p0 .LBB2_2-.Ltmp0, $4  }
0x84: {  	[tilespmem:s28], [sflag:$0x3] =	stream.indirect.gather [hbm4b:s5+s23], $0x40, s16, s23, $0xb8;
	[tilespmem:$0x19000] =	vst v63  }
0x85: {  	_ =	swait.ge [sflag:s6], $0x2000  }
0x86: {  	[sflag:s6] =	ssyncset.done $0x0  }
0x87: {  	s15 =	sadd.s32 $0x380, s15;
	[sflag:s6] =	ssyncadd.s32 $0xFFFFE000  }
0x88: {  	[tilespmem:s30], [sflag:$0x4] =	stream.indirect.gather [hbm4b:s5+s23], $0x40, s15, s23, $0xb8;
	[tilespmem:$0x19000] =	vst v63  }
0x89: {  	_ =	swait.ge [sflag:s31], $0x2000  }
0x8a: {  	[sflag:s31] =	ssyncset.done $0x0  }
0x8b: {  	s14 =	simm.s32 $0x4E00;
	[sflag:s31] =	ssyncadd.s32 $0xFFFFE000  }
0x8c: {  	[spmem:s3] =	stream.indirect.scatter.add.f32 [tilespmem:s24], [sflag:$0x5], $0x40, s14, s23, $0xb8;
	[tilespmem:$0x19000] =	vst v63  }
0x8d: {  	_ =	swait.ge [sflag:s0], $0x2000  }
0x8e: {  	[sflag:s0] =	ssyncset.done $0x0  }
0x8f: {  	s16 =	simm.s32 $0x4E80;
	[sflag:s0] =	ssyncadd.s32 $0xFFFFE000  }
0x90: {  	[spmem:s3] =	stream.indirect.scatter.add.f32 [tilespmem:s25], [sflag:$0x6], $0x40, s16, s23, $0xb8;
	[tilespmem:$0x19000] =	vst v63  }
0x91: {  	_ =	swait.ge [sflag:s2], $0x2000  }
0x92: {  	[sflag:s2] =	ssyncset.done $0x0  }
0x93: {  	s15 =	simm.s32 $0x4F00;
	[sflag:s2] =	ssyncadd.s32 $0xFFFFE000  }
0x94: {  	[spmem:s3] =	stream.indirect.scatter.add.f32 [tilespmem:s28], [sflag:$0x7], $0x40, s15, s23, $0xb8;
	[tilespmem:$0x19000] =	vst v63  }
0x95: {  	_ =	swait.ge [sflag:s1], $0x2000  }
0x96: {  	[sflag:s1] =	ssyncset.done $0x0  }
0x97: {  	s16 =	simm.s32 $0x4F80;
	[sflag:s1] =	ssyncadd.s32 $0xFFFFE000  }
0x98: {  	[spmem:s3] =	stream.indirect.scatter.add.f32 [tilespmem:s30], [sflag:$0x8], $0x40, s16, s23, $0xb8;
	[tilespmem:$0x19000] =	vst v63  }
0x99: {  	_ =	swait.ge [sflag:s19], $0x2000  }
0x9a: {  	[sflag:s19] =	ssyncset.done $0x0  }
0x9b: {  	[sflag:s19] =	ssyncadd.s32 $0xFFFFE000  }
0x9c: {  	_ =	swait.ge [sflag:s26], $0x2000  }
0x9d: {  	[sflag:s26] =	ssyncset.done $0x0  }
0x9e: {  	[sflag:s26] =	ssyncadd.s32 $0xFFFFE000  }
0x9f: {  	_ =	swait.ge [sflag:s29], $0x2000  }
0xa0: {  	[sflag:s29] =	ssyncset.done $0x0  }
0xa1: {  	[sflag:s29] =	ssyncadd.s32 $0xFFFFE000  }
0xa2: {  	_ =	swait.ge [sflag:s6], $0x2000  }
0xa3: {  	[sflag:s6] =	ssyncset.done $0x0  }
0xa4: {  	s15 =	stileid.u32;
	[sflag:s6] =	ssyncadd.s32 $0xFFFFE000  }
0xa5: {  	s14 =	sshll.u32 s15, $0x6;
	[bflag:$0x0] =	sbarrier.arrive $0xFFFF  }
0xa6: {  	s15 =	sshrl.u32 s8, $0x3;
	s14 =	sor.u32 $0x1C0A, s14;
	s16 =	rddreg [dreg:$0x6]  }
0xa7: {  	[hbm:s16@s7], [sflag:s14] =	dma.strided [spmem:s15@s6], $0x400, s31, $0x8   }
0xa8: {  	_ =	swait.ge [sflag:s21], $0x400  }
0xa9: {  	[sflag:s21] =	ssyncset.done $0x0  }
0xaa: {  	s15 =	sshrl.u32 s9, $0x3;
	s16 =	rddreg [dreg:$0x7];
	[sflag:s21] =	ssyncadd.s32 $0xFFFFFC00  }
0xab: {  	[hbm:s16@s7], [sflag:s14] =	dma.strided [spmem:s15@s6], $0x400, s31, $0x8   }
0xac: {  	_ =	swait.ge [sflag:s21], $0x400  }
0xad: {  	[sflag:s21] =	ssyncset.done $0x0  }
0xae: {  	s15 =	sshrl.u32 s10, $0x3;
	s16 =	rddreg [dreg:$0x8];
	[sflag:s21] =	ssyncadd.s32 $0xFFFFFC00  }
0xaf: {  	[hbm:s16@s7], [sflag:s14] =	dma.strided [spmem:s15@s6], $0x400, s31, $0x8   }
0xb0: {  	_ =	swait.ge [sflag:s21], $0x400  }
0xb1: {  	[sflag:s21] =	ssyncset.done $0x0  }
0xb2: {  	s15 =	sshrl.u32 s11, $0x3;
	s16 =	rddreg [dreg:$0x9];
	[sflag:s21] =	ssyncadd.s32 $0xFFFFFC00  }
0xb3: {  	[hbm:s16@s7], [sflag:s14] =	dma.strided [spmem:s15@s6], $0x400, s31, $0x8   }
0xb4: {  	s13 =	sadd.s32 $0x1, s13;
	_ =	swait.ge [sflag:s21], $0x400  }
0xb5: {  	p0 =	sne.s32 s13, s18;
	[sflag:s21] =	ssyncset.done $0x0  }
.Ltmp1:
0xb6: {  	s16 =	sshrl.u32 s12, $0x3;
	[sflag:s21] =	ssyncadd.s32 $0xFFFFFC00;
	(pc) =	sbr.rel @p0 .LBB2_1-.Ltmp1, $4  }
0xb7: {  	[hbm:s17@s7], [sflag:s14] =	dma.strided [spmem:s16@s6], $0x400, s31, $0x8   }
0xb8: {  	_ =	swait.ge [sflag:s21], $0x400  }
0xb9: {  	[sflag:s21] =	ssyncset.done $0x0  }
0xba: {  	[sflag:s21] =	ssyncadd.s32 $0xFFFFFC00  }
0xbb: {  	_ =	sfence.sel $0x180000  }
0xbc: {  	[bflag:$0x0] =	sbarrier.arrive $0xFFFF  }
0xbd: {  	_ =	strace $0x9000004A  }
0xbe: {  	s0 =	stileid.u32;
	[bflag:$0x2] =	sbarrier.arrive $0xFFFF  }
0xbf: {  	p0 =	sne.s32 s0, $0x0;
	s0 =	rddreg [dreg:$0x3]  }
0xc0: {  	s0 =	sadd.s32 @!p0 $0x100000, s0  }
0xc1: {  	[sflag:s0] =	ssyncadd.tile.s32 @!p0 $0x1;
	_ =	shalt  }
.Lfunc_end2:
_tile_overlayer_lowered:
.L_overlay_start_2:
0xc2: {  	(tag) =	ssettag $0x2  }
0xc3: {  	s0 =	rddreg [dreg:$0x0];
	s2 =	stileid.u32  }
0xc4: {  	s1 =	rddreg [dreg:$0x1];
	p0 =	sne.s32 s2, $0x0  }
0xc5: {  	s3 =	rddreg [dreg:$0x2];
	[bflag:$0x3] =	sbarrier.arrive $0xFFFF;
	s2 =	simm.s32 @!p0 $0x1C0A  }
0xc6: {  	[timem:s3], [sflag:s2] =	dma.local @!p0 [hbm:s0], s1  }
0xc7: {  	s0 =	simm.s32 @!p0 $0xA  }
0xc8: {  	_ =	swait.ge @!p0 [sflag:s0], s1  }
0xc9: {  	s1 =	ssub.s32 @!p0 $0x0, s1;
	[sflag:s0] =	ssyncset.done @!p0 $0x0  }
0xca: {  	[sflag:s0] =	ssyncadd.s32 @!p0 s1  }
0xcb: {  	[bflag:$0x3] =	sbarrier.arrive $0xFFFF  }
0xcc: {  	_ =	shalt  }

// kernel: kernel.16.cloned.1.call-start
scs
__scs_entry_jumppad:
0x0: {  	(pc) =	sbr.rel $0x88, $3  }
0x1: {  	(tag) =	ssettag $0x0;
	lr =	simm.s32 $0x1  }
0x2: {  	[smem:$0x3F85] =	sst lr;
	_ =	strace $0xD0000000  }
0x3: {  	_ = 	snop  }
0x4: {  	_ = 	snop  }
0x5: {  	_ = 	snop  }
0x6: {  	_ = 	snop  }
0x7: {  	_ = 	snop  }
__scs_overlays_trampoline_lowered:
0x8: {  	[smem:$0x3F94] =	sst s0  }
0x9: {  	[smem:$0x3F95] =	sst s1  }
0xa: {  	[smem:$0x3F96] =	sst s2  }
0xb: {  	[smem:$0x3F97] =	sst s3  }
0xc: {  	[smem:$0x3F98] =	sst s4  }
0xd: {  	[smem:$0x3F99] =	sst s5  }
0xe: {  	[smem:$0x3F9A] =	sst s6  }
0xf: {  	[smem:$0x3F9B] =	sst s7  }
0x10: {  	[smem:$0x3F9C] =	sst s8  }
0x11: {  	[smem:$0x3F9D] =	sst s9;
	s0 =	simm.s32 @!p0 $0x0  }
0x12: {  	s1 =	sld [smem:$0x3F83];
	s0 =	simm.s32 @p0 $0x1  }
0x13: {  	[smem:$0x3F9E] =	sst s0;
	s0 =	simm.s32 @!p1 $0x0  }
0x14: {  	s2 =	sld [smem:$0x3F82];
	s0 =	simm.s32 @p1 $0x1  }
0x15: {  	[smem:$0x3F9F] =	sst s0;
	s0 =	simm.s32 @!p2 $0x0  }
0x16: {  	s3 =	sld [smem:$0x3FDB];
	s0 =	simm.s32 @p2 $0x1  }
0x17: {  	s4 =	simm.s32 $0x1BF5;
	[smem:$0x3FA1] =	sst s0  }
0x18: {  	s0 =	sld [smem:$0x3F84];
	_ =	swait.ge [sflag:s4], $0x0  }
0x19: {  	s7 =	sld [smem:$0x3F85]  }
0x1a: {  	s8 =	sadd.s32 $0xFFFFE003, lr  }
0x1b: {  	s9 =	sadd.s32 $0xFFFFFEF7, lr;
	s5 =	simm.s32 $0xFFFFFFFF;
	p2 =	slt.u32 s8, $0xFFFFF086  }
0x1c: {  	p1 =	slt.u32 s9, $0xF7A;
	s5 =	simm.s32 @!p2 $0x0  }
0x1d: {  	s5 =	simm.s32 @p1 $0x1;
	p0 =	seq.s32 s7, s2  }
0x1e: {  	s7 =	smul.u32 @!p0 $0xF7A, s2;
	p2 =	seq.s32 @!p0 s5, $0x0  }
0x1f: {  	s9 =	smul.u32 $0xF7A, s1;
	s8 =	simm.s32 @!p0 $0x1BF5;
	p2 =	por !p2, p0  }
0x20: {  	[sflag:s8] =	ssyncset.s32 @!p0 $0xFFFFF086;
	s6 =	sadd.s32 @!p0 s3, s7;
	s7 =	simm.s32 @!p0 $0x108  }
0x21: {  	s3 =	sadd.s32 s3, s9;
	s6 =	sadd.s32 @!p0 $0x88, s6;
	s7 =	simm.s32 @p2 $0x1082  }
0x22: {  	[simem:s7], [sflag:s8] =	dma.local @!p0 [hbm:s6], $0xF7A  }
0x23: {  	s9 =	sor.u32 $0xD0000000, s2;
	s6 =	simm.s32 $0x108;
	_ =	swait.ge @!p0 [sflag:s8], $0x0  }
0x24: {  	s3 =	sadd.s32 $0x88, s3;
	s6 =	simm.s32 @!p1 $0x1082;
	[sflag:s4] =	ssyncset.s32 $0xFFFFF086  }
0x25: {  	[simem:s6], [sflag:s4] =	dma.local [hbm:s3], $0xF7A  }
0x26: {  	[smem:$0x3F85] =	sst s1;
	(tag) =	ssettag s2;
	_ =	strace s9  }
0x27: {  	s1 =	sld [smem:$0x3F95]  }
0x28: {  	s2 =	sld [smem:$0x3F96]  }
0x29: {  	s4 =	sld [smem:$0x3F98]  }
0x2a: {  	p0 =	seq.s32 s5, $0x0;
	s5 =	sld [smem:$0x3F99]  }
0x2b: {  	s6 =	sld [smem:$0x3F9A]  }
0x2c: {  	s7 =	sld [smem:$0x3F9B]  }
0x2d: {  	s3 =	simm.s32 $0x108;
	s8 =	sld [smem:$0x3F9C]  }
0x2e: {  	s3 =	simm.s32 @!p0 $0x1082;
	s9 =	sld [smem:$0x3F9D]  }
0x2f: {  	lr =	sadd.s32 s0, s3;
	s0 =	sld [smem:$0x3F94]  }
0x30: {  	s3 =	sld [smem:$0x3F97]  }
0x31: {  	[smem:$0x3FA0] =	sst s10  }
0x32: {  	s10 =	sld [smem:$0x3F9E];
	_ =	sdelay $0x3  }
0x33: {  	p0 =	seq.s32 s10, $0x1;
	s10 =	sld [smem:$0x3FA0];
	_ =	sdelay $0x3  }
0x34: {  	[smem:$0x3FA0] =	sst s10  }
0x35: {  	s10 =	sld [smem:$0x3F9F];
	_ =	sdelay $0x3  }
0x36: {  	p1 =	seq.s32 s10, $0x1;
	s10 =	sld [smem:$0x3FA0];
	_ =	sdelay $0x3  }
0x37: {  	[smem:$0x3FA0] =	sst s10  }
0x38: {  	s10 =	sld [smem:$0x3FA1]  }
0x39: {  	_ = 	snop;
	(pc) =	sbr.ind lr, $3  }
0x3a: {  	_ = 	snop  }
0x3b: {  	_ = 	snop  }
0x3c: {  	p2 =	seq.s32 s10, $0x1;
	s10 =	sld [smem:$0x3FA0]  }
0x3d: {  	_ =	shalt  }
0x3e: {  	_ =	shalt  }
0x3f: {  	_ =	shalt  }
0x40: {  	_ =	shalt  }
0x41: {  	_ =	shalt  }
0x42: {  	_ =	shalt  }
0x43: {  	_ =	shalt  }
0x44: {  	_ =	shalt  }
0x45: {  	_ =	shalt  }
0x46: {  	_ =	shalt  }
0x47: {  	_ =	shalt  }
0x48: {  	_ =	shalt  }
0x49: {  	_ =	shalt  }
0x4a: {  	_ =	shalt  }
0x4b: {  	_ =	shalt  }
0x4c: {  	_ =	shalt  }
0x4d: {  	_ =	shalt  }
0x4e: {  	_ =	shalt  }
0x4f: {  	_ =	shalt  }
0x50: {  	_ =	shalt  }
0x51: {  	_ =	shalt  }
0x52: {  	_ =	shalt  }
0x53: {  	_ =	shalt  }
0x54: {  	_ =	shalt  }
0x55: {  	_ =	shalt  }
0x56: {  	_ =	shalt  }
0x57: {  	_ =	shalt  }
0x58: {  	_ =	shalt  }
0x59: {  	_ =	shalt  }
0x5a: {  	_ =	shalt  }
0x5b: {  	_ =	shalt  }
0x5c: {  	_ =	shalt  }
0x5d: {  	_ =	shalt  }
0x5e: {  	_ =	shalt  }
0x5f: {  	_ =	shalt  }
0x60: {  	_ =	shalt  }
0x61: {  	_ =	shalt  }
0x62: {  	_ =	shalt  }
0x63: {  	_ =	shalt  }
0x64: {  	_ =	shalt  }
0x65: {  	_ =	shalt  }
0x66: {  	_ =	shalt  }
0x67: {  	_ =	shalt  }
0x68: {  	_ =	shalt  }
0x69: {  	_ =	shalt  }
0x6a: {  	_ =	shalt  }
0x6b: {  	_ =	shalt  }
0x6c: {  	_ =	shalt  }
0x6d: {  	_ =	shalt  }
0x6e: {  	_ =	shalt  }
0x6f: {  	_ =	shalt  }
0x70: {  	_ =	shalt  }
0x71: {  	_ =	shalt  }
0x72: {  	_ =	shalt  }
0x73: {  	_ =	shalt  }
0x74: {  	_ =	shalt  }
0x75: {  	_ =	shalt  }
0x76: {  	_ =	shalt  }
0x77: {  	_ =	shalt  }
0x78: {  	_ =	shalt  }
0x79: {  	_ =	shalt  }
0x7a: {  	_ =	shalt  }
0x7b: {  	_ =	shalt  }
0x7c: {  	_ =	shalt  }
0x7d: {  	_ =	shalt  }
0x7e: {  	_ =	shalt  }
0x7f: {  	_ =	shalt  }
0x80: {  	_ =	shalt  }
0x81: {  	_ =	shalt  }
0x82: {  	_ =	shalt  }
0x83: {  	_ =	shalt  }
0x84: {  	_ =	shalt  }
0x85: {  	_ =	shalt  }
0x86: {  	_ =	shalt  }
0x87: {  	_ =	shalt  }
.Lfunc_end0:
.L_simem_size_0:
called_computation.2_lowered:
.L_overlay_start_0:
0x88: {  	s2 =	sld [smem:$0x3FD9]  }
0x89: {  	s3 =	sld [smem:$0x3FFE];
	_ =	sdelay $0x1  }
0x8a: {  	s1 =	srdreg.scid  }
0x8b: {  	s0 =	sand.u32 $0x1, s1  }
0x8c: {  	s14 =	sshll.u32 s0, $0xA;
	s2 =	sadd.s32 s3, s2  }
0x8d: {  	s2 =	sadd.s32 s2, s14  }
0x8e: {  	[smem:$0x3FAC] =	sst s2  }
0x8f: {  	_ = 	snop  }
0x90: {  	s2 =	sld [smem:$0x3FD0];
	_ =	sdelay $0x2  }
0x91: {  	s15 =	simm.s32 $0xA;
	s4 =	simm.s32 $0x10  }
0x92: {  	[smem:s4], [sflag:s15] =	dma.local [hbm:s2], $0x1  }
0x93: {  	_ =	swait.eq [sflag:s15], $0x1  }
0x94: {  	[sflag:s15] =	ssyncset.done $0x0  }
0x95: {  	[sflag:s15] =	ssyncadd.s32 $0xFFFFFFFF  }
0x96: {  	s16 =	sld [smem:$0x11];
	(tm) =	ssettm $0x1  }
0x97: {  	s17 =	sld [smem:$0x3FFB];
	_ =	sdelay $0x3  }
0x98: {  	_ =	strace s17  }
0x99: {  	s3 =	sld [smem:$0x3FFC];
	_ =	sdelay $0x3  }
0x9a: {  	_ =	strace s3  }
0x9b: {  	s3 =	sld [smem:$0x3FFD];
	_ =	sdelay $0x3  }
0x9c: {  	_ =	strace s3  }
0x9d: {  	_ =	strace $0x8FFFFFFF  }
0x9e: {  	s18 =	sld [smem:$0x3FDB];
	_ =	sdelay $0x1  }
0x9f: {  	s19 =	simm.s32 $_scs_section_size  }
0xa0: {  	s5 =	simm.s32 $_size__tile_overlayer_lowered;
	s6 =	simm.s32 $_tile_overlayer_lowered  }
0xa1: {  	s22 =	simm.s32 $0x1BFF;
	s21 =	sshll.u32 s6, $0x1;
	s3 =	sadd.s32 s19, s18  }
0xa2: {  	s7 =	simm.s32 $0x0;
	s20 =	sshll.u32 s5, $0x1;
	s5 =	sadd.s32 s21, s3  }
0xa3: {  	[timem:s7], [sflag:s22] =	dma.local [hbm:s5], s20  }
0xa4: {  	_ =	swait.ge [sflag:s22], s20  }
0xa5: {  	s4 =	ssub.s32 $0x0, s20;
	[sflag:s22] =	ssyncset.done $0x0  }
0xa6: {  	[sflag:s22] =	ssyncadd.s32 s4;
	_ =	sdelay $0x1  }
0xa7: {  	s23 =	simm.s32 $0x1B8B  }
0xa8: {  	_ =	swait.ge [sflag:s23], $0x1  }
0xa9: {  	[sflag:s23] =	ssyncset.done $0x0  }
0xaa: {  	s25 =	simm.s32 $0x1B8E;
	s24 =	sld [smem:$0x3FFE];
	[sflag:s23] =	ssyncadd.s32 $0xFFFFFFFF  }
0xab: {  	s26 =	simm.s32 $execute0_lowered;
	[smem:$0x3FD2] =	sst s25  }
0xac: {  	s5 =	sshll.u32 s26, $0x1;
	_ =	strace $0x8000004C;
	[dreg:$0x1] =	wrdreg $0xFFFFFFFF  }
0xad: {  	s28 =	simm.s32 $_size_execute0_lowered;
	s3 =	sadd.s32 s3, s5;
	[dreg:$0x0] =	wrdreg $0x0  }
0xae: {  	s5 =	sshll.u32 s28, $0x1;
	[dreg:$0x2] =	wrdreg s3  }
0xaf: {  	[dreg:$0x3] =	wrdreg s5  }
0xb0: {  	[dreg:$0x4] =	wrdreg $0xC0  }
0xb1: {  	_ =	task [dreg:s7], $0x5FFFF  }
0xb2: {  	[dreg:$0x1] =	wrdreg $0xFFFFFFFF  }
0xb3: {  	[dreg:$0x0] =	wrdreg $0x60  }
0xb4: {  	[dreg:$0x2] =	wrdreg s24  }
0xb5: {  	[dreg:$0x3] =	wrdreg s16  }
0xb6: {  	[dreg:$0x4] =	wrdreg $0xA0000  }
0xb7: {  	[dreg:$0x5] =	wrdreg $0x9  }
0xb8: {  	_ =	task.clear_ibuf [dreg:s7], $0x6FFFF;
	_ =	strace $0x9000004C  }
0xb9: {  	s29 =	simm.s32 $0x9;
	_ =	strace $0x8000004E  }
0xba: {  	_ =	swait.ge [sflag:s29], $0x1  }
0xbb: {  	[sflag:s29] =	ssyncadd.s32 $0xFFFFFFFF  }
0xbc: {  	_ =	strace $0x9000004E  }
0xbd: {  	_ =	sfence  }
0xbe: {  	s30 =	sld [smem:$0x0];
	_ =	sdelay $0x2  }
0xbf: {  	s31 =	sshll.u32 s1, $0xD;
	s1 =	sshrl.u32 s1, $0x2  }
0xc0: {  	s3 =	sand.u32 $0x4000, s31;
	s1 =	sadd.s32 s1, s30  }
0xc1: {  	s0 =	sor.u32 s3, s0;
	s1 =	sshll.u32 s1, $0x11  }
0xc2: {  	s0 =	sor.u32 s1, s0  }
0xc3: {  	s0 =	sadd.s32 $0x8F2B, s0  }
0xc4: {  	[sflag:s0] =	ssyncadd.remote.s32 $0x1  }
0xc5: {  	_ =	sfence.sel $0xFFFF  }
0xc6: {  	[dreg:$0x0] =	wrdreg $0xFFFFFFFF;
	(pc) =	sbr.abs _section_cstart, $3  }
0xc7: {  	[dreg:$0x1] =	wrdreg $0xFFFFFFFF  }
0xc8: {  	_ =	task.clear_ibuf [dreg:s7], $0x2FFFF;
	_ =	strace $0x9FFFFFFF  }
0xc9: {  	(tm) =	ssettm $0x7FFFFFFF  }
tec
execute0_lowered:
.L_overlay_start_1:
0x0: {  	(tag) =	ssettag $0x1  }
0x1: {  	s0 =	rddreg [dreg:$0x0]  }
0x2: {  	s1 =	srdreg.scid;
	s3 =	rddreg [dreg:$0x2]  }
0x3: {  	s8 =	stileid.u32;
	s4 =	simm.s32 $0x0;
	s28 =	simm.s32 $0x7000  }
0x4: {  	s30 =	simm.s32 $0x8000;
	s31 =	simm.s32 $0x1;
	s29 =	simm.s32 $0x7  }
0x5: {  	s1 =	sand.u32 $0x1, s1;
	[smem:$0x7FF] =	sst s4;
	s5 =	sadd.s32 $0x4800, s0  }
0x6: {  	s12 =	smul.u32 $0x14000, s8;
	s2 =	sshll.u32 s1, $0x4;
	_ =	strace $0x8000004D  }
0x7: {  	s6 =	ssub.s32 $0x2, s1;
	s1 =	smul.u32 $0x140000, s1;
	s2 =	sor.u32 s8, s2  }
0x8: {  	s7 =	sshrl.u32 s6, $0x1;
	s17 =	sshrl.u32 s12, $0x2;
	s18 =	sadd.s32 $0x4000, s12  }
0x9: {  	s13 =	sadd.s32 $0x8000, s12;
	s14 =	sadd.s32 $0xC000, s12;
	s21 =	sadd.s32 $0x10000, s12  }
0xa: {  	s2 =	smul.u32 $0x500, s2;
	s6 =	ssub.s32 s6, s7;
	s8 =	sadd.s32 s17, s3  }
0xb: {  	s19 =	sshrl.u32 s18, $0x2;
	s10 =	sshrl.u32 s13, $0x2;
	s20 =	sshrl.u32 s14, $0x2  }
0xc: {  	s12 =	sadd.s32 s12, s1;
	s15 =	sshrl.u32 s21, $0x2;
	s7 =	sadd.s32 s1, s18  }
0xd: {  	s23 =	sadd.s32 s1, s13;
	s24 =	sadd.s32 s1, s14;
	s1 =	sadd.s32 s1, s21  }
0xe: {  	s21 =	simm.s32 $0xA;
	s9 =	sadd.s32 s19, s3;
	s10 =	sadd.s32 s10, s3  }
0xf: {  	s11 =	sadd.s32 s20, s3;
	s7 =	sshrl.u32 s7, $0x3;
	s13 =	sshrl.u32 s24, $0x3  }
0x10: {  	s1 =	sshrl.u32 s1, $0x3;
	s18 =	smax.u32 s6, $0x1;
	s20 =	simm.s32 $0x9000  }
0x11: {  	s24 =	simm.s32 $0x5000;
	s19 =	simm.s32 $0x5;
	s2 =	sadd.s32 s2, s0  }
0x12: {  	s6 =	simm.s32 $0x8;
	s0 =	sadd.s32 $0x22A00, s0;
	s16 =	sadd.s32 $0x18A00, s2  }
0x13: {  	s2 =	sadd.s32 $0xEA00, s2;
	s7 =	sadd.s32 s0, s7;
	s26 =	sadd.s32 s0, s13  }
0x14: {  	s17 =	sadd.s32 s0, s1;
	s1 =	simm.s32 $0x4;
	[dreg:$0x4] =	wrdreg s16  }
0x15: {  	s13 =	simm.s32 $0x0;
	[dreg:$0x5] =	wrdreg s2;
	s16 =	sshrl.u32 s12, $0x3  }
0x16: {  	s12 =	sadd.s32 s15, s3;
	[dreg:$0x7] =	wrdreg s7;
	s7 =	sshrl.u32 s23, $0x3  }
0x17: {  	[dreg:$0x9] =	wrdreg s26;
	s23 =	simm.s32 $0x80;
	s2 =	simm.s32 $0x3  }
0x18: {  	s26 =	simm.s32 $0x6;
	s22 =	sadd.s32 s0, s16;
	s25 =	sadd.s32 s0, s7  }
0x19: {  	s0 =	simm.s32 $0x2;
	s7 =	simm.s32 $0x10;
	[dreg:$0x6] =	wrdreg s22  }
0x1a: {  	[dreg:$0x8] =	wrdreg s25;
	s22 =	simm.s32 $0x9;
	s25 =	simm.s32 $0x6000  }
.LBB2_1:
0x1b: {  	s14 =	rddreg [dreg:$0x4]  }
0x1c: {  	[tilespmem:s4], [sflag:$0x9] =	stream.linear.gather [hbm4b:s14+s4], $0x2800, $0x38;
	[tilespmem:$0xF000] =	vst v63  }
0x1d: {  	s16 =	rddreg [dreg:$0x5];
	s15 =	simm.s32 $0x2800  }
0x1e: {  	[tilespmem:s15], [sflag:$0x9] =	stream.linear.gather [hbm4b:s16+s4], $0x2800, $0x38;
	[tilespmem:$0xF000] =	vst v63  }
0x1f: {  	s15 =	rddreg [dreg:$0x1]  }
0x20: {  	[tilespmem:s20], [sflag:$0xA] =	stream.linear.gather [hbm4b:s15+s4], $0x1000, $0x38;
	[tilespmem:$0xF000] =	vst v63  }
0x21: {  	_ =	swait.ge [sflag:s21], $0x1000  }
0x22: {  	[sflag:s21] =	ssyncset.done $0x0  }
0x23: {  	[sflag:s21] =	ssyncadd.s32 $0xFFFFF000  }
0x24: {  	[spmem:s8] =	stream.linear.scatter [tilespmem:s20], [sflag:$0xA], $0x1000, $0x38;
	[tilespmem:$0xF000] =	vst v63  }
0x25: {  	_ =	swait.ge [sflag:s21], $0x1000  }
0x26: {  	[sflag:s21] =	ssyncset.done $0x0  }
0x27: {  	[sflag:s21] =	ssyncadd.s32 $0xFFFFF000  }
0x28: {  	[spmem:s9] =	stream.linear.scatter [tilespmem:s20], [sflag:$0xA], $0x1000, $0x38;
	[tilespmem:$0xF000] =	vst v63  }
0x29: {  	_ =	swait.ge [sflag:s21], $0x1000  }
0x2a: {  	[sflag:s21] =	ssyncset.done $0x0  }
0x2b: {  	[sflag:s21] =	ssyncadd.s32 $0xFFFFF000  }
0x2c: {  	[spmem:s10] =	stream.linear.scatter [tilespmem:s20], [sflag:$0xA], $0x1000, $0x38;
	[tilespmem:$0xF000] =	vst v63  }
0x2d: {  	_ =	swait.ge [sflag:s21], $0x1000  }
0x2e: {  	[sflag:s21] =	ssyncset.done $0x0  }
0x2f: {  	[sflag:s21] =	ssyncadd.s32 $0xFFFFF000  }
0x30: {  	[spmem:s11] =	stream.linear.scatter [tilespmem:s20], [sflag:$0xA], $0x1000, $0x38;
	[tilespmem:$0xF000] =	vst v63  }
0x31: {  	_ =	swait.ge [sflag:s21], $0x1000  }
0x32: {  	[sflag:s21] =	ssyncset.done $0x0  }
0x33: {  	[sflag:s21] =	ssyncadd.s32 $0xFFFFF000  }
0x34: {  	[spmem:s12] =	stream.linear.scatter [tilespmem:s20], [sflag:$0xA], $0x1000, $0x38;
	[tilespmem:$0xF000] =	vst v63  }
0x35: {  	_ =	swait.ge [sflag:s21], $0x1000  }
0x36: {  	[sflag:s21] =	ssyncset.done $0x0  }
0x37: {  	[sflag:s21] =	ssyncadd.s32 $0xFFFFF000  }
0x38: {  	_ =	swait.ge [sflag:s22], $0x2800  }
0x39: {  	[sflag:s22] =	ssyncset.done $0x0  }
0x3a: {  	[sflag:s22] =	ssyncadd.s32 $0xFFFFD800  }
0x3b: {  	_ =	swait.ge [sflag:s22], $0x2800  }
0x3c: {  	[sflag:s22] =	ssyncset.done $0x0  }
0x3d: {  	[sflag:s22] =	ssyncadd.s32 $0xFFFFD800  }
0x3e: {  	[bflag:$0x0] =	sbarrier.arrive $0xFFFF  }
0x3f: {  	[tilespmem:s24], [sflag:$0x1] =	stream.indirect.gather [hbm4b:s5+s23], $0x20, s4, s23, $0xb8;
	[tilespmem:$0xF000] =	vst v63  }
0x40: {  	_ = 	snop  }
0x41: {  	[tilespmem:s25], [sflag:$0x2] =	stream.indirect.gather [hbm4b:s5+s23], $0x20, s23, s23, $0xb8;
	[tilespmem:$0xF000] =	vst v63  }
0x42: {  	s16 =	simm.s32 $0x100  }
0x43: {  	[tilespmem:s28], [sflag:$0x3] =	stream.indirect.gather [hbm4b:s5+s23], $0x20, s16, s23, $0xb8;
	[tilespmem:$0xF000] =	vst v63  }
0x44: {  	s15 =	simm.s32 $0x180  }
0x45: {  	[tilespmem:s30], [sflag:$0x4] =	stream.indirect.gather [hbm4b:s5+s23], $0x20, s15, s23, $0xb8;
	[tilespmem:$0xF000] =	vst v63  }
0x46: {  	_ =	swait.ge [sflag:s31], $0x1000  }
0x47: {  	[sflag:s31] =	ssyncset.done $0x0  }
0x48: {  	s16 =	simm.s32 $0x2800;
	[sflag:s31] =	ssyncadd.s32 $0xFFFFF000  }
0x49: {  	[spmem:s3] =	stream.indirect.scatter.add.f32 [tilespmem:s24], [sflag:$0x5], $0x20, s16, s23, $0xb8;
	[tilespmem:$0xF000] =	vst v63  }
0x4a: {  	_ =	swait.ge [sflag:s0], $0x1000  }
0x4b: {  	[sflag:s0] =	ssyncset.done $0x0  }
0x4c: {  	s15 =	simm.s32 $0x2880;
	[sflag:s0] =	ssyncadd.s32 $0xFFFFF000  }
0x4d: {  	[spmem:s3] =	stream.indirect.scatter.add.f32 [tilespmem:s25], [sflag:$0x6], $0x20, s15, s23, $0xb8;
	[tilespmem:$0xF000] =	vst v63  }
0x4e: {  	_ =	swait.ge [sflag:s2], $0x1000  }
0x4f: {  	[sflag:s2] =	ssyncset.done $0x0  }
0x50: {  	s16 =	simm.s32 $0x2900;
	[sflag:s2] =	ssyncadd.s32 $0xFFFFF000  }
0x51: {  	[spmem:s3] =	stream.indirect.scatter.add.f32 [tilespmem:s28], [sflag:$0x7], $0x20, s16, s23, $0xb8;
	[tilespmem:$0xF000] =	vst v63  }
0x52: {  	_ =	swait.ge [sflag:s1], $0x1000  }
0x53: {  	[sflag:s1] =	ssyncset.done $0x0  }
0x54: {  	s15 =	simm.s32 $0x2980;
	[sflag:s1] =	ssyncadd.s32 $0xFFFFF000  }
0x55: {  	[spmem:s3] =	stream.indirect.scatter.add.f32 [tilespmem:s30], [sflag:$0x8], $0x20, s15, s23, $0xb8;
	[tilespmem:$0xF000] =	vst v63  }
0x56: {  	_ =	swait.ge [sflag:s19], $0x1000  }
0x57: {  	[sflag:s19] =	ssyncset.done $0x0  }
0x58: {  	s16 =	simm.s32 $0x200;
	[sflag:s19] =	ssyncadd.s32 $0xFFFFF000  }
0x59: {  	[tilespmem:s24], [sflag:$0x1] =	stream.indirect.gather [hbm4b:s5+s23], $0x20, s16, s23, $0xb8;
	[tilespmem:$0xF000] =	vst v63  }
0x5a: {  	_ =	swait.ge [sflag:s26], $0x1000  }
0x5b: {  	[sflag:s26] =	ssyncset.done $0x0  }
0x5c: {  	s15 =	simm.s32 $0x280;
	[sflag:s26] =	ssyncadd.s32 $0xFFFFF000  }
0x5d: {  	[tilespmem:s25], [sflag:$0x2] =	stream.indirect.gather [hbm4b:s5+s23], $0x20, s15, s23, $0xb8;
	[tilespmem:$0xF000] =	vst v63  }
0x5e: {  	_ =	swait.ge [sflag:s29], $0x1000  }
0x5f: {  	[sflag:s29] =	ssyncset.done $0x0  }
0x60: {  	s16 =	simm.s32 $0x300;
	[sflag:s29] =	ssyncadd.s32 $0xFFFFF000  }
0x61: {  	[tilespmem:s28], [sflag:$0x3] =	stream.indirect.gather [hbm4b:s5+s23], $0x20, s16, s23, $0xb8;
	[tilespmem:$0xF000] =	vst v63  }
0x62: {  	_ =	swait.ge [sflag:s6], $0x1000  }
0x63: {  	[sflag:s6] =	ssyncset.done $0x0  }
0x64: {  	s14 =	simm.s32 $0x800;
	s15 =	simm.s32 $0x380;
	[sflag:s6] =	ssyncadd.s32 $0xFFFFF000  }
.LBB2_2:
0x65: {  	[tilespmem:s30], [sflag:$0x4] =	stream.indirect.gather [hbm4b:s5+s23], $0x20, s15, s23, $0xb8;
	[tilespmem:$0xF000] =	vst v63  }
0x66: {  	s15 =	smov.u32 s14  }
0x67: {  	p0 =	sne.s32 s14, $0x9000;
	s14 =	sadd.s32 $0x800, s14;
	_ =	swait.ge [sflag:s31], $0x1000  }
0x68: {  	s15 =	sshra.s32 s15, $0x2;
	[sflag:s31] =	ssyncset.done $0x0  }
0x69: {  	s16 =	sadd.s32 $0x2800, s15;
	[sflag:s31] =	ssyncadd.s32 $0xFFFFF000  }
0x6a: {  	[spmem:s3] =	stream.indirect.scatter.add.f32 [tilespmem:s24], [sflag:$0x5], $0x20, s16, s23, $0xb8;
	[tilespmem:$0xF000] =	vst v63  }
0x6b: {  	_ =	swait.ge [sflag:s0], $0x1000  }
0x6c: {  	[sflag:s0] =	ssyncset.done $0x0  }
0x6d: {  	s16 =	sadd.s32 $0x2880, s15;
	[sflag:s0] =	ssyncadd.s32 $0xFFFFF000  }
0x6e: {  	[spmem:s3] =	stream.indirect.scatter.add.f32 [tilespmem:s25], [sflag:$0x6], $0x20, s16, s23, $0xb8;
	[tilespmem:$0xF000] =	vst v63  }
0x6f: {  	_ =	swait.ge [sflag:s2], $0x1000  }
0x70: {  	[sflag:s2] =	ssyncset.done $0x0  }
0x71: {  	s16 =	sadd.s32 $0x2900, s15;
	[sflag:s2] =	ssyncadd.s32 $0xFFFFF000  }
0x72: {  	[spmem:s3] =	stream.indirect.scatter.add.f32 [tilespmem:s28], [sflag:$0x7], $0x20, s16, s23, $0xb8;
	[tilespmem:$0xF000] =	vst v63  }
0x73: {  	_ =	swait.ge [sflag:s1], $0x1000  }
0x74: {  	[sflag:s1] =	ssyncset.done $0x0  }
0x75: {  	s16 =	sadd.s32 $0x2980, s15;
	[sflag:s1] =	ssyncadd.s32 $0xFFFFF000  }
0x76: {  	[spmem:s3] =	stream.indirect.scatter.add.f32 [tilespmem:s30], [sflag:$0x8], $0x20, s16, s23, $0xb8;
	[tilespmem:$0xF000] =	vst v63  }
0x77: {  	_ =	swait.ge [sflag:s19], $0x1000  }
0x78: {  	[sflag:s19] =	ssyncset.done $0x0  }
0x79: {  	s16 =	sadd.s32 $0x200, s15;
	[sflag:s19] =	ssyncadd.s32 $0xFFFFF000  }
0x7a: {  	[tilespmem:s24], [sflag:$0x1] =	stream.indirect.gather [hbm4b:s5+s23], $0x20, s16, s23, $0xb8;
	[tilespmem:$0xF000] =	vst v63  }
0x7b: {  	_ =	swait.ge [sflag:s26], $0x1000  }
0x7c: {  	[sflag:s26] =	ssyncset.done $0x0  }
0x7d: {  	s16 =	sadd.s32 $0x280, s15;
	[sflag:s26] =	ssyncadd.s32 $0xFFFFF000  }
0x7e: {  	[tilespmem:s25], [sflag:$0x2] =	stream.indirect.gather [hbm4b:s5+s23], $0x20, s16, s23, $0xb8;
	[tilespmem:$0xF000] =	vst v63  }
0x7f: {  	_ =	swait.ge [sflag:s29], $0x1000  }
0x80: {  	[sflag:s29] =	ssyncset.done $0x0  }
.Ltmp0:
0x81: {  	s16 =	sadd.s32 $0x300, s15;
	[sflag:s29] =	ssyncadd.s32 $0xFFFFF000;
	(pc) =	sbr.rel @p0 .LBB2_2-.Ltmp0, $4  }
0x82: {  	[tilespmem:s28], [sflag:$0x3] =	stream.indirect.gather [hbm4b:s5+s23], $0x20, s16, s23, $0xb8;
	[tilespmem:$0xF000] =	vst v63  }
0x83: {  	_ =	swait.ge [sflag:s6], $0x1000  }
0x84: {  	[sflag:s6] =	ssyncset.done $0x0  }
0x85: {  	s15 =	sadd.s32 $0x380, s15;
	[sflag:s6] =	ssyncadd.s32 $0xFFFFF000  }
0x86: {  	[tilespmem:s30], [sflag:$0x4] =	stream.indirect.gather [hbm4b:s5+s23], $0x20, s15, s23, $0xb8;
	[tilespmem:$0xF000] =	vst v63  }
0x87: {  	_ =	swait.ge [sflag:s31], $0x1000  }
0x88: {  	[sflag:s31] =	ssyncset.done $0x0  }
0x89: {  	s14 =	simm.s32 $0x4E00;
	[sflag:s31] =	ssyncadd.s32 $0xFFFFF000  }
0x8a: {  	[spmem:s3] =	stream.indirect.scatter.add.f32 [tilespmem:s24], [sflag:$0x5], $0x20, s14, s23, $0xb8;
	[tilespmem:$0xF000] =	vst v63  }
0x8b: {  	_ =	swait.ge [sflag:s0], $0x1000  }
0x8c: {  	[sflag:s0] =	ssyncset.done $0x0  }
0x8d: {  	s16 =	simm.s32 $0x4E80;
	[sflag:s0] =	ssyncadd.s32 $0xFFFFF000  }
0x8e: {  	[spmem:s3] =	stream.indirect.scatter.add.f32 [tilespmem:s25], [sflag:$0x6], $0x20, s16, s23, $0xb8;
	[tilespmem:$0xF000] =	vst v63  }
0x8f: {  	_ =	swait.ge [sflag:s2], $0x1000  }
0x90: {  	[sflag:s2] =	ssyncset.done $0x0  }
0x91: {  	s15 =	simm.s32 $0x4F00;
	[sflag:s2] =	ssyncadd.s32 $0xFFFFF000  }
0x92: {  	[spmem:s3] =	stream.indirect.scatter.add.f32 [tilespmem:s28], [sflag:$0x7], $0x20, s15, s23, $0xb8;
	[tilespmem:$0xF000] =	vst v63  }
0x93: {  	_ =	swait.ge [sflag:s1], $0x1000  }
0x94: {  	[sflag:s1] =	ssyncset.done $0x0  }
0x95: {  	s16 =	simm.s32 $0x4F80;
	[sflag:s1] =	ssyncadd.s32 $0xFFFFF000  }
0x96: {  	[spmem:s3] =	stream.indirect.scatter.add.f32 [tilespmem:s30], [sflag:$0x8], $0x20, s16, s23, $0xb8;
	[tilespmem:$0xF000] =	vst v63  }
0x97: {  	_ =	swait.ge [sflag:s19], $0x1000  }
0x98: {  	[sflag:s19] =	ssyncset.done $0x0  }
0x99: {  	[sflag:s19] =	ssyncadd.s32 $0xFFFFF000  }
0x9a: {  	_ =	swait.ge [sflag:s26], $0x1000  }
0x9b: {  	[sflag:s26] =	ssyncset.done $0x0  }
0x9c: {  	[sflag:s26] =	ssyncadd.s32 $0xFFFFF000  }
0x9d: {  	_ =	swait.ge [sflag:s29], $0x1000  }
0x9e: {  	[sflag:s29] =	ssyncset.done $0x0  }
0x9f: {  	[sflag:s29] =	ssyncadd.s32 $0xFFFFF000  }
0xa0: {  	_ =	swait.ge [sflag:s6], $0x1000  }
0xa1: {  	[sflag:s6] =	ssyncset.done $0x0  }
0xa2: {  	s15 =	stileid.u32;
	[sflag:s6] =	ssyncadd.s32 $0xFFFFF000  }
0xa3: {  	s14 =	sshll.u32 s15, $0x6;
	[bflag:$0x0] =	sbarrier.arrive $0xFFFF  }
0xa4: {  	s15 =	sshrl.u32 s8, $0x3;
	s14 =	sor.u32 $0x1C0A, s14;
	s16 =	rddreg [dreg:$0x6]  }
0xa5: {  	[hbm:s16@s7], [sflag:s14] =	dma.strided [spmem:s15@s1], $0x200, s31, $0x4   }
0xa6: {  	_ =	swait.ge [sflag:s21], $0x200  }
0xa7: {  	[sflag:s21] =	ssyncset.done $0x0  }
0xa8: {  	s15 =	sshrl.u32 s9, $0x3;
	s16 =	rddreg [dreg:$0x7];
	[sflag:s21] =	ssyncadd.s32 $0xFFFFFE00  }
0xa9: {  	[hbm:s16@s7], [sflag:s14] =	dma.strided [spmem:s15@s1], $0x200, s31, $0x4   }
0xaa: {  	_ =	swait.ge [sflag:s21], $0x200  }
0xab: {  	[sflag:s21] =	ssyncset.done $0x0  }
0xac: {  	s15 =	sshrl.u32 s10, $0x3;
	s16 =	rddreg [dreg:$0x8];
	[sflag:s21] =	ssyncadd.s32 $0xFFFFFE00  }
0xad: {  	[hbm:s16@s7], [sflag:s14] =	dma.strided [spmem:s15@s1], $0x200, s31, $0x4   }
0xae: {  	_ =	swait.ge [sflag:s21], $0x200  }
0xaf: {  	[sflag:s21] =	ssyncset.done $0x0  }
0xb0: {  	s15 =	sshrl.u32 s11, $0x3;
	s16 =	rddreg [dreg:$0x9];
	[sflag:s21] =	ssyncadd.s32 $0xFFFFFE00  }
0xb1: {  	[hbm:s16@s7], [sflag:s14] =	dma.strided [spmem:s15@s1], $0x200, s31, $0x4   }
0xb2: {  	s13 =	sadd.s32 $0x1, s13;
	_ =	swait.ge [sflag:s21], $0x200  }
0xb3: {  	p0 =	sne.s32 s13, s18;
	[sflag:s21] =	ssyncset.done $0x0  }
.Ltmp1:
0xb4: {  	s16 =	sshrl.u32 s12, $0x3;
	[sflag:s21] =	ssyncadd.s32 $0xFFFFFE00;
	(pc) =	sbr.rel @p0 .LBB2_1-.Ltmp1, $4  }
0xb5: {  	[hbm:s17@s7], [sflag:s14] =	dma.strided [spmem:s16@s1], $0x200, s31, $0x4   }
0xb6: {  	_ =	swait.ge [sflag:s21], $0x200  }
0xb7: {  	[sflag:s21] =	ssyncset.done $0x0  }
0xb8: {  	[sflag:s21] =	ssyncadd.s32 $0xFFFFFE00  }
0xb9: {  	_ =	sfence.sel $0x180000  }
0xba: {  	[bflag:$0x0] =	sbarrier.arrive $0xFFFF  }
0xbb: {  	_ =	strace $0x9000004D  }
0xbc: {  	s0 =	stileid.u32;
	[bflag:$0x2] =	sbarrier.arrive $0xFFFF  }
0xbd: {  	p0 =	sne.s32 s0, $0x0;
	s0 =	rddreg [dreg:$0x3]  }
0xbe: {  	s0 =	sadd.s32 @!p0 $0x100000, s0  }
0xbf: {  	[sflag:s0] =	ssyncadd.tile.s32 @!p0 $0x1;
	_ =	shalt  }
.Lfunc_end2:
_tile_overlayer_lowered:
.L_overlay_start_2:
0xc0: {  	(tag) =	ssettag $0x2  }
0xc1: {  	s0 =	rddreg [dreg:$0x0];
	s2 =	stileid.u32  }
0xc2: {  	s1 =	rddreg [dreg:$0x1];
	p0 =	sne.s32 s2, $0x0  }
0xc3: {  	s3 =	rddreg [dreg:$0x2];
	[bflag:$0x3] =	sbarrier.arrive $0xFFFF;
	s2 =	simm.s32 @!p0 $0x1C0A  }
0xc4: {  	[timem:s3], [sflag:s2] =	dma.local @!p0 [hbm:s0], s1  }
0xc5: {  	s0 =	simm.s32 @!p0 $0xA  }
0xc6: {  	_ =	swait.ge @!p0 [sflag:s0], s1  }
0xc7: {  	s1 =	ssub.s32 @!p0 $0x0, s1;
	[sflag:s0] =	ssyncset.done @!p0 $0x0  }
0xc8: {  	[sflag:s0] =	ssyncadd.s32 @!p0 s1  }
0xc9: {  	[bflag:$0x3] =	sbarrier.arrive $0xFFFF  }
0xca: {  	_ =	shalt  }

// kernel: kernel.19.cloned.1.call-start
scs
__scs_entry_jumppad:
0x0: {  	(pc) =	sbr.rel $0x88, $3  }
0x1: {  	(tag) =	ssettag $0x0;
	lr =	simm.s32 $0x1  }
0x2: {  	[smem:$0x3F85] =	sst lr;
	_ =	strace $0xD0000000  }
0x3: {  	_ = 	snop  }
0x4: {  	_ = 	snop  }
0x5: {  	_ = 	snop  }
0x6: {  	_ = 	snop  }
0x7: {  	_ = 	snop  }
__scs_overlays_trampoline_lowered:
0x8: {  	[smem:$0x3F94] =	sst s0  }
0x9: {  	[smem:$0x3F95] =	sst s1  }
0xa: {  	[smem:$0x3F96] =	sst s2  }
0xb: {  	[smem:$0x3F97] =	sst s3  }
0xc: {  	[smem:$0x3F98] =	sst s4  }
0xd: {  	[smem:$0x3F99] =	sst s5  }
0xe: {  	[smem:$0x3F9A] =	sst s6  }
0xf: {  	[smem:$0x3F9B] =	sst s7  }
0x10: {  	[smem:$0x3F9C] =	sst s8  }
0x11: {  	[smem:$0x3F9D] =	sst s9;
	s0 =	simm.s32 @!p0 $0x0  }
0x12: {  	s1 =	sld [smem:$0x3F83];
	s0 =	simm.s32 @p0 $0x1  }
0x13: {  	[smem:$0x3F9E] =	sst s0;
	s0 =	simm.s32 @!p1 $0x0  }
0x14: {  	s2 =	sld [smem:$0x3F82];
	s0 =	simm.s32 @p1 $0x1  }
0x15: {  	[smem:$0x3F9F] =	sst s0;
	s0 =	simm.s32 @!p2 $0x0  }
0x16: {  	s3 =	sld [smem:$0x3FDB];
	s0 =	simm.s32 @p2 $0x1  }
0x17: {  	s4 =	simm.s32 $0x1BF5;
	[smem:$0x3FA1] =	sst s0  }
0x18: {  	s0 =	sld [smem:$0x3F84];
	_ =	swait.ge [sflag:s4], $0x0  }
0x19: {  	s7 =	sld [smem:$0x3F85]  }
0x1a: {  	s8 =	sadd.s32 $0xFFFFE003, lr  }
0x1b: {  	s9 =	sadd.s32 $0xFFFFFEF7, lr;
	s5 =	simm.s32 $0xFFFFFFFF;
	p2 =	slt.u32 s8, $0xFFFFF086  }
0x1c: {  	p1 =	slt.u32 s9, $0xF7A;
	s5 =	simm.s32 @!p2 $0x0  }
0x1d: {  	s5 =	simm.s32 @p1 $0x1;
	p0 =	seq.s32 s7, s2  }
0x1e: {  	s7 =	smul.u32 @!p0 $0xF7A, s2;
	p2 =	seq.s32 @!p0 s5, $0x0  }
0x1f: {  	s9 =	smul.u32 $0xF7A, s1;
	s8 =	simm.s32 @!p0 $0x1BF5;
	p2 =	por !p2, p0  }
0x20: {  	[sflag:s8] =	ssyncset.s32 @!p0 $0xFFFFF086;
	s6 =	sadd.s32 @!p0 s3, s7;
	s7 =	simm.s32 @!p0 $0x108  }
0x21: {  	s3 =	sadd.s32 s3, s9;
	s6 =	sadd.s32 @!p0 $0x88, s6;
	s7 =	simm.s32 @p2 $0x1082  }
0x22: {  	[simem:s7], [sflag:s8] =	dma.local @!p0 [hbm:s6], $0xF7A  }
0x23: {  	s9 =	sor.u32 $0xD0000000, s2;
	s6 =	simm.s32 $0x108;
	_ =	swait.ge @!p0 [sflag:s8], $0x0  }
0x24: {  	s3 =	sadd.s32 $0x88, s3;
	s6 =	simm.s32 @!p1 $0x1082;
	[sflag:s4] =	ssyncset.s32 $0xFFFFF086  }
0x25: {  	[simem:s6], [sflag:s4] =	dma.local [hbm:s3], $0xF7A  }
0x26: {  	[smem:$0x3F85] =	sst s1;
	(tag) =	ssettag s2;
	_ =	strace s9  }
0x27: {  	s1 =	sld [smem:$0x3F95]  }
0x28: {  	s2 =	sld [smem:$0x3F96]  }
0x29: {  	s4 =	sld [smem:$0x3F98]  }
0x2a: {  	p0 =	seq.s32 s5, $0x0;
	s5 =	sld [smem:$0x3F99]  }
0x2b: {  	s6 =	sld [smem:$0x3F9A]  }
0x2c: {  	s7 =	sld [smem:$0x3F9B]  }
0x2d: {  	s3 =	simm.s32 $0x108;
	s8 =	sld [smem:$0x3F9C]  }
0x2e: {  	s3 =	simm.s32 @!p0 $0x1082;
	s9 =	sld [smem:$0x3F9D]  }
0x2f: {  	lr =	sadd.s32 s0, s3;
	s0 =	sld [smem:$0x3F94]  }
0x30: {  	s3 =	sld [smem:$0x3F97]  }
0x31: {  	[smem:$0x3FA0] =	sst s10  }
0x32: {  	s10 =	sld [smem:$0x3F9E];
	_ =	sdelay $0x3  }
0x33: {  	p0 =	seq.s32 s10, $0x1;
	s10 =	sld [smem:$0x3FA0];
	_ =	sdelay $0x3  }
0x34: {  	[smem:$0x3FA0] =	sst s10  }
0x35: {  	s10 =	sld [smem:$0x3F9F];
	_ =	sdelay $0x3  }
0x36: {  	p1 =	seq.s32 s10, $0x1;
	s10 =	sld [smem:$0x3FA0];
	_ =	sdelay $0x3  }
0x37: {  	[smem:$0x3FA0] =	sst s10  }
0x38: {  	s10 =	sld [smem:$0x3FA1]  }
0x39: {  	_ = 	snop;
	(pc) =	sbr.ind lr, $3  }
0x3a: {  	_ = 	snop  }
0x3b: {  	_ = 	snop  }
0x3c: {  	p2 =	seq.s32 s10, $0x1;
	s10 =	sld [smem:$0x3FA0]  }
0x3d: {  	_ =	shalt  }
0x3e: {  	_ =	shalt  }
0x3f: {  	_ =	shalt  }
0x40: {  	_ =	shalt  }
0x41: {  	_ =	shalt  }
0x42: {  	_ =	shalt  }
0x43: {  	_ =	shalt  }
0x44: {  	_ =	shalt  }
0x45: {  	_ =	shalt  }
0x46: {  	_ =	shalt  }
0x47: {  	_ =	shalt  }
0x48: {  	_ =	shalt  }
0x49: {  	_ =	shalt  }
0x4a: {  	_ =	shalt  }
0x4b: {  	_ =	shalt  }
0x4c: {  	_ =	shalt  }
0x4d: {  	_ =	shalt  }
0x4e: {  	_ =	shalt  }
0x4f: {  	_ =	shalt  }
0x50: {  	_ =	shalt  }
0x51: {  	_ =	shalt  }
0x52: {  	_ =	shalt  }
0x53: {  	_ =	shalt  }
0x54: {  	_ =	shalt  }
0x55: {  	_ =	shalt  }
0x56: {  	_ =	shalt  }
0x57: {  	_ =	shalt  }
0x58: {  	_ =	shalt  }
0x59: {  	_ =	shalt  }
0x5a: {  	_ =	shalt  }
0x5b: {  	_ =	shalt  }
0x5c: {  	_ =	shalt  }
0x5d: {  	_ =	shalt  }
0x5e: {  	_ =	shalt  }
0x5f: {  	_ =	shalt  }
0x60: {  	_ =	shalt  }
0x61: {  	_ =	shalt  }
0x62: {  	_ =	shalt  }
0x63: {  	_ =	shalt  }
0x64: {  	_ =	shalt  }
0x65: {  	_ =	shalt  }
0x66: {  	_ =	shalt  }
0x67: {  	_ =	shalt  }
0x68: {  	_ =	shalt  }
0x69: {  	_ =	shalt  }
0x6a: {  	_ =	shalt  }
0x6b: {  	_ =	shalt  }
0x6c: {  	_ =	shalt  }
0x6d: {  	_ =	shalt  }
0x6e: {  	_ =	shalt  }
0x6f: {  	_ =	shalt  }
0x70: {  	_ =	shalt  }
0x71: {  	_ =	shalt  }
0x72: {  	_ =	shalt  }
0x73: {  	_ =	shalt  }
0x74: {  	_ =	shalt  }
0x75: {  	_ =	shalt  }
0x76: {  	_ =	shalt  }
0x77: {  	_ =	shalt  }
0x78: {  	_ =	shalt  }
0x79: {  	_ =	shalt  }
0x7a: {  	_ =	shalt  }
0x7b: {  	_ =	shalt  }
0x7c: {  	_ =	shalt  }
0x7d: {  	_ =	shalt  }
0x7e: {  	_ =	shalt  }
0x7f: {  	_ =	shalt  }
0x80: {  	_ =	shalt  }
0x81: {  	_ =	shalt  }
0x82: {  	_ =	shalt  }
0x83: {  	_ =	shalt  }
0x84: {  	_ =	shalt  }
0x85: {  	_ =	shalt  }
0x86: {  	_ =	shalt  }
0x87: {  	_ =	shalt  }
.Lfunc_end0:
.L_simem_size_0:
called_computation.3_lowered:
.L_overlay_start_0:
0x88: {  	s2 =	sld [smem:$0x3FD9]  }
0x89: {  	s3 =	sld [smem:$0x3FFE];
	_ =	sdelay $0x1  }
0x8a: {  	s1 =	srdreg.scid  }
0x8b: {  	s0 =	sand.u32 $0x1, s1  }
0x8c: {  	s14 =	sshll.u32 s0, $0xA;
	s2 =	sadd.s32 s3, s2  }
0x8d: {  	s2 =	sadd.s32 s2, s14  }
0x8e: {  	[smem:$0x3FAC] =	sst s2  }
0x8f: {  	_ = 	snop  }
0x90: {  	s2 =	sld [smem:$0x3FD0];
	_ =	sdelay $0x2  }
0x91: {  	s15 =	simm.s32 $0xA;
	s4 =	simm.s32 $0x10  }
0x92: {  	[smem:s4], [sflag:s15] =	dma.local [hbm:s2], $0x1  }
0x93: {  	_ =	swait.eq [sflag:s15], $0x1  }
0x94: {  	[sflag:s15] =	ssyncset.done $0x0  }
0x95: {  	[sflag:s15] =	ssyncadd.s32 $0xFFFFFFFF  }
0x96: {  	s16 =	sld [smem:$0x11];
	(tm) =	ssettm $0x1  }
0x97: {  	s17 =	sld [smem:$0x3FFB];
	_ =	sdelay $0x3  }
0x98: {  	_ =	strace s17  }
0x99: {  	s3 =	sld [smem:$0x3FFC];
	_ =	sdelay $0x3  }
0x9a: {  	_ =	strace s3  }
0x9b: {  	s3 =	sld [smem:$0x3FFD];
	_ =	sdelay $0x3  }
0x9c: {  	_ =	strace s3  }
0x9d: {  	_ =	strace $0x8FFFFFFF  }
0x9e: {  	s18 =	sld [smem:$0x3FDB];
	_ =	sdelay $0x1  }
0x9f: {  	s19 =	simm.s32 $_scs_section_size  }
0xa0: {  	s5 =	simm.s32 $_size__tile_overlayer_lowered;
	s6 =	simm.s32 $_tile_overlayer_lowered  }
0xa1: {  	s22 =	simm.s32 $0x1BFF;
	s21 =	sshll.u32 s6, $0x1;
	s3 =	sadd.s32 s19, s18  }
0xa2: {  	s7 =	simm.s32 $0x0;
	s20 =	sshll.u32 s5, $0x1;
	s5 =	sadd.s32 s21, s3  }
0xa3: {  	[timem:s7], [sflag:s22] =	dma.local [hbm:s5], s20  }
0xa4: {  	_ =	swait.ge [sflag:s22], s20  }
0xa5: {  	s4 =	ssub.s32 $0x0, s20;
	[sflag:s22] =	ssyncset.done $0x0  }
0xa6: {  	[sflag:s22] =	ssyncadd.s32 s4;
	_ =	sdelay $0x1  }
0xa7: {  	s23 =	simm.s32 $0x1B8B  }
0xa8: {  	_ =	swait.ge [sflag:s23], $0x1  }
0xa9: {  	[sflag:s23] =	ssyncset.done $0x0  }
0xaa: {  	s25 =	simm.s32 $0x1B8E;
	s24 =	sld [smem:$0x3FFE];
	[sflag:s23] =	ssyncadd.s32 $0xFFFFFFFF  }
0xab: {  	s26 =	simm.s32 $execute0_lowered;
	[smem:$0x3FD2] =	sst s25  }
0xac: {  	s5 =	sshll.u32 s26, $0x1;
	_ =	strace $0x8000004F;
	[dreg:$0x1] =	wrdreg $0xFFFFFFFF  }
0xad: {  	s28 =	simm.s32 $_size_execute0_lowered;
	s3 =	sadd.s32 s3, s5;
	[dreg:$0x0] =	wrdreg $0x0  }
0xae: {  	s5 =	sshll.u32 s28, $0x1;
	[dreg:$0x2] =	wrdreg s3  }
0xaf: {  	[dreg:$0x3] =	wrdreg s5  }
0xb0: {  	[dreg:$0x4] =	wrdreg $0xC0  }
0xb1: {  	_ =	task [dreg:s7], $0x5FFFF  }
0xb2: {  	[dreg:$0x1] =	wrdreg $0xFFFFFFFF  }
0xb3: {  	[dreg:$0x0] =	wrdreg $0x60  }
0xb4: {  	[dreg:$0x2] =	wrdreg s24  }
0xb5: {  	[dreg:$0x3] =	wrdreg s16  }
0xb6: {  	[dreg:$0x4] =	wrdreg $0x78000  }
0xb7: {  	[dreg:$0x5] =	wrdreg $0x9  }
0xb8: {  	_ =	task.clear_ibuf [dreg:s7], $0x6FFFF;
	_ =	strace $0x9000004F  }
0xb9: {  	s29 =	simm.s32 $0x9;
	_ =	strace $0x80000051  }
0xba: {  	_ =	swait.ge [sflag:s29], $0x1  }
0xbb: {  	[sflag:s29] =	ssyncadd.s32 $0xFFFFFFFF  }
0xbc: {  	_ =	strace $0x90000051  }
0xbd: {  	_ =	sfence  }
0xbe: {  	s30 =	sld [smem:$0x0];
	_ =	sdelay $0x2  }
0xbf: {  	s31 =	sshll.u32 s1, $0xD;
	s1 =	sshrl.u32 s1, $0x2  }
0xc0: {  	s3 =	sand.u32 $0x4000, s31;
	s1 =	sadd.s32 s1, s30  }
0xc1: {  	s0 =	sor.u32 s3, s0;
	s1 =	sshll.u32 s1, $0x11  }
0xc2: {  	s0 =	sor.u32 s1, s0  }
0xc3: {  	s0 =	sadd.s32 $0x8F2B, s0  }
0xc4: {  	[sflag:s0] =	ssyncadd.remote.s32 $0x1  }
0xc5: {  	_ =	sfence.sel $0xFFFF  }
0xc6: {  	[dreg:$0x0] =	wrdreg $0xFFFFFFFF;
	(pc) =	sbr.abs _section_cstart, $3  }
0xc7: {  	[dreg:$0x1] =	wrdreg $0xFFFFFFFF  }
0xc8: {  	_ =	task.clear_ibuf [dreg:s7], $0x2FFFF;
	_ =	strace $0x9FFFFFFF  }
0xc9: {  	(tm) =	ssettm $0x7FFFFFFF  }
tec
execute0_lowered:
.L_overlay_start_1:
0x0: {  	(tag) =	ssettag $0x1  }
0x1: {  	s0 =	rddreg [dreg:$0x0]  }
0x2: {  	s1 =	srdreg.scid;
	s3 =	rddreg [dreg:$0x2]  }
0x3: {  	s15 =	stileid.u32;
	s4 =	simm.s32 $0x0;
	s28 =	simm.s32 $0x6000  }
0x4: {  	s30 =	simm.s32 $0x6800;
	s31 =	simm.s32 $0x1;
	s29 =	simm.s32 $0x7  }
0x5: {  	s1 =	sand.u32 $0x1, s1;
	[smem:$0x7FF] =	sst s4;
	s7 =	smul.u32 $0x280, s15  }
0x6: {  	s5 =	sadd.s32 $0x4800, s0;
	s9 =	smul.u32 $0xA000, s15;
	s2 =	sshll.u32 s1, $0x4  }
0x7: {  	_ =	strace $0x80000050;
	s6 =	ssub.s32 $0x2, s1;
	s1 =	smul.u32 $0x140000, s1  }
0x8: {  	s2 =	sor.u32 s15, s2;
	s8 =	sshrl.u32 s6, $0x1;
	s17 =	sshrl.u32 s9, $0x2  }
0x9: {  	s12 =	sadd.s32 $0x80, s7;
	s13 =	sadd.s32 $0x100, s7;
	s15 =	smul.u32 $0x14000, s15  }
0xa: {  	s14 =	sadd.s32 $0x180, s7;
	s19 =	sadd.s32 $0x200, s7;
	s2 =	smul.u32 $0x500, s2  }
0xb: {  	s6 =	ssub.s32 s6, s8;
	s8 =	sadd.s32 s17, s3;
	s18 =	sshll.u32 s12, $0x4  }
0xc: {  	s10 =	sshll.u32 s13, $0x4;
	s11 =	sshll.u32 s14, $0x4;
	s12 =	sshll.u32 s12, $0x7  }
0xd: {  	s21 =	sshll.u32 s19, $0x4;
	s23 =	sshll.u32 s13, $0x7;
	s24 =	sshll.u32 s14, $0x7  }
0xe: {  	s9 =	sadd.s32 s18, s3;
	s10 =	sadd.s32 s10, s3;
	s11 =	sadd.s32 s11, s3  }
0xf: {  	s20 =	sadd.s32 s15, s1;
	s13 =	sadd.s32 s1, s24;
	s18 =	smax.u32 s6, $0x1  }
0x10: {  	s24 =	simm.s32 $0x5000;
	s6 =	simm.s32 $0x8;
	s2 =	sadd.s32 s2, s0  }
0x11: {  	s0 =	sadd.s32 $0x22A00, s0;
	s7 =	sshrl.u32 s20, $0x3;
	s13 =	sshrl.u32 s13, $0x3  }
0x12: {  	s20 =	simm.s32 $0x7000;
	s16 =	sadd.s32 $0x18A00, s2;
	s2 =	sadd.s32 $0xEA00, s2  }
0x13: {  	s7 =	sadd.s32 s0, s7;
	s26 =	sadd.s32 s0, s13;
	[dreg:$0x4] =	wrdreg s16  }
0x14: {  	s13 =	simm.s32 $0x0;
	[dreg:$0x5] =	wrdreg s2;
	s16 =	sadd.s32 s1, s12  }
0x15: {  	s12 =	sadd.s32 s21, s3;
	[dreg:$0x6] =	wrdreg s7;
	s2 =	sshll.u32 s19, $0x7  }
0x16: {  	[dreg:$0x9] =	wrdreg s26;
	s21 =	simm.s32 $0xA;
	s22 =	sshrl.u32 s16, $0x3  }
0x17: {  	s19 =	simm.s32 $0x5;
	s26 =	simm.s32 $0x6;
	s7 =	sadd.s32 s0, s22  }
0x18: {  	s22 =	simm.s32 $0x9;
	[dreg:$0x7] =	wrdreg s7;
	s7 =	sadd.s32 s1, s23  }
0x19: {  	s1 =	sadd.s32 s1, s2;
	s23 =	simm.s32 $0x80;
	s7 =	sshrl.u32 s7, $0x3  }
0x1a: {  	s2 =	simm.s32 $0x3;
	s1 =	sshrl.u32 s1, $0x3;
	s25 =	sadd.s32 s0, s7  }
0x1b: {  	s17 =	sadd.s32 s0, s1;
	s0 =	simm.s32 $0x2;
	s1 =	simm.s32 $0x4  }
0x1c: {  	s7 =	simm.s32 $0x10;
	[dreg:$0x8] =	wrdreg s25;
	s25 =	simm.s32 $0x5800  }
.LBB2_1:
0x1d: {  	s14 =	rddreg [dreg:$0x4]  }
0x1e: {  	[tilespmem:s4], [sflag:$0x9] =	stream.linear.gather [hbm4b:s14+s4], $0x2800, $0x38;
	[tilespmem:$0xA000] =	vst v63  }
0x1f: {  	s16 =	rddreg [dreg:$0x5];
	s15 =	simm.s32 $0x2800  }
0x20: {  	[tilespmem:s15], [sflag:$0x9] =	stream.linear.gather [hbm4b:s16+s4], $0x2800, $0x38;
	[tilespmem:$0xA000] =	vst v63  }
0x21: {  	s15 =	rddreg [dreg:$0x1]  }
0x22: {  	[tilespmem:s20], [sflag:$0xA] =	stream.linear.gather [hbm4b:s15+s4], $0x800, $0x38;
	[tilespmem:$0xA000] =	vst v63  }
0x23: {  	_ =	swait.ge [sflag:s21], $0x800  }
0x24: {  	[sflag:s21] =	ssyncset.done $0x0  }
0x25: {  	[sflag:s21] =	ssyncadd.s32 $0xFFFFF800  }
0x26: {  	[spmem:s8] =	stream.linear.scatter [tilespmem:s20], [sflag:$0xA], $0x800, $0x38;
	[tilespmem:$0xA000] =	vst v63  }
0x27: {  	_ =	swait.ge [sflag:s21], $0x800  }
0x28: {  	[sflag:s21] =	ssyncset.done $0x0  }
0x29: {  	[sflag:s21] =	ssyncadd.s32 $0xFFFFF800  }
0x2a: {  	[spmem:s9] =	stream.linear.scatter [tilespmem:s20], [sflag:$0xA], $0x800, $0x38;
	[tilespmem:$0xA000] =	vst v63  }
0x2b: {  	_ =	swait.ge [sflag:s21], $0x800  }
0x2c: {  	[sflag:s21] =	ssyncset.done $0x0  }
0x2d: {  	[sflag:s21] =	ssyncadd.s32 $0xFFFFF800  }
0x2e: {  	[spmem:s10] =	stream.linear.scatter [tilespmem:s20], [sflag:$0xA], $0x800, $0x38;
	[tilespmem:$0xA000] =	vst v63  }
0x2f: {  	_ =	swait.ge [sflag:s21], $0x800  }
0x30: {  	[sflag:s21] =	ssyncset.done $0x0  }
0x31: {  	[sflag:s21] =	ssyncadd.s32 $0xFFFFF800  }
0x32: {  	[spmem:s11] =	stream.linear.scatter [tilespmem:s20], [sflag:$0xA], $0x800, $0x38;
	[tilespmem:$0xA000] =	vst v63  }
0x33: {  	_ =	swait.ge [sflag:s21], $0x800  }
0x34: {  	[sflag:s21] =	ssyncset.done $0x0  }
0x35: {  	[sflag:s21] =	ssyncadd.s32 $0xFFFFF800  }
0x36: {  	[spmem:s12] =	stream.linear.scatter [tilespmem:s20], [sflag:$0xA], $0x800, $0x38;
	[tilespmem:$0xA000] =	vst v63  }
0x37: {  	_ =	swait.ge [sflag:s21], $0x800  }
0x38: {  	[sflag:s21] =	ssyncset.done $0x0  }
0x39: {  	[sflag:s21] =	ssyncadd.s32 $0xFFFFF800  }
0x3a: {  	_ =	swait.ge [sflag:s22], $0x2800  }
0x3b: {  	[sflag:s22] =	ssyncset.done $0x0  }
0x3c: {  	[sflag:s22] =	ssyncadd.s32 $0xFFFFD800  }
0x3d: {  	_ =	swait.ge [sflag:s22], $0x2800  }
0x3e: {  	[sflag:s22] =	ssyncset.done $0x0  }
0x3f: {  	[sflag:s22] =	ssyncadd.s32 $0xFFFFD800  }
0x40: {  	[bflag:$0x0] =	sbarrier.arrive $0xFFFF  }
0x41: {  	[tilespmem:s24], [sflag:$0x1] =	stream.indirect.gather [hbm4b:s5+s23], $0x10, s4, s23, $0xb8;
	[tilespmem:$0xA000] =	vst v63  }
0x42: {  	_ = 	snop  }
0x43: {  	[tilespmem:s25], [sflag:$0x2] =	stream.indirect.gather [hbm4b:s5+s23], $0x10, s23, s23, $0xb8;
	[tilespmem:$0xA000] =	vst v63  }
0x44: {  	s16 =	simm.s32 $0x100  }
0x45: {  	[tilespmem:s28], [sflag:$0x3] =	stream.indirect.gather [hbm4b:s5+s23], $0x10, s16, s23, $0xb8;
	[tilespmem:$0xA000] =	vst v63  }
0x46: {  	s15 =	simm.s32 $0x180  }
0x47: {  	[tilespmem:s30], [sflag:$0x4] =	stream.indirect.gather [hbm4b:s5+s23], $0x10, s15, s23, $0xb8;
	[tilespmem:$0xA000] =	vst v63  }
0x48: {  	_ =	swait.ge [sflag:s31], $0x800  }
0x49: {  	[sflag:s31] =	ssyncset.done $0x0  }
0x4a: {  	s16 =	simm.s32 $0x2800;
	[sflag:s31] =	ssyncadd.s32 $0xFFFFF800  }
0x4b: {  	[spmem:s3] =	stream.indirect.scatter.add.f32 [tilespmem:s24], [sflag:$0x5], $0x10, s16, s23, $0xb8;
	[tilespmem:$0xA000] =	vst v63  }
0x4c: {  	_ =	swait.ge [sflag:s0], $0x800  }
0x4d: {  	[sflag:s0] =	ssyncset.done $0x0  }
0x4e: {  	s15 =	simm.s32 $0x2880;
	[sflag:s0] =	ssyncadd.s32 $0xFFFFF800  }
0x4f: {  	[spmem:s3] =	stream.indirect.scatter.add.f32 [tilespmem:s25], [sflag:$0x6], $0x10, s15, s23, $0xb8;
	[tilespmem:$0xA000] =	vst v63  }
0x50: {  	_ =	swait.ge [sflag:s2], $0x800  }
0x51: {  	[sflag:s2] =	ssyncset.done $0x0  }
0x52: {  	s16 =	simm.s32 $0x2900;
	[sflag:s2] =	ssyncadd.s32 $0xFFFFF800  }
0x53: {  	[spmem:s3] =	stream.indirect.scatter.add.f32 [tilespmem:s28], [sflag:$0x7], $0x10, s16, s23, $0xb8;
	[tilespmem:$0xA000] =	vst v63  }
0x54: {  	_ =	swait.ge [sflag:s1], $0x800  }
0x55: {  	[sflag:s1] =	ssyncset.done $0x0  }
0x56: {  	s15 =	simm.s32 $0x2980;
	[sflag:s1] =	ssyncadd.s32 $0xFFFFF800  }
0x57: {  	[spmem:s3] =	stream.indirect.scatter.add.f32 [tilespmem:s30], [sflag:$0x8], $0x10, s15, s23, $0xb8;
	[tilespmem:$0xA000] =	vst v63  }
0x58: {  	_ =	swait.ge [sflag:s19], $0x800  }
0x59: {  	[sflag:s19] =	ssyncset.done $0x0  }
0x5a: {  	s16 =	simm.s32 $0x200;
	[sflag:s19] =	ssyncadd.s32 $0xFFFFF800  }
0x5b: {  	[tilespmem:s24], [sflag:$0x1] =	stream.indirect.gather [hbm4b:s5+s23], $0x10, s16, s23, $0xb8;
	[tilespmem:$0xA000] =	vst v63  }
0x5c: {  	_ =	swait.ge [sflag:s26], $0x800  }
0x5d: {  	[sflag:s26] =	ssyncset.done $0x0  }
0x5e: {  	s15 =	simm.s32 $0x280;
	[sflag:s26] =	ssyncadd.s32 $0xFFFFF800  }
0x5f: {  	[tilespmem:s25], [sflag:$0x2] =	stream.indirect.gather [hbm4b:s5+s23], $0x10, s15, s23, $0xb8;
	[tilespmem:$0xA000] =	vst v63  }
0x60: {  	_ =	swait.ge [sflag:s29], $0x800  }
0x61: {  	[sflag:s29] =	ssyncset.done $0x0  }
0x62: {  	s16 =	simm.s32 $0x300;
	[sflag:s29] =	ssyncadd.s32 $0xFFFFF800  }
0x63: {  	[tilespmem:s28], [sflag:$0x3] =	stream.indirect.gather [hbm4b:s5+s23], $0x10, s16, s23, $0xb8;
	[tilespmem:$0xA000] =	vst v63  }
0x64: {  	_ =	swait.ge [sflag:s6], $0x800  }
0x65: {  	[sflag:s6] =	ssyncset.done $0x0  }
0x66: {  	s14 =	simm.s32 $0x800;
	s15 =	simm.s32 $0x380;
	[sflag:s6] =	ssyncadd.s32 $0xFFFFF800  }
.LBB2_2:
0x67: {  	[tilespmem:s30], [sflag:$0x4] =	stream.indirect.gather [hbm4b:s5+s23], $0x10, s15, s23, $0xb8;
	[tilespmem:$0xA000] =	vst v63  }
0x68: {  	s15 =	smov.u32 s14  }
0x69: {  	p0 =	sne.s32 s14, $0x9000;
	s14 =	sadd.s32 $0x800, s14;
	_ =	swait.ge [sflag:s31], $0x800  }
0x6a: {  	s15 =	sshra.s32 s15, $0x2;
	[sflag:s31] =	ssyncset.done $0x0  }
0x6b: {  	s16 =	sadd.s32 $0x2800, s15;
	[sflag:s31] =	ssyncadd.s32 $0xFFFFF800  }
0x6c: {  	[spmem:s3] =	stream.indirect.scatter.add.f32 [tilespmem:s24], [sflag:$0x5], $0x10, s16, s23, $0xb8;
	[tilespmem:$0xA000] =	vst v63  }
0x6d: {  	_ =	swait.ge [sflag:s0], $0x800  }
0x6e: {  	[sflag:s0] =	ssyncset.done $0x0  }
0x6f: {  	s16 =	sadd.s32 $0x2880, s15;
	[sflag:s0] =	ssyncadd.s32 $0xFFFFF800  }
0x70: {  	[spmem:s3] =	stream.indirect.scatter.add.f32 [tilespmem:s25], [sflag:$0x6], $0x10, s16, s23, $0xb8;
	[tilespmem:$0xA000] =	vst v63  }
0x71: {  	_ =	swait.ge [sflag:s2], $0x800  }
0x72: {  	[sflag:s2] =	ssyncset.done $0x0  }
0x73: {  	s16 =	sadd.s32 $0x2900, s15;
	[sflag:s2] =	ssyncadd.s32 $0xFFFFF800  }
0x74: {  	[spmem:s3] =	stream.indirect.scatter.add.f32 [tilespmem:s28], [sflag:$0x7], $0x10, s16, s23, $0xb8;
	[tilespmem:$0xA000] =	vst v63  }
0x75: {  	_ =	swait.ge [sflag:s1], $0x800  }
0x76: {  	[sflag:s1] =	ssyncset.done $0x0  }
0x77: {  	s16 =	sadd.s32 $0x2980, s15;
	[sflag:s1] =	ssyncadd.s32 $0xFFFFF800  }
0x78: {  	[spmem:s3] =	stream.indirect.scatter.add.f32 [tilespmem:s30], [sflag:$0x8], $0x10, s16, s23, $0xb8;
	[tilespmem:$0xA000] =	vst v63  }
0x79: {  	_ =	swait.ge [sflag:s19], $0x800  }
0x7a: {  	[sflag:s19] =	ssyncset.done $0x0  }
0x7b: {  	s16 =	sadd.s32 $0x200, s15;
	[sflag:s19] =	ssyncadd.s32 $0xFFFFF800  }
0x7c: {  	[tilespmem:s24], [sflag:$0x1] =	stream.indirect.gather [hbm4b:s5+s23], $0x10, s16, s23, $0xb8;
	[tilespmem:$0xA000] =	vst v63  }
0x7d: {  	_ =	swait.ge [sflag:s26], $0x800  }
0x7e: {  	[sflag:s26] =	ssyncset.done $0x0  }
0x7f: {  	s16 =	sadd.s32 $0x280, s15;
	[sflag:s26] =	ssyncadd.s32 $0xFFFFF800  }
0x80: {  	[tilespmem:s25], [sflag:$0x2] =	stream.indirect.gather [hbm4b:s5+s23], $0x10, s16, s23, $0xb8;
	[tilespmem:$0xA000] =	vst v63  }
0x81: {  	_ =	swait.ge [sflag:s29], $0x800  }
0x82: {  	[sflag:s29] =	ssyncset.done $0x0  }
.Ltmp0:
0x83: {  	s16 =	sadd.s32 $0x300, s15;
	[sflag:s29] =	ssyncadd.s32 $0xFFFFF800;
	(pc) =	sbr.rel @p0 .LBB2_2-.Ltmp0, $4  }
0x84: {  	[tilespmem:s28], [sflag:$0x3] =	stream.indirect.gather [hbm4b:s5+s23], $0x10, s16, s23, $0xb8;
	[tilespmem:$0xA000] =	vst v63  }
0x85: {  	_ =	swait.ge [sflag:s6], $0x800  }
0x86: {  	[sflag:s6] =	ssyncset.done $0x0  }
0x87: {  	s15 =	sadd.s32 $0x380, s15;
	[sflag:s6] =	ssyncadd.s32 $0xFFFFF800  }
0x88: {  	[tilespmem:s30], [sflag:$0x4] =	stream.indirect.gather [hbm4b:s5+s23], $0x10, s15, s23, $0xb8;
	[tilespmem:$0xA000] =	vst v63  }
0x89: {  	_ =	swait.ge [sflag:s31], $0x800  }
0x8a: {  	[sflag:s31] =	ssyncset.done $0x0  }
0x8b: {  	s14 =	simm.s32 $0x4E00;
	[sflag:s31] =	ssyncadd.s32 $0xFFFFF800  }
0x8c: {  	[spmem:s3] =	stream.indirect.scatter.add.f32 [tilespmem:s24], [sflag:$0x5], $0x10, s14, s23, $0xb8;
	[tilespmem:$0xA000] =	vst v63  }
0x8d: {  	_ =	swait.ge [sflag:s0], $0x800  }
0x8e: {  	[sflag:s0] =	ssyncset.done $0x0  }
0x8f: {  	s16 =	simm.s32 $0x4E80;
	[sflag:s0] =	ssyncadd.s32 $0xFFFFF800  }
0x90: {  	[spmem:s3] =	stream.indirect.scatter.add.f32 [tilespmem:s25], [sflag:$0x6], $0x10, s16, s23, $0xb8;
	[tilespmem:$0xA000] =	vst v63  }
0x91: {  	_ =	swait.ge [sflag:s2], $0x800  }
0x92: {  	[sflag:s2] =	ssyncset.done $0x0  }
0x93: {  	s15 =	simm.s32 $0x4F00;
	[sflag:s2] =	ssyncadd.s32 $0xFFFFF800  }
0x94: {  	[spmem:s3] =	stream.indirect.scatter.add.f32 [tilespmem:s28], [sflag:$0x7], $0x10, s15, s23, $0xb8;
	[tilespmem:$0xA000] =	vst v63  }
0x95: {  	_ =	swait.ge [sflag:s1], $0x800  }
0x96: {  	[sflag:s1] =	ssyncset.done $0x0  }
0x97: {  	s16 =	simm.s32 $0x4F80;
	[sflag:s1] =	ssyncadd.s32 $0xFFFFF800  }
0x98: {  	[spmem:s3] =	stream.indirect.scatter.add.f32 [tilespmem:s30], [sflag:$0x8], $0x10, s16, s23, $0xb8;
	[tilespmem:$0xA000] =	vst v63  }
0x99: {  	_ =	swait.ge [sflag:s19], $0x800  }
0x9a: {  	[sflag:s19] =	ssyncset.done $0x0  }
0x9b: {  	[sflag:s19] =	ssyncadd.s32 $0xFFFFF800  }
0x9c: {  	_ =	swait.ge [sflag:s26], $0x800  }
0x9d: {  	[sflag:s26] =	ssyncset.done $0x0  }
0x9e: {  	[sflag:s26] =	ssyncadd.s32 $0xFFFFF800  }
0x9f: {  	_ =	swait.ge [sflag:s29], $0x800  }
0xa0: {  	[sflag:s29] =	ssyncset.done $0x0  }
0xa1: {  	[sflag:s29] =	ssyncadd.s32 $0xFFFFF800  }
0xa2: {  	_ =	swait.ge [sflag:s6], $0x800  }
0xa3: {  	[sflag:s6] =	ssyncset.done $0x0  }
0xa4: {  	s15 =	stileid.u32;
	[sflag:s6] =	ssyncadd.s32 $0xFFFFF800  }
0xa5: {  	s14 =	sshll.u32 s15, $0x6;
	[bflag:$0x0] =	sbarrier.arrive $0xFFFF  }
0xa6: {  	s15 =	sshrl.u32 s8, $0x3;
	s14 =	sor.u32 $0x1C0A, s14;
	s16 =	rddreg [dreg:$0x6]  }
0xa7: {  	[hbm:s16@s7], [sflag:s14] =	dma.strided [spmem:s15@s0], $0x100, s31, $0x2   }
0xa8: {  	_ =	swait.ge [sflag:s21], $0x100  }
0xa9: {  	[sflag:s21] =	ssyncset.done $0x0  }
0xaa: {  	s15 =	sshrl.u32 s9, $0x3;
	s16 =	rddreg [dreg:$0x7];
	[sflag:s21] =	ssyncadd.s32 $0xFFFFFF00  }
0xab: {  	[hbm:s16@s7], [sflag:s14] =	dma.strided [spmem:s15@s0], $0x100, s31, $0x2   }
0xac: {  	_ =	swait.ge [sflag:s21], $0x100  }
0xad: {  	[sflag:s21] =	ssyncset.done $0x0  }
0xae: {  	s15 =	sshrl.u32 s10, $0x3;
	s16 =	rddreg [dreg:$0x8];
	[sflag:s21] =	ssyncadd.s32 $0xFFFFFF00  }
0xaf: {  	[hbm:s16@s7], [sflag:s14] =	dma.strided [spmem:s15@s0], $0x100, s31, $0x2   }
0xb0: {  	_ =	swait.ge [sflag:s21], $0x100  }
0xb1: {  	[sflag:s21] =	ssyncset.done $0x0  }
0xb2: {  	s15 =	sshrl.u32 s11, $0x3;
	s16 =	rddreg [dreg:$0x9];
	[sflag:s21] =	ssyncadd.s32 $0xFFFFFF00  }
0xb3: {  	[hbm:s16@s7], [sflag:s14] =	dma.strided [spmem:s15@s0], $0x100, s31, $0x2   }
0xb4: {  	s13 =	sadd.s32 $0x1, s13;
	_ =	swait.ge [sflag:s21], $0x100  }
0xb5: {  	p0 =	sne.s32 s13, s18;
	[sflag:s21] =	ssyncset.done $0x0  }
.Ltmp1:
0xb6: {  	s16 =	sshrl.u32 s12, $0x3;
	[sflag:s21] =	ssyncadd.s32 $0xFFFFFF00;
	(pc) =	sbr.rel @p0 .LBB2_1-.Ltmp1, $4  }
0xb7: {  	[hbm:s17@s7], [sflag:s14] =	dma.strided [spmem:s16@s0], $0x100, s31, $0x2   }
0xb8: {  	_ =	swait.ge [sflag:s21], $0x100  }
0xb9: {  	[sflag:s21] =	ssyncset.done $0x0  }
0xba: {  	[sflag:s21] =	ssyncadd.s32 $0xFFFFFF00  }
0xbb: {  	_ =	sfence.sel $0x180000  }
0xbc: {  	[bflag:$0x0] =	sbarrier.arrive $0xFFFF  }
0xbd: {  	_ =	strace $0x90000050  }
0xbe: {  	s0 =	stileid.u32;
	[bflag:$0x2] =	sbarrier.arrive $0xFFFF  }
0xbf: {  	p0 =	sne.s32 s0, $0x0;
	s0 =	rddreg [dreg:$0x3]  }
0xc0: {  	s0 =	sadd.s32 @!p0 $0x100000, s0  }
0xc1: {  	[sflag:s0] =	ssyncadd.tile.s32 @!p0 $0x1;
	_ =	shalt  }
.Lfunc_end2:
_tile_overlayer_lowered:
.L_overlay_start_2:
0xc2: {  	(tag) =	ssettag $0x2  }
0xc3: {  	s0 =	rddreg [dreg:$0x0];
	s2 =	stileid.u32  }
0xc4: {  	s1 =	rddreg [dreg:$0x1];
	p0 =	sne.s32 s2, $0x0  }
0xc5: {  	s3 =	rddreg [dreg:$0x2];
	[bflag:$0x3] =	sbarrier.arrive $0xFFFF;
	s2 =	simm.s32 @!p0 $0x1C0A  }
0xc6: {  	[timem:s3], [sflag:s2] =	dma.local @!p0 [hbm:s0], s1  }
0xc7: {  	s0 =	simm.s32 @!p0 $0xA  }
0xc8: {  	_ =	swait.ge @!p0 [sflag:s0], s1  }
0xc9: {  	s1 =	ssub.s32 @!p0 $0x0, s1;
	[sflag:s0] =	ssyncset.done @!p0 $0x0  }
0xca: {  	[sflag:s0] =	ssyncadd.s32 @!p0 s1  }
0xcb: {  	[bflag:$0x3] =	sbarrier.arrive $0xFFFF  }
0xcc: {  	_ =	shalt  }

</sc_bundles>
